<compile_context>
chip_gen: v7x
topology: tpu7x:2x2x1
jax: 0.10.2.dev20260603
libtpu: 0.0.44.dev20260713+nightly
codegen_flags: <defaults>
</compile_context>

<pallas_src>
import functools

import jax
import jax.numpy as jnp
from jax import lax
from jax.experimental import pallas as pl
from jax.experimental.pallas import tpu as pltpu
from jax.experimental.pallas import tpu_sc as plsc

N = 10000
E = 320000
D_IN = 128
D_EDGE = 16
H = 128
L = 3

NUM_CORES = 2
NUM_SUBCORES = 16
NUM_WORKERS = NUM_CORES * NUM_SUBCORES
CH = 56
NCH0 = 216
NCH1 = 144
TOTCH = NUM_SUBCORES * (NCH0 + NCH1)
EP = TOTCH * CH
NBUF = 3
GRP = 24
GRP_OUT = GRP // NBUF
NP = 10112
RPT = NP // NUM_SUBCORES
DUMP = N
LANES = 16



def _sc_agg_body(h_hbm, e_hbm, src_hbm, dst_hbm, out_hbm,
                 dsti, srci, b0, b1, b2, aggs, *sems):
    bufs = (b0, b1, b2)
    esem = sems[0:NBUF]
    gsem = sems[NBUF:2 * NBUF]
    ssem = sems[2 * NBUF:3 * NBUF]
    c = lax.axis_index("c")
    s = lax.axis_index("s")
    crow = jnp.where(c == 0, s * NCH0, NUM_SUBCORES * NCH0 + s * NCH1)
    nout = jnp.where(c == 0, NCH0 // NBUF, NCH1 // NBUF)

    zv = jnp.zeros((LANES,), jnp.float32)
    for r in range(CH):
        for q in range(H // LANES):
            b0[r, pl.ds(q * LANES, LANES)] = zv
    for i in range(RPT // CH):
        pltpu.sync_copy(b0, aggs.at[pl.ds(s * RPT + i * CH, CH)])
    pltpu.sync_copy(b0.at[pl.ds(0, RPT % CH)],
                    aggs.at[pl.ds(s * RPT + (RPT // CH) * CH, RPT % CH)])
    plsc.subcore_barrier()

    for b in range(NBUF):
        base = (crow + b) * CH
        pltpu.async_copy(e_hbm.at[pl.ds(base, CH)], bufs[b], esem[b])

    def _outer(k, _):
        @pl.when(lax.rem(k, GRP_OUT) == 0)
        def _():
            g = lax.div(k, GRP_OUT)
            pltpu.sync_copy(dst_hbm.at[pl.ds(crow + g * GRP, GRP)], dsti)
            pltpu.sync_copy(src_hbm.at[pl.ds(crow + g * GRP, GRP)], srci)

        for b in range(NBUF):
            jj = lax.rem(k, GRP_OUT) * NBUF + b
            base = (crow + k * NBUF + b) * CH
            pltpu.make_async_copy(
                e_hbm.at[pl.ds(base, CH)], bufs[b], esem[b]).wait()
            pltpu.async_copy(h_hbm.at[dsti.at[jj]], bufs[b], gsem[b],
                             add=True)

        for b in range(NBUF):
            jj = lax.rem(k, GRP_OUT) * NBUF + b
            pltpu.make_async_copy(
                h_hbm.at[dsti.at[jj]], bufs[b], gsem[b]).wait()

            def _relu_row(r, _, b=b):
                for q in range(H // LANES):
                    sl = pl.ds(q * LANES, LANES)
                    bufs[b][r, sl] = jnp.maximum(bufs[b][r, sl], 0.0)
                return 0

            lax.fori_loop(0, CH, _relu_row, 0)
            pltpu.async_copy(bufs[b], aggs.at[srci.at[jj]], ssem[b], add=True)

        for b in range(NBUF):
            jj = lax.rem(k, GRP_OUT) * NBUF + b
            pltpu.make_async_copy(
                bufs[b], aggs.at[srci.at[jj]], ssem[b]).wait()

            @pl.when(k + 1 < nout)
            def _(b=b):
                base = (crow + (k + 1) * NBUF + b) * CH
                pltpu.async_copy(e_hbm.at[pl.ds(base, CH)], bufs[b], esem[b])
        return 0

    lax.fori_loop(0, nout, _outer, 0)
    plsc.subcore_barrier()

    pltpu.sync_copy(aggs.at[pl.ds(s * RPT, RPT)],
                    out_hbm.at[c, pl.ds(s * RPT, RPT)])


@functools.cache
def _sc_agg():
    return pl.kernel(
        _sc_agg_body,
        out_type=jax.ShapeDtypeStruct((NUM_CORES, NP, H), jnp.float32),
        mesh=plsc.VectorSubcoreMesh(
            core_axis_name="c", subcore_axis_name="s",
            num_cores=NUM_CORES, num_subcores=NUM_SUBCORES,
        ),
        scratch_types=[
            pltpu.VMEM((GRP, CH), jnp.int32),
            pltpu.VMEM((GRP, CH), jnp.int32),
        ] + [pltpu.VMEM((CH, H), jnp.float32) for _ in range(NBUF)] + [
            pltpu.VMEM_SHARED((NP, H), jnp.float32),
        ] + [pltpu.SemaphoreType.DMA for _ in range(3 * NBUF)],
    )



def _proj_body(x_ref, w_ref, b_ref, o_ref):
    o_ref[...] = (
        jnp.dot(x_ref[...], w_ref[...], preferred_element_type=jnp.float32)
        + b_ref[...]
    )


def _proj(x, w, b, block_rows):
    rows, d_in = x.shape
    grid = rows // block_rows
    return pl.pallas_call(
        _proj_body,
        grid=(grid,),
        in_specs=[
            pl.BlockSpec((block_rows, d_in), lambda i: (i, 0)),
            pl.BlockSpec((d_in, H), lambda i: (0, 0)),
            pl.BlockSpec((1, H), lambda i: (0, 0)),
        ],
        out_specs=pl.BlockSpec((block_rows, H), lambda i: (i, 0)),
        out_shape=jax.ShapeDtypeStruct((rows, H), jnp.float32),
    )(x, w, b.reshape(1, H))


def _mlp_body(h_ref, a_ref, w1_ref, b1_ref, w2_ref, b2_ref, g_ref, be_ref,
              o_ref):
    h = h_ref[...]
    new = h + a_ref[0] + a_ref[1]
    hid = jax.nn.gelu(
        jnp.dot(new, w1_ref[...], preferred_element_type=jnp.float32)
        + b1_ref[...]
    )
    new = (
        jnp.dot(hid, w2_ref[...], preferred_element_type=jnp.float32)
        + b2_ref[...]
    )
    x = new + h
    mu = jnp.mean(x, axis=-1, keepdims=True)
    var = jnp.mean((x - mu) ** 2, axis=-1, keepdims=True)
    o_ref[...] = (x - mu) / jnp.sqrt(var + 1e-5) * g_ref[...] + be_ref[...]


def _mlp(h, agg2, w1, b1, w2, b2, g, be, block_rows=1000):
    grid = N // block_rows
    return pl.pallas_call(
        _mlp_body,
        grid=(grid,),
        in_specs=[
            pl.BlockSpec((block_rows, H), lambda i: (i, 0)),
            pl.BlockSpec((NUM_CORES, block_rows, H), lambda i: (0, i, 0)),
            pl.BlockSpec((H, H // 2), lambda i: (0, 0)),
            pl.BlockSpec((1, H // 2), lambda i: (0, 0)),
            pl.BlockSpec((H // 2, H), lambda i: (0, 0)),
            pl.BlockSpec((1, H), lambda i: (0, 0)),
            pl.BlockSpec((1, H), lambda i: (0, 0)),
            pl.BlockSpec((1, H), lambda i: (0, 0)),
        ],
        out_specs=pl.BlockSpec((block_rows, H), lambda i: (i, 0)),
        out_shape=jax.ShapeDtypeStruct((N, H), jnp.float32),
    )(h, agg2, w1, b1.reshape(1, H // 2), w2, b2.reshape(1, H),
      g.reshape(1, H), be.reshape(1, H))


def kernel(node_feats, edge_feats, edge_index, W_node, b_node, W_edge, b_edge,
           W1, b1, W2, b2, gamma, beta):
    pad = EP - E
    pad_src = DUMP + jnp.arange(pad, dtype=jnp.int32) % (NP - N)
    src = jnp.concatenate(
        [edge_index[0].astype(jnp.int32), pad_src]).reshape(TOTCH, CH)
    dst = jnp.concatenate(
        [edge_index[1].astype(jnp.int32),
         jnp.zeros((pad,), jnp.int32)]).reshape(TOTCH, CH)
    ef = jnp.concatenate(
        [edge_feats, jnp.zeros((pad, D_EDGE), jnp.float32)])

    h = _proj(node_feats, W_node, b_node, block_rows=1000)
    e = _proj(ef, W_edge, b_edge, block_rows=1920)

    def layer(h, wts):
        w1, bb1, w2, bb2, g, be = wts
        agg2 = _sc_agg()(h, e, src, dst)
        h = _mlp(h, agg2, w1, bb1, w2, bb2, g, be)
        return h, None

    h, _ = lax.scan(layer, h, (W1, b1, W2, b2, gamma, beta))
    return h

# --- scband reference (transcript-rebuilt; emitter-appended) ---
"""Pipeline reference for scband-attention-gnn-5317169512872 (READ-ONLY COPY).

The authoritative reference and input builder live on the scoring server;
editing this copy changes nothing except your own understanding.
"""

import jax, jax.numpy as jnp
import numpy as np

N = 10000
E = 320000
D_IN = 128
D_EDGE = 16
H = 128
L = 3
EPS_GINE = 0.0


def _layernorm(h, g, b):
    mu = jnp.mean(h, axis=-1, keepdims=True)
    var = jnp.mean((h - mu) ** 2, axis=-1, keepdims=True)
    return (h - mu) / jnp.sqrt(var + 1e-5) * g + b


def setup_inputs(seed: int = 0) -> dict:
    key = jax.random.key(seed)
    ks = jax.random.split(key, 20)
    node_feats = jax.random.normal(ks[0], (N, D_IN), dtype=jnp.float32)
    edge_feats = jax.random.normal(ks[1], (E, D_EDGE), dtype=jnp.float32)
    edge_index = jax.random.randint(ks[2], (2, E), 0, N)
    s_in = 1.0 / np.sqrt(D_IN)
    s_e = 1.0 / np.sqrt(D_EDGE)
    s_h = 1.0 / np.sqrt(H)
    s_h2 = 1.0 / np.sqrt(H // 2)
    W_node = jax.random.normal(ks[3], (D_IN, H), dtype=jnp.float32) * s_in
    b_node = jnp.zeros((H,), dtype=jnp.float32)
    W_edge = jax.random.normal(ks[4], (D_EDGE, H), dtype=jnp.float32) * s_e
    b_edge = jnp.zeros((H,), dtype=jnp.float32)
    W1 = jax.random.normal(ks[5], (L, H, H // 2), dtype=jnp.float32) * s_h
    b1 = jnp.zeros((L, H // 2), dtype=jnp.float32)
    W2 = jax.random.normal(ks[6], (L, H // 2, H), dtype=jnp.float32) * s_h2
    b2 = jnp.zeros((L, H), dtype=jnp.float32)
    gamma = jnp.ones((L, H), dtype=jnp.float32)
    beta = jnp.zeros((L, H), dtype=jnp.float32)
    return {
        "node_feats": node_feats,
        "edge_feats": edge_feats,
        "edge_index": edge_index,
        "W_node": W_node,
        "b_node": b_node,
        "W_edge": W_edge,
        "b_edge": b_edge,
        "W1": W1,
        "b1": b1,
        "W2": W2,
        "b2": b2,
        "gamma": gamma,
        "beta": beta,
    }


def reference(node_feats, edge_feats, edge_index, W_node, b_node, W_edge, b_edge, W1, b1, W2, b2, gamma, beta):
    src = edge_index[0]
    dst = edge_index[1]
    # input projections (MPNNModel.linear_node / linear_edge, random_walk_size=0)
    h = node_feats @ W_node + b_node
    e = edge_feats @ W_edge + b_edge
    for i in range(L):
        # GINELayer: messages = relu(x[end_nodes] + edge_emb[edge_ids])
        msgs = jax.nn.relu(jnp.take(h, dst, axis=0) + e)
        # dense aggregation over start_nodes == segment sum by src
        agg = jax.ops.segment_sum(msgs, src, num_segments=N)
        new = (1.0 + EPS_GINE) * h + agg
        # mlp: Linear(H, H//2) -> GELU -> Linear(H//2, H)
        hid = jax.nn.gelu(new @ W1[i] + b1[i])
        new = hid @ W2[i] + b2[i]
        # residual + layer norm
        h = new + h
        h = _layernorm(h, gamma[i], beta[i])
    return h

if __name__ == "__main__":
    import jax
    _d = setup_inputs()
    print(jax.jit(kernel)(*tuple(_d.values())))

</pallas_src>

<mosaic_0001>
#map = affine_map<(d0, d1) -> (0, 0)>
#map1 = affine_map<(d0, d1) -> (0, 0, 0)>
module attributes {stable_mosaic.version = 14 : i64} {
  func.func @_sc_agg_body(%arg0: i32, %arg1: i32, %arg2: memref<10000x128xf32, #tpu.memory_space<hbm>>, %arg3: memref<322560x128xf32, #tpu.memory_space<hbm>>, %arg4: memref<5760x56xi32, #tpu.memory_space<hbm>>, %arg5: memref<5760x56xi32, #tpu.memory_space<hbm>>, %arg6: memref<2x10112x128xf32, #tpu.memory_space<hbm>>, %arg7: memref<24x56xi32, #tpu.memory_space<vmem>>, %arg8: memref<24x56xi32, #tpu.memory_space<vmem>>, %arg9: memref<56x128xf32, #tpu.memory_space<vmem>>, %arg10: memref<56x128xf32, #tpu.memory_space<vmem>>, %arg11: memref<56x128xf32, #tpu.memory_space<vmem>>, %arg12: memref<10112x128xf32, #tpu.memory_space<vmem_shared>>, %arg13: memref<!tpu.dma_semaphore, #tpu.memory_space<semaphore_mem>>, %arg14: memref<!tpu.dma_semaphore, #tpu.memory_space<semaphore_mem>>, %arg15: memref<!tpu.dma_semaphore, #tpu.memory_space<semaphore_mem>>, %arg16: memref<!tpu.dma_semaphore, #tpu.memory_space<semaphore_mem>>, %arg17: memref<!tpu.dma_semaphore, #tpu.memory_space<semaphore_mem>>, %arg18: memref<!tpu.dma_semaphore, #tpu.memory_space<semaphore_mem>>, %arg19: memref<!tpu.dma_semaphore, #tpu.memory_space<semaphore_mem>>, %arg20: memref<!tpu.dma_semaphore, #tpu.memory_space<semaphore_mem>>, %arg21: memref<!tpu.dma_semaphore, #tpu.memory_space<semaphore_mem>>) attributes {dimension_semantics = [#tpu.dimension_semantics<core_parallel>, #tpu.dimension_semantics<subcore_parallel>], iteration_bounds = array<i64: 2, 16>, scalar_prefetch = 0 : i64, scratch_operands = 15 : i64, tpu.core_type = #tpu.core_type<sc_vector_subcore>, window_params = [{transform_indices = #map}, {transform_indices = #map}, {transform_indices = #map}, {transform_indices = #map}, {transform_indices = #map1}]} {
    %eq3A = arith.constant 0 : i32
    %eq3A_0 = arith.cmpi eq, %arg0, %eq3A : i32
    %mul3A = arith.constant 216 : i32
    %mul3A_1 = arith.muli %arg1, %mul3A : i32
    %mul3A_2 = arith.constant 144 : i32
    %mul3A_3 = arith.muli %arg1, %mul3A_2 : i32
    %add3A = arith.constant 3456 : i32
    %add3A_4 = arith.addi %add3A, %mul3A_3 : i32
    %select_n3A = arith.select %eq3A_0, %mul3A_1, %add3A_4 : i32
    %eq3A_5 = arith.constant 0 : i32
    %eq3A_6 = arith.cmpi eq, %arg0, %eq3A_5 : i32
    %jit3A = arith.constant 72 : i32
    %jit3A_7 = arith.constant 48 : i32
    %select_n3A_8 = arith.select %eq3A_6, %jit3A, %jit3A_7 : i32
    %broadcast_in_dim3A = arith.constant 0.000000e+00 : f32
    %broadcast_in_dim3A_9 = vector.broadcast %broadcast_in_dim3A : f32 to vector<16xf32>
    %swap3A = arith.constant 0 : i32
    %swap3A_10 = arith.index_cast %swap3A : i32 to index
    %swap3A_11 = arith.constant 0 : index
    %swap3A_12 = tpu.vector_load %arg9[%swap3A_10, %swap3A_11] {strides = array<i32>} : memref<56x128xf32, #tpu.memory_space<vmem>>, vector<1x16xf32>,
    %swap3A_13 = vector.shape_cast %swap3A_12 : vector<1x16xf32> to vector<16xf32>
    %swap3A_14 = vector.shape_cast %broadcast_in_dim3A_9 : vector<16xf32> to vector<1x16xf32>
    tpu.vector_store %arg9[%swap3A_10, %swap3A_11], %swap3A_14 {strides = array<i32>} : memref<56x128xf32, #tpu.memory_space<vmem>>, vector<1x16xf32>,
    %swap3A_15 = arith.constant 0 : i32
    %swap3A_16 = arith.index_cast %swap3A_15 : i32 to index
    %swap3A_17 = arith.constant 16 : index
    %swap3A_18 = tpu.vector_load %arg9[%swap3A_16, %swap3A_17] {strides = array<i32>} : memref<56x128xf32, #tpu.memory_space<vmem>>, vector<1x16xf32>,
    %swap3A_19 = vector.shape_cast %swap3A_18 : vector<1x16xf32> to vector<16xf32>
    %swap3A_20 = vector.shape_cast %broadcast_in_dim3A_9 : vector<16xf32> to vector<1x16xf32>
    tpu.vector_store %arg9[%swap3A_16, %swap3A_17], %swap3A_20 {strides = array<i32>} : memref<56x128xf32, #tpu.memory_space<vmem>>, vector<1x16xf32>,
    %swap3A_21 = arith.constant 0 : i32
    %swap3A_22 = arith.index_cast %swap3A_21 : i32 to index
    %swap3A_23 = arith.constant 32 : index
    %swap3A_24 = tpu.vector_load %arg9[%swap3A_22, %swap3A_23] {strides = array<i32>} : memref<56x128xf32, #tpu.memory_space<vmem>>, vector<1x16xf32>,
    %swap3A_25 = vector.shape_cast %swap3A_24 : vector<1x16xf32> to vector<16xf32>
    %swap3A_26 = vector.shape_cast %broadcast_in_dim3A_9 : vector<16xf32> to vector<1x16xf32>
    tpu.vector_store %arg9[%swap3A_22, %swap3A_23], %swap3A_26 {strides = array<i32>} : memref<56x128xf32, #tpu.memory_space<vmem>>, vector<1x16xf32>,
    %swap3A_27 = arith.constant 0 : i32
    %swap3A_28 = arith.index_cast %swap3A_27 : i32 to index
    %swap3A_29 = arith.constant 48 : index
    %swap3A_30 = tpu.vector_load %arg9[%swap3A_28, %swap3A_29] {strides = array<i32>} : memref<56x128xf32, #tpu.memory_space<vmem>>, vector<1x16xf32>,
    %swap3A_31 = vector.shape_cast %swap3A_30 : vector<1x16xf32> to vector<16xf32>
    %swap3A_32 = vector.shape_cast %broadcast_in_dim3A_9 : vector<16xf32> to vector<1x16xf32>
    tpu.vector_store %arg9[%swap3A_28, %swap3A_29], %swap3A_32 {strides = array<i32>} : memref<56x128xf32, #tpu.memory_space<vmem>>, vector<1x16xf32>,
    %swap3A_33 = arith.constant 0 : i32
    %swap3A_34 = arith.index_cast %swap3A_33 : i32 to index
    %swap3A_35 = arith.constant 64 : index
    %swap3A_36 = tpu.vector_load %arg9[%swap3A_34, %swap3A_35] {strides = array<i32>} : memref<56x128xf32, #tpu.memory_space<vmem>>, vector<1x16xf32>,
    %swap3A_37 = vector.shape_cast %swap3A_36 : vector<1x16xf32> to vector<16xf32>
    %swap3A_38 = vector.shape_cast %broadcast_in_dim3A_9 : vector<16xf32> to vector<1x16xf32>
    tpu.vector_store %arg9[%swap3A_34, %swap3A_35], %swap3A_38 {strides = array<i32>} : memref<56x128xf32, #tpu.memory_space<vmem>>, vector<1x16xf32>,
    %swap3A_39 = arith.constant 0 : i32
    %swap3A_40 = arith.index_cast %swap3A_39 : i32 to index
    %swap3A_41 = arith.constant 80 : index
    %swap3A_42 = tpu.vector_load %arg9[%swap3A_40, %swap3A_41] {strides = array<i32>} : memref<56x128xf32, #tpu.memory_space<vmem>>, vector<1x16xf32>,
    %swap3A_43 = vector.shape_cast %swap3A_42 : vector<1x16xf32> to vector<16xf32>
    %swap3A_44 = vector.shape_cast %broadcast_in_dim3A_9 : vector<16xf32> to vector<1x16xf32>
    tpu.vector_store %arg9[%swap3A_40, %swap3A_41], %swap3A_44 {strides = array<i32>} : memref<56x128xf32, #tpu.memory_space<vmem>>, vector<1x16xf32>,
    %swap3A_45 = arith.constant 0 : i32
    %swap3A_46 = arith.index_cast %swap3A_45 : i32 to index
    %swap3A_47 = arith.constant 96 : index
    %swap3A_48 = tpu.vector_load %arg9[%swap3A_46, %swap3A_47] {strides = array<i32>} : memref<56x128xf32, #tpu.memory_space<vmem>>, vector<1x16xf32>,
    %swap3A_49 = vector.shape_cast %swap3A_48 : vector<1x16xf32> to vector<16xf32>
    %swap3A_50 = vector.shape_cast %broadcast_in_dim3A_9 : vector<16xf32> to vector<1x16xf32>
    tpu.vector_store %arg9[%swap3A_46, %swap3A_47], %swap3A_50 {strides = array<i32>} : memref<56x128xf32, #tpu.memory_space<vmem>>, vector<1x16xf32>,
    %swap3A_51 = arith.constant 0 : i32
    %swap3A_52 = arith.index_cast %swap3A_51 : i32 to index
    %swap3A_53 = arith.constant 112 : index
    %swap3A_54 = tpu.vector_load %arg9[%swap3A_52, %swap3A_53] {strides = array<i32>} : memref<56x128xf32, #tpu.memory_space<vmem>>, vector<1x16xf32>,
    %swap3A_55 = vector.shape_cast %swap3A_54 : vector<1x16xf32> to vector<16xf32>
    %swap3A_56 = vector.shape_cast %broadcast_in_dim3A_9 : vector<16xf32> to vector<1x16xf32>
    tpu.vector_store %arg9[%swap3A_52, %swap3A_53], %swap3A_56 {strides = array<i32>} : memref<56x128xf32, #tpu.memory_space<vmem>>, vector<1x16xf32>,
    %swap3A_57 = arith.constant 1 : i32
    %swap3A_58 = arith.index_cast %swap3A_57 : i32 to index
    %swap3A_59 = arith.constant 0 : index
    %swap3A_60 = tpu.vector_load %arg9[%swap3A_58, %swap3A_59] {strides = array<i32>} : memref<56x128xf32, #tpu.memory_space<vmem>>, vector<1x16xf32>,
    %swap3A_61 = vector.shape_cast %swap3A_60 : vector<1x16xf32> to vector<16xf32>
    %swap3A_62 = vector.shape_cast %broadcast_in_dim3A_9 : vector<16xf32> to vector<1x16xf32>
    tpu.vector_store %arg9[%swap3A_58, %swap3A_59], %swap3A_62 {strides = array<i32>} : memref<56x128xf32, #tpu.memory_space<vmem>>, vector<1x16xf32>,
    %swap3A_63 = arith.constant 1 : i32
    %swap3A_64 = arith.index_cast %swap3A_63 : i32 to index
    %swap3A_65 = arith.constant 16 : index
    %swap3A_66 = tpu.vector_load %arg9[%swap3A_64, %swap3A_65] {strides = array<i32>} : memref<56x128xf32, #tpu.memory_space<vmem>>, vector<1x16xf32>,
    %swap3A_67 = vector.shape_cast %swap3A_66 : vector<1x16xf32> to vector<16xf32>
    %swap3A_68 = vector.shape_cast %broadcast_in_dim3A_9 : vector<16xf32> to vector<1x16xf32>
    tpu.vector_store %arg9[%swap3A_64, %swap3A_65], %swap3A_68 {strides = array<i32>} : memref<56x128xf32, #tpu.memory_space<vmem>>, vector<1x16xf32>,
    %swap3A_69 = arith.constant 1 : i32
    %swap3A_70 = arith.index_cast %swap3A_69 : i32 to index
    %swap3A_71 = arith.constant 32 : index
    %swap3A_72 = tpu.vector_load %arg9[%swap3A_70, %swap3A_71] {strides = array<i32>} : memref<56x128xf32, #tpu.memory_space<vmem>>, vector<1x16xf32>,
    %swap3A_73 = vector.shape_cast %swap3A_72 : vector<1x16xf32> to vector<16xf32>
    %swap3A_74 = vector.shape_cast %broadcast_in_dim3A_9 : vector<16xf32> to vector<1x16xf32>
    tpu.vector_store %arg9[%swap3A_70, %swap3A_71], %swap3A_74 {strides = array<i32>} : memref<56x128xf32, #tpu.memory_space<vmem>>, vector<1x16xf32>,
    %swap3A_75 = arith.constant 1 : i32
    %swap3A_76 = arith.index_cast %swap3A_75 : i32 to index
    %swap3A_77 = arith.constant 48 : index
    %swap3A_78 = tpu.vector_load %arg9[%swap3A_76, %swap3A_77] {strides = array<i32>} : memref<56x128xf32, #tpu.memory_space<vmem>>, vector<1x16xf32>,
    %swap3A_79 = vector.shape_cast %swap3A_78 : vector<1x16xf32> to vector<16xf32>
    %swap3A_80 = vector.shape_cast %broadcast_in_dim3A_9 : vector<16xf32> to vector<1x16xf32>
    tpu.vector_store %arg9[%swap3A_76, %swap3A_77], %swap3A_80 {strides = array<i32>} : memref<56x128xf32, #tpu.memory_space<vmem>>, vector<1x16xf32>,
    %swap3A_81 = arith.constant 1 : i32
    %swap3A_82 = arith.index_cast %swap3A_81 : i32 to index
    %swap3A_83 = arith.constant 64 : index
    %swap3A_84 = tpu.vector_load %arg9[%swap3A_82, %swap3A_83] {strides = array<i32>} : memref<56x128xf32, #tpu.memory_space<vmem>>, vector<1x16xf32>,
    %swap3A_85 = vector.shape_cast %swap3A_84 : vector<1x16xf32> to vector<16xf32>
    %swap3A_86 = vector.shape_cast %broadcast_in_dim3A_9 : vector<16xf32> to vector<1x16xf32>
    tpu.vector_store %arg9[%swap3A_82, %swap3A_83], %swap3A_86 {strides = array<i32>} : memref<56x128xf32, #tpu.memory_space<vmem>>, vector<1x16xf32>,
    %swap3A_87 = arith.constant 1 : i32
    %swap3A_88 = arith.index_cast %swap3A_87 : i32 to index
    %swap3A_89 = arith.constant 80 : index
    %swap3A_90 = tpu.vector_load %arg9[%swap3A_88, %swap3A_89] {strides = array<i32>} : memref<56x128xf32, #tpu.memory_space<vmem>>, vector<1x16xf32>,
    %swap3A_91 = vector.shape_cast %swap3A_90 : vector<1x16xf32> to vector<16xf32>
    %swap3A_92 = vector.shape_cast %broadcast_in_dim3A_9 : vector<16xf32> to vector<1x16xf32>
    tpu.vector_store %arg9[%swap3A_88, %swap3A_89], %swap3A_92 {strides = array<i32>} : memref<56x128xf32, #tpu.memory_space<vmem>>, vector<1x16xf32>,
    %swap3A_93 = arith.constant 1 : i32
    %swap3A_94 = arith.index_cast %swap3A_93 : i32 to index
    %swap3A_95 = arith.constant 96 : index
    %swap3A_96 = tpu.vector_load %arg9[%swap3A_94, %swap3A_95] {strides = array<i32>} : memref<56x128xf32, #tpu.memory_space<vmem>>, vector<1x16xf32>,
    %swap3A_97 = vector.shape_cast %swap3A_96 : vector<1x16xf32> to vector<16xf32>
    %swap3A_98 = vector.shape_cast %broadcast_in_dim3A_9 : vector<16xf32> to vector<1x16xf32>
    tpu.vector_store %arg9[%swap3A_94, %swap3A_95], %swap3A_98 {strides = array<i32>} : memref<56x128xf32, #tpu.memory_space<vmem>>, vector<1x16xf32>,
    %swap3A_99 = arith.constant 1 : i32
    %swap3A_100 = arith.index_cast %swap3A_99 : i32 to index
    %swap3A_101 = arith.constant 112 : index
    %swap3A_102 = tpu.vector_load %arg9[%swap3A_100, %swap3A_101] {strides = array<i32>} : memref<56x128xf32, #tpu.memory_space<vmem>>, vector<1x16xf32>,
    %swap3A_103 = vector.shape_cast %swap3A_102 : vector<1x16xf32> to vector<16xf32>
    %swap3A_104 = vector.shape_cast %broadcast_in_dim3A_9 : vector<16xf32> to vector<1x16xf32>
    tpu.vector_store %arg9[%swap3A_100, %swap3A_101], %swap3A_104 {strides = array<i32>} : memref<56x128xf32, #tpu.memory_space<vmem>>, vector<1x16xf32>,
    %swap3A_105 = arith.constant 2 : i32
    %swap3A_106 = arith.index_cast %swap3A_105 : i32 to index
    %swap3A_107 = arith.constant 0 : index
    %swap3A_108 = tpu.vector_load %arg9[%swap3A_106, %swap3A_107] {strides = array<i32>} : memref<56x128xf32, #tpu.memory_space<vmem>>, vector<1x16xf32>,
    %swap3A_109 = vector.shape_cast %swap3A_108 : vector<1x16xf32> to vector<16xf32>
    %swap3A_110 = vector.shape_cast %broadcast_in_dim3A_9 : vector<16xf32> to vector<1x16xf32>
    tpu.vector_store %arg9[%swap3A_106, %swap3A_107], %swap3A_110 {strides = array<i32>} : memref<56x128xf32, #tpu.memory_space<vmem>>, vector<1x16xf32>,
    %swap3A_111 = arith.constant 2 : i32
    %swap3A_112 = arith.index_cast %swap3A_111 : i32 to index
    %swap3A_113 = arith.constant 16 : index
    %swap3A_114 = tpu.vector_load %arg9[%swap3A_112, %swap3A_113] {strides = array<i32>} : memref<56x128xf32, #tpu.memory_space<vmem>>, vector<1x16xf32>,
    %swap3A_115 = vector.shape_cast %swap3A_114 : vector<1x16xf32> to vector<16xf32>
    %swap3A_116 = vector.shape_cast %broadcast_in_dim3A_9 : vector<16xf32> to vector<1x16xf32>
    tpu.vector_store %arg9[%swap3A_112, %swap3A_113], %swap3A_116 {strides = array<i32>} : memref<56x128xf32, #tpu.memory_space<vmem>>, vector<1x16xf32>,
    %swap3A_117 = arith.constant 2 : i32
    %swap3A_118 = arith.index_cast %swap3A_117 : i32 to index
    %swap3A_119 = arith.constant 32 : index
    %swap3A_120 = tpu.vector_load %arg9[%swap3A_118, %swap3A_119] {strides = array<i32>} : memref<56x128xf32, #tpu.memory_space<vmem>>, vector<1x16xf32>,
    %swap3A_121 = vector.shape_cast %swap3A_120 : vector<1x16xf32> to vector<16xf32>
    %swap3A_122 = vector.shape_cast %broadcast_in_dim3A_9 : vector<16xf32> to vector<1x16xf32>
    tpu.vector_store %arg9[%swap3A_118, %swap3A_119], %swap3A_122 {strides = array<i32>} : memref<56x128xf32, #tpu.memory_space<vmem>>, vector<1x16xf32>,
    %swap3A_123 = arith.constant 2 : i32
    %swap3A_124 = arith.index_cast %swap3A_123 : i32 to index
    %swap3A_125 = arith.constant 48 : index
    %swap3A_126 = tpu.vector_load %arg9[%swap3A_124, %swap3A_125] {strides = array<i32>} : memref<56x128xf32, #tpu.memory_space<vmem>>, vector<1x16xf32>,
    %swap3A_127 = vector.shape_cast %swap3A_126 : vector<1x16xf32> to vector<16xf32>
    %swap3A_128 = vector.shape_cast %broadcast_in_dim3A_9 : vector<16xf32> to vector<1x16xf32>
    tpu.vector_store %arg9[%swap3A_124, %swap3A_125], %swap3A_128 {strides = array<i32>} : memref<56x128xf32, #tpu.memory_space<vmem>>, vector<1x16xf32>,
    %swap3A_129 = arith.constant 2 : i32
    %swap3A_130 = arith.index_cast %swap3A_129 : i32 to index
    %swap3A_131 = arith.constant 64 : index
    %swap3A_132 = tpu.vector_load %arg9[%swap3A_130, %swap3A_131] {strides = array<i32>} : memref<56x128xf32, #tpu.memory_space<vmem>>, vector<1x16xf32>,
    %swap3A_133 = vector.shape_cast %swap3A_132 : vector<1x16xf32> to vector<16xf32>
    %swap3A_134 = vector.shape_cast %broadcast_in_dim3A_9 : vector<16xf32> to vector<1x16xf32>
    tpu.vector_store %arg9[%swap3A_130, %swap3A_131], %swap3A_134 {strides = array<i32>} : memref<56x128xf32, #tpu.memory_space<vmem>>, vector<1x16xf32>,
    %swap3A_135 = arith.constant 2 : i32
    %swap3A_136 = arith.index_cast %swap3A_135 : i32 to index
    %swap3A_137 = arith.constant 80 : index
    %swap3A_138 = tpu.vector_load %arg9[%swap3A_136, %swap3A_137] {strides = array<i32>} : memref<56x128xf32, #tpu.memory_space<vmem>>, vector<1x16xf32>,
    %swap3A_139 = vector.shape_cast %swap3A_138 : vector<1x16xf32> to vector<16xf32>
    %swap3A_140 = vector.shape_cast %broadcast_in_dim3A_9 : vector<16xf32> to vector<1x16xf32>
    tpu.vector_store %arg9[%swap3A_136, %swap3A_137], %swap3A_140 {strides = array<i32>} : memref<56x128xf32, #tpu.memory_space<vmem>>, vector<1x16xf32>,
    %swap3A_141 = arith.constant 2 : i32
    %swap3A_142 = arith.index_cast %swap3A_141 : i32 to index
    %swap3A_143 = arith.constant 96 : index
    %swap3A_144 = tpu.vector_load %arg9[%swap3A_142, %swap3A_143] {strides = array<i32>} : memref<56x128xf32, #tpu.memory_space<vmem>>, vector<1x16xf32>,
    %swap3A_145 = vector.shape_cast %swap3A_144 : vector<1x16xf32> to vector<16xf32>
    %swap3A_146 = vector.shape_cast %broadcast_in_dim3A_9 : vector<16xf32> to vector<1x16xf32>
    tpu.vector_store %arg9[%swap3A_142, %swap3A_143], %swap3A_146 {strides = array<i32>} : memref<56x128xf32, #tpu.memory_space<vmem>>, vector<1x16xf32>,
    %swap3A_147 = arith.constant 2 : i32
    %swap3A_148 = arith.index_cast %swap3A_147 : i32 to index
    %swap3A_149 = arith.constant 112 : index
    %swap3A_150 = tpu.vector_load %arg9[%swap3A_148, %swap3A_149] {strides = array<i32>} : memref<56x128xf32, #tpu.memory_space<vmem>>, vector<1x16xf32>,
    %swap3A_151 = vector.shape_cast %swap3A_150 : vector<1x16xf32> to vector<16xf32>
    %swap3A_152 = vector.shape_cast %broadcast_in_dim3A_9 : vector<16xf32> to vector<1x16xf32>
    tpu.vector_store %arg9[%swap3A_148, %swap3A_149], %swap3A_152 {strides = array<i32>} : memref<56x128xf32, #tpu.memory_space<vmem>>, vector<1x16xf32>,
    %swap3A_153 = arith.constant 3 : i32
    %swap3A_154 = arith.index_cast %swap3A_153 : i32 to index
    %swap3A_155 = arith.constant 0 : index
    %swap3A_156 = tpu.vector_load %arg9[%swap3A_154, %swap3A_155] {strides = array<i32>} : memref<56x128xf32, #tpu.memory_space<vmem>>, vector<1x16xf32>,
    %swap3A_157 = vector.shape_cast %swap3A_156 : vector<1x16xf32> to vector<16xf32>
    %swap3A_158 = vector.shape_cast %broadcast_in_dim3A_9 : vector<16xf32> to vector<1x16xf32>
    tpu.vector_store %arg9[%swap3A_154, %swap3A_155], %swap3A_158 {strides = array<i32>} : memref<56x128xf32, #tpu.memory_space<vmem>>, vector<1x16xf32>,
    %swap3A_159 = arith.constant 3 : i32
    %swap3A_160 = arith.index_cast %swap3A_159 : i32 to index
    %swap3A_161 = arith.constant 16 : index
    %swap3A_162 = tpu.vector_load %arg9[%swap3A_160, %swap3A_161] {strides = array<i32>} : memref<56x128xf32, #tpu.memory_space<vmem>>, vector<1x16xf32>,
    %swap3A_163 = vector.shape_cast %swap3A_162 : vector<1x16xf32> to vector<16xf32>
    %swap3A_164 = vector.shape_cast %broadcast_in_dim3A_9 : vector<16xf32> to vector<1x16xf32>
    tpu.vector_store %arg9[%swap3A_160, %swap3A_161], %swap3A_164 {strides = array<i32>} : memref<56x128xf32, #tpu.memory_space<vmem>>, vector<1x16xf32>,
    %swap3A_165 = arith.constant 3 : i32
    %swap3A_166 = arith.index_cast %swap3A_165 : i32 to index
    %swap3A_167 = arith.constant 32 : index
    %swap3A_168 = tpu.vector_load %arg9[%swap3A_166, %swap3A_167] {strides = array<i32>} : memref<56x128xf32, #tpu.memory_space<vmem>>, vector<1x16xf32>,
    %swap3A_169 = vector.shape_cast %swap3A_168 : vector<1x16xf32> to vector<16xf32>
    %swap3A_170 = vector.shape_cast %broadcast_in_dim3A_9 : vector<16xf32> to vector<1x16xf32>
    tpu.vector_store %arg9[%swap3A_166, %swap3A_167], %swap3A_170 {strides = array<i32>} : memref<56x128xf32, #tpu.memory_space<vmem>>, vector<1x16xf32>,
    %swap3A_171 = arith.constant 3 : i32
    %swap3A_172 = arith.index_cast %swap3A_171 : i32 to index
    %swap3A_173 = arith.constant 48 : index
    %swap3A_174 = tpu.vector_load %arg9[%swap3A_172, %swap3A_173] {strides = array<i32>} : memref<56x128xf32, #tpu.memory_space<vmem>>, vector<1x16xf32>,
    %swap3A_175 = vector.shape_cast %swap3A_174 : vector<1x16xf32> to vector<16xf32>
    %swap3A_176 = vector.shape_cast %broadcast_in_dim3A_9 : vector<16xf32> to vector<1x16xf32>
    tpu.vector_store %arg9[%swap3A_172, %swap3A_173], %swap3A_176 {strides = array<i32>} : memref<56x128xf32, #tpu.memory_space<vmem>>, vector<1x16xf32>,
    %swap3A_177 = arith.constant 3 : i32
    %swap3A_178 = arith.index_cast %swap3A_177 : i32 to index
    %swap3A_179 = arith.constant 64 : index
    %swap3A_180 = tpu.vector_load %arg9[%swap3A_178, %swap3A_179] {strides = array<i32>} : memref<56x128xf32, #tpu.memory_space<vmem>>, vector<1x16xf32>,
    %swap3A_181 = vector.shape_cast %swap3A_180 : vector<1x16xf32> to vector<16xf32>
    %swap3A_182 = vector.shape_cast %broadcast_in_dim3A_9 : vector<16xf32> to vector<1x16xf32>
    tpu.vector_store %arg9[%swap3A_178, %swap3A_179], %swap3A_182 {strides = array<i32>} : memref<56x128xf32, #tpu.memory_space<vmem>>, vector<1x16xf32>,
    %swap3A_183 = arith.constant 3 : i32
    %swap3A_184 = arith.index_cast %swap3A_183 : i32 to index
    %swap3A_185 = arith.constant 80 : index
    %swap3A_186 = tpu.vector_load %arg9[%swap3A_184, %swap3A_185] {strides = array<i32>} : memref<56x128xf32, #tpu.memory_space<vmem>>, vector<1x16xf32>,
    %swap3A_187 = vector.shape_cast %swap3A_186 : vector<1x16xf32> to vector<16xf32>
    %swap3A_188 = vector.shape_cast %broadcast_in_dim3A_9 : vector<16xf32> to vector<1x16xf32>
    tpu.vector_store %arg9[%swap3A_184, %swap3A_185], %swap3A_188 {strides = array<i32>} : memref<56x128xf32, #tpu.memory_space<vmem>>, vector<1x16xf32>,
    %swap3A_189 = arith.constant 3 : i32
    %swap3A_190 = arith.index_cast %swap3A_189 : i32 to index
    %swap3A_191 = arith.constant 96 : index
    %swap3A_192 = tpu.vector_load %arg9[%swap3A_190, %swap3A_191] {strides = array<i32>} : memref<56x128xf32, #tpu.memory_space<vmem>>, vector<1x16xf32>,
    %swap3A_193 = vector.shape_cast %swap3A_192 : vector<1x16xf32> to vector<16xf32>
    %swap3A_194 = vector.shape_cast %broadcast_in_dim3A_9 : vector<16xf32> to vector<1x16xf32>
    tpu.vector_store %arg9[%swap3A_190, %swap3A_191], %swap3A_194 {strides = array<i32>} : memref<56x128xf32, #tpu.memory_space<vmem>>, vector<1x16xf32>,
    %swap3A_195 = arith.constant 3 : i32
    %swap3A_196 = arith.index_cast %swap3A_195 : i32 to index
    %swap3A_197 = arith.constant 112 : index
    %swap3A_198 = tpu.vector_load %arg9[%swap3A_196, %swap3A_197] {strides = array<i32>} : memref<56x128xf32, #tpu.memory_space<vmem>>, vector<1x16xf32>,
    %swap3A_199 = vector.shape_cast %swap3A_198 : vector<1x16xf32> to vector<16xf32>
    %swap3A_200 = vector.shape_cast %broadcast_in_dim3A_9 : vector<16xf32> to vector<1x16xf32>
    tpu.vector_store %arg9[%swap3A_196, %swap3A_197], %swap3A_200 {strides = array<i32>} : memref<56x128xf32, #tpu.memory_space<vmem>>, vector<1x16xf32>,
    %swap3A_201 = arith.constant 4 : i32
    %swap3A_202 = arith.index_cast %swap3A_201 : i32 to index
    %swap3A_203 = arith.constant 0 : index
    %swap3A_204 = tpu.vector_load %arg9[%swap3A_202, %swap3A_203] {strides = array<i32>} : memref<56x128xf32, #tpu.memory_space<vmem>>, vector<1x16xf32>,
    %swap3A_205 = vector.shape_cast %swap3A_204 : vector<1x16xf32> to vector<16xf32>
    %swap3A_206 = vector.shape_cast %broadcast_in_dim3A_9 : vector<16xf32> to vector<1x16xf32>
    tpu.vector_store %arg9[%swap3A_202, %swap3A_203], %swap3A_206 {strides = array<i32>} : memref<56x128xf32, #tpu.memory_space<vmem>>, vector<1x16xf32>,
    %swap3A_207 = arith.constant 4 : i32
    %swap3A_208 = arith.index_cast %swap3A_207 : i32 to index
    %swap3A_209 = arith.constant 16 : index
    %swap3A_210 = tpu.vector_load %arg9[%swap3A_208, %swap3A_209] {strides = array<i32>} : memref<56x128xf32, #tpu.memory_space<vmem>>, vector<1x16xf32>,
    %swap3A_211 = vector.shape_cast %swap3A_210 : vector<1x16xf32> to vector<16xf32>
    %swap3A_212 = vector.shape_cast %broadcast_in_dim3A_9 : vector<16xf32> to vector<1x16xf32>
    tpu.vector_store %arg9[%swap3A_208, %swap3A_209], %swap3A_212 {strides = array<i32>} : memref<56x128xf32, #tpu.memory_space<vmem>>, vector<1x16xf32>,
    %swap3A_213 = arith.constant 4 : i32
    %swap3A_214 = arith.index_cast %swap3A_213 : i32 to index
    %swap3A_215 = arith.constant 32 : index
    %swap3A_216 = tpu.vector_load %arg9[%swap3A_214, %swap3A_215] {strides = array<i32>} : memref<56x128xf32, #tpu.memory_space<vmem>>, vector<1x16xf32>,
    %swap3A_217 = vector.shape_cast %swap3A_216 : vector<1x16xf32> to vector<16xf32>
    %swap3A_218 = vector.shape_cast %broadcast_in_dim3A_9 : vector<16xf32> to vector<1x16xf32>
    tpu.vector_store %arg9[%swap3A_214, %swap3A_215], %swap3A_218 {strides = array<i32>} : memref<56x128xf32, #tpu.memory_space<vmem>>, vector<1x16xf32>,
    %swap3A_219 = arith.constant 4 : i32
    %swap3A_220 = arith.index_cast %swap3A_219 : i32 to index
    %swap3A_221 = arith.constant 48 : index
    %swap3A_222 = tpu.vector_load %arg9[%swap3A_220, %swap3A_221] {strides = array<i32>} : memref<56x128xf32, #tpu.memory_space<vmem>>, vector<1x16xf32>,
    %swap3A_223 = vector.shape_cast %swap3A_222 : vector<1x16xf32> to vector<16xf32>
    %swap3A_224 = vector.shape_cast %broadcast_in_dim3A_9 : vector<16xf32> to vector<1x16xf32>
    tpu.vector_store %arg9[%swap3A_220, %swap3A_221], %swap3A_224 {strides = array<i32>} : memref<56x128xf32, #tpu.memory_space<vmem>>, vector<1x16xf32>,
    %swap3A_225 = arith.constant 4 : i32
    %swap3A_226 = arith.index_cast %swap3A_225 : i32 to index
    %swap3A_227 = arith.constant 64 : index
    %swap3A_228 = tpu.vector_load %arg9[%swap3A_226, %swap3A_227] {strides = array<i32>} : memref<56x128xf32, #tpu.memory_space<vmem>>, vector<1x16xf32>,
    %swap3A_229 = vector.shape_cast %swap3A_228 : vector<1x16xf32> to vector<16xf32>
    %swap3A_230 = vector.shape_cast %broadcast_in_dim3A_9 : vector<16xf32> to vector<1x16xf32>
    tpu.vector_store %arg9[%swap3A_226, %swap3A_227], %swap3A_230 {strides = array<i32>} : memref<56x128xf32, #tpu.memory_space<vmem>>, vector<1x16xf32>,
    %swap3A_231 = arith.constant 4 : i32
    %swap3A_232 = arith.index_cast %swap3A_231 : i32 to index
    %swap3A_233 = arith.constant 80 : index
    %swap3A_234 = tpu.vector_load %arg9[%swap3A_232, %swap3A_233] {strides = array<i32>} : memref<56x128xf32, #tpu.memory_space<vmem>>, vector<1x16xf32>,
    %swap3A_235 = vector.shape_cast %swap3A_234 : vector<1x16xf32> to vector<16xf32>
    %swap3A_236 = vector.shape_cast %broadcast_in_dim3A_9 : vector<16xf32> to vector<1x16xf32>
    tpu.vector_store %arg9[%swap3A_232, %swap3A_233], %swap3A_236 {strides = array<i32>} : memref<56x128xf32, #tpu.memory_space<vmem>>, vector<1x16xf32>,
    %swap3A_237 = arith.constant 4 : i32
    %swap3A_238 = arith.index_cast %swap3A_237 : i32 to index
    %swap3A_239 = arith.constant 96 : index
    %swap3A_240 = tpu.vector_load %arg9[%swap3A_238, %swap3A_239] {strides = array<i32>} : memref<56x128xf32, #tpu.memory_space<vmem>>, vector<1x16xf32>,
    %swap3A_241 = vector.shape_cast %swap3A_240 : vector<1x16xf32> to vector<16xf32>
    %swap3A_242 = vector.shape_cast %broadcast_in_dim3A_9 : vector<16xf32> to vector<1x16xf32>
    tpu.vector_store %arg9[%swap3A_238, %swap3A_239], %swap3A_242 {strides = array<i32>} : memref<56x128xf32, #tpu.memory_space<vmem>>, vector<1x16xf32>,
    %swap3A_243 = arith.constant 4 : i32
    %swap3A_244 = arith.index_cast %swap3A_243 : i32 to index
    %swap3A_245 = arith.constant 112 : index
    %swap3A_246 = tpu.vector_load %arg9[%swap3A_244, %swap3A_245] {strides = array<i32>} : memref<56x128xf32, #tpu.memory_space<vmem>>, vector<1x16xf32>,
    %swap3A_247 = vector.shape_cast %swap3A_246 : vector<1x16xf32> to vector<16xf32>
    %swap3A_248 = vector.shape_cast %broadcast_in_dim3A_9 : vector<16xf32> to vector<1x16xf32>
    tpu.vector_store %arg9[%swap3A_244, %swap3A_245], %swap3A_248 {strides = array<i32>} : memref<56x128xf32, #tpu.memory_space<vmem>>, vector<1x16xf32>,
    %swap3A_249 = arith.constant 5 : i32
    %swap3A_250 = arith.index_cast %swap3A_249 : i32 to index
    %swap3A_251 = arith.constant 0 : index
    %swap3A_252 = tpu.vector_load %arg9[%swap3A_250, %swap3A_251] {strides = array<i32>} : memref<56x128xf32, #tpu.memory_space<vmem>>, vector<1x16xf32>,
    %swap3A_253 = vector.shape_cast %swap3A_252 : vector<1x16xf32> to vector<16xf32>
    %swap3A_254 = vector.shape_cast %broadcast_in_dim3A_9 : vector<16xf32> to vector<1x16xf32>
    tpu.vector_store %arg9[%swap3A_250, %swap3A_251], %swap3A_254 {strides = array<i32>} : memref<56x128xf32, #tpu.memory_space<vmem>>, vector<1x16xf32>,
    %swap3A_255 = arith.constant 5 : i32
    %swap3A_256 = arith.index_cast %swap3A_255 : i32 to index
    %swap3A_257 = arith.constant 16 : index
    %swap3A_258 = tpu.vector_load %arg9[%swap3A_256, %swap3A_257] {strides = array<i32>} : memref<56x128xf32, #tpu.memory_space<vmem>>, vector<1x16xf32>,
    %swap3A_259 = vector.shape_cast %swap3A_258 : vector<1x16xf32> to vector<16xf32>
    %swap3A_260 = vector.shape_cast %broadcast_in_dim3A_9 : vector<16xf32> to vector<1x16xf32>
    tpu.vector_store %arg9[%swap3A_256, %swap3A_257], %swap3A_260 {strides = array<i32>} : memref<56x128xf32, #tpu.memory_space<vmem>>, vector<1x16xf32>,
    %swap3A_261 = arith.constant 5 : i32
    %swap3A_262 = arith.index_cast %swap3A_261 : i32 to index
    %swap3A_263 = arith.constant 32 : index
    %swap3A_264 = tpu.vector_load %arg9[%swap3A_262, %swap3A_263] {strides = array<i32>} : memref<56x128xf32, #tpu.memory_space<vmem>>, vector<1x16xf32>,
    %swap3A_265 = vector.shape_cast %swap3A_264 : vector<1x16xf32> to vector<16xf32>
    %swap3A_266 = vector.shape_cast %broadcast_in_dim3A_9 : vector<16xf32> to vector<1x16xf32>
    tpu.vector_store %arg9[%swap3A_262, %swap3A_263], %swap3A_266 {strides = array<i32>} : memref<56x128xf32, #tpu.memory_space<vmem>>, vector<1x16xf32>,
    %swap3A_267 = arith.constant 5 : i32
    %swap3A_268 = arith.index_cast %swap3A_267 : i32 to index
    %swap3A_269 = arith.constant 48 : index
    %swap3A_270 = tpu.vector_load %arg9[%swap3A_268, %swap3A_269] {strides = array<i32>} : memref<56x128xf32, #tpu.memory_space<vmem>>, vector<1x16xf32>,
    %swap3A_271 = vector.shape_cast %swap3A_270 : vector<1x16xf32> to vector<16xf32>
    %swap3A_272 = vector.shape_cast %broadcast_in_dim3A_9 : vector<16xf32> to vector<1x16xf32>
    tpu.vector_store %arg9[%swap3A_268, %swap3A_269], %swap3A_272 {strides = array<i32>} : memref<56x128xf32, #tpu.memory_space<vmem>>, vector<1x16xf32>,
    %swap3A_273 = arith.constant 5 : i32
    %swap3A_274 = arith.index_cast %swap3A_273 : i32 to index
    %swap3A_275 = arith.constant 64 : index
    %swap3A_276 = tpu.vector_load %arg9[%swap3A_274, %swap3A_275] {strides = array<i32>} : memref<56x128xf32, #tpu.memory_space<vmem>>, vector<1x16xf32>,
    %swap3A_277 = vector.shape_cast %swap3A_276 : vector<1x16xf32> to vector<16xf32>
    %swap3A_278 = vector.shape_cast %broadcast_in_dim3A_9 : vector<16xf32> to vector<1x16xf32>
    tpu.vector_store %arg9[%swap3A_274, %swap3A_275], %swap3A_278 {strides = array<i32>} : memref<56x128xf32, #tpu.memory_space<vmem>>, vector<1x16xf32>,
    %swap3A_279 = arith.constant 5 : i32
    %swap3A_280 = arith.index_cast %swap3A_279 : i32 to index
    %swap3A_281 = arith.constant 80 : index
    %swap3A_282 = tpu.vector_load %arg9[%swap3A_280, %swap3A_281] {strides = array<i32>} : memref<56x128xf32, #tpu.memory_space<vmem>>, vector<1x16xf32>,
    %swap3A_283 = vector.shape_cast %swap3A_282 : vector<1x16xf32> to vector<16xf32>
    %swap3A_284 = vector.shape_cast %broadcast_in_dim3A_9 : vector<16xf32> to vector<1x16xf32>
    tpu.vector_store %arg9[%swap3A_280, %swap3A_281], %swap3A_284 {strides = array<i32>} : memref<56x128xf32, #tpu.memory_space<vmem>>, vector<1x16xf32>,
    %swap3A_285 = arith.constant 5 : i32
    %swap3A_286 = arith.index_cast %swap3A_285 : i32 to index
    %swap3A_287 = arith.constant 96 : index
    %swap3A_288 = tpu.vector_load %arg9[%swap3A_286, %swap3A_287] {strides = array<i32>} : memref<56x128xf32, #tpu.memory_space<vmem>>, vector<1x16xf32>,
    %swap3A_289 = vector.shape_cast %swap3A_288 : vector<1x16xf32> to vector<16xf32>
    %swap3A_290 = vector.shape_cast %broadcast_in_dim3A_9 : vector<16xf32> to vector<1x16xf32>
    tpu.vector_store %arg9[%swap3A_286, %swap3A_287], %swap3A_290 {strides = array<i32>} : memref<56x128xf32, #tpu.memory_space<vmem>>, vector<1x16xf32>,
    %swap3A_291 = arith.constant 5 : i32
    %swap3A_292 = arith.index_cast %swap3A_291 : i32 to index
    %swap3A_293 = arith.constant 112 : index
    %swap3A_294 = tpu.vector_load %arg9[%swap3A_292, %swap3A_293] {strides = array<i32>} : memref<56x128xf32, #tpu.memory_space<vmem>>, vector<1x16xf32>,
    %swap3A_295 = vector.shape_cast %swap3A_294 : vector<1x16xf32> to vector<16xf32>
    %swap3A_296 = vector.shape_cast %broadcast_in_dim3A_9 : vector<16xf32> to vector<1x16xf32>
    tpu.vector_store %arg9[%swap3A_292, %swap3A_293], %swap3A_296 {strides = array<i32>} : memref<56x128xf32, #tpu.memory_space<vmem>>, vector<1x16xf32>,
    %swap3A_297 = arith.constant 6 : i32
    %swap3A_298 = arith.index_cast %swap3A_297 : i32 to index
    %swap3A_299 = arith.constant 0 : index
    %swap3A_300 = tpu.vector_load %arg9[%swap3A_298, %swap3A_299] {strides = array<i32>} : memref<56x128xf32, #tpu.memory_space<vmem>>, vector<1x16xf32>,
    %swap3A_301 = vector.shape_cast %swap3A_300 : vector<1x16xf32> to vector<16xf32>
    %swap3A_302 = vector.shape_cast %broadcast_in_dim3A_9 : vector<16xf32> to vector<1x16xf32>
    tpu.vector_store %arg9[%swap3A_298, %swap3A_299], %swap3A_302 {strides = array<i32>} : memref<56x128xf32, #tpu.memory_space<vmem>>, vector<1x16xf32>,
    %swap3A_303 = arith.constant 6 : i32
    %swap3A_304 = arith.index_cast %swap3A_303 : i32 to index
    %swap3A_305 = arith.constant 16 : index
    %swap3A_306 = tpu.vector_load %arg9[%swap3A_304, %swap3A_305] {strides = array<i32>} : memref<56x128xf32, #tpu.memory_space<vmem>>, vector<1x16xf32>,
    %swap3A_307 = vector.shape_cast %swap3A_306 : vector<1x16xf32> to vector<16xf32>
    %swap3A_308 = vector.shape_cast %broadcast_in_dim3A_9 : vector<16xf32> to vector<1x16xf32>
    tpu.vector_store %arg9[%swap3A_304, %swap3A_305], %swap3A_308 {strides = array<i32>} : memref<56x128xf32, #tpu.memory_space<vmem>>, vector<1x16xf32>,
    %swap3A_309 = arith.constant 6 : i32
    %swap3A_310 = arith.index_cast %swap3A_309 : i32 to index
    %swap3A_311 = arith.constant 32 : index
    %swap3A_312 = tpu.vector_load %arg9[%swap3A_310, %swap3A_311] {strides = array<i32>} : memref<56x128xf32, #tpu.memory_space<vmem>>, vector<1x16xf32>,
    %swap3A_313 = vector.shape_cast %swap3A_312 : vector<1x16xf32> to vector<16xf32>
    %swap3A_314 = vector.shape_cast %broadcast_in_dim3A_9 : vector<16xf32> to vector<1x16xf32>
    tpu.vector_store %arg9[%swap3A_310, %swap3A_311], %swap3A_314 {strides = array<i32>} : memref<56x128xf32, #tpu.memory_space<vmem>>, vector<1x16xf32>,
    %swap3A_315 = arith.constant 6 : i32
    %swap3A_316 = arith.index_cast %swap3A_315 : i32 to index
    %swap3A_317 = arith.constant 48 : index
    %swap3A_318 = tpu.vector_load %arg9[%swap3A_316, %swap3A_317] {strides = array<i32>} : memref<56x128xf32, #tpu.memory_space<vmem>>, vector<1x16xf32>,
    %swap3A_319 = vector.shape_cast %swap3A_318 : vector<1x16xf32> to vector<16xf32>
    %swap3A_320 = vector.shape_cast %broadcast_in_dim3A_9 : vector<16xf32> to vector<1x16xf32>
    tpu.vector_store %arg9[%swap3A_316, %swap3A_317], %swap3A_320 {strides = array<i32>} : memref<56x128xf32, #tpu.memory_space<vmem>>, vector<1x16xf32>,
    %swap3A_321 = arith.constant 6 : i32
    %swap3A_322 = arith.index_cast %swap3A_321 : i32 to index
    %swap3A_323 = arith.constant 64 : index
    %swap3A_324 = tpu.vector_load %arg9[%swap3A_322, %swap3A_323] {strides = array<i32>} : memref<56x128xf32, #tpu.memory_space<vmem>>, vector<1x16xf32>,
    %swap3A_325 = vector.shape_cast %swap3A_324 : vector<1x16xf32> to vector<16xf32>
    %swap3A_326 = vector.shape_cast %broadcast_in_dim3A_9 : vector<16xf32> to vector<1x16xf32>
    tpu.vector_store %arg9[%swap3A_322, %swap3A_323], %swap3A_326 {strides = array<i32>} : memref<56x128xf32, #tpu.memory_space<vmem>>, vector<1x16xf32>,
    %swap3A_327 = arith.constant 6 : i32
    %swap3A_328 = arith.index_cast %swap3A_327 : i32 to index
    %swap3A_329 = arith.constant 80 : index
    %swap3A_330 = tpu.vector_load %arg9[%swap3A_328, %swap3A_329] {strides = array<i32>} : memref<56x128xf32, #tpu.memory_space<vmem>>, vector<1x16xf32>,
    %swap3A_331 = vector.shape_cast %swap3A_330 : vector<1x16xf32> to vector<16xf32>
    %swap3A_332 = vector.shape_cast %broadcast_in_dim3A_9 : vector<16xf32> to vector<1x16xf32>
    tpu.vector_store %arg9[%swap3A_328, %swap3A_329], %swap3A_332 {strides = array<i32>} : memref<56x128xf32, #tpu.memory_space<vmem>>, vector<1x16xf32>,
    %swap3A_333 = arith.constant 6 : i32
    %swap3A_334 = arith.index_cast %swap3A_333 : i32 to index
    %swap3A_335 = arith.constant 96 : index
    %swap3A_336 = tpu.vector_load %arg9[%swap3A_334, %swap3A_335] {strides = array<i32>} : memref<56x128xf32, #tpu.memory_space<vmem>>, vector<1x16xf32>,
    %swap3A_337 = vector.shape_cast %swap3A_336 : vector<1x16xf32> to vector<16xf32>
    %swap3A_338 = vector.shape_cast %broadcast_in_dim3A_9 : vector<16xf32> to vector<1x16xf32>
    tpu.vector_store %arg9[%swap3A_334, %swap3A_335], %swap3A_338 {strides = array<i32>} : memref<56x128xf32, #tpu.memory_space<vmem>>, vector<1x16xf32>,
    %swap3A_339 = arith.constant 6 : i32
    %swap3A_340 = arith.index_cast %swap3A_339 : i32 to index
    %swap3A_341 = arith.constant 112 : index
    %swap3A_342 = tpu.vector_load %arg9[%swap3A_340, %swap3A_341] {strides = array<i32>} : memref<56x128xf32, #tpu.memory_space<vmem>>, vector<1x16xf32>,
    %swap3A_343 = vector.shape_cast %swap3A_342 : vector<1x16xf32> to vector<16xf32>
    %swap3A_344 = vector.shape_cast %broadcast_in_dim3A_9 : vector<16xf32> to vector<1x16xf32>
    tpu.vector_store %arg9[%swap3A_340, %swap3A_341], %swap3A_344 {strides = array<i32>} : memref<56x128xf32, #tpu.memory_space<vmem>>, vector<1x16xf32>,
    %swap3A_345 = arith.constant 7 : i32
    %swap3A_346 = arith.index_cast %swap3A_345 : i32 to index
    %swap3A_347 = arith.constant 0 : index
    %swap3A_348 = tpu.vector_load %arg9[%swap3A_346, %swap3A_347] {strides = array<i32>} : memref<56x128xf32, #tpu.memory_space<vmem>>, vector<1x16xf32>,
    %swap3A_349 = vector.shape_cast %swap3A_348 : vector<1x16xf32> to vector<16xf32>
    %swap3A_350 = vector.shape_cast %broadcast_in_dim3A_9 : vector<16xf32> to vector<1x16xf32>
    tpu.vector_store %arg9[%swap3A_346, %swap3A_347], %swap3A_350 {strides = array<i32>} : memref<56x128xf32, #tpu.memory_space<vmem>>, vector<1x16xf32>,
    %swap3A_351 = arith.constant 7 : i32
    %swap3A_352 = arith.index_cast %swap3A_351 : i32 to index
    %swap3A_353 = arith.constant 16 : index
    %swap3A_354 = tpu.vector_load %arg9[%swap3A_352, %swap3A_353] {strides = array<i32>} : memref<56x128xf32, #tpu.memory_space<vmem>>, vector<1x16xf32>,
    %swap3A_355 = vector.shape_cast %swap3A_354 : vector<1x16xf32> to vector<16xf32>
    %swap3A_356 = vector.shape_cast %broadcast_in_dim3A_9 : vector<16xf32> to vector<1x16xf32>
    tpu.vector_store %arg9[%swap3A_352, %swap3A_353], %swap3A_356 {strides = array<i32>} : memref<56x128xf32, #tpu.memory_space<vmem>>, vector<1x16xf32>,
    %swap3A_357 = arith.constant 7 : i32
    %swap3A_358 = arith.index_cast %swap3A_357 : i32 to index
    %swap3A_359 = arith.constant 32 : index
    %swap3A_360 = tpu.vector_load %arg9[%swap3A_358, %swap3A_359] {strides = array<i32>} : memref<56x128xf32, #tpu.memory_space<vmem>>, vector<1x16xf32>,
    %swap3A_361 = vector.shape_cast %swap3A_360 : vector<1x16xf32> to vector<16xf32>
    %swap3A_362 = vector.shape_cast %broadcast_in_dim3A_9 : vector<16xf32> to vector<1x16xf32>
    tpu.vector_store %arg9[%swap3A_358, %swap3A_359], %swap3A_362 {strides = array<i32>} : memref<56x128xf32, #tpu.memory_space<vmem>>, vector<1x16xf32>,
    %swap3A_363 = arith.constant 7 : i32
    %swap3A_364 = arith.index_cast %swap3A_363 : i32 to index
    %swap3A_365 = arith.constant 48 : index
    %swap3A_366 = tpu.vector_load %arg9[%swap3A_364, %swap3A_365] {strides = array<i32>} : memref<56x128xf32, #tpu.memory_space<vmem>>, vector<1x16xf32>,
    %swap3A_367 = vector.shape_cast %swap3A_366 : vector<1x16xf32> to vector<16xf32>
    %swap3A_368 = vector.shape_cast %broadcast_in_dim3A_9 : vector<16xf32> to vector<1x16xf32>
    tpu.vector_store %arg9[%swap3A_364, %swap3A_365], %swap3A_368 {strides = array<i32>} : memref<56x128xf32, #tpu.memory_space<vmem>>, vector<1x16xf32>,
    %swap3A_369 = arith.constant 7 : i32
    %swap3A_370 = arith.index_cast %swap3A_369 : i32 to index
    %swap3A_371 = arith.constant 64 : index
    %swap3A_372 = tpu.vector_load %arg9[%swap3A_370, %swap3A_371] {strides = array<i32>} : memref<56x128xf32, #tpu.memory_space<vmem>>, vector<1x16xf32>,
    %swap3A_373 = vector.shape_cast %swap3A_372 : vector<1x16xf32> to vector<16xf32>
    %swap3A_374 = vector.shape_cast %broadcast_in_dim3A_9 : vector<16xf32> to vector<1x16xf32>
    tpu.vector_store %arg9[%swap3A_370, %swap3A_371], %swap3A_374 {strides = array<i32>} : memref<56x128xf32, #tpu.memory_space<vmem>>, vector<1x16xf32>,
    %swap3A_375 = arith.constant 7 : i32
    %swap3A_376 = arith.index_cast %swap3A_375 : i32 to index
    %swap3A_377 = arith.constant 80 : index
    %swap3A_378 = tpu.vector_load %arg9[%swap3A_376, %swap3A_377] {strides = array<i32>} : memref<56x128xf32, #tpu.memory_space<vmem>>, vector<1x16xf32>,
    %swap3A_379 = vector.shape_cast %swap3A_378 : vector<1x16xf32> to vector<16xf32>
    %swap3A_380 = vector.shape_cast %broadcast_in_dim3A_9 : vector<16xf32> to vector<1x16xf32>
    tpu.vector_store %arg9[%swap3A_376, %swap3A_377], %swap3A_380 {strides = array<i32>} : memref<56x128xf32, #tpu.memory_space<vmem>>, vector<1x16xf32>,
    %swap3A_381 = arith.constant 7 : i32
    %swap3A_382 = arith.index_cast %swap3A_381 : i32 to index
    %swap3A_383 = arith.constant 96 : index
    %swap3A_384 = tpu.vector_load %arg9[%swap3A_382, %swap3A_383] {strides = array<i32>} : memref<56x128xf32, #tpu.memory_space<vmem>>, vector<1x16xf32>,
    %swap3A_385 = vector.shape_cast %swap3A_384 : vector<1x16xf32> to vector<16xf32>
    %swap3A_386 = vector.shape_cast %broadcast_in_dim3A_9 : vector<16xf32> to vector<1x16xf32>
    tpu.vector_store %arg9[%swap3A_382, %swap3A_383], %swap3A_386 {strides = array<i32>} : memref<56x128xf32, #tpu.memory_space<vmem>>, vector<1x16xf32>,
    %swap3A_387 = arith.constant 7 : i32
    %swap3A_388 = arith.index_cast %swap3A_387 : i32 to index
    %swap3A_389 = arith.constant 112 : index
    %swap3A_390 = tpu.vector_load %arg9[%swap3A_388, %swap3A_389] {strides = array<i32>} : memref<56x128xf32, #tpu.memory_space<vmem>>, vector<1x16xf32>,
    %swap3A_391 = vector.shape_cast %swap3A_390 : vector<1x16xf32> to vector<16xf32>
    %swap3A_392 = vector.shape_cast %broadcast_in_dim3A_9 : vector<16xf32> to vector<1x16xf32>
    tpu.vector_store %arg9[%swap3A_388, %swap3A_389], %swap3A_392 {strides = array<i32>} : memref<56x128xf32, #tpu.memory_space<vmem>>, vector<1x16xf32>,
    %swap3A_393 = arith.constant 8 : i32
    %swap3A_394 = arith.index_cast %swap3A_393 : i32 to index
    %swap3A_395 = arith.constant 0 : index
    %swap3A_396 = tpu.vector_load %arg9[%swap3A_394, %swap3A_395] {strides = array<i32>} : memref<56x128xf32, #tpu.memory_space<vmem>>, vector<1x16xf32>,
    %swap3A_397 = vector.shape_cast %swap3A_396 : vector<1x16xf32> to vector<16xf32>
    %swap3A_398 = vector.shape_cast %broadcast_in_dim3A_9 : vector<16xf32> to vector<1x16xf32>
    tpu.vector_store %arg9[%swap3A_394, %swap3A_395], %swap3A_398 {strides = array<i32>} : memref<56x128xf32, #tpu.memory_space<vmem>>, vector<1x16xf32>,
    %swap3A_399 = arith.constant 8 : i32
    %swap3A_400 = arith.index_cast %swap3A_399 : i32 to index
    %swap3A_401 = arith.constant 16 : index
    %swap3A_402 = tpu.vector_load %arg9[%swap3A_400, %swap3A_401] {strides = array<i32>} : memref<56x128xf32, #tpu.memory_space<vmem>>, vector<1x16xf32>,
    %swap3A_403 = vector.shape_cast %swap3A_402 : vector<1x16xf32> to vector<16xf32>
    %swap3A_404 = vector.shape_cast %broadcast_in_dim3A_9 : vector<16xf32> to vector<1x16xf32>
    tpu.vector_store %arg9[%swap3A_400, %swap3A_401], %swap3A_404 {strides = array<i32>} : memref<56x128xf32, #tpu.memory_space<vmem>>, vector<1x16xf32>,
    %swap3A_405 = arith.constant 8 : i32
    %swap3A_406 = arith.index_cast %swap3A_405 : i32 to index
    %swap3A_407 = arith.constant 32 : index
    %swap3A_408 = tpu.vector_load %arg9[%swap3A_406, %swap3A_407] {strides = array<i32>} : memref<56x128xf32, #tpu.memory_space<vmem>>, vector<1x16xf32>,
    %swap3A_409 = vector.shape_cast %swap3A_408 : vector<1x16xf32> to vector<16xf32>
    %swap3A_410 = vector.shape_cast %broadcast_in_dim3A_9 : vector<16xf32> to vector<1x16xf32>
    tpu.vector_store %arg9[%swap3A_406, %swap3A_407], %swap3A_410 {strides = array<i32>} : memref<56x128xf32, #tpu.memory_space<vmem>>, vector<1x16xf32>,
    %swap3A_411 = arith.constant 8 : i32
    %swap3A_412 = arith.index_cast %swap3A_411 : i32 to index
    %swap3A_413 = arith.constant 48 : index
    %swap3A_414 = tpu.vector_load %arg9[%swap3A_412, %swap3A_413] {strides = array<i32>} : memref<56x128xf32, #tpu.memory_space<vmem>>, vector<1x16xf32>,
    %swap3A_415 = vector.shape_cast %swap3A_414 : vector<1x16xf32> to vector<16xf32>
    %swap3A_416 = vector.shape_cast %broadcast_in_dim3A_9 : vector<16xf32> to vector<1x16xf32>
    tpu.vector_store %arg9[%swap3A_412, %swap3A_413], %swap3A_416 {strides = array<i32>} : memref<56x128xf32, #tpu.memory_space<vmem>>, vector<1x16xf32>,
    %swap3A_417 = arith.constant 8 : i32
    %swap3A_418 = arith.index_cast %swap3A_417 : i32 to index
    %swap3A_419 = arith.constant 64 : index
    %swap3A_420 = tpu.vector_load %arg9[%swap3A_418, %swap3A_419] {strides = array<i32>} : memref<56x128xf32, #tpu.memory_space<vmem>>, vector<1x16xf32>,
    %swap3A_421 = vector.shape_cast %swap3A_420 : vector<1x16xf32> to vector<16xf32>
    %swap3A_422 = vector.shape_cast %broadcast_in_dim3A_9 : vector<16xf32> to vector<1x16xf32>
    tpu.vector_store %arg9[%swap3A_418, %swap3A_419], %swap3A_422 {strides = array<i32>} : memref<56x128xf32, #tpu.memory_space<vmem>>, vector<1x16xf32>,
    %swap3A_423 = arith.constant 8 : i32
    %swap3A_424 = arith.index_cast %swap3A_423 : i32 to index
    %swap3A_425 = arith.constant 80 : index
    %swap3A_426 = tpu.vector_load %arg9[%swap3A_424, %swap3A_425] {strides = array<i32>} : memref<56x128xf32, #tpu.memory_space<vmem>>, vector<1x16xf32>,
    %swap3A_427 = vector.shape_cast %swap3A_426 : vector<1x16xf32> to vector<16xf32>
    %swap3A_428 = vector.shape_cast %broadcast_in_dim3A_9 : vector<16xf32> to vector<1x16xf32>
    tpu.vector_store %arg9[%swap3A_424, %swap3A_425], %swap3A_428 {strides = array<i32>} : memref<56x128xf32, #tpu.memory_space<vmem>>, vector<1x16xf32>,
    %swap3A_429 = arith.constant 8 : i32
    %swap3A_430 = arith.index_cast %swap3A_429 : i32 to index
    %swap3A_431 = arith.constant 96 : index
    %swap3A_432 = tpu.vector_load %arg9[%swap3A_430, %swap3A_431] {strides = array<i32>} : memref<56x128xf32, #tpu.memory_space<vmem>>, vector<1x16xf32>,
    %swap3A_433 = vector.shape_cast %swap3A_432 : vector<1x16xf32> to vector<16xf32>
    %swap3A_434 = vector.shape_cast %broadcast_in_dim3A_9 : vector<16xf32> to vector<1x16xf32>
    tpu.vector_store %arg9[%swap3A_430, %swap3A_431], %swap3A_434 {strides = array<i32>} : memref<56x128xf32, #tpu.memory_space<vmem>>, vector<1x16xf32>,
    %swap3A_435 = arith.constant 8 : i32
    %swap3A_436 = arith.index_cast %swap3A_435 : i32 to index
    %swap3A_437 = arith.constant 112 : index
    %swap3A_438 = tpu.vector_load %arg9[%swap3A_436, %swap3A_437] {strides = array<i32>} : memref<56x128xf32, #tpu.memory_space<vmem>>, vector<1x16xf32>,
    %swap3A_439 = vector.shape_cast %swap3A_438 : vector<1x16xf32> to vector<16xf32>
    %swap3A_440 = vector.shape_cast %broadcast_in_dim3A_9 : vector<16xf32> to vector<1x16xf32>
    tpu.vector_store %arg9[%swap3A_436, %swap3A_437], %swap3A_440 {strides = array<i32>} : memref<56x128xf32, #tpu.memory_space<vmem>>, vector<1x16xf32>,
    %swap3A_441 = arith.constant 9 : i32
    %swap3A_442 = arith.index_cast %swap3A_441 : i32 to index
    %swap3A_443 = arith.constant 0 : index
    %swap3A_444 = tpu.vector_load %arg9[%swap3A_442, %swap3A_443] {strides = array<i32>} : memref<56x128xf32, #tpu.memory_space<vmem>>, vector<1x16xf32>,
    %swap3A_445 = vector.shape_cast %swap3A_444 : vector<1x16xf32> to vector<16xf32>
    %swap3A_446 = vector.shape_cast %broadcast_in_dim3A_9 : vector<16xf32> to vector<1x16xf32>
    tpu.vector_store %arg9[%swap3A_442, %swap3A_443], %swap3A_446 {strides = array<i32>} : memref<56x128xf32, #tpu.memory_space<vmem>>, vector<1x16xf32>,
    %swap3A_447 = arith.constant 9 : i32
    %swap3A_448 = arith.index_cast %swap3A_447 : i32 to index
    %swap3A_449 = arith.constant 16 : index
    %swap3A_450 = tpu.vector_load %arg9[%swap3A_448, %swap3A_449] {strides = array<i32>} : memref<56x128xf32, #tpu.memory_space<vmem>>, vector<1x16xf32>,
    %swap3A_451 = vector.shape_cast %swap3A_450 : vector<1x16xf32> to vector<16xf32>
    %swap3A_452 = vector.shape_cast %broadcast_in_dim3A_9 : vector<16xf32> to vector<1x16xf32>
    tpu.vector_store %arg9[%swap3A_448, %swap3A_449], %swap3A_452 {strides = array<i32>} : memref<56x128xf32, #tpu.memory_space<vmem>>, vector<1x16xf32>,
    %swap3A_453 = arith.constant 9 : i32
    %swap3A_454 = arith.index_cast %swap3A_453 : i32 to index
    %swap3A_455 = arith.constant 32 : index
    %swap3A_456 = tpu.vector_load %arg9[%swap3A_454, %swap3A_455] {strides = array<i32>} : memref<56x128xf32, #tpu.memory_space<vmem>>, vector<1x16xf32>,
    %swap3A_457 = vector.shape_cast %swap3A_456 : vector<1x16xf32> to vector<16xf32>
    %swap3A_458 = vector.shape_cast %broadcast_in_dim3A_9 : vector<16xf32> to vector<1x16xf32>
    tpu.vector_store %arg9[%swap3A_454, %swap3A_455], %swap3A_458 {strides = array<i32>} : memref<56x128xf32, #tpu.memory_space<vmem>>, vector<1x16xf32>,
    %swap3A_459 = arith.constant 9 : i32
    %swap3A_460 = arith.index_cast %swap3A_459 : i32 to index
    %swap3A_461 = arith.constant 48 : index
    %swap3A_462 = tpu.vector_load %arg9[%swap3A_460, %swap3A_461] {strides = array<i32>} : memref<56x128xf32, #tpu.memory_space<vmem>>, vector<1x16xf32>,
    %swap3A_463 = vector.shape_cast %swap3A_462 : vector<1x16xf32> to vector<16xf32>
    %swap3A_464 = vector.shape_cast %broadcast_in_dim3A_9 : vector<16xf32> to vector<1x16xf32>
    tpu.vector_store %arg9[%swap3A_460, %swap3A_461], %swap3A_464 {strides = array<i32>} : memref<56x128xf32, #tpu.memory_space<vmem>>, vector<1x16xf32>,
    %swap3A_465 = arith.constant 9 : i32
    %swap3A_466 = arith.index_cast %swap3A_465 : i32 to index
    %swap3A_467 = arith.constant 64 : index
    %swap3A_468 = tpu.vector_load %arg9[%swap3A_466, %swap3A_467] {strides = array<i32>} : memref<56x128xf32, #tpu.memory_space<vmem>>, vector<1x16xf32>,
    %swap3A_469 = vector.shape_cast %swap3A_468 : vector<1x16xf32> to vector<16xf32>
    %swap3A_470 = vector.shape_cast %broadcast_in_dim3A_9 : vector<16xf32> to vector<1x16xf32>
    tpu.vector_store %arg9[%swap3A_466, %swap3A_467], %swap3A_470 {strides = array<i32>} : memref<56x128xf32, #tpu.memory_space<vmem>>, vector<1x16xf32>,
    %swap3A_471 = arith.constant 9 : i32
    %swap3A_472 = arith.index_cast %swap3A_471 : i32 to index
    %swap3A_473 = arith.constant 80 : index
    %swap3A_474 = tpu.vector_load %arg9[%swap3A_472, %swap3A_473] {strides = array<i32>} : memref<56x128xf32, #tpu.memory_space<vmem>>, vector<1x16xf32>,
    %swap3A_475 = vector.shape_cast %swap3A_474 : vector<1x16xf32> to vector<16xf32>
    %swap3A_476 = vector.shape_cast %broadcast_in_dim3A_9 : vector<16xf32> to vector<1x16xf32>
    tpu.vector_store %arg9[%swap3A_472, %swap3A_473], %swap3A_476 {strides = array<i32>} : memref<56x128xf32, #tpu.memory_space<vmem>>, vector<1x16xf32>,
    %swap3A_477 = arith.constant 9 : i32
    %swap3A_478 = arith.index_cast %swap3A_477 : i32 to index
    %swap3A_479 = arith.constant 96 : index
    %swap3A_480 = tpu.vector_load %arg9[%swap3A_478, %swap3A_479] {strides = array<i32>} : memref<56x128xf32, #tpu.memory_space<vmem>>, vector<1x16xf32>,
    %swap3A_481 = vector.shape_cast %swap3A_480 : vector<1x16xf32> to vector<16xf32>
    %swap3A_482 = vector.shape_cast %broadcast_in_dim3A_9 : vector<16xf32> to vector<1x16xf32>
    tpu.vector_store %arg9[%swap3A_478, %swap3A_479], %swap3A_482 {strides = array<i32>} : memref<56x128xf32, #tpu.memory_space<vmem>>, vector<1x16xf32>,
    %swap3A_483 = arith.constant 9 : i32
    %swap3A_484 = arith.index_cast %swap3A_483 : i32 to index
    %swap3A_485 = arith.constant 112 : index
    %swap3A_486 = tpu.vector_load %arg9[%swap3A_484, %swap3A_485] {strides = array<i32>} : memref<56x128xf32, #tpu.memory_space<vmem>>, vector<1x16xf32>,
    %swap3A_487 = vector.shape_cast %swap3A_486 : vector<1x16xf32> to vector<16xf32>
    %swap3A_488 = vector.shape_cast %broadcast_in_dim3A_9 : vector<16xf32> to vector<1x16xf32>
    tpu.vector_store %arg9[%swap3A_484, %swap3A_485], %swap3A_488 {strides = array<i32>} : memref<56x128xf32, #tpu.memory_space<vmem>>, vector<1x16xf32>,
    %swap3A_489 = arith.constant 10 : i32
    %swap3A_490 = arith.index_cast %swap3A_489 : i32 to index
    %swap3A_491 = arith.constant 0 : index
    %swap3A_492 = tpu.vector_load %arg9[%swap3A_490, %swap3A_491] {strides = array<i32>} : memref<56x128xf32, #tpu.memory_space<vmem>>, vector<1x16xf32>,
    %swap3A_493 = vector.shape_cast %swap3A_492 : vector<1x16xf32> to vector<16xf32>
    %swap3A_494 = vector.shape_cast %broadcast_in_dim3A_9 : vector<16xf32> to vector<1x16xf32>
    tpu.vector_store %arg9[%swap3A_490, %swap3A_491], %swap3A_494 {strides = array<i32>} : memref<56x128xf32, #tpu.memory_space<vmem>>, vector<1x16xf32>,
    %swap3A_495 = arith.constant 10 : i32
    %swap3A_496 = arith.index_cast %swap3A_495 : i32 to index
    %swap3A_497 = arith.constant 16 : index
    %swap3A_498 = tpu.vector_load %arg9[%swap3A_496, %swap3A_497] {strides = array<i32>} : memref<56x128xf32, #tpu.memory_space<vmem>>, vector<1x16xf32>,
    %swap3A_499 = vector.shape_cast %swap3A_498 : vector<1x16xf32> to vector<16xf32>
    %swap3A_500 = vector.shape_cast %broadcast_in_dim3A_9 : vector<16xf32> to vector<1x16xf32>
    tpu.vector_store %arg9[%swap3A_496, %swap3A_497], %swap3A_500 {strides = array<i32>} : memref<56x128xf32, #tpu.memory_space<vmem>>, vector<1x16xf32>,
    %swap3A_501 = arith.constant 10 : i32
    %swap3A_502 = arith.index_cast %swap3A_501 : i32 to index
    %swap3A_503 = arith.constant 32 : index
    %swap3A_504 = tpu.vector_load %arg9[%swap3A_502, %swap3A_503] {strides = array<i32>} : memref<56x128xf32, #tpu.memory_space<vmem>>, vector<1x16xf32>,
    %swap3A_505 = vector.shape_cast %swap3A_504 : vector<1x16xf32> to vector<16xf32>
    %swap3A_506 = vector.shape_cast %broadcast_in_dim3A_9 : vector<16xf32> to vector<1x16xf32>
    tpu.vector_store %arg9[%swap3A_502, %swap3A_503], %swap3A_506 {strides = array<i32>} : memref<56x128xf32, #tpu.memory_space<vmem>>, vector<1x16xf32>,
    %swap3A_507 = arith.constant 10 : i32
    %swap3A_508 = arith.index_cast %swap3A_507 : i32 to index
    %swap3A_509 = arith.constant 48 : index
    %swap3A_510 = tpu.vector_load %arg9[%swap3A_508, %swap3A_509] {strides = array<i32>} : memref<56x128xf32, #tpu.memory_space<vmem>>, vector<1x16xf32>,
    %swap3A_511 = vector.shape_cast %swap3A_510 : vector<1x16xf32> to vector<16xf32>
    %swap3A_512 = vector.shape_cast %broadcast_in_dim3A_9 : vector<16xf32> to vector<1x16xf32>
    tpu.vector_store %arg9[%swap3A_508, %swap3A_509], %swap3A_512 {strides = array<i32>} : memref<56x128xf32, #tpu.memory_space<vmem>>, vector<1x16xf32>,
    %swap3A_513 = arith.constant 10 : i32
    %swap3A_514 = arith.index_cast %swap3A_513 : i32 to index
    %swap3A_515 = arith.constant 64 : index
    %swap3A_516 = tpu.vector_load %arg9[%swap3A_514, %swap3A_515] {strides = array<i32>} : memref<56x128xf32, #tpu.memory_space<vmem>>, vector<1x16xf32>,
    %swap3A_517 = vector.shape_cast %swap3A_516 : vector<1x16xf32> to vector<16xf32>
    %swap3A_518 = vector.shape_cast %broadcast_in_dim3A_9 : vector<16xf32> to vector<1x16xf32>
    tpu.vector_store %arg9[%swap3A_514, %swap3A_515], %swap3A_518 {strides = array<i32>} : memref<56x128xf32, #tpu.memory_space<vmem>>, vector<1x16xf32>,
    %swap3A_519 = arith.constant 10 : i32
    %swap3A_520 = arith.index_cast %swap3A_519 : i32 to index
    %swap3A_521 = arith.constant 80 : index
    %swap3A_522 = tpu.vector_load %arg9[%swap3A_520, %swap3A_521] {strides = array<i32>} : memref<56x128xf32, #tpu.memory_space<vmem>>, vector<1x16xf32>,
    %swap3A_523 = vector.shape_cast %swap3A_522 : vector<1x16xf32> to vector<16xf32>
    %swap3A_524 = vector.shape_cast %broadcast_in_dim3A_9 : vector<16xf32> to vector<1x16xf32>
    tpu.vector_store %arg9[%swap3A_520, %swap3A_521], %swap3A_524 {strides = array<i32>} : memref<56x128xf32, #tpu.memory_space<vmem>>, vector<1x16xf32>,
    %swap3A_525 = arith.constant 10 : i32
    %swap3A_526 = arith.index_cast %swap3A_525 : i32 to index
    %swap3A_527 = arith.constant 96 : index
    %swap3A_528 = tpu.vector_load %arg9[%swap3A_526, %swap3A_527] {strides = array<i32>} : memref<56x128xf32, #tpu.memory_space<vmem>>, vector<1x16xf32>,
    %swap3A_529 = vector.shape_cast %swap3A_528 : vector<1x16xf32> to vector<16xf32>
    %swap3A_530 = vector.shape_cast %broadcast_in_dim3A_9 : vector<16xf32> to vector<1x16xf32>
    tpu.vector_store %arg9[%swap3A_526, %swap3A_527], %swap3A_530 {strides = array<i32>} : memref<56x128xf32, #tpu.memory_space<vmem>>, vector<1x16xf32>,
    %swap3A_531 = arith.constant 10 : i32
    %swap3A_532 = arith.index_cast %swap3A_531 : i32 to index
    %swap3A_533 = arith.constant 112 : index
    %swap3A_534 = tpu.vector_load %arg9[%swap3A_532, %swap3A_533] {strides = array<i32>} : memref<56x128xf32, #tpu.memory_space<vmem>>, vector<1x16xf32>,
    %swap3A_535 = vector.shape_cast %swap3A_534 : vector<1x16xf32> to vector<16xf32>
    %swap3A_536 = vector.shape_cast %broadcast_in_dim3A_9 : vector<16xf32> to vector<1x16xf32>
    tpu.vector_store %arg9[%swap3A_532, %swap3A_533], %swap3A_536 {strides = array<i32>} : memref<56x128xf32, #tpu.memory_space<vmem>>, vector<1x16xf32>,
    %swap3A_537 = arith.constant 11 : i32
    %swap3A_538 = arith.index_cast %swap3A_537 : i32 to index
    %swap3A_539 = arith.constant 0 : index
    %swap3A_540 = tpu.vector_load %arg9[%swap3A_538, %swap3A_539] {strides = array<i32>} : memref<56x128xf32, #tpu.memory_space<vmem>>, vector<1x16xf32>,
    %swap3A_541 = vector.shape_cast %swap3A_540 : vector<1x16xf32> to vector<16xf32>
    %swap3A_542 = vector.shape_cast %broadcast_in_dim3A_9 : vector<16xf32> to vector<1x16xf32>
    tpu.vector_store %arg9[%swap3A_538, %swap3A_539], %swap3A_542 {strides = array<i32>} : memref<56x128xf32, #tpu.memory_space<vmem>>, vector<1x16xf32>,
    %swap3A_543 = arith.constant 11 : i32
    %swap3A_544 = arith.index_cast %swap3A_543 : i32 to index
    %swap3A_545 = arith.constant 16 : index
    %swap3A_546 = tpu.vector_load %arg9[%swap3A_544, %swap3A_545] {strides = array<i32>} : memref<56x128xf32, #tpu.memory_space<vmem>>, vector<1x16xf32>,
    %swap3A_547 = vector.shape_cast %swap3A_546 : vector<1x16xf32> to vector<16xf32>
    %swap3A_548 = vector.shape_cast %broadcast_in_dim3A_9 : vector<16xf32> to vector<1x16xf32>
    tpu.vector_store %arg9[%swap3A_544, %swap3A_545], %swap3A_548 {strides = array<i32>} : memref<56x128xf32, #tpu.memory_space<vmem>>, vector<1x16xf32>,
    %swap3A_549 = arith.constant 11 : i32
    %swap3A_550 = arith.index_cast %swap3A_549 : i32 to index
    %swap3A_551 = arith.constant 32 : index
    %swap3A_552 = tpu.vector_load %arg9[%swap3A_550, %swap3A_551] {strides = array<i32>} : memref<56x128xf32, #tpu.memory_space<vmem>>, vector<1x16xf32>,
    %swap3A_553 = vector.shape_cast %swap3A_552 : vector<1x16xf32> to vector<16xf32>
    %swap3A_554 = vector.shape_cast %broadcast_in_dim3A_9 : vector<16xf32> to vector<1x16xf32>
    tpu.vector_store %arg9[%swap3A_550, %swap3A_551], %swap3A_554 {strides = array<i32>} : memref<56x128xf32, #tpu.memory_space<vmem>>, vector<1x16xf32>,
    %swap3A_555 = arith.constant 11 : i32
    %swap3A_556 = arith.index_cast %swap3A_555 : i32 to index
    %swap3A_557 = arith.constant 48 : index
    %swap3A_558 = tpu.vector_load %arg9[%swap3A_556, %swap3A_557] {strides = array<i32>} : memref<56x128xf32, #tpu.memory_space<vmem>>, vector<1x16xf32>,
    %swap3A_559 = vector.shape_cast %swap3A_558 : vector<1x16xf32> to vector<16xf32>
    %swap3A_560 = vector.shape_cast %broadcast_in_dim3A_9 : vector<16xf32> to vector<1x16xf32>
    tpu.vector_store %arg9[%swap3A_556, %swap3A_557], %swap3A_560 {strides = array<i32>} : memref<56x128xf32, #tpu.memory_space<vmem>>, vector<1x16xf32>,
    %swap3A_561 = arith.constant 11 : i32
    %swap3A_562 = arith.index_cast %swap3A_561 : i32 to index
    %swap3A_563 = arith.constant 64 : index
    %swap3A_564 = tpu.vector_load %arg9[%swap3A_562, %swap3A_563] {strides = array<i32>} : memref<56x128xf32, #tpu.memory_space<vmem>>, vector<1x16xf32>,
    %swap3A_565 = vector.shape_cast %swap3A_564 : vector<1x16xf32> to vector<16xf32>
    %swap3A_566 = vector.shape_cast %broadcast_in_dim3A_9 : vector<16xf32> to vector<1x16xf32>
    tpu.vector_store %arg9[%swap3A_562, %swap3A_563], %swap3A_566 {strides = array<i32>} : memref<56x128xf32, #tpu.memory_space<vmem>>, vector<1x16xf32>,
    %swap3A_567 = arith.constant 11 : i32
    %swap3A_568 = arith.index_cast %swap3A_567 : i32 to index
    %swap3A_569 = arith.constant 80 : index
    %swap3A_570 = tpu.vector_load %arg9[%swap3A_568, %swap3A_569] {strides = array<i32>} : memref<56x128xf32, #tpu.memory_space<vmem>>, vector<1x16xf32>,
    %swap3A_571 = vector.shape_cast %swap3A_570 : vector<1x16xf32> to vector<16xf32>
    %swap3A_572 = vector.shape_cast %broadcast_in_dim3A_9 : vector<16xf32> to vector<1x16xf32>
    tpu.vector_store %arg9[%swap3A_568, %swap3A_569], %swap3A_572 {strides = array<i32>} : memref<56x128xf32, #tpu.memory_space<vmem>>, vector<1x16xf32>,
    %swap3A_573 = arith.constant 11 : i32
    %swap3A_574 = arith.index_cast %swap3A_573 : i32 to index
    %swap3A_575 = arith.constant 96 : index
    %swap3A_576 = tpu.vector_load %arg9[%swap3A_574, %swap3A_575] {strides = array<i32>} : memref<56x128xf32, #tpu.memory_space<vmem>>, vector<1x16xf32>,
    %swap3A_577 = vector.shape_cast %swap3A_576 : vector<1x16xf32> to vector<16xf32>
    %swap3A_578 = vector.shape_cast %broadcast_in_dim3A_9 : vector<16xf32> to vector<1x16xf32>
    tpu.vector_store %arg9[%swap3A_574, %swap3A_575], %swap3A_578 {strides = array<i32>} : memref<56x128xf32, #tpu.memory_space<vmem>>, vector<1x16xf32>,
    %swap3A_579 = arith.constant 11 : i32
    %swap3A_580 = arith.index_cast %swap3A_579 : i32 to index
    %swap3A_581 = arith.constant 112 : index
    %swap3A_582 = tpu.vector_load %arg9[%swap3A_580, %swap3A_581] {strides = array<i32>} : memref<56x128xf32, #tpu.memory_space<vmem>>, vector<1x16xf32>,
    %swap3A_583 = vector.shape_cast %swap3A_582 : vector<1x16xf32> to vector<16xf32>
    %swap3A_584 = vector.shape_cast %broadcast_in_dim3A_9 : vector<16xf32> to vector<1x16xf32>
    tpu.vector_store %arg9[%swap3A_580, %swap3A_581], %swap3A_584 {strides = array<i32>} : memref<56x128xf32, #tpu.memory_space<vmem>>, vector<1x16xf32>,
    %swap3A_585 = arith.constant 12 : i32
    %swap3A_586 = arith.index_cast %swap3A_585 : i32 to index
    %swap3A_587 = arith.constant 0 : index
    %swap3A_588 = tpu.vector_load %arg9[%swap3A_586, %swap3A_587] {strides = array<i32>} : memref<56x128xf32, #tpu.memory_space<vmem>>, vector<1x16xf32>,
    %swap3A_589 = vector.shape_cast %swap3A_588 : vector<1x16xf32> to vector<16xf32>
    %swap3A_590 = vector.shape_cast %broadcast_in_dim3A_9 : vector<16xf32> to vector<1x16xf32>
    tpu.vector_store %arg9[%swap3A_586, %swap3A_587], %swap3A_590 {strides = array<i32>} : memref<56x128xf32, #tpu.memory_space<vmem>>, vector<1x16xf32>,
    %swap3A_591 = arith.constant 12 : i32
    %swap3A_592 = arith.index_cast %swap3A_591 : i32 to index
    %swap3A_593 = arith.constant 16 : index
    %swap3A_594 = tpu.vector_load %arg9[%swap3A_592, %swap3A_593] {strides = array<i32>} : memref<56x128xf32, #tpu.memory_space<vmem>>, vector<1x16xf32>,
    %swap3A_595 = vector.shape_cast %swap3A_594 : vector<1x16xf32> to vector<16xf32>
    %swap3A_596 = vector.shape_cast %broadcast_in_dim3A_9 : vector<16xf32> to vector<1x16xf32>
    tpu.vector_store %arg9[%swap3A_592, %swap3A_593], %swap3A_596 {strides = array<i32>} : memref<56x128xf32, #tpu.memory_space<vmem>>, vector<1x16xf32>,
    %swap3A_597 = arith.constant 12 : i32
    %swap3A_598 = arith.index_cast %swap3A_597 : i32 to index
    %swap3A_599 = arith.constant 32 : index
    %swap3A_600 = tpu.vector_load %arg9[%swap3A_598, %swap3A_599] {strides = array<i32>} : memref<56x128xf32, #tpu.memory_space<vmem>>, vector<1x16xf32>,
    %swap3A_601 = vector.shape_cast %swap3A_600 : vector<1x16xf32> to vector<16xf32>
    %swap3A_602 = vector.shape_cast %broadcast_in_dim3A_9 : vector<16xf32> to vector<1x16xf32>
    tpu.vector_store %arg9[%swap3A_598, %swap3A_599], %swap3A_602 {strides = array<i32>} : memref<56x128xf32, #tpu.memory_space<vmem>>, vector<1x16xf32>,
    %swap3A_603 = arith.constant 12 : i32
    %swap3A_604 = arith.index_cast %swap3A_603 : i32 to index
    %swap3A_605 = arith.constant 48 : index
    %swap3A_606 = tpu.vector_load %arg9[%swap3A_604, %swap3A_605] {strides = array<i32>} : memref<56x128xf32, #tpu.memory_space<vmem>>, vector<1x16xf32>,
    %swap3A_607 = vector.shape_cast %swap3A_606 : vector<1x16xf32> to vector<16xf32>
    %swap3A_608 = vector.shape_cast %broadcast_in_dim3A_9 : vector<16xf32> to vector<1x16xf32>
    tpu.vector_store %arg9[%swap3A_604, %swap3A_605], %swap3A_608 {strides = array<i32>} : memref<56x128xf32, #tpu.memory_space<vmem>>, vector<1x16xf32>,
    %swap3A_609 = arith.constant 12 : i32
    %swap3A_610 = arith.index_cast %swap3A_609 : i32 to index
    %swap3A_611 = arith.constant 64 : index
    %swap3A_612 = tpu.vector_load %arg9[%swap3A_610, %swap3A_611] {strides = array<i32>} : memref<56x128xf32, #tpu.memory_space<vmem>>, vector<1x16xf32>,
    %swap3A_613 = vector.shape_cast %swap3A_612 : vector<1x16xf32> to vector<16xf32>
    %swap3A_614 = vector.shape_cast %broadcast_in_dim3A_9 : vector<16xf32> to vector<1x16xf32>
    tpu.vector_store %arg9[%swap3A_610, %swap3A_611], %swap3A_614 {strides = array<i32>} : memref<56x128xf32, #tpu.memory_space<vmem>>, vector<1x16xf32>,
    %swap3A_615 = arith.constant 12 : i32
    %swap3A_616 = arith.index_cast %swap3A_615 : i32 to index
    %swap3A_617 = arith.constant 80 : index
    %swap3A_618 = tpu.vector_load %arg9[%swap3A_616, %swap3A_617] {strides = array<i32>} : memref<56x128xf32, #tpu.memory_space<vmem>>, vector<1x16xf32>,
    %swap3A_619 = vector.shape_cast %swap3A_618 : vector<1x16xf32> to vector<16xf32>
    %swap3A_620 = vector.shape_cast %broadcast_in_dim3A_9 : vector<16xf32> to vector<1x16xf32>
    tpu.vector_store %arg9[%swap3A_616, %swap3A_617], %swap3A_620 {strides = array<i32>} : memref<56x128xf32, #tpu.memory_space<vmem>>, vector<1x16xf32>,
    %swap3A_621 = arith.constant 12 : i32
    %swap3A_622 = arith.index_cast %swap3A_621 : i32 to index
    %swap3A_623 = arith.constant 96 : index
    %swap3A_624 = tpu.vector_load %arg9[%swap3A_622, %swap3A_623] {strides = array<i32>} : memref<56x128xf32, #tpu.memory_space<vmem>>, vector<1x16xf32>,
    %swap3A_625 = vector.shape_cast %swap3A_624 : vector<1x16xf32> to vector<16xf32>
    %swap3A_626 = vector.shape_cast %broadcast_in_dim3A_9 : vector<16xf32> to vector<1x16xf32>
    tpu.vector_store %arg9[%swap3A_622, %swap3A_623], %swap3A_626 {strides = array<i32>} : memref<56x128xf32, #tpu.memory_space<vmem>>, vector<1x16xf32>,
    %swap3A_627 = arith.constant 12 : i32
    %swap3A_628 = arith.index_cast %swap3A_627 : i32 to index
    %swap3A_629 = arith.constant 112 : index
    %swap3A_630 = tpu.vector_load %arg9[%swap3A_628, %swap3A_629] {strides = array<i32>} : memref<56x128xf32, #tpu.memory_space<vmem>>, vector<1x16xf32>,
    %swap3A_631 = vector.shape_cast %swap3A_630 : vector<1x16xf32> to vector<16xf32>
    %swap3A_632 = vector.shape_cast %broadcast_in_dim3A_9 : vector<16xf32> to vector<1x16xf32>
    tpu.vector_store %arg9[%swap3A_628, %swap3A_629], %swap3A_632 {strides = array<i32>} : memref<56x128xf32, #tpu.memory_space<vmem>>, vector<1x16xf32>,
    %swap3A_633 = arith.constant 13 : i32
    %swap3A_634 = arith.index_cast %swap3A_633 : i32 to index
    %swap3A_635 = arith.constant 0 : index
    %swap3A_636 = tpu.vector_load %arg9[%swap3A_634, %swap3A_635] {strides = array<i32>} : memref<56x128xf32, #tpu.memory_space<vmem>>, vector<1x16xf32>,
    %swap3A_637 = vector.shape_cast %swap3A_636 : vector<1x16xf32> to vector<16xf32>
    %swap3A_638 = vector.shape_cast %broadcast_in_dim3A_9 : vector<16xf32> to vector<1x16xf32>
    tpu.vector_store %arg9[%swap3A_634, %swap3A_635], %swap3A_638 {strides = array<i32>} : memref<56x128xf32, #tpu.memory_space<vmem>>, vector<1x16xf32>,
    %swap3A_639 = arith.constant 13 : i32
    %swap3A_640 = arith.index_cast %swap3A_639 : i32 to index
    %swap3A_641 = arith.constant 16 : index
    %swap3A_642 = tpu.vector_load %arg9[%swap3A_640, %swap3A_641] {strides = array<i32>} : memref<56x128xf32, #tpu.memory_space<vmem>>, vector<1x16xf32>,
    %swap3A_643 = vector.shape_cast %swap3A_642 : vector<1x16xf32> to vector<16xf32>
    %swap3A_644 = vector.shape_cast %broadcast_in_dim3A_9 : vector<16xf32> to vector<1x16xf32>
    tpu.vector_store %arg9[%swap3A_640, %swap3A_641], %swap3A_644 {strides = array<i32>} : memref<56x128xf32, #tpu.memory_space<vmem>>, vector<1x16xf32>,
    %swap3A_645 = arith.constant 13 : i32
    %swap3A_646 = arith.index_cast %swap3A_645 : i32 to index
    %swap3A_647 = arith.constant 32 : index
    %swap3A_648 = tpu.vector_load %arg9[%swap3A_646, %swap3A_647] {strides = array<i32>} : memref<56x128xf32, #tpu.memory_space<vmem>>, vector<1x16xf32>,
    %swap3A_649 = vector.shape_cast %swap3A_648 : vector<1x16xf32> to vector<16xf32>
    %swap3A_650 = vector.shape_cast %broadcast_in_dim3A_9 : vector<16xf32> to vector<1x16xf32>
    tpu.vector_store %arg9[%swap3A_646, %swap3A_647], %swap3A_650 {strides = array<i32>} : memref<56x128xf32, #tpu.memory_space<vmem>>, vector<1x16xf32>,
    %swap3A_651 = arith.constant 13 : i32
    %swap3A_652 = arith.index_cast %swap3A_651 : i32 to index
    %swap3A_653 = arith.constant 48 : index
    %swap3A_654 = tpu.vector_load %arg9[%swap3A_652, %swap3A_653] {strides = array<i32>} : memref<56x128xf32, #tpu.memory_space<vmem>>, vector<1x16xf32>,
    %swap3A_655 = vector.shape_cast %swap3A_654 : vector<1x16xf32> to vector<16xf32>
    %swap3A_656 = vector.shape_cast %broadcast_in_dim3A_9 : vector<16xf32> to vector<1x16xf32>
    tpu.vector_store %arg9[%swap3A_652, %swap3A_653], %swap3A_656 {strides = array<i32>} : memref<56x128xf32, #tpu.memory_space<vmem>>, vector<1x16xf32>,
    %swap3A_657 = arith.constant 13 : i32
    %swap3A_658 = arith.index_cast %swap3A_657 : i32 to index
    %swap3A_659 = arith.constant 64 : index
    %swap3A_660 = tpu.vector_load %arg9[%swap3A_658, %swap3A_659] {strides = array<i32>} : memref<56x128xf32, #tpu.memory_space<vmem>>, vector<1x16xf32>,
    %swap3A_661 = vector.shape_cast %swap3A_660 : vector<1x16xf32> to vector<16xf32>
    %swap3A_662 = vector.shape_cast %broadcast_in_dim3A_9 : vector<16xf32> to vector<1x16xf32>
    tpu.vector_store %arg9[%swap3A_658, %swap3A_659], %swap3A_662 {strides = array<i32>} : memref<56x128xf32, #tpu.memory_space<vmem>>, vector<1x16xf32>,
    %swap3A_663 = arith.constant 13 : i32
    %swap3A_664 = arith.index_cast %swap3A_663 : i32 to index
    %swap3A_665 = arith.constant 80 : index
    %swap3A_666 = tpu.vector_load %arg9[%swap3A_664, %swap3A_665] {strides = array<i32>} : memref<56x128xf32, #tpu.memory_space<vmem>>, vector<1x16xf32>,
    %swap3A_667 = vector.shape_cast %swap3A_666 : vector<1x16xf32> to vector<16xf32>
    %swap3A_668 = vector.shape_cast %broadcast_in_dim3A_9 : vector<16xf32> to vector<1x16xf32>
    tpu.vector_store %arg9[%swap3A_664, %swap3A_665], %swap3A_668 {strides = array<i32>} : memref<56x128xf32, #tpu.memory_space<vmem>>, vector<1x16xf32>,
    %swap3A_669 = arith.constant 13 : i32
    %swap3A_670 = arith.index_cast %swap3A_669 : i32 to index
    %swap3A_671 = arith.constant 96 : index
    %swap3A_672 = tpu.vector_load %arg9[%swap3A_670, %swap3A_671] {strides = array<i32>} : memref<56x128xf32, #tpu.memory_space<vmem>>, vector<1x16xf32>,
    %swap3A_673 = vector.shape_cast %swap3A_672 : vector<1x16xf32> to vector<16xf32>
    %swap3A_674 = vector.shape_cast %broadcast_in_dim3A_9 : vector<16xf32> to vector<1x16xf32>
    tpu.vector_store %arg9[%swap3A_670, %swap3A_671], %swap3A_674 {strides = array<i32>} : memref<56x128xf32, #tpu.memory_space<vmem>>, vector<1x16xf32>,
    %swap3A_675 = arith.constant 13 : i32
    %swap3A_676 = arith.index_cast %swap3A_675 : i32 to index
    %swap3A_677 = arith.constant 112 : index
    %swap3A_678 = tpu.vector_load %arg9[%swap3A_676, %swap3A_677] {strides = array<i32>} : memref<56x128xf32, #tpu.memory_space<vmem>>, vector<1x16xf32>,
    %swap3A_679 = vector.shape_cast %swap3A_678 : vector<1x16xf32> to vector<16xf32>
    %swap3A_680 = vector.shape_cast %broadcast_in_dim3A_9 : vector<16xf32> to vector<1x16xf32>
    tpu.vector_store %arg9[%swap3A_676, %swap3A_677], %swap3A_680 {strides = array<i32>} : memref<56x128xf32, #tpu.memory_space<vmem>>, vector<1x16xf32>,
    %swap3A_681 = arith.constant 14 : i32
    %swap3A_682 = arith.index_cast %swap3A_681 : i32 to index
    %swap3A_683 = arith.constant 0 : index
    %swap3A_684 = tpu.vector_load %arg9[%swap3A_682, %swap3A_683] {strides = array<i32>} : memref<56x128xf32, #tpu.memory_space<vmem>>, vector<1x16xf32>,
    %swap3A_685 = vector.shape_cast %swap3A_684 : vector<1x16xf32> to vector<16xf32>
    %swap3A_686 = vector.shape_cast %broadcast_in_dim3A_9 : vector<16xf32> to vector<1x16xf32>
    tpu.vector_store %arg9[%swap3A_682, %swap3A_683], %swap3A_686 {strides = array<i32>} : memref<56x128xf32, #tpu.memory_space<vmem>>, vector<1x16xf32>,
    %swap3A_687 = arith.constant 14 : i32
    %swap3A_688 = arith.index_cast %swap3A_687 : i32 to index
    %swap3A_689 = arith.constant 16 : index
    %swap3A_690 = tpu.vector_load %arg9[%swap3A_688, %swap3A_689] {strides = array<i32>} : memref<56x128xf32, #tpu.memory_space<vmem>>, vector<1x16xf32>,
    %swap3A_691 = vector.shape_cast %swap3A_690 : vector<1x16xf32> to vector<16xf32>
    %swap3A_692 = vector.shape_cast %broadcast_in_dim3A_9 : vector<16xf32> to vector<1x16xf32>
    tpu.vector_store %arg9[%swap3A_688, %swap3A_689], %swap3A_692 {strides = array<i32>} : memref<56x128xf32, #tpu.memory_space<vmem>>, vector<1x16xf32>,
    %swap3A_693 = arith.constant 14 : i32
    %swap3A_694 = arith.index_cast %swap3A_693 : i32 to index
    %swap3A_695 = arith.constant 32 : index
    %swap3A_696 = tpu.vector_load %arg9[%swap3A_694, %swap3A_695] {strides = array<i32>} : memref<56x128xf32, #tpu.memory_space<vmem>>, vector<1x16xf32>,
    %swap3A_697 = vector.shape_cast %swap3A_696 : vector<1x16xf32> to vector<16xf32>
    %swap3A_698 = vector.shape_cast %broadcast_in_dim3A_9 : vector<16xf32> to vector<1x16xf32>
    tpu.vector_store %arg9[%swap3A_694, %swap3A_695], %swap3A_698 {strides = array<i32>} : memref<56x128xf32, #tpu.memory_space<vmem>>, vector<1x16xf32>,
    %swap3A_699 = arith.constant 14 : i32
    %swap3A_700 = arith.index_cast %swap3A_699 : i32 to index
    %swap3A_701 = arith.constant 48 : index
    %swap3A_702 = tpu.vector_load %arg9[%swap3A_700, %swap3A_701] {strides = array<i32>} : memref<56x128xf32, #tpu.memory_space<vmem>>, vector<1x16xf32>,
    %swap3A_703 = vector.shape_cast %swap3A_702 : vector<1x16xf32> to vector<16xf32>
    %swap3A_704 = vector.shape_cast %broadcast_in_dim3A_9 : vector<16xf32> to vector<1x16xf32>
    tpu.vector_store %arg9[%swap3A_700, %swap3A_701], %swap3A_704 {strides = array<i32>} : memref<56x128xf32, #tpu.memory_space<vmem>>, vector<1x16xf32>,
    %swap3A_705 = arith.constant 14 : i32
    %swap3A_706 = arith.index_cast %swap3A_705 : i32 to index
    %swap3A_707 = arith.constant 64 : index
    %swap3A_708 = tpu.vector_load %arg9[%swap3A_706, %swap3A_707] {strides = array<i32>} : memref<56x128xf32, #tpu.memory_space<vmem>>, vector<1x16xf32>,
    %swap3A_709 = vector.shape_cast %swap3A_708 : vector<1x16xf32> to vector<16xf32>
    %swap3A_710 = vector.shape_cast %broadcast_in_dim3A_9 : vector<16xf32> to vector<1x16xf32>
    tpu.vector_store %arg9[%swap3A_706, %swap3A_707], %swap3A_710 {strides = array<i32>} : memref<56x128xf32, #tpu.memory_space<vmem>>, vector<1x16xf32>,
    %swap3A_711 = arith.constant 14 : i32
    %swap3A_712 = arith.index_cast %swap3A_711 : i32 to index
    %swap3A_713 = arith.constant 80 : index
    %swap3A_714 = tpu.vector_load %arg9[%swap3A_712, %swap3A_713] {strides = array<i32>} : memref<56x128xf32, #tpu.memory_space<vmem>>, vector<1x16xf32>,
    %swap3A_715 = vector.shape_cast %swap3A_714 : vector<1x16xf32> to vector<16xf32>
    %swap3A_716 = vector.shape_cast %broadcast_in_dim3A_9 : vector<16xf32> to vector<1x16xf32>
    tpu.vector_store %arg9[%swap3A_712, %swap3A_713], %swap3A_716 {strides = array<i32>} : memref<56x128xf32, #tpu.memory_space<vmem>>, vector<1x16xf32>,
    %swap3A_717 = arith.constant 14 : i32
    %swap3A_718 = arith.index_cast %swap3A_717 : i32 to index
    %swap3A_719 = arith.constant 96 : index
    %swap3A_720 = tpu.vector_load %arg9[%swap3A_718, %swap3A_719] {strides = array<i32>} : memref<56x128xf32, #tpu.memory_space<vmem>>, vector<1x16xf32>,
    %swap3A_721 = vector.shape_cast %swap3A_720 : vector<1x16xf32> to vector<16xf32>
    %swap3A_722 = vector.shape_cast %broadcast_in_dim3A_9 : vector<16xf32> to vector<1x16xf32>
    tpu.vector_store %arg9[%swap3A_718, %swap3A_719], %swap3A_722 {strides = array<i32>} : memref<56x128xf32, #tpu.memory_space<vmem>>, vector<1x16xf32>,
    %swap3A_723 = arith.constant 14 : i32
    %swap3A_724 = arith.index_cast %swap3A_723 : i32 to index
    %swap3A_725 = arith.constant 112 : index
    %swap3A_726 = tpu.vector_load %arg9[%swap3A_724, %swap3A_725] {strides = array<i32>} : memref<56x128xf32, #tpu.memory_space<vmem>>, vector<1x16xf32>,
    %swap3A_727 = vector.shape_cast %swap3A_726 : vector<1x16xf32> to vector<16xf32>
    %swap3A_728 = vector.shape_cast %broadcast_in_dim3A_9 : vector<16xf32> to vector<1x16xf32>
    tpu.vector_store %arg9[%swap3A_724, %swap3A_725], %swap3A_728 {strides = array<i32>} : memref<56x128xf32, #tpu.memory_space<vmem>>, vector<1x16xf32>,
    %swap3A_729 = arith.constant 15 : i32
    %swap3A_730 = arith.index_cast %swap3A_729 : i32 to index
    %swap3A_731 = arith.constant 0 : index
    %swap3A_732 = tpu.vector_load %arg9[%swap3A_730, %swap3A_731] {strides = array<i32>} : memref<56x128xf32, #tpu.memory_space<vmem>>, vector<1x16xf32>,
    %swap3A_733 = vector.shape_cast %swap3A_732 : vector<1x16xf32> to vector<16xf32>
    %swap3A_734 = vector.shape_cast %broadcast_in_dim3A_9 : vector<16xf32> to vector<1x16xf32>
    tpu.vector_store %arg9[%swap3A_730, %swap3A_731], %swap3A_734 {strides = array<i32>} : memref<56x128xf32, #tpu.memory_space<vmem>>, vector<1x16xf32>,
    %swap3A_735 = arith.constant 15 : i32
    %swap3A_736 = arith.index_cast %swap3A_735 : i32 to index
    %swap3A_737 = arith.constant 16 : index
    %swap3A_738 = tpu.vector_load %arg9[%swap3A_736, %swap3A_737] {strides = array<i32>} : memref<56x128xf32, #tpu.memory_space<vmem>>, vector<1x16xf32>,
    %swap3A_739 = vector.shape_cast %swap3A_738 : vector<1x16xf32> to vector<16xf32>
    %swap3A_740 = vector.shape_cast %broadcast_in_dim3A_9 : vector<16xf32> to vector<1x16xf32>
    tpu.vector_store %arg9[%swap3A_736, %swap3A_737], %swap3A_740 {strides = array<i32>} : memref<56x128xf32, #tpu.memory_space<vmem>>, vector<1x16xf32>,
    %swap3A_741 = arith.constant 15 : i32
    %swap3A_742 = arith.index_cast %swap3A_741 : i32 to index
    %swap3A_743 = arith.constant 32 : index
    %swap3A_744 = tpu.vector_load %arg9[%swap3A_742, %swap3A_743] {strides = array<i32>} : memref<56x128xf32, #tpu.memory_space<vmem>>, vector<1x16xf32>,
    %swap3A_745 = vector.shape_cast %swap3A_744 : vector<1x16xf32> to vector<16xf32>
    %swap3A_746 = vector.shape_cast %broadcast_in_dim3A_9 : vector<16xf32> to vector<1x16xf32>
    tpu.vector_store %arg9[%swap3A_742, %swap3A_743], %swap3A_746 {strides = array<i32>} : memref<56x128xf32, #tpu.memory_space<vmem>>, vector<1x16xf32>,
    %swap3A_747 = arith.constant 15 : i32
    %swap3A_748 = arith.index_cast %swap3A_747 : i32 to index
    %swap3A_749 = arith.constant 48 : index
    %swap3A_750 = tpu.vector_load %arg9[%swap3A_748, %swap3A_749] {strides = array<i32>} : memref<56x128xf32, #tpu.memory_space<vmem>>, vector<1x16xf32>,
    %swap3A_751 = vector.shape_cast %swap3A_750 : vector<1x16xf32> to vector<16xf32>
    %swap3A_752 = vector.shape_cast %broadcast_in_dim3A_9 : vector<16xf32> to vector<1x16xf32>
    tpu.vector_store %arg9[%swap3A_748, %swap3A_749], %swap3A_752 {strides = array<i32>} : memref<56x128xf32, #tpu.memory_space<vmem>>, vector<1x16xf32>,
    %swap3A_753 = arith.constant 15 : i32
    %swap3A_754 = arith.index_cast %swap3A_753 : i32 to index
    %swap3A_755 = arith.constant 64 : index
    %swap3A_756 = tpu.vector_load %arg9[%swap3A_754, %swap3A_755] {strides = array<i32>} : memref<56x128xf32, #tpu.memory_space<vmem>>, vector<1x16xf32>,
    %swap3A_757 = vector.shape_cast %swap3A_756 : vector<1x16xf32> to vector<16xf32>
    %swap3A_758 = vector.shape_cast %broadcast_in_dim3A_9 : vector<16xf32> to vector<1x16xf32>
    tpu.vector_store %arg9[%swap3A_754, %swap3A_755], %swap3A_758 {strides = array<i32>} : memref<56x128xf32, #tpu.memory_space<vmem>>, vector<1x16xf32>,
    %swap3A_759 = arith.constant 15 : i32
    %swap3A_760 = arith.index_cast %swap3A_759 : i32 to index
    %swap3A_761 = arith.constant 80 : index
    %swap3A_762 = tpu.vector_load %arg9[%swap3A_760, %swap3A_761] {strides = array<i32>} : memref<56x128xf32, #tpu.memory_space<vmem>>, vector<1x16xf32>,
    %swap3A_763 = vector.shape_cast %swap3A_762 : vector<1x16xf32> to vector<16xf32>
    %swap3A_764 = vector.shape_cast %broadcast_in_dim3A_9 : vector<16xf32> to vector<1x16xf32>
    tpu.vector_store %arg9[%swap3A_760, %swap3A_761], %swap3A_764 {strides = array<i32>} : memref<56x128xf32, #tpu.memory_space<vmem>>, vector<1x16xf32>,
    %swap3A_765 = arith.constant 15 : i32
    %swap3A_766 = arith.index_cast %swap3A_765 : i32 to index
    %swap3A_767 = arith.constant 96 : index
    %swap3A_768 = tpu.vector_load %arg9[%swap3A_766, %swap3A_767] {strides = array<i32>} : memref<56x128xf32, #tpu.memory_space<vmem>>, vector<1x16xf32>,
    %swap3A_769 = vector.shape_cast %swap3A_768 : vector<1x16xf32> to vector<16xf32>
    %swap3A_770 = vector.shape_cast %broadcast_in_dim3A_9 : vector<16xf32> to vector<1x16xf32>
    tpu.vector_store %arg9[%swap3A_766, %swap3A_767], %swap3A_770 {strides = array<i32>} : memref<56x128xf32, #tpu.memory_space<vmem>>, vector<1x16xf32>,
    %swap3A_771 = arith.constant 15 : i32
    %swap3A_772 = arith.index_cast %swap3A_771 : i32 to index
    %swap3A_773 = arith.constant 112 : index
    %swap3A_774 = tpu.vector_load %arg9[%swap3A_772, %swap3A_773] {strides = array<i32>} : memref<56x128xf32, #tpu.memory_space<vmem>>, vector<1x16xf32>,
    %swap3A_775 = vector.shape_cast %swap3A_774 : vector<1x16xf32> to vector<16xf32>
    %swap3A_776 = vector.shape_cast %broadcast_in_dim3A_9 : vector<16xf32> to vector<1x16xf32>
    tpu.vector_store %arg9[%swap3A_772, %swap3A_773], %swap3A_776 {strides = array<i32>} : memref<56x128xf32, #tpu.memory_space<vmem>>, vector<1x16xf32>,
    %swap3A_777 = arith.constant 16 : i32
    %swap3A_778 = arith.index_cast %swap3A_777 : i32 to index
    %swap3A_779 = arith.constant 0 : index
    %swap3A_780 = tpu.vector_load %arg9[%swap3A_778, %swap3A_779] {strides = array<i32>} : memref<56x128xf32, #tpu.memory_space<vmem>>, vector<1x16xf32>,
    %swap3A_781 = vector.shape_cast %swap3A_780 : vector<1x16xf32> to vector<16xf32>
    %swap3A_782 = vector.shape_cast %broadcast_in_dim3A_9 : vector<16xf32> to vector<1x16xf32>
    tpu.vector_store %arg9[%swap3A_778, %swap3A_779], %swap3A_782 {strides = array<i32>} : memref<56x128xf32, #tpu.memory_space<vmem>>, vector<1x16xf32>,
    %swap3A_783 = arith.constant 16 : i32
    %swap3A_784 = arith.index_cast %swap3A_783 : i32 to index
    %swap3A_785 = arith.constant 16 : index
    %swap3A_786 = tpu.vector_load %arg9[%swap3A_784, %swap3A_785] {strides = array<i32>} : memref<56x128xf32, #tpu.memory_space<vmem>>, vector<1x16xf32>,
    %swap3A_787 = vector.shape_cast %swap3A_786 : vector<1x16xf32> to vector<16xf32>
    %swap3A_788 = vector.shape_cast %broadcast_in_dim3A_9 : vector<16xf32> to vector<1x16xf32>
    tpu.vector_store %arg9[%swap3A_784, %swap3A_785], %swap3A_788 {strides = array<i32>} : memref<56x128xf32, #tpu.memory_space<vmem>>, vector<1x16xf32>,
    %swap3A_789 = arith.constant 16 : i32
    %swap3A_790 = arith.index_cast %swap3A_789 : i32 to index
    %swap3A_791 = arith.constant 32 : index
    %swap3A_792 = tpu.vector_load %arg9[%swap3A_790, %swap3A_791] {strides = array<i32>} : memref<56x128xf32, #tpu.memory_space<vmem>>, vector<1x16xf32>,
    %swap3A_793 = vector.shape_cast %swap3A_792 : vector<1x16xf32> to vector<16xf32>
    %swap3A_794 = vector.shape_cast %broadcast_in_dim3A_9 : vector<16xf32> to vector<1x16xf32>
    tpu.vector_store %arg9[%swap3A_790, %swap3A_791], %swap3A_794 {strides = array<i32>} : memref<56x128xf32, #tpu.memory_space<vmem>>, vector<1x16xf32>,
    %swap3A_795 = arith.constant 16 : i32
    %swap3A_796 = arith.index_cast %swap3A_795 : i32 to index
    %swap3A_797 = arith.constant 48 : index
    %swap3A_798 = tpu.vector_load %arg9[%swap3A_796, %swap3A_797] {strides = array<i32>} : memref<56x128xf32, #tpu.memory_space<vmem>>, vector<1x16xf32>,
    %swap3A_799 = vector.shape_cast %swap3A_798 : vector<1x16xf32> to vector<16xf32>
    %swap3A_800 = vector.shape_cast %broadcast_in_dim3A_9 : vector<16xf32> to vector<1x16xf32>
    tpu.vector_store %arg9[%swap3A_796, %swap3A_797], %swap3A_800 {strides = array<i32>} : memref<56x128xf32, #tpu.memory_space<vmem>>, vector<1x16xf32>,
    %swap3A_801 = arith.constant 16 : i32
    %swap3A_802 = arith.index_cast %swap3A_801 : i32 to index
    %swap3A_803 = arith.constant 64 : index
    %swap3A_804 = tpu.vector_load %arg9[%swap3A_802, %swap3A_803] {strides = array<i32>} : memref<56x128xf32, #tpu.memory_space<vmem>>, vector<1x16xf32>,
    %swap3A_805 = vector.shape_cast %swap3A_804 : vector<1x16xf32> to vector<16xf32>
    %swap3A_806 = vector.shape_cast %broadcast_in_dim3A_9 : vector<16xf32> to vector<1x16xf32>
    tpu.vector_store %arg9[%swap3A_802, %swap3A_803], %swap3A_806 {strides = array<i32>} : memref<56x128xf32, #tpu.memory_space<vmem>>, vector<1x16xf32>,
    %swap3A_807 = arith.constant 16 : i32
    %swap3A_808 = arith.index_cast %swap3A_807 : i32 to index
    %swap3A_809 = arith.constant 80 : index
    %swap3A_810 = tpu.vector_load %arg9[%swap3A_808, %swap3A_809] {strides = array<i32>} : memref<56x128xf32, #tpu.memory_space<vmem>>, vector<1x16xf32>,
    %swap3A_811 = vector.shape_cast %swap3A_810 : vector<1x16xf32> to vector<16xf32>
    %swap3A_812 = vector.shape_cast %broadcast_in_dim3A_9 : vector<16xf32> to vector<1x16xf32>
    tpu.vector_store %arg9[%swap3A_808, %swap3A_809], %swap3A_812 {strides = array<i32>} : memref<56x128xf32, #tpu.memory_space<vmem>>, vector<1x16xf32>,
    %swap3A_813 = arith.constant 16 : i32
    %swap3A_814 = arith.index_cast %swap3A_813 : i32 to index
    %swap3A_815 = arith.constant 96 : index
    %swap3A_816 = tpu.vector_load %arg9[%swap3A_814, %swap3A_815] {strides = array<i32>} : memref<56x128xf32, #tpu.memory_space<vmem>>, vector<1x16xf32>,
    %swap3A_817 = vector.shape_cast %swap3A_816 : vector<1x16xf32> to vector<16xf32>
    %swap3A_818 = vector.shape_cast %broadcast_in_dim3A_9 : vector<16xf32> to vector<1x16xf32>
    tpu.vector_store %arg9[%swap3A_814, %swap3A_815], %swap3A_818 {strides = array<i32>} : memref<56x128xf32, #tpu.memory_space<vmem>>, vector<1x16xf32>,
    %swap3A_819 = arith.constant 16 : i32
    %swap3A_820 = arith.index_cast %swap3A_819 : i32 to index
    %swap3A_821 = arith.constant 112 : index
    %swap3A_822 = tpu.vector_load %arg9[%swap3A_820, %swap3A_821] {strides = array<i32>} : memref<56x128xf32, #tpu.memory_space<vmem>>, vector<1x16xf32>,
    %swap3A_823 = vector.shape_cast %swap3A_822 : vector<1x16xf32> to vector<16xf32>
    %swap3A_824 = vector.shape_cast %broadcast_in_dim3A_9 : vector<16xf32> to vector<1x16xf32>
    tpu.vector_store %arg9[%swap3A_820, %swap3A_821], %swap3A_824 {strides = array<i32>} : memref<56x128xf32, #tpu.memory_space<vmem>>, vector<1x16xf32>,
    %swap3A_825 = arith.constant 17 : i32
    %swap3A_826 = arith.index_cast %swap3A_825 : i32 to index
    %swap3A_827 = arith.constant 0 : index
    %swap3A_828 = tpu.vector_load %arg9[%swap3A_826, %swap3A_827] {strides = array<i32>} : memref<56x128xf32, #tpu.memory_space<vmem>>, vector<1x16xf32>,
    %swap3A_829 = vector.shape_cast %swap3A_828 : vector<1x16xf32> to vector<16xf32>
    %swap3A_830 = vector.shape_cast %broadcast_in_dim3A_9 : vector<16xf32> to vector<1x16xf32>
    tpu.vector_store %arg9[%swap3A_826, %swap3A_827], %swap3A_830 {strides = array<i32>} : memref<56x128xf32, #tpu.memory_space<vmem>>, vector<1x16xf32>,
    %swap3A_831 = arith.constant 17 : i32
    %swap3A_832 = arith.index_cast %swap3A_831 : i32 to index
    %swap3A_833 = arith.constant 16 : index
    %swap3A_834 = tpu.vector_load %arg9[%swap3A_832, %swap3A_833] {strides = array<i32>} : memref<56x128xf32, #tpu.memory_space<vmem>>, vector<1x16xf32>,
    %swap3A_835 = vector.shape_cast %swap3A_834 : vector<1x16xf32> to vector<16xf32>
    %swap3A_836 = vector.shape_cast %broadcast_in_dim3A_9 : vector<16xf32> to vector<1x16xf32>
    tpu.vector_store %arg9[%swap3A_832, %swap3A_833], %swap3A_836 {strides = array<i32>} : memref<56x128xf32, #tpu.memory_space<vmem>>, vector<1x16xf32>,
    %swap3A_837 = arith.constant 17 : i32
    %swap3A_838 = arith.index_cast %swap3A_837 : i32 to index
    %swap3A_839 = arith.constant 32 : index
    %swap3A_840 = tpu.vector_load %arg9[%swap3A_838, %swap3A_839] {strides = array<i32>} : memref<56x128xf32, #tpu.memory_space<vmem>>, vector<1x16xf32>,
    %swap3A_841 = vector.shape_cast %swap3A_840 : vector<1x16xf32> to vector<16xf32>
    %swap3A_842 = vector.shape_cast %broadcast_in_dim3A_9 : vector<16xf32> to vector<1x16xf32>
    tpu.vector_store %arg9[%swap3A_838, %swap3A_839], %swap3A_842 {strides = array<i32>} : memref<56x128xf32, #tpu.memory_space<vmem>>, vector<1x16xf32>,
    %swap3A_843 = arith.constant 17 : i32
    %swap3A_844 = arith.index_cast %swap3A_843 : i32 to index
    %swap3A_845 = arith.constant 48 : index
    %swap3A_846 = tpu.vector_load %arg9[%swap3A_844, %swap3A_845] {strides = array<i32>} : memref<56x128xf32, #tpu.memory_space<vmem>>, vector<1x16xf32>,
    %swap3A_847 = vector.shape_cast %swap3A_846 : vector<1x16xf32> to vector<16xf32>
    %swap3A_848 = vector.shape_cast %broadcast_in_dim3A_9 : vector<16xf32> to vector<1x16xf32>
    tpu.vector_store %arg9[%swap3A_844, %swap3A_845], %swap3A_848 {strides = array<i32>} : memref<56x128xf32, #tpu.memory_space<vmem>>, vector<1x16xf32>,
    %swap3A_849 = arith.constant 17 : i32
    %swap3A_850 = arith.index_cast %swap3A_849 : i32 to index
    %swap3A_851 = arith.constant 64 : index
    %swap3A_852 = tpu.vector_load %arg9[%swap3A_850, %swap3A_851] {strides = array<i32>} : memref<56x128xf32, #tpu.memory_space<vmem>>, vector<1x16xf32>,
    %swap3A_853 = vector.shape_cast %swap3A_852 : vector<1x16xf32> to vector<16xf32>
    %swap3A_854 = vector.shape_cast %broadcast_in_dim3A_9 : vector<16xf32> to vector<1x16xf32>
    tpu.vector_store %arg9[%swap3A_850, %swap3A_851], %swap3A_854 {strides = array<i32>} : memref<56x128xf32, #tpu.memory_space<vmem>>, vector<1x16xf32>,
    %swap3A_855 = arith.constant 17 : i32
    %swap3A_856 = arith.index_cast %swap3A_855 : i32 to index
    %swap3A_857 = arith.constant 80 : index
    %swap3A_858 = tpu.vector_load %arg9[%swap3A_856, %swap3A_857] {strides = array<i32>} : memref<56x128xf32, #tpu.memory_space<vmem>>, vector<1x16xf32>,
    %swap3A_859 = vector.shape_cast %swap3A_858 : vector<1x16xf32> to vector<16xf32>
    %swap3A_860 = vector.shape_cast %broadcast_in_dim3A_9 : vector<16xf32> to vector<1x16xf32>
    tpu.vector_store %arg9[%swap3A_856, %swap3A_857], %swap3A_860 {strides = array<i32>} : memref<56x128xf32, #tpu.memory_space<vmem>>, vector<1x16xf32>,
    %swap3A_861 = arith.constant 17 : i32
    %swap3A_862 = arith.index_cast %swap3A_861 : i32 to index
    %swap3A_863 = arith.constant 96 : index
    %swap3A_864 = tpu.vector_load %arg9[%swap3A_862, %swap3A_863] {strides = array<i32>} : memref<56x128xf32, #tpu.memory_space<vmem>>, vector<1x16xf32>,
    %swap3A_865 = vector.shape_cast %swap3A_864 : vector<1x16xf32> to vector<16xf32>
    %swap3A_866 = vector.shape_cast %broadcast_in_dim3A_9 : vector<16xf32> to vector<1x16xf32>
    tpu.vector_store %arg9[%swap3A_862, %swap3A_863], %swap3A_866 {strides = array<i32>} : memref<56x128xf32, #tpu.memory_space<vmem>>, vector<1x16xf32>,
    %swap3A_867 = arith.constant 17 : i32
    %swap3A_868 = arith.index_cast %swap3A_867 : i32 to index
    %swap3A_869 = arith.constant 112 : index
    %swap3A_870 = tpu.vector_load %arg9[%swap3A_868, %swap3A_869] {strides = array<i32>} : memref<56x128xf32, #tpu.memory_space<vmem>>, vector<1x16xf32>,
    %swap3A_871 = vector.shape_cast %swap3A_870 : vector<1x16xf32> to vector<16xf32>
    %swap3A_872 = vector.shape_cast %broadcast_in_dim3A_9 : vector<16xf32> to vector<1x16xf32>
    tpu.vector_store %arg9[%swap3A_868, %swap3A_869], %swap3A_872 {strides = array<i32>} : memref<56x128xf32, #tpu.memory_space<vmem>>, vector<1x16xf32>,
    %swap3A_873 = arith.constant 18 : i32
    %swap3A_874 = arith.index_cast %swap3A_873 : i32 to index
    %swap3A_875 = arith.constant 0 : index
    %swap3A_876 = tpu.vector_load %arg9[%swap3A_874, %swap3A_875] {strides = array<i32>} : memref<56x128xf32, #tpu.memory_space<vmem>>, vector<1x16xf32>,
    %swap3A_877 = vector.shape_cast %swap3A_876 : vector<1x16xf32> to vector<16xf32>
    %swap3A_878 = vector.shape_cast %broadcast_in_dim3A_9 : vector<16xf32> to vector<1x16xf32>
    tpu.vector_store %arg9[%swap3A_874, %swap3A_875], %swap3A_878 {strides = array<i32>} : memref<56x128xf32, #tpu.memory_space<vmem>>, vector<1x16xf32>,
    %swap3A_879 = arith.constant 18 : i32
    %swap3A_880 = arith.index_cast %swap3A_879 : i32 to index
    %swap3A_881 = arith.constant 16 : index
    %swap3A_882 = tpu.vector_load %arg9[%swap3A_880, %swap3A_881] {strides = array<i32>} : memref<56x128xf32, #tpu.memory_space<vmem>>, vector<1x16xf32>,
    %swap3A_883 = vector.shape_cast %swap3A_882 : vector<1x16xf32> to vector<16xf32>
    %swap3A_884 = vector.shape_cast %broadcast_in_dim3A_9 : vector<16xf32> to vector<1x16xf32>
    tpu.vector_store %arg9[%swap3A_880, %swap3A_881], %swap3A_884 {strides = array<i32>} : memref<56x128xf32, #tpu.memory_space<vmem>>, vector<1x16xf32>,
    %swap3A_885 = arith.constant 18 : i32
    %swap3A_886 = arith.index_cast %swap3A_885 : i32 to index
    %swap3A_887 = arith.constant 32 : index
    %swap3A_888 = tpu.vector_load %arg9[%swap3A_886, %swap3A_887] {strides = array<i32>} : memref<56x128xf32, #tpu.memory_space<vmem>>, vector<1x16xf32>,
    %swap3A_889 = vector.shape_cast %swap3A_888 : vector<1x16xf32> to vector<16xf32>
    %swap3A_890 = vector.shape_cast %broadcast_in_dim3A_9 : vector<16xf32> to vector<1x16xf32>
    tpu.vector_store %arg9[%swap3A_886, %swap3A_887], %swap3A_890 {strides = array<i32>} : memref<56x128xf32, #tpu.memory_space<vmem>>, vector<1x16xf32>,
    %swap3A_891 = arith.constant 18 : i32
    %swap3A_892 = arith.index_cast %swap3A_891 : i32 to index
    %swap3A_893 = arith.constant 48 : index
    %swap3A_894 = tpu.vector_load %arg9[%swap3A_892, %swap3A_893] {strides = array<i32>} : memref<56x128xf32, #tpu.memory_space<vmem>>, vector<1x16xf32>,
    %swap3A_895 = vector.shape_cast %swap3A_894 : vector<1x16xf32> to vector<16xf32>
    %swap3A_896 = vector.shape_cast %broadcast_in_dim3A_9 : vector<16xf32> to vector<1x16xf32>
    tpu.vector_store %arg9[%swap3A_892, %swap3A_893], %swap3A_896 {strides = array<i32>} : memref<56x128xf32, #tpu.memory_space<vmem>>, vector<1x16xf32>,
    %swap3A_897 = arith.constant 18 : i32
    %swap3A_898 = arith.index_cast %swap3A_897 : i32 to index
    %swap3A_899 = arith.constant 64 : index
    %swap3A_900 = tpu.vector_load %arg9[%swap3A_898, %swap3A_899] {strides = array<i32>} : memref<56x128xf32, #tpu.memory_space<vmem>>, vector<1x16xf32>,
    %swap3A_901 = vector.shape_cast %swap3A_900 : vector<1x16xf32> to vector<16xf32>
    %swap3A_902 = vector.shape_cast %broadcast_in_dim3A_9 : vector<16xf32> to vector<1x16xf32>
    tpu.vector_store %arg9[%swap3A_898, %swap3A_899], %swap3A_902 {strides = array<i32>} : memref<56x128xf32, #tpu.memory_space<vmem>>, vector<1x16xf32>,
    %swap3A_903 = arith.constant 18 : i32
    %swap3A_904 = arith.index_cast %swap3A_903 : i32 to index
    %swap3A_905 = arith.constant 80 : index
    %swap3A_906 = tpu.vector_load %arg9[%swap3A_904, %swap3A_905] {strides = array<i32>} : memref<56x128xf32, #tpu.memory_space<vmem>>, vector<1x16xf32>,
    %swap3A_907 = vector.shape_cast %swap3A_906 : vector<1x16xf32> to vector<16xf32>
    %swap3A_908 = vector.shape_cast %broadcast_in_dim3A_9 : vector<16xf32> to vector<1x16xf32>
    tpu.vector_store %arg9[%swap3A_904, %swap3A_905], %swap3A_908 {strides = array<i32>} : memref<56x128xf32, #tpu.memory_space<vmem>>, vector<1x16xf32>,
    %swap3A_909 = arith.constant 18 : i32
    %swap3A_910 = arith.index_cast %swap3A_909 : i32 to index
    %swap3A_911 = arith.constant 96 : index
    %swap3A_912 = tpu.vector_load %arg9[%swap3A_910, %swap3A_911] {strides = array<i32>} : memref<56x128xf32, #tpu.memory_space<vmem>>, vector<1x16xf32>,
    %swap3A_913 = vector.shape_cast %swap3A_912 : vector<1x16xf32> to vector<16xf32>
    %swap3A_914 = vector.shape_cast %broadcast_in_dim3A_9 : vector<16xf32> to vector<1x16xf32>
    tpu.vector_store %arg9[%swap3A_910, %swap3A_911], %swap3A_914 {strides = array<i32>} : memref<56x128xf32, #tpu.memory_space<vmem>>, vector<1x16xf32>,
    %swap3A_915 = arith.constant 18 : i32
    %swap3A_916 = arith.index_cast %swap3A_915 : i32 to index
    %swap3A_917 = arith.constant 112 : index
    %swap3A_918 = tpu.vector_load %arg9[%swap3A_916, %swap3A_917] {strides = array<i32>} : memref<56x128xf32, #tpu.memory_space<vmem>>, vector<1x16xf32>,
    %swap3A_919 = vector.shape_cast %swap3A_918 : vector<1x16xf32> to vector<16xf32>
    %swap3A_920 = vector.shape_cast %broadcast_in_dim3A_9 : vector<16xf32> to vector<1x16xf32>
    tpu.vector_store %arg9[%swap3A_916, %swap3A_917], %swap3A_920 {strides = array<i32>} : memref<56x128xf32, #tpu.memory_space<vmem>>, vector<1x16xf32>,
    %swap3A_921 = arith.constant 19 : i32
    %swap3A_922 = arith.index_cast %swap3A_921 : i32 to index
    %swap3A_923 = arith.constant 0 : index
    %swap3A_924 = tpu.vector_load %arg9[%swap3A_922, %swap3A_923] {strides = array<i32>} : memref<56x128xf32, #tpu.memory_space<vmem>>, vector<1x16xf32>,
    %swap3A_925 = vector.shape_cast %swap3A_924 : vector<1x16xf32> to vector<16xf32>
    %swap3A_926 = vector.shape_cast %broadcast_in_dim3A_9 : vector<16xf32> to vector<1x16xf32>
    tpu.vector_store %arg9[%swap3A_922, %swap3A_923], %swap3A_926 {strides = array<i32>} : memref<56x128xf32, #tpu.memory_space<vmem>>, vector<1x16xf32>,
    %swap3A_927 = arith.constant 19 : i32
    %swap3A_928 = arith.index_cast %swap3A_927 : i32 to index
    %swap3A_929 = arith.constant 16 : index
    %swap3A_930 = tpu.vector_load %arg9[%swap3A_928, %swap3A_929] {strides = array<i32>} : memref<56x128xf32, #tpu.memory_space<vmem>>, vector<1x16xf32>,
    %swap3A_931 = vector.shape_cast %swap3A_930 : vector<1x16xf32> to vector<16xf32>
    %swap3A_932 = vector.shape_cast %broadcast_in_dim3A_9 : vector<16xf32> to vector<1x16xf32>
    tpu.vector_store %arg9[%swap3A_928, %swap3A_929], %swap3A_932 {strides = array<i32>} : memref<56x128xf32, #tpu.memory_space<vmem>>, vector<1x16xf32>,
    %swap3A_933 = arith.constant 19 : i32
    %swap3A_934 = arith.index_cast %swap3A_933 : i32 to index
    %swap3A_935 = arith.constant 32 : index
    %swap3A_936 = tpu.vector_load %arg9[%swap3A_934, %swap3A_935] {strides = array<i32>} : memref<56x128xf32, #tpu.memory_space<vmem>>, vector<1x16xf32>,
    %swap3A_937 = vector.shape_cast %swap3A_936 : vector<1x16xf32> to vector<16xf32>
    %swap3A_938 = vector.shape_cast %broadcast_in_dim3A_9 : vector<16xf32> to vector<1x16xf32>
    tpu.vector_store %arg9[%swap3A_934, %swap3A_935], %swap3A_938 {strides = array<i32>} : memref<56x128xf32, #tpu.memory_space<vmem>>, vector<1x16xf32>,
    %swap3A_939 = arith.constant 19 : i32
    %swap3A_940 = arith.index_cast %swap3A_939 : i32 to index
    %swap3A_941 = arith.constant 48 : index
    %swap3A_942 = tpu.vector_load %arg9[%swap3A_940, %swap3A_941] {strides = array<i32>} : memref<56x128xf32, #tpu.memory_space<vmem>>, vector<1x16xf32>,
    %swap3A_943 = vector.shape_cast %swap3A_942 : vector<1x16xf32> to vector<16xf32>
    %swap3A_944 = vector.shape_cast %broadcast_in_dim3A_9 : vector<16xf32> to vector<1x16xf32>
    tpu.vector_store %arg9[%swap3A_940, %swap3A_941], %swap3A_944 {strides = array<i32>} : memref<56x128xf32, #tpu.memory_space<vmem>>, vector<1x16xf32>,
    %swap3A_945 = arith.constant 19 : i32
    %swap3A_946 = arith.index_cast %swap3A_945 : i32 to index
    %swap3A_947 = arith.constant 64 : index
    %swap3A_948 = tpu.vector_load %arg9[%swap3A_946, %swap3A_947] {strides = array<i32>} : memref<56x128xf32, #tpu.memory_space<vmem>>, vector<1x16xf32>,
    %swap3A_949 = vector.shape_cast %swap3A_948 : vector<1x16xf32> to vector<16xf32>
    %swap3A_950 = vector.shape_cast %broadcast_in_dim3A_9 : vector<16xf32> to vector<1x16xf32>
    tpu.vector_store %arg9[%swap3A_946, %swap3A_947], %swap3A_950 {strides = array<i32>} : memref<56x128xf32, #tpu.memory_space<vmem>>, vector<1x16xf32>,
    %swap3A_951 = arith.constant 19 : i32
    %swap3A_952 = arith.index_cast %swap3A_951 : i32 to index
    %swap3A_953 = arith.constant 80 : index
    %swap3A_954 = tpu.vector_load %arg9[%swap3A_952, %swap3A_953] {strides = array<i32>} : memref<56x128xf32, #tpu.memory_space<vmem>>, vector<1x16xf32>,
    %swap3A_955 = vector.shape_cast %swap3A_954 : vector<1x16xf32> to vector<16xf32>
    %swap3A_956 = vector.shape_cast %broadcast_in_dim3A_9 : vector<16xf32> to vector<1x16xf32>
    tpu.vector_store %arg9[%swap3A_952, %swap3A_953], %swap3A_956 {strides = array<i32>} : memref<56x128xf32, #tpu.memory_space<vmem>>, vector<1x16xf32>,
    %swap3A_957 = arith.constant 19 : i32
    %swap3A_958 = arith.index_cast %swap3A_957 : i32 to index
    %swap3A_959 = arith.constant 96 : index
    %swap3A_960 = tpu.vector_load %arg9[%swap3A_958, %swap3A_959] {strides = array<i32>} : memref<56x128xf32, #tpu.memory_space<vmem>>, vector<1x16xf32>,
    %swap3A_961 = vector.shape_cast %swap3A_960 : vector<1x16xf32> to vector<16xf32>
    %swap3A_962 = vector.shape_cast %broadcast_in_dim3A_9 : vector<16xf32> to vector<1x16xf32>
    tpu.vector_store %arg9[%swap3A_958, %swap3A_959], %swap3A_962 {strides = array<i32>} : memref<56x128xf32, #tpu.memory_space<vmem>>, vector<1x16xf32>,
    %swap3A_963 = arith.constant 19 : i32
    %swap3A_964 = arith.index_cast %swap3A_963 : i32 to index
    %swap3A_965 = arith.constant 112 : index
    %swap3A_966 = tpu.vector_load %arg9[%swap3A_964, %swap3A_965] {strides = array<i32>} : memref<56x128xf32, #tpu.memory_space<vmem>>, vector<1x16xf32>,
    %swap3A_967 = vector.shape_cast %swap3A_966 : vector<1x16xf32> to vector<16xf32>
    %swap3A_968 = vector.shape_cast %broadcast_in_dim3A_9 : vector<16xf32> to vector<1x16xf32>
    tpu.vector_store %arg9[%swap3A_964, %swap3A_965], %swap3A_968 {strides = array<i32>} : memref<56x128xf32, #tpu.memory_space<vmem>>, vector<1x16xf32>,
    %swap3A_969 = arith.constant 20 : i32
    %swap3A_970 = arith.index_cast %swap3A_969 : i32 to index
    %swap3A_971 = arith.constant 0 : index
    %swap3A_972 = tpu.vector_load %arg9[%swap3A_970, %swap3A_971] {strides = array<i32>} : memref<56x128xf32, #tpu.memory_space<vmem>>, vector<1x16xf32>,
    %swap3A_973 = vector.shape_cast %swap3A_972 : vector<1x16xf32> to vector<16xf32>
    %swap3A_974 = vector.shape_cast %broadcast_in_dim3A_9 : vector<16xf32> to vector<1x16xf32>
    tpu.vector_store %arg9[%swap3A_970, %swap3A_971], %swap3A_974 {strides = array<i32>} : memref<56x128xf32, #tpu.memory_space<vmem>>, vector<1x16xf32>,
    %swap3A_975 = arith.constant 20 : i32
    %swap3A_976 = arith.index_cast %swap3A_975 : i32 to index
    %swap3A_977 = arith.constant 16 : index
    %swap3A_978 = tpu.vector_load %arg9[%swap3A_976, %swap3A_977] {strides = array<i32>} : memref<56x128xf32, #tpu.memory_space<vmem>>, vector<1x16xf32>,
    %swap3A_979 = vector.shape_cast %swap3A_978 : vector<1x16xf32> to vector<16xf32>
    %swap3A_980 = vector.shape_cast %broadcast_in_dim3A_9 : vector<16xf32> to vector<1x16xf32>
    tpu.vector_store %arg9[%swap3A_976, %swap3A_977], %swap3A_980 {strides = array<i32>} : memref<56x128xf32, #tpu.memory_space<vmem>>, vector<1x16xf32>,
    %swap3A_981 = arith.constant 20 : i32
    %swap3A_982 = arith.index_cast %swap3A_981 : i32 to index
    %swap3A_983 = arith.constant 32 : index
    %swap3A_984 = tpu.vector_load %arg9[%swap3A_982, %swap3A_983] {strides = array<i32>} : memref<56x128xf32, #tpu.memory_space<vmem>>, vector<1x16xf32>,
    %swap3A_985 = vector.shape_cast %swap3A_984 : vector<1x16xf32> to vector<16xf32>
    %swap3A_986 = vector.shape_cast %broadcast_in_dim3A_9 : vector<16xf32> to vector<1x16xf32>
    tpu.vector_store %arg9[%swap3A_982, %swap3A_983], %swap3A_986 {strides = array<i32>} : memref<56x128xf32, #tpu.memory_space<vmem>>, vector<1x16xf32>,
    %swap3A_987 = arith.constant 20 : i32
    %swap3A_988 = arith.index_cast %swap3A_987 : i32 to index
    %swap3A_989 = arith.constant 48 : index
    %swap3A_990 = tpu.vector_load %arg9[%swap3A_988, %swap3A_989] {strides = array<i32>} : memref<56x128xf32, #tpu.memory_space<vmem>>, vector<1x16xf32>,
    %swap3A_991 = vector.shape_cast %swap3A_990 : vector<1x16xf32> to vector<16xf32>
    %swap3A_992 = vector.shape_cast %broadcast_in_dim3A_9 : vector<16xf32> to vector<1x16xf32>
    tpu.vector_store %arg9[%swap3A_988, %swap3A_989], %swap3A_992 {strides = array<i32>} : memref<56x128xf32, #tpu.memory_space<vmem>>, vector<1x16xf32>,
    %swap3A_993 = arith.constant 20 : i32
    %swap3A_994 = arith.index_cast %swap3A_993 : i32 to index
    %swap3A_995 = arith.constant 64 : index
    %swap3A_996 = tpu.vector_load %arg9[%swap3A_994, %swap3A_995] {strides = array<i32>} : memref<56x128xf32, #tpu.memory_space<vmem>>, vector<1x16xf32>,
    %swap3A_997 = vector.shape_cast %swap3A_996 : vector<1x16xf32> to vector<16xf32>
    %swap3A_998 = vector.shape_cast %broadcast_in_dim3A_9 : vector<16xf32> to vector<1x16xf32>
    tpu.vector_store %arg9[%swap3A_994, %swap3A_995], %swap3A_998 {strides = array<i32>} : memref<56x128xf32, #tpu.memory_space<vmem>>, vector<1x16xf32>,
    %swap3A_999 = arith.constant 20 : i32
    %swap3A_1000 = arith.index_cast %swap3A_999 : i32 to index
    %swap3A_1001 = arith.constant 80 : index
    %swap3A_1002 = tpu.vector_load %arg9[%swap3A_1000, %swap3A_1001] {strides = array<i32>} : memref<56x128xf32, #tpu.memory_space<vmem>>, vector<1x16xf32>,
    %swap3A_1003 = vector.shape_cast %swap3A_1002 : vector<1x16xf32> to vector<16xf32>
    %swap3A_1004 = vector.shape_cast %broadcast_in_dim3A_9 : vector<16xf32> to vector<1x16xf32>
    tpu.vector_store %arg9[%swap3A_1000, %swap3A_1001], %swap3A_1004 {strides = array<i32>} : memref<56x128xf32, #tpu.memory_space<vmem>>, vector<1x16xf32>,
    %swap3A_1005 = arith.constant 20 : i32
    %swap3A_1006 = arith.index_cast %swap3A_1005 : i32 to index
    %swap3A_1007 = arith.constant 96 : index
    %swap3A_1008 = tpu.vector_load %arg9[%swap3A_1006, %swap3A_1007] {strides = array<i32>} : memref<56x128xf32, #tpu.memory_space<vmem>>, vector<1x16xf32>,
    %swap3A_1009 = vector.shape_cast %swap3A_1008 : vector<1x16xf32> to vector<16xf32>
    %swap3A_1010 = vector.shape_cast %broadcast_in_dim3A_9 : vector<16xf32> to vector<1x16xf32>
    tpu.vector_store %arg9[%swap3A_1006, %swap3A_1007], %swap3A_1010 {strides = array<i32>} : memref<56x128xf32, #tpu.memory_space<vmem>>, vector<1x16xf32>,
    %swap3A_1011 = arith.constant 20 : i32
    %swap3A_1012 = arith.index_cast %swap3A_1011 : i32 to index
    %swap3A_1013 = arith.constant 112 : index
    %swap3A_1014 = tpu.vector_load %arg9[%swap3A_1012, %swap3A_1013] {strides = array<i32>} : memref<56x128xf32, #tpu.memory_space<vmem>>, vector<1x16xf32>,
    %swap3A_1015 = vector.shape_cast %swap3A_1014 : vector<1x16xf32> to vector<16xf32>
    %swap3A_1016 = vector.shape_cast %broadcast_in_dim3A_9 : vector<16xf32> to vector<1x16xf32>
    tpu.vector_store %arg9[%swap3A_1012, %swap3A_1013], %swap3A_1016 {strides = array<i32>} : memref<56x128xf32, #tpu.memory_space<vmem>>, vector<1x16xf32>,
    %swap3A_1017 = arith.constant 21 : i32
    %swap3A_1018 = arith.index_cast %swap3A_1017 : i32 to index
    %swap3A_1019 = arith.constant 0 : index
    %swap3A_1020 = tpu.vector_load %arg9[%swap3A_1018, %swap3A_1019] {strides = array<i32>} : memref<56x128xf32, #tpu.memory_space<vmem>>, vector<1x16xf32>,
    %swap3A_1021 = vector.shape_cast %swap3A_1020 : vector<1x16xf32> to vector<16xf32>
    %swap3A_1022 = vector.shape_cast %broadcast_in_dim3A_9 : vector<16xf32> to vector<1x16xf32>
    tpu.vector_store %arg9[%swap3A_1018, %swap3A_1019], %swap3A_1022 {strides = array<i32>} : memref<56x128xf32, #tpu.memory_space<vmem>>, vector<1x16xf32>,
    %swap3A_1023 = arith.constant 21 : i32
    %swap3A_1024 = arith.index_cast %swap3A_1023 : i32 to index
    %swap3A_1025 = arith.constant 16 : index
    %swap3A_1026 = tpu.vector_load %arg9[%swap3A_1024, %swap3A_1025] {strides = array<i32>} : memref<56x128xf32, #tpu.memory_space<vmem>>, vector<1x16xf32>,
    %swap3A_1027 = vector.shape_cast %swap3A_1026 : vector<1x16xf32> to vector<16xf32>
    %swap3A_1028 = vector.shape_cast %broadcast_in_dim3A_9 : vector<16xf32> to vector<1x16xf32>
    tpu.vector_store %arg9[%swap3A_1024, %swap3A_1025], %swap3A_1028 {strides = array<i32>} : memref<56x128xf32, #tpu.memory_space<vmem>>, vector<1x16xf32>,
    %swap3A_1029 = arith.constant 21 : i32
    %swap3A_1030 = arith.index_cast %swap3A_1029 : i32 to index
    %swap3A_1031 = arith.constant 32 : index
    %swap3A_1032 = tpu.vector_load %arg9[%swap3A_1030, %swap3A_1031] {strides = array<i32>} : memref<56x128xf32, #tpu.memory_space<vmem>>, vector<1x16xf32>,
    %swap3A_1033 = vector.shape_cast %swap3A_1032 : vector<1x16xf32> to vector<16xf32>
    %swap3A_1034 = vector.shape_cast %broadcast_in_dim3A_9 : vector<16xf32> to vector<1x16xf32>
    tpu.vector_store %arg9[%swap3A_1030, %swap3A_1031], %swap3A_1034 {strides = array<i32>} : memref<56x128xf32, #tpu.memory_space<vmem>>, vector<1x16xf32>,
    %swap3A_1035 = arith.constant 21 : i32
    %swap3A_1036 = arith.index_cast %swap3A_1035 : i32 to index
    %swap3A_1037 = arith.constant 48 : index
    %swap3A_1038 = tpu.vector_load %arg9[%swap3A_1036, %swap3A_1037] {strides = array<i32>} : memref<56x128xf32, #tpu.memory_space<vmem>>, vector<1x16xf32>,
    %swap3A_1039 = vector.shape_cast %swap3A_1038 : vector<1x16xf32> to vector<16xf32>
    %swap3A_1040 = vector.shape_cast %broadcast_in_dim3A_9 : vector<16xf32> to vector<1x16xf32>
    tpu.vector_store %arg9[%swap3A_1036, %swap3A_1037], %swap3A_1040 {strides = array<i32>} : memref<56x128xf32, #tpu.memory_space<vmem>>, vector<1x16xf32>,
    %swap3A_1041 = arith.constant 21 : i32
    %swap3A_1042 = arith.index_cast %swap3A_1041 : i32 to index
    %swap3A_1043 = arith.constant 64 : index
    %swap3A_1044 = tpu.vector_load %arg9[%swap3A_1042, %swap3A_1043] {strides = array<i32>} : memref<56x128xf32, #tpu.memory_space<vmem>>, vector<1x16xf32>,
    %swap3A_1045 = vector.shape_cast %swap3A_1044 : vector<1x16xf32> to vector<16xf32>
    %swap3A_1046 = vector.shape_cast %broadcast_in_dim3A_9 : vector<16xf32> to vector<1x16xf32>
    tpu.vector_store %arg9[%swap3A_1042, %swap3A_1043], %swap3A_1046 {strides = array<i32>} : memref<56x128xf32, #tpu.memory_space<vmem>>, vector<1x16xf32>,
    %swap3A_1047 = arith.constant 21 : i32
    %swap3A_1048 = arith.index_cast %swap3A_1047 : i32 to index
    %swap3A_1049 = arith.constant 80 : index
    %swap3A_1050 = tpu.vector_load %arg9[%swap3A_1048, %swap3A_1049] {strides = array<i32>} : memref<56x128xf32, #tpu.memory_space<vmem>>, vector<1x16xf32>,
    %swap3A_1051 = vector.shape_cast %swap3A_1050 : vector<1x16xf32> to vector<16xf32>
    %swap3A_1052 = vector.shape_cast %broadcast_in_dim3A_9 : vector<16xf32> to vector<1x16xf32>
    tpu.vector_store %arg9[%swap3A_1048, %swap3A_1049], %swap3A_1052 {strides = array<i32>} : memref<56x128xf32, #tpu.memory_space<vmem>>, vector<1x16xf32>,
    %swap3A_1053 = arith.constant 21 : i32
    %swap3A_1054 = arith.index_cast %swap3A_1053 : i32 to index
    %swap3A_1055 = arith.constant 96 : index
    %swap3A_1056 = tpu.vector_load %arg9[%swap3A_1054, %swap3A_1055] {strides = array<i32>} : memref<56x128xf32, #tpu.memory_space<vmem>>, vector<1x16xf32>,
    %swap3A_1057 = vector.shape_cast %swap3A_1056 : vector<1x16xf32> to vector<16xf32>
    %swap3A_1058 = vector.shape_cast %broadcast_in_dim3A_9 : vector<16xf32> to vector<1x16xf32>
    tpu.vector_store %arg9[%swap3A_1054, %swap3A_1055], %swap3A_1058 {strides = array<i32>} : memref<56x128xf32, #tpu.memory_space<vmem>>, vector<1x16xf32>,
    %swap3A_1059 = arith.constant 21 : i32
    %swap3A_1060 = arith.index_cast %swap3A_1059 : i32 to index
    %swap3A_1061 = arith.constant 112 : index
    %swap3A_1062 = tpu.vector_load %arg9[%swap3A_1060, %swap3A_1061] {strides = array<i32>} : memref<56x128xf32, #tpu.memory_space<vmem>>, vector<1x16xf32>,
    %swap3A_1063 = vector.shape_cast %swap3A_1062 : vector<1x16xf32> to vector<16xf32>
    %swap3A_1064 = vector.shape_cast %broadcast_in_dim3A_9 : vector<16xf32> to vector<1x16xf32>
    tpu.vector_store %arg9[%swap3A_1060, %swap3A_1061], %swap3A_1064 {strides = array<i32>} : memref<56x128xf32, #tpu.memory_space<vmem>>, vector<1x16xf32>,
    %swap3A_1065 = arith.constant 22 : i32
    %swap3A_1066 = arith.index_cast %swap3A_1065 : i32 to index
    %swap3A_1067 = arith.constant 0 : index
    %swap3A_1068 = tpu.vector_load %arg9[%swap3A_1066, %swap3A_1067] {strides = array<i32>} : memref<56x128xf32, #tpu.memory_space<vmem>>, vector<1x16xf32>,
    %swap3A_1069 = vector.shape_cast %swap3A_1068 : vector<1x16xf32> to vector<16xf32>
    %swap3A_1070 = vector.shape_cast %broadcast_in_dim3A_9 : vector<16xf32> to vector<1x16xf32>
    tpu.vector_store %arg9[%swap3A_1066, %swap3A_1067], %swap3A_1070 {strides = array<i32>} : memref<56x128xf32, #tpu.memory_space<vmem>>, vector<1x16xf32>,
    %swap3A_1071 = arith.constant 22 : i32
    %swap3A_1072 = arith.index_cast %swap3A_1071 : i32 to index
    %swap3A_1073 = arith.constant 16 : index
    %swap3A_1074 = tpu.vector_load %arg9[%swap3A_1072, %swap3A_1073] {strides = array<i32>} : memref<56x128xf32, #tpu.memory_space<vmem>>, vector<1x16xf32>,
    %swap3A_1075 = vector.shape_cast %swap3A_1074 : vector<1x16xf32> to vector<16xf32>
    %swap3A_1076 = vector.shape_cast %broadcast_in_dim3A_9 : vector<16xf32> to vector<1x16xf32>
    tpu.vector_store %arg9[%swap3A_1072, %swap3A_1073], %swap3A_1076 {strides = array<i32>} : memref<56x128xf32, #tpu.memory_space<vmem>>, vector<1x16xf32>,
    %swap3A_1077 = arith.constant 22 : i32
    %swap3A_1078 = arith.index_cast %swap3A_1077 : i32 to index
    %swap3A_1079 = arith.constant 32 : index
    %swap3A_1080 = tpu.vector_load %arg9[%swap3A_1078, %swap3A_1079] {strides = array<i32>} : memref<56x128xf32, #tpu.memory_space<vmem>>, vector<1x16xf32>,
    %swap3A_1081 = vector.shape_cast %swap3A_1080 : vector<1x16xf32> to vector<16xf32>
    %swap3A_1082 = vector.shape_cast %broadcast_in_dim3A_9 : vector<16xf32> to vector<1x16xf32>
    tpu.vector_store %arg9[%swap3A_1078, %swap3A_1079], %swap3A_1082 {strides = array<i32>} : memref<56x128xf32, #tpu.memory_space<vmem>>, vector<1x16xf32>,
    %swap3A_1083 = arith.constant 22 : i32
    %swap3A_1084 = arith.index_cast %swap3A_1083 : i32 to index
    %swap3A_1085 = arith.constant 48 : index
    %swap3A_1086 = tpu.vector_load %arg9[%swap3A_1084, %swap3A_1085] {strides = array<i32>} : memref<56x128xf32, #tpu.memory_space<vmem>>, vector<1x16xf32>,
    %swap3A_1087 = vector.shape_cast %swap3A_1086 : vector<1x16xf32> to vector<16xf32>
    %swap3A_1088 = vector.shape_cast %broadcast_in_dim3A_9 : vector<16xf32> to vector<1x16xf32>
    tpu.vector_store %arg9[%swap3A_1084, %swap3A_1085], %swap3A_1088 {strides = array<i32>} : memref<56x128xf32, #tpu.memory_space<vmem>>, vector<1x16xf32>,
    %swap3A_1089 = arith.constant 22 : i32
    %swap3A_1090 = arith.index_cast %swap3A_1089 : i32 to index
    %swap3A_1091 = arith.constant 64 : index
    %swap3A_1092 = tpu.vector_load %arg9[%swap3A_1090, %swap3A_1091] {strides = array<i32>} : memref<56x128xf32, #tpu.memory_space<vmem>>, vector<1x16xf32>,
    %swap3A_1093 = vector.shape_cast %swap3A_1092 : vector<1x16xf32> to vector<16xf32>
    %swap3A_1094 = vector.shape_cast %broadcast_in_dim3A_9 : vector<16xf32> to vector<1x16xf32>
    tpu.vector_store %arg9[%swap3A_1090, %swap3A_1091], %swap3A_1094 {strides = array<i32>} : memref<56x128xf32, #tpu.memory_space<vmem>>, vector<1x16xf32>,
    %swap3A_1095 = arith.constant 22 : i32
    %swap3A_1096 = arith.index_cast %swap3A_1095 : i32 to index
    %swap3A_1097 = arith.constant 80 : index
    %swap3A_1098 = tpu.vector_load %arg9[%swap3A_1096, %swap3A_1097] {strides = array<i32>} : memref<56x128xf32, #tpu.memory_space<vmem>>, vector<1x16xf32>,
    %swap3A_1099 = vector.shape_cast %swap3A_1098 : vector<1x16xf32> to vector<16xf32>
    %swap3A_1100 = vector.shape_cast %broadcast_in_dim3A_9 : vector<16xf32> to vector<1x16xf32>
    tpu.vector_store %arg9[%swap3A_1096, %swap3A_1097], %swap3A_1100 {strides = array<i32>} : memref<56x128xf32, #tpu.memory_space<vmem>>, vector<1x16xf32>,
    %swap3A_1101 = arith.constant 22 : i32
    %swap3A_1102 = arith.index_cast %swap3A_1101 : i32 to index
    %swap3A_1103 = arith.constant 96 : index
    %swap3A_1104 = tpu.vector_load %arg9[%swap3A_1102, %swap3A_1103] {strides = array<i32>} : memref<56x128xf32, #tpu.memory_space<vmem>>, vector<1x16xf32>,
    %swap3A_1105 = vector.shape_cast %swap3A_1104 : vector<1x16xf32> to vector<16xf32>
    %swap3A_1106 = vector.shape_cast %broadcast_in_dim3A_9 : vector<16xf32> to vector<1x16xf32>
    tpu.vector_store %arg9[%swap3A_1102, %swap3A_1103], %swap3A_1106 {strides = array<i32>} : memref<56x128xf32, #tpu.memory_space<vmem>>, vector<1x16xf32>,
    %swap3A_1107 = arith.constant 22 : i32
    %swap3A_1108 = arith.index_cast %swap3A_1107 : i32 to index
    %swap3A_1109 = arith.constant 112 : index
    %swap3A_1110 = tpu.vector_load %arg9[%swap3A_1108, %swap3A_1109] {strides = array<i32>} : memref<56x128xf32, #tpu.memory_space<vmem>>, vector<1x16xf32>,
    %swap3A_1111 = vector.shape_cast %swap3A_1110 : vector<1x16xf32> to vector<16xf32>
    %swap3A_1112 = vector.shape_cast %broadcast_in_dim3A_9 : vector<16xf32> to vector<1x16xf32>
    tpu.vector_store %arg9[%swap3A_1108, %swap3A_1109], %swap3A_1112 {strides = array<i32>} : memref<56x128xf32, #tpu.memory_space<vmem>>, vector<1x16xf32>,
    %swap3A_1113 = arith.constant 23 : i32
    %swap3A_1114 = arith.index_cast %swap3A_1113 : i32 to index
    %swap3A_1115 = arith.constant 0 : index
    %swap3A_1116 = tpu.vector_load %arg9[%swap3A_1114, %swap3A_1115] {strides = array<i32>} : memref<56x128xf32, #tpu.memory_space<vmem>>, vector<1x16xf32>,
    %swap3A_1117 = vector.shape_cast %swap3A_1116 : vector<1x16xf32> to vector<16xf32>
    %swap3A_1118 = vector.shape_cast %broadcast_in_dim3A_9 : vector<16xf32> to vector<1x16xf32>
    tpu.vector_store %arg9[%swap3A_1114, %swap3A_1115], %swap3A_1118 {strides = array<i32>} : memref<56x128xf32, #tpu.memory_space<vmem>>, vector<1x16xf32>,
    %swap3A_1119 = arith.constant 23 : i32
    %swap3A_1120 = arith.index_cast %swap3A_1119 : i32 to index
    %swap3A_1121 = arith.constant 16 : index
    %swap3A_1122 = tpu.vector_load %arg9[%swap3A_1120, %swap3A_1121] {strides = array<i32>} : memref<56x128xf32, #tpu.memory_space<vmem>>, vector<1x16xf32>,
    %swap3A_1123 = vector.shape_cast %swap3A_1122 : vector<1x16xf32> to vector<16xf32>
    %swap3A_1124 = vector.shape_cast %broadcast_in_dim3A_9 : vector<16xf32> to vector<1x16xf32>
    tpu.vector_store %arg9[%swap3A_1120, %swap3A_1121], %swap3A_1124 {strides = array<i32>} : memref<56x128xf32, #tpu.memory_space<vmem>>, vector<1x16xf32>,
    %swap3A_1125 = arith.constant 23 : i32
    %swap3A_1126 = arith.index_cast %swap3A_1125 : i32 to index
    %swap3A_1127 = arith.constant 32 : index
    %swap3A_1128 = tpu.vector_load %arg9[%swap3A_1126, %swap3A_1127] {strides = array<i32>} : memref<56x128xf32, #tpu.memory_space<vmem>>, vector<1x16xf32>,
    %swap3A_1129 = vector.shape_cast %swap3A_1128 : vector<1x16xf32> to vector<16xf32>
    %swap3A_1130 = vector.shape_cast %broadcast_in_dim3A_9 : vector<16xf32> to vector<1x16xf32>
    tpu.vector_store %arg9[%swap3A_1126, %swap3A_1127], %swap3A_1130 {strides = array<i32>} : memref<56x128xf32, #tpu.memory_space<vmem>>, vector<1x16xf32>,
    %swap3A_1131 = arith.constant 23 : i32
    %swap3A_1132 = arith.index_cast %swap3A_1131 : i32 to index
    %swap3A_1133 = arith.constant 48 : index
    %swap3A_1134 = tpu.vector_load %arg9[%swap3A_1132, %swap3A_1133] {strides = array<i32>} : memref<56x128xf32, #tpu.memory_space<vmem>>, vector<1x16xf32>,
    %swap3A_1135 = vector.shape_cast %swap3A_1134 : vector<1x16xf32> to vector<16xf32>
    %swap3A_1136 = vector.shape_cast %broadcast_in_dim3A_9 : vector<16xf32> to vector<1x16xf32>
    tpu.vector_store %arg9[%swap3A_1132, %swap3A_1133], %swap3A_1136 {strides = array<i32>} : memref<56x128xf32, #tpu.memory_space<vmem>>, vector<1x16xf32>,
    %swap3A_1137 = arith.constant 23 : i32
    %swap3A_1138 = arith.index_cast %swap3A_1137 : i32 to index
    %swap3A_1139 = arith.constant 64 : index
    %swap3A_1140 = tpu.vector_load %arg9[%swap3A_1138, %swap3A_1139] {strides = array<i32>} : memref<56x128xf32, #tpu.memory_space<vmem>>, vector<1x16xf32>,
    %swap3A_1141 = vector.shape_cast %swap3A_1140 : vector<1x16xf32> to vector<16xf32>
    %swap3A_1142 = vector.shape_cast %broadcast_in_dim3A_9 : vector<16xf32> to vector<1x16xf32>
    tpu.vector_store %arg9[%swap3A_1138, %swap3A_1139], %swap3A_1142 {strides = array<i32>} : memref<56x128xf32, #tpu.memory_space<vmem>>, vector<1x16xf32>,
    %swap3A_1143 = arith.constant 23 : i32
    %swap3A_1144 = arith.index_cast %swap3A_1143 : i32 to index
    %swap3A_1145 = arith.constant 80 : index
    %swap3A_1146 = tpu.vector_load %arg9[%swap3A_1144, %swap3A_1145] {strides = array<i32>} : memref<56x128xf32, #tpu.memory_space<vmem>>, vector<1x16xf32>,
    %swap3A_1147 = vector.shape_cast %swap3A_1146 : vector<1x16xf32> to vector<16xf32>
    %swap3A_1148 = vector.shape_cast %broadcast_in_dim3A_9 : vector<16xf32> to vector<1x16xf32>
    tpu.vector_store %arg9[%swap3A_1144, %swap3A_1145], %swap3A_1148 {strides = array<i32>} : memref<56x128xf32, #tpu.memory_space<vmem>>, vector<1x16xf32>,
    %swap3A_1149 = arith.constant 23 : i32
    %swap3A_1150 = arith.index_cast %swap3A_1149 : i32 to index
    %swap3A_1151 = arith.constant 96 : index
    %swap3A_1152 = tpu.vector_load %arg9[%swap3A_1150, %swap3A_1151] {strides = array<i32>} : memref<56x128xf32, #tpu.memory_space<vmem>>, vector<1x16xf32>,
    %swap3A_1153 = vector.shape_cast %swap3A_1152 : vector<1x16xf32> to vector<16xf32>
    %swap3A_1154 = vector.shape_cast %broadcast_in_dim3A_9 : vector<16xf32> to vector<1x16xf32>
    tpu.vector_store %arg9[%swap3A_1150, %swap3A_1151], %swap3A_1154 {strides = array<i32>} : memref<56x128xf32, #tpu.memory_space<vmem>>, vector<1x16xf32>,
    %swap3A_1155 = arith.constant 23 : i32
    %swap3A_1156 = arith.index_cast %swap3A_1155 : i32 to index
    %swap3A_1157 = arith.constant 112 : index
    %swap3A_1158 = tpu.vector_load %arg9[%swap3A_1156, %swap3A_1157] {strides = array<i32>} : memref<56x128xf32, #tpu.memory_space<vmem>>, vector<1x16xf32>,
    %swap3A_1159 = vector.shape_cast %swap3A_1158 : vector<1x16xf32> to vector<16xf32>
    %swap3A_1160 = vector.shape_cast %broadcast_in_dim3A_9 : vector<16xf32> to vector<1x16xf32>
    tpu.vector_store %arg9[%swap3A_1156, %swap3A_1157], %swap3A_1160 {strides = array<i32>} : memref<56x128xf32, #tpu.memory_space<vmem>>, vector<1x16xf32>,
    %swap3A_1161 = arith.constant 24 : i32
    %swap3A_1162 = arith.index_cast %swap3A_1161 : i32 to index
    %swap3A_1163 = arith.constant 0 : index
    %swap3A_1164 = tpu.vector_load %arg9[%swap3A_1162, %swap3A_1163] {strides = array<i32>} : memref<56x128xf32, #tpu.memory_space<vmem>>, vector<1x16xf32>,
    %swap3A_1165 = vector.shape_cast %swap3A_1164 : vector<1x16xf32> to vector<16xf32>
    %swap3A_1166 = vector.shape_cast %broadcast_in_dim3A_9 : vector<16xf32> to vector<1x16xf32>
    tpu.vector_store %arg9[%swap3A_1162, %swap3A_1163], %swap3A_1166 {strides = array<i32>} : memref<56x128xf32, #tpu.memory_space<vmem>>, vector<1x16xf32>,
    %swap3A_1167 = arith.constant 24 : i32
    %swap3A_1168 = arith.index_cast %swap3A_1167 : i32 to index
    %swap3A_1169 = arith.constant 16 : index
    %swap3A_1170 = tpu.vector_load %arg9[%swap3A_1168, %swap3A_1169] {strides = array<i32>} : memref<56x128xf32, #tpu.memory_space<vmem>>, vector<1x16xf32>,
    %swap3A_1171 = vector.shape_cast %swap3A_1170 : vector<1x16xf32> to vector<16xf32>
    %swap3A_1172 = vector.shape_cast %broadcast_in_dim3A_9 : vector<16xf32> to vector<1x16xf32>
    tpu.vector_store %arg9[%swap3A_1168, %swap3A_1169], %swap3A_1172 {strides = array<i32>} : memref<56x128xf32, #tpu.memory_space<vmem>>, vector<1x16xf32>,
    %swap3A_1173 = arith.constant 24 : i32
    %swap3A_1174 = arith.index_cast %swap3A_1173 : i32 to index
    %swap3A_1175 = arith.constant 32 : index
    %swap3A_1176 = tpu.vector_load %arg9[%swap3A_1174, %swap3A_1175] {strides = array<i32>} : memref<56x128xf32, #tpu.memory_space<vmem>>, vector<1x16xf32>,
    %swap3A_1177 = vector.shape_cast %swap3A_1176 : vector<1x16xf32> to vector<16xf32>
    %swap3A_1178 = vector.shape_cast %broadcast_in_dim3A_9 : vector<16xf32> to vector<1x16xf32>
    tpu.vector_store %arg9[%swap3A_1174, %swap3A_1175], %swap3A_1178 {strides = array<i32>} : memref<56x128xf32, #tpu.memory_space<vmem>>, vector<1x16xf32>,
    %swap3A_1179 = arith.constant 24 : i32
    %swap3A_1180 = arith.index_cast %swap3A_1179 : i32 to index
    %swap3A_1181 = arith.constant 48 : index
    %swap3A_1182 = tpu.vector_load %arg9[%swap3A_1180, %swap3A_1181] {strides = array<i32>} : memref<56x128xf32, #tpu.memory_space<vmem>>, vector<1x16xf32>,
    %swap3A_1183 = vector.shape_cast %swap3A_1182 : vector<1x16xf32> to vector<16xf32>
    %swap3A_1184 = vector.shape_cast %broadcast_in_dim3A_9 : vector<16xf32> to vector<1x16xf32>
    tpu.vector_store %arg9[%swap3A_1180, %swap3A_1181], %swap3A_1184 {strides = array<i32>} : memref<56x128xf32, #tpu.memory_space<vmem>>, vector<1x16xf32>,
    %swap3A_1185 = arith.constant 24 : i32
    %swap3A_1186 = arith.index_cast %swap3A_1185 : i32 to index
    %swap3A_1187 = arith.constant 64 : index
    %swap3A_1188 = tpu.vector_load %arg9[%swap3A_1186, %swap3A_1187] {strides = array<i32>} : memref<56x128xf32, #tpu.memory_space<vmem>>, vector<1x16xf32>,
    %swap3A_1189 = vector.shape_cast %swap3A_1188 : vector<1x16xf32> to vector<16xf32>
    %swap3A_1190 = vector.shape_cast %broadcast_in_dim3A_9 : vector<16xf32> to vector<1x16xf32>
    tpu.vector_store %arg9[%swap3A_1186, %swap3A_1187], %swap3A_1190 {strides = array<i32>} : memref<56x128xf32, #tpu.memory_space<vmem>>, vector<1x16xf32>,
    %swap3A_1191 = arith.constant 24 : i32
    %swap3A_1192 = arith.index_cast %swap3A_1191 : i32 to index
    %swap3A_1193 = arith.constant 80 : index
    %swap3A_1194 = tpu.vector_load %arg9[%swap3A_1192, %swap3A_1193] {strides = array<i32>} : memref<56x128xf32, #tpu.memory_space<vmem>>, vector<1x16xf32>,
    %swap3A_1195 = vector.shape_cast %swap3A_1194 : vector<1x16xf32> to vector<16xf32>
    %swap3A_1196 = vector.shape_cast %broadcast_in_dim3A_9 : vector<16xf32> to vector<1x16xf32>
    tpu.vector_store %arg9[%swap3A_1192, %swap3A_1193], %swap3A_1196 {strides = array<i32>} : memref<56x128xf32, #tpu.memory_space<vmem>>, vector<1x16xf32>,
    %swap3A_1197 = arith.constant 24 : i32
    %swap3A_1198 = arith.index_cast %swap3A_1197 : i32 to index
    %swap3A_1199 = arith.constant 96 : index
    %swap3A_1200 = tpu.vector_load %arg9[%swap3A_1198, %swap3A_1199] {strides = array<i32>} : memref<56x128xf32, #tpu.memory_space<vmem>>, vector<1x16xf32>,
    %swap3A_1201 = vector.shape_cast %swap3A_1200 : vector<1x16xf32> to vector<16xf32>
    %swap3A_1202 = vector.shape_cast %broadcast_in_dim3A_9 : vector<16xf32> to vector<1x16xf32>
    tpu.vector_store %arg9[%swap3A_1198, %swap3A_1199], %swap3A_1202 {strides = array<i32>} : memref<56x128xf32, #tpu.memory_space<vmem>>, vector<1x16xf32>,
    %swap3A_1203 = arith.constant 24 : i32
    %swap3A_1204 = arith.index_cast %swap3A_1203 : i32 to index
    %swap3A_1205 = arith.constant 112 : index
    %swap3A_1206 = tpu.vector_load %arg9[%swap3A_1204, %swap3A_1205] {strides = array<i32>} : memref<56x128xf32, #tpu.memory_space<vmem>>, vector<1x16xf32>,
    %swap3A_1207 = vector.shape_cast %swap3A_1206 : vector<1x16xf32> to vector<16xf32>
    %swap3A_1208 = vector.shape_cast %broadcast_in_dim3A_9 : vector<16xf32> to vector<1x16xf32>
    tpu.vector_store %arg9[%swap3A_1204, %swap3A_1205], %swap3A_1208 {strides = array<i32>} : memref<56x128xf32, #tpu.memory_space<vmem>>, vector<1x16xf32>,
    %swap3A_1209 = arith.constant 25 : i32
    %swap3A_1210 = arith.index_cast %swap3A_1209 : i32 to index
    %swap3A_1211 = arith.constant 0 : index
    %swap3A_1212 = tpu.vector_load %arg9[%swap3A_1210, %swap3A_1211] {strides = array<i32>} : memref<56x128xf32, #tpu.memory_space<vmem>>, vector<1x16xf32>,
    %swap3A_1213 = vector.shape_cast %swap3A_1212 : vector<1x16xf32> to vector<16xf32>
    %swap3A_1214 = vector.shape_cast %broadcast_in_dim3A_9 : vector<16xf32> to vector<1x16xf32>
    tpu.vector_store %arg9[%swap3A_1210, %swap3A_1211], %swap3A_1214 {strides = array<i32>} : memref<56x128xf32, #tpu.memory_space<vmem>>, vector<1x16xf32>,
    %swap3A_1215 = arith.constant 25 : i32
    %swap3A_1216 = arith.index_cast %swap3A_1215 : i32 to index
    %swap3A_1217 = arith.constant 16 : index
    %swap3A_1218 = tpu.vector_load %arg9[%swap3A_1216, %swap3A_1217] {strides = array<i32>} : memref<56x128xf32, #tpu.memory_space<vmem>>, vector<1x16xf32>,
    %swap3A_1219 = vector.shape_cast %swap3A_1218 : vector<1x16xf32> to vector<16xf32>
    %swap3A_1220 = vector.shape_cast %broadcast_in_dim3A_9 : vector<16xf32> to vector<1x16xf32>
    tpu.vector_store %arg9[%swap3A_1216, %swap3A_1217], %swap3A_1220 {strides = array<i32>} : memref<56x128xf32, #tpu.memory_space<vmem>>, vector<1x16xf32>,
    %swap3A_1221 = arith.constant 25 : i32
    %swap3A_1222 = arith.index_cast %swap3A_1221 : i32 to index
    %swap3A_1223 = arith.constant 32 : index
    %swap3A_1224 = tpu.vector_load %arg9[%swap3A_1222, %swap3A_1223] {strides = array<i32>} : memref<56x128xf32, #tpu.memory_space<vmem>>, vector<1x16xf32>,
    %swap3A_1225 = vector.shape_cast %swap3A_1224 : vector<1x16xf32> to vector<16xf32>
    %swap3A_1226 = vector.shape_cast %broadcast_in_dim3A_9 : vector<16xf32> to vector<1x16xf32>
    tpu.vector_store %arg9[%swap3A_1222, %swap3A_1223], %swap3A_1226 {strides = array<i32>} : memref<56x128xf32, #tpu.memory_space<vmem>>, vector<1x16xf32>,
    %swap3A_1227 = arith.constant 25 : i32
    %swap3A_1228 = arith.index_cast %swap3A_1227 : i32 to index
    %swap3A_1229 = arith.constant 48 : index
    %swap3A_1230 = tpu.vector_load %arg9[%swap3A_1228, %swap3A_1229] {strides = array<i32>} : memref<56x128xf32, #tpu.memory_space<vmem>>, vector<1x16xf32>,
    %swap3A_1231 = vector.shape_cast %swap3A_1230 : vector<1x16xf32> to vector<16xf32>
    %swap3A_1232 = vector.shape_cast %broadcast_in_dim3A_9 : vector<16xf32> to vector<1x16xf32>
    tpu.vector_store %arg9[%swap3A_1228, %swap3A_1229], %swap3A_1232 {strides = array<i32>} : memref<56x128xf32, #tpu.memory_space<vmem>>, vector<1x16xf32>,
    %swap3A_1233 = arith.constant 25 : i32
    %swap3A_1234 = arith.index_cast %swap3A_1233 : i32 to index
    %swap3A_1235 = arith.constant 64 : index
    %swap3A_1236 = tpu.vector_load %arg9[%swap3A_1234, %swap3A_1235] {strides = array<i32>} : memref<56x128xf32, #tpu.memory_space<vmem>>, vector<1x16xf32>,
    %swap3A_1237 = vector.shape_cast %swap3A_1236 : vector<1x16xf32> to vector<16xf32>
    %swap3A_1238 = vector.shape_cast %broadcast_in_dim3A_9 : vector<16xf32> to vector<1x16xf32>
    tpu.vector_store %arg9[%swap3A_1234, %swap3A_1235], %swap3A_1238 {strides = array<i32>} : memref<56x128xf32, #tpu.memory_space<vmem>>, vector<1x16xf32>,
    %swap3A_1239 = arith.constant 25 : i32
    %swap3A_1240 = arith.index_cast %swap3A_1239 : i32 to index
    %swap3A_1241 = arith.constant 80 : index
    %swap3A_1242 = tpu.vector_load %arg9[%swap3A_1240, %swap3A_1241] {strides = array<i32>} : memref<56x128xf32, #tpu.memory_space<vmem>>, vector<1x16xf32>,
    %swap3A_1243 = vector.shape_cast %swap3A_1242 : vector<1x16xf32> to vector<16xf32>
    %swap3A_1244 = vector.shape_cast %broadcast_in_dim3A_9 : vector<16xf32> to vector<1x16xf32>
    tpu.vector_store %arg9[%swap3A_1240, %swap3A_1241], %swap3A_1244 {strides = array<i32>} : memref<56x128xf32, #tpu.memory_space<vmem>>, vector<1x16xf32>,
    %swap3A_1245 = arith.constant 25 : i32
    %swap3A_1246 = arith.index_cast %swap3A_1245 : i32 to index
    %swap3A_1247 = arith.constant 96 : index
    %swap3A_1248 = tpu.vector_load %arg9[%swap3A_1246, %swap3A_1247] {strides = array<i32>} : memref<56x128xf32, #tpu.memory_space<vmem>>, vector<1x16xf32>,
    %swap3A_1249 = vector.shape_cast %swap3A_1248 : vector<1x16xf32> to vector<16xf32>
    %swap3A_1250 = vector.shape_cast %broadcast_in_dim3A_9 : vector<16xf32> to vector<1x16xf32>
    tpu.vector_store %arg9[%swap3A_1246, %swap3A_1247], %swap3A_1250 {strides = array<i32>} : memref<56x128xf32, #tpu.memory_space<vmem>>, vector<1x16xf32>,
    %swap3A_1251 = arith.constant 25 : i32
    %swap3A_1252 = arith.index_cast %swap3A_1251 : i32 to index
    %swap3A_1253 = arith.constant 112 : index
    %swap3A_1254 = tpu.vector_load %arg9[%swap3A_1252, %swap3A_1253] {strides = array<i32>} : memref<56x128xf32, #tpu.memory_space<vmem>>, vector<1x16xf32>,
    %swap3A_1255 = vector.shape_cast %swap3A_1254 : vector<1x16xf32> to vector<16xf32>
    %swap3A_1256 = vector.shape_cast %broadcast_in_dim3A_9 : vector<16xf32> to vector<1x16xf32>
    tpu.vector_store %arg9[%swap3A_1252, %swap3A_1253], %swap3A_1256 {strides = array<i32>} : memref<56x128xf32, #tpu.memory_space<vmem>>, vector<1x16xf32>,
    %swap3A_1257 = arith.constant 26 : i32
    %swap3A_1258 = arith.index_cast %swap3A_1257 : i32 to index
    %swap3A_1259 = arith.constant 0 : index
    %swap3A_1260 = tpu.vector_load %arg9[%swap3A_1258, %swap3A_1259] {strides = array<i32>} : memref<56x128xf32, #tpu.memory_space<vmem>>, vector<1x16xf32>,
    %swap3A_1261 = vector.shape_cast %swap3A_1260 : vector<1x16xf32> to vector<16xf32>
    %swap3A_1262 = vector.shape_cast %broadcast_in_dim3A_9 : vector<16xf32> to vector<1x16xf32>
    tpu.vector_store %arg9[%swap3A_1258, %swap3A_1259], %swap3A_1262 {strides = array<i32>} : memref<56x128xf32, #tpu.memory_space<vmem>>, vector<1x16xf32>,
    %swap3A_1263 = arith.constant 26 : i32
    %swap3A_1264 = arith.index_cast %swap3A_1263 : i32 to index
    %swap3A_1265 = arith.constant 16 : index
    %swap3A_1266 = tpu.vector_load %arg9[%swap3A_1264, %swap3A_1265] {strides = array<i32>} : memref<56x128xf32, #tpu.memory_space<vmem>>, vector<1x16xf32>,
    %swap3A_1267 = vector.shape_cast %swap3A_1266 : vector<1x16xf32> to vector<16xf32>
    %swap3A_1268 = vector.shape_cast %broadcast_in_dim3A_9 : vector<16xf32> to vector<1x16xf32>
    tpu.vector_store %arg9[%swap3A_1264, %swap3A_1265], %swap3A_1268 {strides = array<i32>} : memref<56x128xf32, #tpu.memory_space<vmem>>, vector<1x16xf32>,
    %swap3A_1269 = arith.constant 26 : i32
    %swap3A_1270 = arith.index_cast %swap3A_1269 : i32 to index
    %swap3A_1271 = arith.constant 32 : index
    %swap3A_1272 = tpu.vector_load %arg9[%swap3A_1270, %swap3A_1271] {strides = array<i32>} : memref<56x128xf32, #tpu.memory_space<vmem>>, vector<1x16xf32>,
    %swap3A_1273 = vector.shape_cast %swap3A_1272 : vector<1x16xf32> to vector<16xf32>
    %swap3A_1274 = vector.shape_cast %broadcast_in_dim3A_9 : vector<16xf32> to vector<1x16xf32>
    tpu.vector_store %arg9[%swap3A_1270, %swap3A_1271], %swap3A_1274 {strides = array<i32>} : memref<56x128xf32, #tpu.memory_space<vmem>>, vector<1x16xf32>,
    %swap3A_1275 = arith.constant 26 : i32
    %swap3A_1276 = arith.index_cast %swap3A_1275 : i32 to index
    %swap3A_1277 = arith.constant 48 : index
    %swap3A_1278 = tpu.vector_load %arg9[%swap3A_1276, %swap3A_1277] {strides = array<i32>} : memref<56x128xf32, #tpu.memory_space<vmem>>, vector<1x16xf32>,
    %swap3A_1279 = vector.shape_cast %swap3A_1278 : vector<1x16xf32> to vector<16xf32>
    %swap3A_1280 = vector.shape_cast %broadcast_in_dim3A_9 : vector<16xf32> to vector<1x16xf32>
    tpu.vector_store %arg9[%swap3A_1276, %swap3A_1277], %swap3A_1280 {strides = array<i32>} : memref<56x128xf32, #tpu.memory_space<vmem>>, vector<1x16xf32>,
    %swap3A_1281 = arith.constant 26 : i32
    %swap3A_1282 = arith.index_cast %swap3A_1281 : i32 to index
    %swap3A_1283 = arith.constant 64 : index
    %swap3A_1284 = tpu.vector_load %arg9[%swap3A_1282, %swap3A_1283] {strides = array<i32>} : memref<56x128xf32, #tpu.memory_space<vmem>>, vector<1x16xf32>,
    %swap3A_1285 = vector.shape_cast %swap3A_1284 : vector<1x16xf32> to vector<16xf32>
    %swap3A_1286 = vector.shape_cast %broadcast_in_dim3A_9 : vector<16xf32> to vector<1x16xf32>
    tpu.vector_store %arg9[%swap3A_1282, %swap3A_1283], %swap3A_1286 {strides = array<i32>} : memref<56x128xf32, #tpu.memory_space<vmem>>, vector<1x16xf32>,
    %swap3A_1287 = arith.constant 26 : i32
    %swap3A_1288 = arith.index_cast %swap3A_1287 : i32 to index
    %swap3A_1289 = arith.constant 80 : index
    %swap3A_1290 = tpu.vector_load %arg9[%swap3A_1288, %swap3A_1289] {strides = array<i32>} : memref<56x128xf32, #tpu.memory_space<vmem>>, vector<1x16xf32>,
    %swap3A_1291 = vector.shape_cast %swap3A_1290 : vector<1x16xf32> to vector<16xf32>
    %swap3A_1292 = vector.shape_cast %broadcast_in_dim3A_9 : vector<16xf32> to vector<1x16xf32>
    tpu.vector_store %arg9[%swap3A_1288, %swap3A_1289], %swap3A_1292 {strides = array<i32>} : memref<56x128xf32, #tpu.memory_space<vmem>>, vector<1x16xf32>,
    %swap3A_1293 = arith.constant 26 : i32
    %swap3A_1294 = arith.index_cast %swap3A_1293 : i32 to index
    %swap3A_1295 = arith.constant 96 : index
    %swap3A_1296 = tpu.vector_load %arg9[%swap3A_1294, %swap3A_1295] {strides = array<i32>} : memref<56x128xf32, #tpu.memory_space<vmem>>, vector<1x16xf32>,
    %swap3A_1297 = vector.shape_cast %swap3A_1296 : vector<1x16xf32> to vector<16xf32>
    %swap3A_1298 = vector.shape_cast %broadcast_in_dim3A_9 : vector<16xf32> to vector<1x16xf32>
    tpu.vector_store %arg9[%swap3A_1294, %swap3A_1295], %swap3A_1298 {strides = array<i32>} : memref<56x128xf32, #tpu.memory_space<vmem>>, vector<1x16xf32>,
    %swap3A_1299 = arith.constant 26 : i32
    %swap3A_1300 = arith.index_cast %swap3A_1299 : i32 to index
    %swap3A_1301 = arith.constant 112 : index
    %swap3A_1302 = tpu.vector_load %arg9[%swap3A_1300, %swap3A_1301] {strides = array<i32>} : memref<56x128xf32, #tpu.memory_space<vmem>>, vector<1x16xf32>,
    %swap3A_1303 = vector.shape_cast %swap3A_1302 : vector<1x16xf32> to vector<16xf32>
    %swap3A_1304 = vector.shape_cast %broadcast_in_dim3A_9 : vector<16xf32> to vector<1x16xf32>
    tpu.vector_store %arg9[%swap3A_1300, %swap3A_1301], %swap3A_1304 {strides = array<i32>} : memref<56x128xf32, #tpu.memory_space<vmem>>, vector<1x16xf32>,
    %swap3A_1305 = arith.constant 27 : i32
    %swap3A_1306 = arith.index_cast %swap3A_1305 : i32 to index
    %swap3A_1307 = arith.constant 0 : index
    %swap3A_1308 = tpu.vector_load %arg9[%swap3A_1306, %swap3A_1307] {strides = array<i32>} : memref<56x128xf32, #tpu.memory_space<vmem>>, vector<1x16xf32>,
    %swap3A_1309 = vector.shape_cast %swap3A_1308 : vector<1x16xf32> to vector<16xf32>
    %swap3A_1310 = vector.shape_cast %broadcast_in_dim3A_9 : vector<16xf32> to vector<1x16xf32>
    tpu.vector_store %arg9[%swap3A_1306, %swap3A_1307], %swap3A_1310 {strides = array<i32>} : memref<56x128xf32, #tpu.memory_space<vmem>>, vector<1x16xf32>,
    %swap3A_1311 = arith.constant 27 : i32
    %swap3A_1312 = arith.index_cast %swap3A_1311 : i32 to index
    %swap3A_1313 = arith.constant 16 : index
    %swap3A_1314 = tpu.vector_load %arg9[%swap3A_1312, %swap3A_1313] {strides = array<i32>} : memref<56x128xf32, #tpu.memory_space<vmem>>, vector<1x16xf32>,
    %swap3A_1315 = vector.shape_cast %swap3A_1314 : vector<1x16xf32> to vector<16xf32>
    %swap3A_1316 = vector.shape_cast %broadcast_in_dim3A_9 : vector<16xf32> to vector<1x16xf32>
    tpu.vector_store %arg9[%swap3A_1312, %swap3A_1313], %swap3A_1316 {strides = array<i32>} : memref<56x128xf32, #tpu.memory_space<vmem>>, vector<1x16xf32>,
    %swap3A_1317 = arith.constant 27 : i32
    %swap3A_1318 = arith.index_cast %swap3A_1317 : i32 to index
    %swap3A_1319 = arith.constant 32 : index
    %swap3A_1320 = tpu.vector_load %arg9[%swap3A_1318, %swap3A_1319] {strides = array<i32>} : memref<56x128xf32, #tpu.memory_space<vmem>>, vector<1x16xf32>,
    %swap3A_1321 = vector.shape_cast %swap3A_1320 : vector<1x16xf32> to vector<16xf32>
    %swap3A_1322 = vector.shape_cast %broadcast_in_dim3A_9 : vector<16xf32> to vector<1x16xf32>
    tpu.vector_store %arg9[%swap3A_1318, %swap3A_1319], %swap3A_1322 {strides = array<i32>} : memref<56x128xf32, #tpu.memory_space<vmem>>, vector<1x16xf32>,
    %swap3A_1323 = arith.constant 27 : i32
    %swap3A_1324 = arith.index_cast %swap3A_1323 : i32 to index
    %swap3A_1325 = arith.constant 48 : index
    %swap3A_1326 = tpu.vector_load %arg9[%swap3A_1324, %swap3A_1325] {strides = array<i32>} : memref<56x128xf32, #tpu.memory_space<vmem>>, vector<1x16xf32>,
    %swap3A_1327 = vector.shape_cast %swap3A_1326 : vector<1x16xf32> to vector<16xf32>
    %swap3A_1328 = vector.shape_cast %broadcast_in_dim3A_9 : vector<16xf32> to vector<1x16xf32>
    tpu.vector_store %arg9[%swap3A_1324, %swap3A_1325], %swap3A_1328 {strides = array<i32>} : memref<56x128xf32, #tpu.memory_space<vmem>>, vector<1x16xf32>,
    %swap3A_1329 = arith.constant 27 : i32
    %swap3A_1330 = arith.index_cast %swap3A_1329 : i32 to index
    %swap3A_1331 = arith.constant 64 : index
    %swap3A_1332 = tpu.vector_load %arg9[%swap3A_1330, %swap3A_1331] {strides = array<i32>} : memref<56x128xf32, #tpu.memory_space<vmem>>, vector<1x16xf32>,
    %swap3A_1333 = vector.shape_cast %swap3A_1332 : vector<1x16xf32> to vector<16xf32>
    %swap3A_1334 = vector.shape_cast %broadcast_in_dim3A_9 : vector<16xf32> to vector<1x16xf32>
    tpu.vector_store %arg9[%swap3A_1330, %swap3A_1331], %swap3A_1334 {strides = array<i32>} : memref<56x128xf32, #tpu.memory_space<vmem>>, vector<1x16xf32>,
    %swap3A_1335 = arith.constant 27 : i32
    %swap3A_1336 = arith.index_cast %swap3A_1335 : i32 to index
    %swap3A_1337 = arith.constant 80 : index
    %swap3A_1338 = tpu.vector_load %arg9[%swap3A_1336, %swap3A_1337] {strides = array<i32>} : memref<56x128xf32, #tpu.memory_space<vmem>>, vector<1x16xf32>,
    %swap3A_1339 = vector.shape_cast %swap3A_1338 : vector<1x16xf32> to vector<16xf32>
    %swap3A_1340 = vector.shape_cast %broadcast_in_dim3A_9 : vector<16xf32> to vector<1x16xf32>
    tpu.vector_store %arg9[%swap3A_1336, %swap3A_1337], %swap3A_1340 {strides = array<i32>} : memref<56x128xf32, #tpu.memory_space<vmem>>, vector<1x16xf32>,
    %swap3A_1341 = arith.constant 27 : i32
    %swap3A_1342 = arith.index_cast %swap3A_1341 : i32 to index
    %swap3A_1343 = arith.constant 96 : index
    %swap3A_1344 = tpu.vector_load %arg9[%swap3A_1342, %swap3A_1343] {strides = array<i32>} : memref<56x128xf32, #tpu.memory_space<vmem>>, vector<1x16xf32>,
    %swap3A_1345 = vector.shape_cast %swap3A_1344 : vector<1x16xf32> to vector<16xf32>
    %swap3A_1346 = vector.shape_cast %broadcast_in_dim3A_9 : vector<16xf32> to vector<1x16xf32>
    tpu.vector_store %arg9[%swap3A_1342, %swap3A_1343], %swap3A_1346 {strides = array<i32>} : memref<56x128xf32, #tpu.memory_space<vmem>>, vector<1x16xf32>,
    %swap3A_1347 = arith.constant 27 : i32
    %swap3A_1348 = arith.index_cast %swap3A_1347 : i32 to index
    %swap3A_1349 = arith.constant 112 : index
    %swap3A_1350 = tpu.vector_load %arg9[%swap3A_1348, %swap3A_1349] {strides = array<i32>} : memref<56x128xf32, #tpu.memory_space<vmem>>, vector<1x16xf32>,
    %swap3A_1351 = vector.shape_cast %swap3A_1350 : vector<1x16xf32> to vector<16xf32>
    %swap3A_1352 = vector.shape_cast %broadcast_in_dim3A_9 : vector<16xf32> to vector<1x16xf32>
    tpu.vector_store %arg9[%swap3A_1348, %swap3A_1349], %swap3A_1352 {strides = array<i32>} : memref<56x128xf32, #tpu.memory_space<vmem>>, vector<1x16xf32>,
    %swap3A_1353 = arith.constant 28 : i32
    %swap3A_1354 = arith.index_cast %swap3A_1353 : i32 to index
    %swap3A_1355 = arith.constant 0 : index
    %swap3A_1356 = tpu.vector_load %arg9[%swap3A_1354, %swap3A_1355] {strides = array<i32>} : memref<56x128xf32, #tpu.memory_space<vmem>>, vector<1x16xf32>,
    %swap3A_1357 = vector.shape_cast %swap3A_1356 : vector<1x16xf32> to vector<16xf32>
    %swap3A_1358 = vector.shape_cast %broadcast_in_dim3A_9 : vector<16xf32> to vector<1x16xf32>
    tpu.vector_store %arg9[%swap3A_1354, %swap3A_1355], %swap3A_1358 {strides = array<i32>} : memref<56x128xf32, #tpu.memory_space<vmem>>, vector<1x16xf32>,
    %swap3A_1359 = arith.constant 28 : i32
    %swap3A_1360 = arith.index_cast %swap3A_1359 : i32 to index
    %swap3A_1361 = arith.constant 16 : index
    %swap3A_1362 = tpu.vector_load %arg9[%swap3A_1360, %swap3A_1361] {strides = array<i32>} : memref<56x128xf32, #tpu.memory_space<vmem>>, vector<1x16xf32>,
    %swap3A_1363 = vector.shape_cast %swap3A_1362 : vector<1x16xf32> to vector<16xf32>
    %swap3A_1364 = vector.shape_cast %broadcast_in_dim3A_9 : vector<16xf32> to vector<1x16xf32>
    tpu.vector_store %arg9[%swap3A_1360, %swap3A_1361], %swap3A_1364 {strides = array<i32>} : memref<56x128xf32, #tpu.memory_space<vmem>>, vector<1x16xf32>,
    %swap3A_1365 = arith.constant 28 : i32
    %swap3A_1366 = arith.index_cast %swap3A_1365 : i32 to index
    %swap3A_1367 = arith.constant 32 : index
    %swap3A_1368 = tpu.vector_load %arg9[%swap3A_1366, %swap3A_1367] {strides = array<i32>} : memref<56x128xf32, #tpu.memory_space<vmem>>, vector<1x16xf32>,
    %swap3A_1369 = vector.shape_cast %swap3A_1368 : vector<1x16xf32> to vector<16xf32>
    %swap3A_1370 = vector.shape_cast %broadcast_in_dim3A_9 : vector<16xf32> to vector<1x16xf32>
    tpu.vector_store %arg9[%swap3A_1366, %swap3A_1367], %swap3A_1370 {strides = array<i32>} : memref<56x128xf32, #tpu.memory_space<vmem>>, vector<1x16xf32>,
    %swap3A_1371 = arith.constant 28 : i32
    %swap3A_1372 = arith.index_cast %swap3A_1371 : i32 to index
    %swap3A_1373 = arith.constant 48 : index
    %swap3A_1374 = tpu.vector_load %arg9[%swap3A_1372, %swap3A_1373] {strides = array<i32>} : memref<56x128xf32, #tpu.memory_space<vmem>>, vector<1x16xf32>,
    %swap3A_1375 = vector.shape_cast %swap3A_1374 : vector<1x16xf32> to vector<16xf32>
    %swap3A_1376 = vector.shape_cast %broadcast_in_dim3A_9 : vector<16xf32> to vector<1x16xf32>
    tpu.vector_store %arg9[%swap3A_1372, %swap3A_1373], %swap3A_1376 {strides = array<i32>} : memref<56x128xf32, #tpu.memory_space<vmem>>, vector<1x16xf32>,
    %swap3A_1377 = arith.constant 28 : i32
    %swap3A_1378 = arith.index_cast %swap3A_1377 : i32 to index
    %swap3A_1379 = arith.constant 64 : index
    %swap3A_1380 = tpu.vector_load %arg9[%swap3A_1378, %swap3A_1379] {strides = array<i32>} : memref<56x128xf32, #tpu.memory_space<vmem>>, vector<1x16xf32>,
    %swap3A_1381 = vector.shape_cast %swap3A_1380 : vector<1x16xf32> to vector<16xf32>
    %swap3A_1382 = vector.shape_cast %broadcast_in_dim3A_9 : vector<16xf32> to vector<1x16xf32>
    tpu.vector_store %arg9[%swap3A_1378, %swap3A_1379], %swap3A_1382 {strides = array<i32>} : memref<56x128xf32, #tpu.memory_space<vmem>>, vector<1x16xf32>,
    %swap3A_1383 = arith.constant 28 : i32
    %swap3A_1384 = arith.index_cast %swap3A_1383 : i32 to index
    %swap3A_1385 = arith.constant 80 : index
    %swap3A_1386 = tpu.vector_load %arg9[%swap3A_1384, %swap3A_1385] {strides = array<i32>} : memref<56x128xf32, #tpu.memory_space<vmem>>, vector<1x16xf32>,
    %swap3A_1387 = vector.shape_cast %swap3A_1386 : vector<1x16xf32> to vector<16xf32>
    %swap3A_1388 = vector.shape_cast %broadcast_in_dim3A_9 : vector<16xf32> to vector<1x16xf32>
    tpu.vector_store %arg9[%swap3A_1384, %swap3A_1385], %swap3A_1388 {strides = array<i32>} : memref<56x128xf32, #tpu.memory_space<vmem>>, vector<1x16xf32>,
    %swap3A_1389 = arith.constant 28 : i32
    %swap3A_1390 = arith.index_cast %swap3A_1389 : i32 to index
    %swap3A_1391 = arith.constant 96 : index
    %swap3A_1392 = tpu.vector_load %arg9[%swap3A_1390, %swap3A_1391] {strides = array<i32>} : memref<56x128xf32, #tpu.memory_space<vmem>>, vector<1x16xf32>,
    %swap3A_1393 = vector.shape_cast %swap3A_1392 : vector<1x16xf32> to vector<16xf32>
    %swap3A_1394 = vector.shape_cast %broadcast_in_dim3A_9 : vector<16xf32> to vector<1x16xf32>
    tpu.vector_store %arg9[%swap3A_1390, %swap3A_1391], %swap3A_1394 {strides = array<i32>} : memref<56x128xf32, #tpu.memory_space<vmem>>, vector<1x16xf32>,
    %swap3A_1395 = arith.constant 28 : i32
    %swap3A_1396 = arith.index_cast %swap3A_1395 : i32 to index
    %swap3A_1397 = arith.constant 112 : index
    %swap3A_1398 = tpu.vector_load %arg9[%swap3A_1396, %swap3A_1397] {strides = array<i32>} : memref<56x128xf32, #tpu.memory_space<vmem>>, vector<1x16xf32>,
    %swap3A_1399 = vector.shape_cast %swap3A_1398 : vector<1x16xf32> to vector<16xf32>
    %swap3A_1400 = vector.shape_cast %broadcast_in_dim3A_9 : vector<16xf32> to vector<1x16xf32>
    tpu.vector_store %arg9[%swap3A_1396, %swap3A_1397], %swap3A_1400 {strides = array<i32>} : memref<56x128xf32, #tpu.memory_space<vmem>>, vector<1x16xf32>,
    %swap3A_1401 = arith.constant 29 : i32
    %swap3A_1402 = arith.index_cast %swap3A_1401 : i32 to index
    %swap3A_1403 = arith.constant 0 : index
    %swap3A_1404 = tpu.vector_load %arg9[%swap3A_1402, %swap3A_1403] {strides = array<i32>} : memref<56x128xf32, #tpu.memory_space<vmem>>, vector<1x16xf32>,
    %swap3A_1405 = vector.shape_cast %swap3A_1404 : vector<1x16xf32> to vector<16xf32>
    %swap3A_1406 = vector.shape_cast %broadcast_in_dim3A_9 : vector<16xf32> to vector<1x16xf32>
    tpu.vector_store %arg9[%swap3A_1402, %swap3A_1403], %swap3A_1406 {strides = array<i32>} : memref<56x128xf32, #tpu.memory_space<vmem>>, vector<1x16xf32>,
    %swap3A_1407 = arith.constant 29 : i32
    %swap3A_1408 = arith.index_cast %swap3A_1407 : i32 to index
    %swap3A_1409 = arith.constant 16 : index
    %swap3A_1410 = tpu.vector_load %arg9[%swap3A_1408, %swap3A_1409] {strides = array<i32>} : memref<56x128xf32, #tpu.memory_space<vmem>>, vector<1x16xf32>,
    %swap3A_1411 = vector.shape_cast %swap3A_1410 : vector<1x16xf32> to vector<16xf32>
    %swap3A_1412 = vector.shape_cast %broadcast_in_dim3A_9 : vector<16xf32> to vector<1x16xf32>
    tpu.vector_store %arg9[%swap3A_1408, %swap3A_1409], %swap3A_1412 {strides = array<i32>} : memref<56x128xf32, #tpu.memory_space<vmem>>, vector<1x16xf32>,
    %swap3A_1413 = arith.constant 29 : i32
    %swap3A_1414 = arith.index_cast %swap3A_1413 : i32 to index
    %swap3A_1415 = arith.constant 32 : index
    %swap3A_1416 = tpu.vector_load %arg9[%swap3A_1414, %swap3A_1415] {strides = array<i32>} : memref<56x128xf32, #tpu.memory_space<vmem>>, vector<1x16xf32>,
    %swap3A_1417 = vector.shape_cast %swap3A_1416 : vector<1x16xf32> to vector<16xf32>
    %swap3A_1418 = vector.shape_cast %broadcast_in_dim3A_9 : vector<16xf32> to vector<1x16xf32>
    tpu.vector_store %arg9[%swap3A_1414, %swap3A_1415], %swap3A_1418 {strides = array<i32>} : memref<56x128xf32, #tpu.memory_space<vmem>>, vector<1x16xf32>,
    %swap3A_1419 = arith.constant 29 : i32
    %swap3A_1420 = arith.index_cast %swap3A_1419 : i32 to index
    %swap3A_1421 = arith.constant 48 : index
    %swap3A_1422 = tpu.vector_load %arg9[%swap3A_1420, %swap3A_1421] {strides = array<i32>} : memref<56x128xf32, #tpu.memory_space<vmem>>, vector<1x16xf32>,
    %swap3A_1423 = vector.shape_cast %swap3A_1422 : vector<1x16xf32> to vector<16xf32>
    %swap3A_1424 = vector.shape_cast %broadcast_in_dim3A_9 : vector<16xf32> to vector<1x16xf32>
    tpu.vector_store %arg9[%swap3A_1420, %swap3A_1421], %swap3A_1424 {strides = array<i32>} : memref<56x128xf32, #tpu.memory_space<vmem>>, vector<1x16xf32>,
    %swap3A_1425 = arith.constant 29 : i32
    %swap3A_1426 = arith.index_cast %swap3A_1425 : i32 to index
    %swap3A_1427 = arith.constant 64 : index
    %swap3A_1428 = tpu.vector_load %arg9[%swap3A_1426, %swap3A_1427] {strides = array<i32>} : memref<56x128xf32, #tpu.memory_space<vmem>>, vector<1x16xf32>,
    %swap3A_1429 = vector.shape_cast %swap3A_1428 : vector<1x16xf32> to vector<16xf32>
    %swap3A_1430 = vector.shape_cast %broadcast_in_dim3A_9 : vector<16xf32> to vector<1x16xf32>
    tpu.vector_store %arg9[%swap3A_1426, %swap3A_1427], %swap3A_1430 {strides = array<i32>} : memref<56x128xf32, #tpu.memory_space<vmem>>, vector<1x16xf32>,
    %swap3A_1431 = arith.constant 29 : i32
    %swap3A_1432 = arith.index_cast %swap3A_1431 : i32 to index
    %swap3A_1433 = arith.constant 80 : index
    %swap3A_1434 = tpu.vector_load %arg9[%swap3A_1432, %swap3A_1433] {strides = array<i32>} : memref<56x128xf32, #tpu.memory_space<vmem>>, vector<1x16xf32>,
    %swap3A_1435 = vector.shape_cast %swap3A_1434 : vector<1x16xf32> to vector<16xf32>
    %swap3A_1436 = vector.shape_cast %broadcast_in_dim3A_9 : vector<16xf32> to vector<1x16xf32>
    tpu.vector_store %arg9[%swap3A_1432, %swap3A_1433], %swap3A_1436 {strides = array<i32>} : memref<56x128xf32, #tpu.memory_space<vmem>>, vector<1x16xf32>,
    %swap3A_1437 = arith.constant 29 : i32
    %swap3A_1438 = arith.index_cast %swap3A_1437 : i32 to index
    %swap3A_1439 = arith.constant 96 : index
    %swap3A_1440 = tpu.vector_load %arg9[%swap3A_1438, %swap3A_1439] {strides = array<i32>} : memref<56x128xf32, #tpu.memory_space<vmem>>, vector<1x16xf32>,
    %swap3A_1441 = vector.shape_cast %swap3A_1440 : vector<1x16xf32> to vector<16xf32>
    %swap3A_1442 = vector.shape_cast %broadcast_in_dim3A_9 : vector<16xf32> to vector<1x16xf32>
    tpu.vector_store %arg9[%swap3A_1438, %swap3A_1439], %swap3A_1442 {strides = array<i32>} : memref<56x128xf32, #tpu.memory_space<vmem>>, vector<1x16xf32>,
    %swap3A_1443 = arith.constant 29 : i32
    %swap3A_1444 = arith.index_cast %swap3A_1443 : i32 to index
    %swap3A_1445 = arith.constant 112 : index
    %swap3A_1446 = tpu.vector_load %arg9[%swap3A_1444, %swap3A_1445] {strides = array<i32>} : memref<56x128xf32, #tpu.memory_space<vmem>>, vector<1x16xf32>,
    %swap3A_1447 = vector.shape_cast %swap3A_1446 : vector<1x16xf32> to vector<16xf32>
    %swap3A_1448 = vector.shape_cast %broadcast_in_dim3A_9 : vector<16xf32> to vector<1x16xf32>
    tpu.vector_store %arg9[%swap3A_1444, %swap3A_1445], %swap3A_1448 {strides = array<i32>} : memref<56x128xf32, #tpu.memory_space<vmem>>, vector<1x16xf32>,
    %swap3A_1449 = arith.constant 30 : i32
    %swap3A_1450 = arith.index_cast %swap3A_1449 : i32 to index
    %swap3A_1451 = arith.constant 0 : index
    %swap3A_1452 = tpu.vector_load %arg9[%swap3A_1450, %swap3A_1451] {strides = array<i32>} : memref<56x128xf32, #tpu.memory_space<vmem>>, vector<1x16xf32>,
    %swap3A_1453 = vector.shape_cast %swap3A_1452 : vector<1x16xf32> to vector<16xf32>
    %swap3A_1454 = vector.shape_cast %broadcast_in_dim3A_9 : vector<16xf32> to vector<1x16xf32>
    tpu.vector_store %arg9[%swap3A_1450, %swap3A_1451], %swap3A_1454 {strides = array<i32>} : memref<56x128xf32, #tpu.memory_space<vmem>>, vector<1x16xf32>,
    %swap3A_1455 = arith.constant 30 : i32
    %swap3A_1456 = arith.index_cast %swap3A_1455 : i32 to index
    %swap3A_1457 = arith.constant 16 : index
    %swap3A_1458 = tpu.vector_load %arg9[%swap3A_1456, %swap3A_1457] {strides = array<i32>} : memref<56x128xf32, #tpu.memory_space<vmem>>, vector<1x16xf32>,
    %swap3A_1459 = vector.shape_cast %swap3A_1458 : vector<1x16xf32> to vector<16xf32>
    %swap3A_1460 = vector.shape_cast %broadcast_in_dim3A_9 : vector<16xf32> to vector<1x16xf32>
    tpu.vector_store %arg9[%swap3A_1456, %swap3A_1457], %swap3A_1460 {strides = array<i32>} : memref<56x128xf32, #tpu.memory_space<vmem>>, vector<1x16xf32>,
    %swap3A_1461 = arith.constant 30 : i32
    %swap3A_1462 = arith.index_cast %swap3A_1461 : i32 to index
    %swap3A_1463 = arith.constant 32 : index
    %swap3A_1464 = tpu.vector_load %arg9[%swap3A_1462, %swap3A_1463] {strides = array<i32>} : memref<56x128xf32, #tpu.memory_space<vmem>>, vector<1x16xf32>,
    %swap3A_1465 = vector.shape_cast %swap3A_1464 : vector<1x16xf32> to vector<16xf32>
    %swap3A_1466 = vector.shape_cast %broadcast_in_dim3A_9 : vector<16xf32> to vector<1x16xf32>
    tpu.vector_store %arg9[%swap3A_1462, %swap3A_1463], %swap3A_1466 {strides = array<i32>} : memref<56x128xf32, #tpu.memory_space<vmem>>, vector<1x16xf32>,
    %swap3A_1467 = arith.constant 30 : i32
    %swap3A_1468 = arith.index_cast %swap3A_1467 : i32 to index
    %swap3A_1469 = arith.constant 48 : index
    %swap3A_1470 = tpu.vector_load %arg9[%swap3A_1468, %swap3A_1469] {strides = array<i32>} : memref<56x128xf32, #tpu.memory_space<vmem>>, vector<1x16xf32>,
    %swap3A_1471 = vector.shape_cast %swap3A_1470 : vector<1x16xf32> to vector<16xf32>
    %swap3A_1472 = vector.shape_cast %broadcast_in_dim3A_9 : vector<16xf32> to vector<1x16xf32>
    tpu.vector_store %arg9[%swap3A_1468, %swap3A_1469], %swap3A_1472 {strides = array<i32>} : memref<56x128xf32, #tpu.memory_space<vmem>>, vector<1x16xf32>,
    %swap3A_1473 = arith.constant 30 : i32
    %swap3A_1474 = arith.index_cast %swap3A_1473 : i32 to index
    %swap3A_1475 = arith.constant 64 : index
    %swap3A_1476 = tpu.vector_load %arg9[%swap3A_1474, %swap3A_1475] {strides = array<i32>} : memref<56x128xf32, #tpu.memory_space<vmem>>, vector<1x16xf32>,
    %swap3A_1477 = vector.shape_cast %swap3A_1476 : vector<1x16xf32> to vector<16xf32>
    %swap3A_1478 = vector.shape_cast %broadcast_in_dim3A_9 : vector<16xf32> to vector<1x16xf32>
    tpu.vector_store %arg9[%swap3A_1474, %swap3A_1475], %swap3A_1478 {strides = array<i32>} : memref<56x128xf32, #tpu.memory_space<vmem>>, vector<1x16xf32>,
    %swap3A_1479 = arith.constant 30 : i32
    %swap3A_1480 = arith.index_cast %swap3A_1479 : i32 to index
    %swap3A_1481 = arith.constant 80 : index
    %swap3A_1482 = tpu.vector_load %arg9[%swap3A_1480, %swap3A_1481] {strides = array<i32>} : memref<56x128xf32, #tpu.memory_space<vmem>>, vector<1x16xf32>,
    %swap3A_1483 = vector.shape_cast %swap3A_1482 : vector<1x16xf32> to vector<16xf32>
    %swap3A_1484 = vector.shape_cast %broadcast_in_dim3A_9 : vector<16xf32> to vector<1x16xf32>
    tpu.vector_store %arg9[%swap3A_1480, %swap3A_1481], %swap3A_1484 {strides = array<i32>} : memref<56x128xf32, #tpu.memory_space<vmem>>, vector<1x16xf32>,
    %swap3A_1485 = arith.constant 30 : i32
    %swap3A_1486 = arith.index_cast %swap3A_1485 : i32 to index
    %swap3A_1487 = arith.constant 96 : index
    %swap3A_1488 = tpu.vector_load %arg9[%swap3A_1486, %swap3A_1487] {strides = array<i32>} : memref<56x128xf32, #tpu.memory_space<vmem>>, vector<1x16xf32>,
    %swap3A_1489 = vector.shape_cast %swap3A_1488 : vector<1x16xf32> to vector<16xf32>
    %swap3A_1490 = vector.shape_cast %broadcast_in_dim3A_9 : vector<16xf32> to vector<1x16xf32>
    tpu.vector_store %arg9[%swap3A_1486, %swap3A_1487], %swap3A_1490 {strides = array<i32>} : memref<56x128xf32, #tpu.memory_space<vmem>>, vector<1x16xf32>,
    %swap3A_1491 = arith.constant 30 : i32
    %swap3A_1492 = arith.index_cast %swap3A_1491 : i32 to index
    %swap3A_1493 = arith.constant 112 : index
    %swap3A_1494 = tpu.vector_load %arg9[%swap3A_1492, %swap3A_1493] {strides = array<i32>} : memref<56x128xf32, #tpu.memory_space<vmem>>, vector<1x16xf32>,
    %swap3A_1495 = vector.shape_cast %swap3A_1494 : vector<1x16xf32> to vector<16xf32>
    %swap3A_1496 = vector.shape_cast %broadcast_in_dim3A_9 : vector<16xf32> to vector<1x16xf32>
    tpu.vector_store %arg9[%swap3A_1492, %swap3A_1493], %swap3A_1496 {strides = array<i32>} : memref<56x128xf32, #tpu.memory_space<vmem>>, vector<1x16xf32>,
    %swap3A_1497 = arith.constant 31 : i32
    %swap3A_1498 = arith.index_cast %swap3A_1497 : i32 to index
    %swap3A_1499 = arith.constant 0 : index
    %swap3A_1500 = tpu.vector_load %arg9[%swap3A_1498, %swap3A_1499] {strides = array<i32>} : memref<56x128xf32, #tpu.memory_space<vmem>>, vector<1x16xf32>,
    %swap3A_1501 = vector.shape_cast %swap3A_1500 : vector<1x16xf32> to vector<16xf32>
    %swap3A_1502 = vector.shape_cast %broadcast_in_dim3A_9 : vector<16xf32> to vector<1x16xf32>
    tpu.vector_store %arg9[%swap3A_1498, %swap3A_1499], %swap3A_1502 {strides = array<i32>} : memref<56x128xf32, #tpu.memory_space<vmem>>, vector<1x16xf32>,
    %swap3A_1503 = arith.constant 31 : i32
    %swap3A_1504 = arith.index_cast %swap3A_1503 : i32 to index
    %swap3A_1505 = arith.constant 16 : index
    %swap3A_1506 = tpu.vector_load %arg9[%swap3A_1504, %swap3A_1505] {strides = array<i32>} : memref<56x128xf32, #tpu.memory_space<vmem>>, vector<1x16xf32>,
    %swap3A_1507 = vector.shape_cast %swap3A_1506 : vector<1x16xf32> to vector<16xf32>
    %swap3A_1508 = vector.shape_cast %broadcast_in_dim3A_9 : vector<16xf32> to vector<1x16xf32>
    tpu.vector_store %arg9[%swap3A_1504, %swap3A_1505], %swap3A_1508 {strides = array<i32>} : memref<56x128xf32, #tpu.memory_space<vmem>>, vector<1x16xf32>,
    %swap3A_1509 = arith.constant 31 : i32
    %swap3A_1510 = arith.index_cast %swap3A_1509 : i32 to index
    %swap3A_1511 = arith.constant 32 : index
    %swap3A_1512 = tpu.vector_load %arg9[%swap3A_1510, %swap3A_1511] {strides = array<i32>} : memref<56x128xf32, #tpu.memory_space<vmem>>, vector<1x16xf32>,
    %swap3A_1513 = vector.shape_cast %swap3A_1512 : vector<1x16xf32> to vector<16xf32>
    %swap3A_1514 = vector.shape_cast %broadcast_in_dim3A_9 : vector<16xf32> to vector<1x16xf32>
    tpu.vector_store %arg9[%swap3A_1510, %swap3A_1511], %swap3A_1514 {strides = array<i32>} : memref<56x128xf32, #tpu.memory_space<vmem>>, vector<1x16xf32>,
    %swap3A_1515 = arith.constant 31 : i32
    %swap3A_1516 = arith.index_cast %swap3A_1515 : i32 to index
    %swap3A_1517 = arith.constant 48 : index
    %swap3A_1518 = tpu.vector_load %arg9[%swap3A_1516, %swap3A_1517] {strides = array<i32>} : memref<56x128xf32, #tpu.memory_space<vmem>>, vector<1x16xf32>,
    %swap3A_1519 = vector.shape_cast %swap3A_1518 : vector<1x16xf32> to vector<16xf32>
    %swap3A_1520 = vector.shape_cast %broadcast_in_dim3A_9 : vector<16xf32> to vector<1x16xf32>
    tpu.vector_store %arg9[%swap3A_1516, %swap3A_1517], %swap3A_1520 {strides = array<i32>} : memref<56x128xf32, #tpu.memory_space<vmem>>, vector<1x16xf32>,
    %swap3A_1521 = arith.constant 31 : i32
    %swap3A_1522 = arith.index_cast %swap3A_1521 : i32 to index
    %swap3A_1523 = arith.constant 64 : index
    %swap3A_1524 = tpu.vector_load %arg9[%swap3A_1522, %swap3A_1523] {strides = array<i32>} : memref<56x128xf32, #tpu.memory_space<vmem>>, vector<1x16xf32>,
    %swap3A_1525 = vector.shape_cast %swap3A_1524 : vector<1x16xf32> to vector<16xf32>
    %swap3A_1526 = vector.shape_cast %broadcast_in_dim3A_9 : vector<16xf32> to vector<1x16xf32>
    tpu.vector_store %arg9[%swap3A_1522, %swap3A_1523], %swap3A_1526 {strides = array<i32>} : memref<56x128xf32, #tpu.memory_space<vmem>>, vector<1x16xf32>,
    %swap3A_1527 = arith.constant 31 : i32
    %swap3A_1528 = arith.index_cast %swap3A_1527 : i32 to index
    %swap3A_1529 = arith.constant 80 : index
    %swap3A_1530 = tpu.vector_load %arg9[%swap3A_1528, %swap3A_1529] {strides = array<i32>} : memref<56x128xf32, #tpu.memory_space<vmem>>, vector<1x16xf32>,
    %swap3A_1531 = vector.shape_cast %swap3A_1530 : vector<1x16xf32> to vector<16xf32>
    %swap3A_1532 = vector.shape_cast %broadcast_in_dim3A_9 : vector<16xf32> to vector<1x16xf32>
    tpu.vector_store %arg9[%swap3A_1528, %swap3A_1529], %swap3A_1532 {strides = array<i32>} : memref<56x128xf32, #tpu.memory_space<vmem>>, vector<1x16xf32>,
    %swap3A_1533 = arith.constant 31 : i32
    %swap3A_1534 = arith.index_cast %swap3A_1533 : i32 to index
    %swap3A_1535 = arith.constant 96 : index
    %swap3A_1536 = tpu.vector_load %arg9[%swap3A_1534, %swap3A_1535] {strides = array<i32>} : memref<56x128xf32, #tpu.memory_space<vmem>>, vector<1x16xf32>,
    %swap3A_1537 = vector.shape_cast %swap3A_1536 : vector<1x16xf32> to vector<16xf32>
    %swap3A_1538 = vector.shape_cast %broadcast_in_dim3A_9 : vector<16xf32> to vector<1x16xf32>
    tpu.vector_store %arg9[%swap3A_1534, %swap3A_1535], %swap3A_1538 {strides = array<i32>} : memref<56x128xf32, #tpu.memory_space<vmem>>, vector<1x16xf32>,
    %swap3A_1539 = arith.constant 31 : i32
    %swap3A_1540 = arith.index_cast %swap3A_1539 : i32 to index
    %swap3A_1541 = arith.constant 112 : index
    %swap3A_1542 = tpu.vector_load %arg9[%swap3A_1540, %swap3A_1541] {strides = array<i32>} : memref<56x128xf32, #tpu.memory_space<vmem>>, vector<1x16xf32>,
    %swap3A_1543 = vector.shape_cast %swap3A_1542 : vector<1x16xf32> to vector<16xf32>
    %swap3A_1544 = vector.shape_cast %broadcast_in_dim3A_9 : vector<16xf32> to vector<1x16xf32>
    tpu.vector_store %arg9[%swap3A_1540, %swap3A_1541], %swap3A_1544 {strides = array<i32>} : memref<56x128xf32, #tpu.memory_space<vmem>>, vector<1x16xf32>,
    %swap3A_1545 = arith.constant 32 : i32
    %swap3A_1546 = arith.index_cast %swap3A_1545 : i32 to index
    %swap3A_1547 = arith.constant 0 : index
    %swap3A_1548 = tpu.vector_load %arg9[%swap3A_1546, %swap3A_1547] {strides = array<i32>} : memref<56x128xf32, #tpu.memory_space<vmem>>, vector<1x16xf32>,
    %swap3A_1549 = vector.shape_cast %swap3A_1548 : vector<1x16xf32> to vector<16xf32>
    %swap3A_1550 = vector.shape_cast %broadcast_in_dim3A_9 : vector<16xf32> to vector<1x16xf32>
    tpu.vector_store %arg9[%swap3A_1546, %swap3A_1547], %swap3A_1550 {strides = array<i32>} : memref<56x128xf32, #tpu.memory_space<vmem>>, vector<1x16xf32>,
    %swap3A_1551 = arith.constant 32 : i32
    %swap3A_1552 = arith.index_cast %swap3A_1551 : i32 to index
    %swap3A_1553 = arith.constant 16 : index
    %swap3A_1554 = tpu.vector_load %arg9[%swap3A_1552, %swap3A_1553] {strides = array<i32>} : memref<56x128xf32, #tpu.memory_space<vmem>>, vector<1x16xf32>,
    %swap3A_1555 = vector.shape_cast %swap3A_1554 : vector<1x16xf32> to vector<16xf32>
    %swap3A_1556 = vector.shape_cast %broadcast_in_dim3A_9 : vector<16xf32> to vector<1x16xf32>
    tpu.vector_store %arg9[%swap3A_1552, %swap3A_1553], %swap3A_1556 {strides = array<i32>} : memref<56x128xf32, #tpu.memory_space<vmem>>, vector<1x16xf32>,
    %swap3A_1557 = arith.constant 32 : i32
    %swap3A_1558 = arith.index_cast %swap3A_1557 : i32 to index
    %swap3A_1559 = arith.constant 32 : index
    %swap3A_1560 = tpu.vector_load %arg9[%swap3A_1558, %swap3A_1559] {strides = array<i32>} : memref<56x128xf32, #tpu.memory_space<vmem>>, vector<1x16xf32>,
    %swap3A_1561 = vector.shape_cast %swap3A_1560 : vector<1x16xf32> to vector<16xf32>
    %swap3A_1562 = vector.shape_cast %broadcast_in_dim3A_9 : vector<16xf32> to vector<1x16xf32>
    tpu.vector_store %arg9[%swap3A_1558, %swap3A_1559], %swap3A_1562 {strides = array<i32>} : memref<56x128xf32, #tpu.memory_space<vmem>>, vector<1x16xf32>,
    %swap3A_1563 = arith.constant 32 : i32
    %swap3A_1564 = arith.index_cast %swap3A_1563 : i32 to index
    %swap3A_1565 = arith.constant 48 : index
    %swap3A_1566 = tpu.vector_load %arg9[%swap3A_1564, %swap3A_1565] {strides = array<i32>} : memref<56x128xf32, #tpu.memory_space<vmem>>, vector<1x16xf32>,
    %swap3A_1567 = vector.shape_cast %swap3A_1566 : vector<1x16xf32> to vector<16xf32>
    %swap3A_1568 = vector.shape_cast %broadcast_in_dim3A_9 : vector<16xf32> to vector<1x16xf32>
    tpu.vector_store %arg9[%swap3A_1564, %swap3A_1565], %swap3A_1568 {strides = array<i32>} : memref<56x128xf32, #tpu.memory_space<vmem>>, vector<1x16xf32>,
    %swap3A_1569 = arith.constant 32 : i32
    %swap3A_1570 = arith.index_cast %swap3A_1569 : i32 to index
    %swap3A_1571 = arith.constant 64 : index
    %swap3A_1572 = tpu.vector_load %arg9[%swap3A_1570, %swap3A_1571] {strides = array<i32>} : memref<56x128xf32, #tpu.memory_space<vmem>>, vector<1x16xf32>,
    %swap3A_1573 = vector.shape_cast %swap3A_1572 : vector<1x16xf32> to vector<16xf32>
    %swap3A_1574 = vector.shape_cast %broadcast_in_dim3A_9 : vector<16xf32> to vector<1x16xf32>
    tpu.vector_store %arg9[%swap3A_1570, %swap3A_1571], %swap3A_1574 {strides = array<i32>} : memref<56x128xf32, #tpu.memory_space<vmem>>, vector<1x16xf32>,
    %swap3A_1575 = arith.constant 32 : i32
    %swap3A_1576 = arith.index_cast %swap3A_1575 : i32 to index
    %swap3A_1577 = arith.constant 80 : index
    %swap3A_1578 = tpu.vector_load %arg9[%swap3A_1576, %swap3A_1577] {strides = array<i32>} : memref<56x128xf32, #tpu.memory_space<vmem>>, vector<1x16xf32>,
    %swap3A_1579 = vector.shape_cast %swap3A_1578 : vector<1x16xf32> to vector<16xf32>
    %swap3A_1580 = vector.shape_cast %broadcast_in_dim3A_9 : vector<16xf32> to vector<1x16xf32>
    tpu.vector_store %arg9[%swap3A_1576, %swap3A_1577], %swap3A_1580 {strides = array<i32>} : memref<56x128xf32, #tpu.memory_space<vmem>>, vector<1x16xf32>,
    %swap3A_1581 = arith.constant 32 : i32
    %swap3A_1582 = arith.index_cast %swap3A_1581 : i32 to index
    %swap3A_1583 = arith.constant 96 : index
    %swap3A_1584 = tpu.vector_load %arg9[%swap3A_1582, %swap3A_1583] {strides = array<i32>} : memref<56x128xf32, #tpu.memory_space<vmem>>, vector<1x16xf32>,
    %swap3A_1585 = vector.shape_cast %swap3A_1584 : vector<1x16xf32> to vector<16xf32>
    %swap3A_1586 = vector.shape_cast %broadcast_in_dim3A_9 : vector<16xf32> to vector<1x16xf32>
    tpu.vector_store %arg9[%swap3A_1582, %swap3A_1583], %swap3A_1586 {strides = array<i32>} : memref<56x128xf32, #tpu.memory_space<vmem>>, vector<1x16xf32>,
    %swap3A_1587 = arith.constant 32 : i32
    %swap3A_1588 = arith.index_cast %swap3A_1587 : i32 to index
    %swap3A_1589 = arith.constant 112 : index
    %swap3A_1590 = tpu.vector_load %arg9[%swap3A_1588, %swap3A_1589] {strides = array<i32>} : memref<56x128xf32, #tpu.memory_space<vmem>>, vector<1x16xf32>,
    %swap3A_1591 = vector.shape_cast %swap3A_1590 : vector<1x16xf32> to vector<16xf32>
    %swap3A_1592 = vector.shape_cast %broadcast_in_dim3A_9 : vector<16xf32> to vector<1x16xf32>
    tpu.vector_store %arg9[%swap3A_1588, %swap3A_1589], %swap3A_1592 {strides = array<i32>} : memref<56x128xf32, #tpu.memory_space<vmem>>, vector<1x16xf32>,
    %swap3A_1593 = arith.constant 33 : i32
    %swap3A_1594 = arith.index_cast %swap3A_1593 : i32 to index
    %swap3A_1595 = arith.constant 0 : index
    %swap3A_1596 = tpu.vector_load %arg9[%swap3A_1594, %swap3A_1595] {strides = array<i32>} : memref<56x128xf32, #tpu.memory_space<vmem>>, vector<1x16xf32>,
    %swap3A_1597 = vector.shape_cast %swap3A_1596 : vector<1x16xf32> to vector<16xf32>
    %swap3A_1598 = vector.shape_cast %broadcast_in_dim3A_9 : vector<16xf32> to vector<1x16xf32>
    tpu.vector_store %arg9[%swap3A_1594, %swap3A_1595], %swap3A_1598 {strides = array<i32>} : memref<56x128xf32, #tpu.memory_space<vmem>>, vector<1x16xf32>,
    %swap3A_1599 = arith.constant 33 : i32
    %swap3A_1600 = arith.index_cast %swap3A_1599 : i32 to index
    %swap3A_1601 = arith.constant 16 : index
    %swap3A_1602 = tpu.vector_load %arg9[%swap3A_1600, %swap3A_1601] {strides = array<i32>} : memref<56x128xf32, #tpu.memory_space<vmem>>, vector<1x16xf32>,
    %swap3A_1603 = vector.shape_cast %swap3A_1602 : vector<1x16xf32> to vector<16xf32>
    %swap3A_1604 = vector.shape_cast %broadcast_in_dim3A_9 : vector<16xf32> to vector<1x16xf32>
    tpu.vector_store %arg9[%swap3A_1600, %swap3A_1601], %swap3A_1604 {strides = array<i32>} : memref<56x128xf32, #tpu.memory_space<vmem>>, vector<1x16xf32>,
    %swap3A_1605 = arith.constant 33 : i32
    %swap3A_1606 = arith.index_cast %swap3A_1605 : i32 to index
    %swap3A_1607 = arith.constant 32 : index
    %swap3A_1608 = tpu.vector_load %arg9[%swap3A_1606, %swap3A_1607] {strides = array<i32>} : memref<56x128xf32, #tpu.memory_space<vmem>>, vector<1x16xf32>,
    %swap3A_1609 = vector.shape_cast %swap3A_1608 : vector<1x16xf32> to vector<16xf32>
    %swap3A_1610 = vector.shape_cast %broadcast_in_dim3A_9 : vector<16xf32> to vector<1x16xf32>
    tpu.vector_store %arg9[%swap3A_1606, %swap3A_1607], %swap3A_1610 {strides = array<i32>} : memref<56x128xf32, #tpu.memory_space<vmem>>, vector<1x16xf32>,
    %swap3A_1611 = arith.constant 33 : i32
    %swap3A_1612 = arith.index_cast %swap3A_1611 : i32 to index
    %swap3A_1613 = arith.constant 48 : index
    %swap3A_1614 = tpu.vector_load %arg9[%swap3A_1612, %swap3A_1613] {strides = array<i32>} : memref<56x128xf32, #tpu.memory_space<vmem>>, vector<1x16xf32>,
    %swap3A_1615 = vector.shape_cast %swap3A_1614 : vector<1x16xf32> to vector<16xf32>
    %swap3A_1616 = vector.shape_cast %broadcast_in_dim3A_9 : vector<16xf32> to vector<1x16xf32>
    tpu.vector_store %arg9[%swap3A_1612, %swap3A_1613], %swap3A_1616 {strides = array<i32>} : memref<56x128xf32, #tpu.memory_space<vmem>>, vector<1x16xf32>,
    %swap3A_1617 = arith.constant 33 : i32
    %swap3A_1618 = arith.index_cast %swap3A_1617 : i32 to index
    %swap3A_1619 = arith.constant 64 : index
    %swap3A_1620 = tpu.vector_load %arg9[%swap3A_1618, %swap3A_1619] {strides = array<i32>} : memref<56x128xf32, #tpu.memory_space<vmem>>, vector<1x16xf32>,
    %swap3A_1621 = vector.shape_cast %swap3A_1620 : vector<1x16xf32> to vector<16xf32>
    %swap3A_1622 = vector.shape_cast %broadcast_in_dim3A_9 : vector<16xf32> to vector<1x16xf32>
    tpu.vector_store %arg9[%swap3A_1618, %swap3A_1619], %swap3A_1622 {strides = array<i32>} : memref<56x128xf32, #tpu.memory_space<vmem>>, vector<1x16xf32>,
    %swap3A_1623 = arith.constant 33 : i32
    %swap3A_1624 = arith.index_cast %swap3A_1623 : i32 to index
    %swap3A_1625 = arith.constant 80 : index
    %swap3A_1626 = tpu.vector_load %arg9[%swap3A_1624, %swap3A_1625] {strides = array<i32>} : memref<56x128xf32, #tpu.memory_space<vmem>>, vector<1x16xf32>,
    %swap3A_1627 = vector.shape_cast %swap3A_1626 : vector<1x16xf32> to vector<16xf32>
    %swap3A_1628 = vector.shape_cast %broadcast_in_dim3A_9 : vector<16xf32> to vector<1x16xf32>
    tpu.vector_store %arg9[%swap3A_1624, %swap3A_1625], %swap3A_1628 {strides = array<i32>} : memref<56x128xf32, #tpu.memory_space<vmem>>, vector<1x16xf32>,
    %swap3A_1629 = arith.constant 33 : i32
    %swap3A_1630 = arith.index_cast %swap3A_1629 : i32 to index
    %swap3A_1631 = arith.constant 96 : index
    %swap3A_1632 = tpu.vector_load %arg9[%swap3A_1630, %swap3A_1631] {strides = array<i32>} : memref<56x128xf32, #tpu.memory_space<vmem>>, vector<1x16xf32>,
    %swap3A_1633 = vector.shape_cast %swap3A_1632 : vector<1x16xf32> to vector<16xf32>
    %swap3A_1634 = vector.shape_cast %broadcast_in_dim3A_9 : vector<16xf32> to vector<1x16xf32>
    tpu.vector_store %arg9[%swap3A_1630, %swap3A_1631], %swap3A_1634 {strides = array<i32>} : memref<56x128xf32, #tpu.memory_space<vmem>>, vector<1x16xf32>,
    %swap3A_1635 = arith.constant 33 : i32
    %swap3A_1636 = arith.index_cast %swap3A_1635 : i32 to index
    %swap3A_1637 = arith.constant 112 : index
    %swap3A_1638 = tpu.vector_load %arg9[%swap3A_1636, %swap3A_1637] {strides = array<i32>} : memref<56x128xf32, #tpu.memory_space<vmem>>, vector<1x16xf32>,
    %swap3A_1639 = vector.shape_cast %swap3A_1638 : vector<1x16xf32> to vector<16xf32>
    %swap3A_1640 = vector.shape_cast %broadcast_in_dim3A_9 : vector<16xf32> to vector<1x16xf32>
    tpu.vector_store %arg9[%swap3A_1636, %swap3A_1637], %swap3A_1640 {strides = array<i32>} : memref<56x128xf32, #tpu.memory_space<vmem>>, vector<1x16xf32>,
    %swap3A_1641 = arith.constant 34 : i32
    %swap3A_1642 = arith.index_cast %swap3A_1641 : i32 to index
    %swap3A_1643 = arith.constant 0 : index
    %swap3A_1644 = tpu.vector_load %arg9[%swap3A_1642, %swap3A_1643] {strides = array<i32>} : memref<56x128xf32, #tpu.memory_space<vmem>>, vector<1x16xf32>,
    %swap3A_1645 = vector.shape_cast %swap3A_1644 : vector<1x16xf32> to vector<16xf32>
    %swap3A_1646 = vector.shape_cast %broadcast_in_dim3A_9 : vector<16xf32> to vector<1x16xf32>
    tpu.vector_store %arg9[%swap3A_1642, %swap3A_1643], %swap3A_1646 {strides = array<i32>} : memref<56x128xf32, #tpu.memory_space<vmem>>, vector<1x16xf32>,
    %swap3A_1647 = arith.constant 34 : i32
    %swap3A_1648 = arith.index_cast %swap3A_1647 : i32 to index
    %swap3A_1649 = arith.constant 16 : index
    %swap3A_1650 = tpu.vector_load %arg9[%swap3A_1648, %swap3A_1649] {strides = array<i32>} : memref<56x128xf32, #tpu.memory_space<vmem>>, vector<1x16xf32>,
    %swap3A_1651 = vector.shape_cast %swap3A_1650 : vector<1x16xf32> to vector<16xf32>
    %swap3A_1652 = vector.shape_cast %broadcast_in_dim3A_9 : vector<16xf32> to vector<1x16xf32>
    tpu.vector_store %arg9[%swap3A_1648, %swap3A_1649], %swap3A_1652 {strides = array<i32>} : memref<56x128xf32, #tpu.memory_space<vmem>>, vector<1x16xf32>,
    %swap3A_1653 = arith.constant 34 : i32
    %swap3A_1654 = arith.index_cast %swap3A_1653 : i32 to index
    %swap3A_1655 = arith.constant 32 : index
    %swap3A_1656 = tpu.vector_load %arg9[%swap3A_1654, %swap3A_1655] {strides = array<i32>} : memref<56x128xf32, #tpu.memory_space<vmem>>, vector<1x16xf32>,
    %swap3A_1657 = vector.shape_cast %swap3A_1656 : vector<1x16xf32> to vector<16xf32>
    %swap3A_1658 = vector.shape_cast %broadcast_in_dim3A_9 : vector<16xf32> to vector<1x16xf32>
    tpu.vector_store %arg9[%swap3A_1654, %swap3A_1655], %swap3A_1658 {strides = array<i32>} : memref<56x128xf32, #tpu.memory_space<vmem>>, vector<1x16xf32>,
    %swap3A_1659 = arith.constant 34 : i32
    %swap3A_1660 = arith.index_cast %swap3A_1659 : i32 to index
    %swap3A_1661 = arith.constant 48 : index
    %swap3A_1662 = tpu.vector_load %arg9[%swap3A_1660, %swap3A_1661] {strides = array<i32>} : memref<56x128xf32, #tpu.memory_space<vmem>>, vector<1x16xf32>,
    %swap3A_1663 = vector.shape_cast %swap3A_1662 : vector<1x16xf32> to vector<16xf32>
    %swap3A_1664 = vector.shape_cast %broadcast_in_dim3A_9 : vector<16xf32> to vector<1x16xf32>
    tpu.vector_store %arg9[%swap3A_1660, %swap3A_1661], %swap3A_1664 {strides = array<i32>} : memref<56x128xf32, #tpu.memory_space<vmem>>, vector<1x16xf32>,
    %swap3A_1665 = arith.constant 34 : i32
    %swap3A_1666 = arith.index_cast %swap3A_1665 : i32 to index
    %swap3A_1667 = arith.constant 64 : index
    %swap3A_1668 = tpu.vector_load %arg9[%swap3A_1666, %swap3A_1667] {strides = array<i32>} : memref<56x128xf32, #tpu.memory_space<vmem>>, vector<1x16xf32>,
    %swap3A_1669 = vector.shape_cast %swap3A_1668 : vector<1x16xf32> to vector<16xf32>
    %swap3A_1670 = vector.shape_cast %broadcast_in_dim3A_9 : vector<16xf32> to vector<1x16xf32>
    tpu.vector_store %arg9[%swap3A_1666, %swap3A_1667], %swap3A_1670 {strides = array<i32>} : memref<56x128xf32, #tpu.memory_space<vmem>>, vector<1x16xf32>,
    %swap3A_1671 = arith.constant 34 : i32
    %swap3A_1672 = arith.index_cast %swap3A_1671 : i32 to index
    %swap3A_1673 = arith.constant 80 : index
    %swap3A_1674 = tpu.vector_load %arg9[%swap3A_1672, %swap3A_1673] {strides = array<i32>} : memref<56x128xf32, #tpu.memory_space<vmem>>, vector<1x16xf32>,
    %swap3A_1675 = vector.shape_cast %swap3A_1674 : vector<1x16xf32> to vector<16xf32>
    %swap3A_1676 = vector.shape_cast %broadcast_in_dim3A_9 : vector<16xf32> to vector<1x16xf32>
    tpu.vector_store %arg9[%swap3A_1672, %swap3A_1673], %swap3A_1676 {strides = array<i32>} : memref<56x128xf32, #tpu.memory_space<vmem>>, vector<1x16xf32>,
    %swap3A_1677 = arith.constant 34 : i32
    %swap3A_1678 = arith.index_cast %swap3A_1677 : i32 to index
    %swap3A_1679 = arith.constant 96 : index
    %swap3A_1680 = tpu.vector_load %arg9[%swap3A_1678, %swap3A_1679] {strides = array<i32>} : memref<56x128xf32, #tpu.memory_space<vmem>>, vector<1x16xf32>,
    %swap3A_1681 = vector.shape_cast %swap3A_1680 : vector<1x16xf32> to vector<16xf32>
    %swap3A_1682 = vector.shape_cast %broadcast_in_dim3A_9 : vector<16xf32> to vector<1x16xf32>
    tpu.vector_store %arg9[%swap3A_1678, %swap3A_1679], %swap3A_1682 {strides = array<i32>} : memref<56x128xf32, #tpu.memory_space<vmem>>, vector<1x16xf32>,
    %swap3A_1683 = arith.constant 34 : i32
    %swap3A_1684 = arith.index_cast %swap3A_1683 : i32 to index
    %swap3A_1685 = arith.constant 112 : index
    %swap3A_1686 = tpu.vector_load %arg9[%swap3A_1684, %swap3A_1685] {strides = array<i32>} : memref<56x128xf32, #tpu.memory_space<vmem>>, vector<1x16xf32>,
    %swap3A_1687 = vector.shape_cast %swap3A_1686 : vector<1x16xf32> to vector<16xf32>
    %swap3A_1688 = vector.shape_cast %broadcast_in_dim3A_9 : vector<16xf32> to vector<1x16xf32>
    tpu.vector_store %arg9[%swap3A_1684, %swap3A_1685], %swap3A_1688 {strides = array<i32>} : memref<56x128xf32, #tpu.memory_space<vmem>>, vector<1x16xf32>,
    %swap3A_1689 = arith.constant 35 : i32
    %swap3A_1690 = arith.index_cast %swap3A_1689 : i32 to index
    %swap3A_1691 = arith.constant 0 : index
    %swap3A_1692 = tpu.vector_load %arg9[%swap3A_1690, %swap3A_1691] {strides = array<i32>} : memref<56x128xf32, #tpu.memory_space<vmem>>, vector<1x16xf32>,
    %swap3A_1693 = vector.shape_cast %swap3A_1692 : vector<1x16xf32> to vector<16xf32>
    %swap3A_1694 = vector.shape_cast %broadcast_in_dim3A_9 : vector<16xf32> to vector<1x16xf32>
    tpu.vector_store %arg9[%swap3A_1690, %swap3A_1691], %swap3A_1694 {strides = array<i32>} : memref<56x128xf32, #tpu.memory_space<vmem>>, vector<1x16xf32>,
    %swap3A_1695 = arith.constant 35 : i32
    %swap3A_1696 = arith.index_cast %swap3A_1695 : i32 to index
    %swap3A_1697 = arith.constant 16 : index
    %swap3A_1698 = tpu.vector_load %arg9[%swap3A_1696, %swap3A_1697] {strides = array<i32>} : memref<56x128xf32, #tpu.memory_space<vmem>>, vector<1x16xf32>,
    %swap3A_1699 = vector.shape_cast %swap3A_1698 : vector<1x16xf32> to vector<16xf32>
    %swap3A_1700 = vector.shape_cast %broadcast_in_dim3A_9 : vector<16xf32> to vector<1x16xf32>
    tpu.vector_store %arg9[%swap3A_1696, %swap3A_1697], %swap3A_1700 {strides = array<i32>} : memref<56x128xf32, #tpu.memory_space<vmem>>, vector<1x16xf32>,
    %swap3A_1701 = arith.constant 35 : i32
    %swap3A_1702 = arith.index_cast %swap3A_1701 : i32 to index
    %swap3A_1703 = arith.constant 32 : index
    %swap3A_1704 = tpu.vector_load %arg9[%swap3A_1702, %swap3A_1703] {strides = array<i32>} : memref<56x128xf32, #tpu.memory_space<vmem>>, vector<1x16xf32>,
    %swap3A_1705 = vector.shape_cast %swap3A_1704 : vector<1x16xf32> to vector<16xf32>
    %swap3A_1706 = vector.shape_cast %broadcast_in_dim3A_9 : vector<16xf32> to vector<1x16xf32>
    tpu.vector_store %arg9[%swap3A_1702, %swap3A_1703], %swap3A_1706 {strides = array<i32>} : memref<56x128xf32, #tpu.memory_space<vmem>>, vector<1x16xf32>,
    %swap3A_1707 = arith.constant 35 : i32
    %swap3A_1708 = arith.index_cast %swap3A_1707 : i32 to index
    %swap3A_1709 = arith.constant 48 : index
    %swap3A_1710 = tpu.vector_load %arg9[%swap3A_1708, %swap3A_1709] {strides = array<i32>} : memref<56x128xf32, #tpu.memory_space<vmem>>, vector<1x16xf32>,
    %swap3A_1711 = vector.shape_cast %swap3A_1710 : vector<1x16xf32> to vector<16xf32>
    %swap3A_1712 = vector.shape_cast %broadcast_in_dim3A_9 : vector<16xf32> to vector<1x16xf32>
    tpu.vector_store %arg9[%swap3A_1708, %swap3A_1709], %swap3A_1712 {strides = array<i32>} : memref<56x128xf32, #tpu.memory_space<vmem>>, vector<1x16xf32>,
    %swap3A_1713 = arith.constant 35 : i32
    %swap3A_1714 = arith.index_cast %swap3A_1713 : i32 to index
    %swap3A_1715 = arith.constant 64 : index
    %swap3A_1716 = tpu.vector_load %arg9[%swap3A_1714, %swap3A_1715] {strides = array<i32>} : memref<56x128xf32, #tpu.memory_space<vmem>>, vector<1x16xf32>,
    %swap3A_1717 = vector.shape_cast %swap3A_1716 : vector<1x16xf32> to vector<16xf32>
    %swap3A_1718 = vector.shape_cast %broadcast_in_dim3A_9 : vector<16xf32> to vector<1x16xf32>
    tpu.vector_store %arg9[%swap3A_1714, %swap3A_1715], %swap3A_1718 {strides = array<i32>} : memref<56x128xf32, #tpu.memory_space<vmem>>, vector<1x16xf32>,
    %swap3A_1719 = arith.constant 35 : i32
    %swap3A_1720 = arith.index_cast %swap3A_1719 : i32 to index
    %swap3A_1721 = arith.constant 80 : index
    %swap3A_1722 = tpu.vector_load %arg9[%swap3A_1720, %swap3A_1721] {strides = array<i32>} : memref<56x128xf32, #tpu.memory_space<vmem>>, vector<1x16xf32>,
    %swap3A_1723 = vector.shape_cast %swap3A_1722 : vector<1x16xf32> to vector<16xf32>
    %swap3A_1724 = vector.shape_cast %broadcast_in_dim3A_9 : vector<16xf32> to vector<1x16xf32>
    tpu.vector_store %arg9[%swap3A_1720, %swap3A_1721], %swap3A_1724 {strides = array<i32>} : memref<56x128xf32, #tpu.memory_space<vmem>>, vector<1x16xf32>,
    %swap3A_1725 = arith.constant 35 : i32
    %swap3A_1726 = arith.index_cast %swap3A_1725 : i32 to index
    %swap3A_1727 = arith.constant 96 : index
    %swap3A_1728 = tpu.vector_load %arg9[%swap3A_1726, %swap3A_1727] {strides = array<i32>} : memref<56x128xf32, #tpu.memory_space<vmem>>, vector<1x16xf32>,
    %swap3A_1729 = vector.shape_cast %swap3A_1728 : vector<1x16xf32> to vector<16xf32>
    %swap3A_1730 = vector.shape_cast %broadcast_in_dim3A_9 : vector<16xf32> to vector<1x16xf32>
    tpu.vector_store %arg9[%swap3A_1726, %swap3A_1727], %swap3A_1730 {strides = array<i32>} : memref<56x128xf32, #tpu.memory_space<vmem>>, vector<1x16xf32>,
    %swap3A_1731 = arith.constant 35 : i32
    %swap3A_1732 = arith.index_cast %swap3A_1731 : i32 to index
    %swap3A_1733 = arith.constant 112 : index
    %swap3A_1734 = tpu.vector_load %arg9[%swap3A_1732, %swap3A_1733] {strides = array<i32>} : memref<56x128xf32, #tpu.memory_space<vmem>>, vector<1x16xf32>,
    %swap3A_1735 = vector.shape_cast %swap3A_1734 : vector<1x16xf32> to vector<16xf32>
    %swap3A_1736 = vector.shape_cast %broadcast_in_dim3A_9 : vector<16xf32> to vector<1x16xf32>
    tpu.vector_store %arg9[%swap3A_1732, %swap3A_1733], %swap3A_1736 {strides = array<i32>} : memref<56x128xf32, #tpu.memory_space<vmem>>, vector<1x16xf32>,
    %swap3A_1737 = arith.constant 36 : i32
    %swap3A_1738 = arith.index_cast %swap3A_1737 : i32 to index
    %swap3A_1739 = arith.constant 0 : index
    %swap3A_1740 = tpu.vector_load %arg9[%swap3A_1738, %swap3A_1739] {strides = array<i32>} : memref<56x128xf32, #tpu.memory_space<vmem>>, vector<1x16xf32>,
    %swap3A_1741 = vector.shape_cast %swap3A_1740 : vector<1x16xf32> to vector<16xf32>
    %swap3A_1742 = vector.shape_cast %broadcast_in_dim3A_9 : vector<16xf32> to vector<1x16xf32>
    tpu.vector_store %arg9[%swap3A_1738, %swap3A_1739], %swap3A_1742 {strides = array<i32>} : memref<56x128xf32, #tpu.memory_space<vmem>>, vector<1x16xf32>,
    %swap3A_1743 = arith.constant 36 : i32
    %swap3A_1744 = arith.index_cast %swap3A_1743 : i32 to index
    %swap3A_1745 = arith.constant 16 : index
    %swap3A_1746 = tpu.vector_load %arg9[%swap3A_1744, %swap3A_1745] {strides = array<i32>} : memref<56x128xf32, #tpu.memory_space<vmem>>, vector<1x16xf32>,
    %swap3A_1747 = vector.shape_cast %swap3A_1746 : vector<1x16xf32> to vector<16xf32>
    %swap3A_1748 = vector.shape_cast %broadcast_in_dim3A_9 : vector<16xf32> to vector<1x16xf32>
    tpu.vector_store %arg9[%swap3A_1744, %swap3A_1745], %swap3A_1748 {strides = array<i32>} : memref<56x128xf32, #tpu.memory_space<vmem>>, vector<1x16xf32>,
    %swap3A_1749 = arith.constant 36 : i32
    %swap3A_1750 = arith.index_cast %swap3A_1749 : i32 to index
    %swap3A_1751 = arith.constant 32 : index
    %swap3A_1752 = tpu.vector_load %arg9[%swap3A_1750, %swap3A_1751] {strides = array<i32>} : memref<56x128xf32, #tpu.memory_space<vmem>>, vector<1x16xf32>,
    %swap3A_1753 = vector.shape_cast %swap3A_1752 : vector<1x16xf32> to vector<16xf32>
    %swap3A_1754 = vector.shape_cast %broadcast_in_dim3A_9 : vector<16xf32> to vector<1x16xf32>
    tpu.vector_store %arg9[%swap3A_1750, %swap3A_1751], %swap3A_1754 {strides = array<i32>} : memref<56x128xf32, #tpu.memory_space<vmem>>, vector<1x16xf32>,
    %swap3A_1755 = arith.constant 36 : i32
    %swap3A_1756 = arith.index_cast %swap3A_1755 : i32 to index
    %swap3A_1757 = arith.constant 48 : index
    %swap3A_1758 = tpu.vector_load %arg9[%swap3A_1756, %swap3A_1757] {strides = array<i32>} : memref<56x128xf32, #tpu.memory_space<vmem>>, vector<1x16xf32>,
    %swap3A_1759 = vector.shape_cast %swap3A_1758 : vector<1x16xf32> to vector<16xf32>
    %swap3A_1760 = vector.shape_cast %broadcast_in_dim3A_9 : vector<16xf32> to vector<1x16xf32>
    tpu.vector_store %arg9[%swap3A_1756, %swap3A_1757], %swap3A_1760 {strides = array<i32>} : memref<56x128xf32, #tpu.memory_space<vmem>>, vector<1x16xf32>,
    %swap3A_1761 = arith.constant 36 : i32
    %swap3A_1762 = arith.index_cast %swap3A_1761 : i32 to index
    %swap3A_1763 = arith.constant 64 : index
    %swap3A_1764 = tpu.vector_load %arg9[%swap3A_1762, %swap3A_1763] {strides = array<i32>} : memref<56x128xf32, #tpu.memory_space<vmem>>, vector<1x16xf32>,
    %swap3A_1765 = vector.shape_cast %swap3A_1764 : vector<1x16xf32> to vector<16xf32>
    %swap3A_1766 = vector.shape_cast %broadcast_in_dim3A_9 : vector<16xf32> to vector<1x16xf32>
    tpu.vector_store %arg9[%swap3A_1762, %swap3A_1763], %swap3A_1766 {strides = array<i32>} : memref<56x128xf32, #tpu.memory_space<vmem>>, vector<1x16xf32>,
    %swap3A_1767 = arith.constant 36 : i32
    %swap3A_1768 = arith.index_cast %swap3A_1767 : i32 to index
    %swap3A_1769 = arith.constant 80 : index
    %swap3A_1770 = tpu.vector_load %arg9[%swap3A_1768, %swap3A_1769] {strides = array<i32>} : memref<56x128xf32, #tpu.memory_space<vmem>>, vector<1x16xf32>,
    %swap3A_1771 = vector.shape_cast %swap3A_1770 : vector<1x16xf32> to vector<16xf32>
    %swap3A_1772 = vector.shape_cast %broadcast_in_dim3A_9 : vector<16xf32> to vector<1x16xf32>
    tpu.vector_store %arg9[%swap3A_1768, %swap3A_1769], %swap3A_1772 {strides = array<i32>} : memref<56x128xf32, #tpu.memory_space<vmem>>, vector<1x16xf32>,
    %swap3A_1773 = arith.constant 36 : i32
    %swap3A_1774 = arith.index_cast %swap3A_1773 : i32 to index
    %swap3A_1775 = arith.constant 96 : index
    %swap3A_1776 = tpu.vector_load %arg9[%swap3A_1774, %swap3A_1775] {strides = array<i32>} : memref<56x128xf32, #tpu.memory_space<vmem>>, vector<1x16xf32>,
    %swap3A_1777 = vector.shape_cast %swap3A_1776 : vector<1x16xf32> to vector<16xf32>
    %swap3A_1778 = vector.shape_cast %broadcast_in_dim3A_9 : vector<16xf32> to vector<1x16xf32>
    tpu.vector_store %arg9[%swap3A_1774, %swap3A_1775], %swap3A_1778 {strides = array<i32>} : memref<56x128xf32, #tpu.memory_space<vmem>>, vector<1x16xf32>,
    %swap3A_1779 = arith.constant 36 : i32
    %swap3A_1780 = arith.index_cast %swap3A_1779 : i32 to index
    %swap3A_1781 = arith.constant 112 : index
    %swap3A_1782 = tpu.vector_load %arg9[%swap3A_1780, %swap3A_1781] {strides = array<i32>} : memref<56x128xf32, #tpu.memory_space<vmem>>, vector<1x16xf32>,
    %swap3A_1783 = vector.shape_cast %swap3A_1782 : vector<1x16xf32> to vector<16xf32>
    %swap3A_1784 = vector.shape_cast %broadcast_in_dim3A_9 : vector<16xf32> to vector<1x16xf32>
    tpu.vector_store %arg9[%swap3A_1780, %swap3A_1781], %swap3A_1784 {strides = array<i32>} : memref<56x128xf32, #tpu.memory_space<vmem>>, vector<1x16xf32>,
    %swap3A_1785 = arith.constant 37 : i32
    %swap3A_1786 = arith.index_cast %swap3A_1785 : i32 to index
    %swap3A_1787 = arith.constant 0 : index
    %swap3A_1788 = tpu.vector_load %arg9[%swap3A_1786, %swap3A_1787] {strides = array<i32>} : memref<56x128xf32, #tpu.memory_space<vmem>>, vector<1x16xf32>,
    %swap3A_1789 = vector.shape_cast %swap3A_1788 : vector<1x16xf32> to vector<16xf32>
    %swap3A_1790 = vector.shape_cast %broadcast_in_dim3A_9 : vector<16xf32> to vector<1x16xf32>
    tpu.vector_store %arg9[%swap3A_1786, %swap3A_1787], %swap3A_1790 {strides = array<i32>} : memref<56x128xf32, #tpu.memory_space<vmem>>, vector<1x16xf32>,
    %swap3A_1791 = arith.constant 37 : i32
    %swap3A_1792 = arith.index_cast %swap3A_1791 : i32 to index
    %swap3A_1793 = arith.constant 16 : index
    %swap3A_1794 = tpu.vector_load %arg9[%swap3A_1792, %swap3A_1793] {strides = array<i32>} : memref<56x128xf32, #tpu.memory_space<vmem>>, vector<1x16xf32>,
    %swap3A_1795 = vector.shape_cast %swap3A_1794 : vector<1x16xf32> to vector<16xf32>
    %swap3A_1796 = vector.shape_cast %broadcast_in_dim3A_9 : vector<16xf32> to vector<1x16xf32>
    tpu.vector_store %arg9[%swap3A_1792, %swap3A_1793], %swap3A_1796 {strides = array<i32>} : memref<56x128xf32, #tpu.memory_space<vmem>>, vector<1x16xf32>,
    %swap3A_1797 = arith.constant 37 : i32
    %swap3A_1798 = arith.index_cast %swap3A_1797 : i32 to index
    %swap3A_1799 = arith.constant 32 : index
    %swap3A_1800 = tpu.vector_load %arg9[%swap3A_1798, %swap3A_1799] {strides = array<i32>} : memref<56x128xf32, #tpu.memory_space<vmem>>, vector<1x16xf32>,
    %swap3A_1801 = vector.shape_cast %swap3A_1800 : vector<1x16xf32> to vector<16xf32>
    %swap3A_1802 = vector.shape_cast %broadcast_in_dim3A_9 : vector<16xf32> to vector<1x16xf32>
    tpu.vector_store %arg9[%swap3A_1798, %swap3A_1799], %swap3A_1802 {strides = array<i32>} : memref<56x128xf32, #tpu.memory_space<vmem>>, vector<1x16xf32>,
    %swap3A_1803 = arith.constant 37 : i32
    %swap3A_1804 = arith.index_cast %swap3A_1803 : i32 to index
    %swap3A_1805 = arith.constant 48 : index
    %swap3A_1806 = tpu.vector_load %arg9[%swap3A_1804, %swap3A_1805] {strides = array<i32>} : memref<56x128xf32, #tpu.memory_space<vmem>>, vector<1x16xf32>,
    %swap3A_1807 = vector.shape_cast %swap3A_1806 : vector<1x16xf32> to vector<16xf32>
    %swap3A_1808 = vector.shape_cast %broadcast_in_dim3A_9 : vector<16xf32> to vector<1x16xf32>
    tpu.vector_store %arg9[%swap3A_1804, %swap3A_1805], %swap3A_1808 {strides = array<i32>} : memref<56x128xf32, #tpu.memory_space<vmem>>, vector<1x16xf32>,
    %swap3A_1809 = arith.constant 37 : i32
    %swap3A_1810 = arith.index_cast %swap3A_1809 : i32 to index
    %swap3A_1811 = arith.constant 64 : index
    %swap3A_1812 = tpu.vector_load %arg9[%swap3A_1810, %swap3A_1811] {strides = array<i32>} : memref<56x128xf32, #tpu.memory_space<vmem>>, vector<1x16xf32>,
    %swap3A_1813 = vector.shape_cast %swap3A_1812 : vector<1x16xf32> to vector<16xf32>
    %swap3A_1814 = vector.shape_cast %broadcast_in_dim3A_9 : vector<16xf32> to vector<1x16xf32>
    tpu.vector_store %arg9[%swap3A_1810, %swap3A_1811], %swap3A_1814 {strides = array<i32>} : memref<56x128xf32, #tpu.memory_space<vmem>>, vector<1x16xf32>,
    %swap3A_1815 = arith.constant 37 : i32
    %swap3A_1816 = arith.index_cast %swap3A_1815 : i32 to index
    %swap3A_1817 = arith.constant 80 : index
    %swap3A_1818 = tpu.vector_load %arg9[%swap3A_1816, %swap3A_1817] {strides = array<i32>} : memref<56x128xf32, #tpu.memory_space<vmem>>, vector<1x16xf32>,
    %swap3A_1819 = vector.shape_cast %swap3A_1818 : vector<1x16xf32> to vector<16xf32>
    %swap3A_1820 = vector.shape_cast %broadcast_in_dim3A_9 : vector<16xf32> to vector<1x16xf32>
    tpu.vector_store %arg9[%swap3A_1816, %swap3A_1817], %swap3A_1820 {strides = array<i32>} : memref<56x128xf32, #tpu.memory_space<vmem>>, vector<1x16xf32>,
    %swap3A_1821 = arith.constant 37 : i32
    %swap3A_1822 = arith.index_cast %swap3A_1821 : i32 to index
    %swap3A_1823 = arith.constant 96 : index
    %swap3A_1824 = tpu.vector_load %arg9[%swap3A_1822, %swap3A_1823] {strides = array<i32>} : memref<56x128xf32, #tpu.memory_space<vmem>>, vector<1x16xf32>,
    %swap3A_1825 = vector.shape_cast %swap3A_1824 : vector<1x16xf32> to vector<16xf32>
    %swap3A_1826 = vector.shape_cast %broadcast_in_dim3A_9 : vector<16xf32> to vector<1x16xf32>
    tpu.vector_store %arg9[%swap3A_1822, %swap3A_1823], %swap3A_1826 {strides = array<i32>} : memref<56x128xf32, #tpu.memory_space<vmem>>, vector<1x16xf32>,
    %swap3A_1827 = arith.constant 37 : i32
    %swap3A_1828 = arith.index_cast %swap3A_1827 : i32 to index
    %swap3A_1829 = arith.constant 112 : index
    %swap3A_1830 = tpu.vector_load %arg9[%swap3A_1828, %swap3A_1829] {strides = array<i32>} : memref<56x128xf32, #tpu.memory_space<vmem>>, vector<1x16xf32>,
    %swap3A_1831 = vector.shape_cast %swap3A_1830 : vector<1x16xf32> to vector<16xf32>
    %swap3A_1832 = vector.shape_cast %broadcast_in_dim3A_9 : vector<16xf32> to vector<1x16xf32>
    tpu.vector_store %arg9[%swap3A_1828, %swap3A_1829], %swap3A_1832 {strides = array<i32>} : memref<56x128xf32, #tpu.memory_space<vmem>>, vector<1x16xf32>,
    %swap3A_1833 = arith.constant 38 : i32
    %swap3A_1834 = arith.index_cast %swap3A_1833 : i32 to index
    %swap3A_1835 = arith.constant 0 : index
    %swap3A_1836 = tpu.vector_load %arg9[%swap3A_1834, %swap3A_1835] {strides = array<i32>} : memref<56x128xf32, #tpu.memory_space<vmem>>, vector<1x16xf32>,
    %swap3A_1837 = vector.shape_cast %swap3A_1836 : vector<1x16xf32> to vector<16xf32>
    %swap3A_1838 = vector.shape_cast %broadcast_in_dim3A_9 : vector<16xf32> to vector<1x16xf32>
    tpu.vector_store %arg9[%swap3A_1834, %swap3A_1835], %swap3A_1838 {strides = array<i32>} : memref<56x128xf32, #tpu.memory_space<vmem>>, vector<1x16xf32>,
    %swap3A_1839 = arith.constant 38 : i32
    %swap3A_1840 = arith.index_cast %swap3A_1839 : i32 to index
    %swap3A_1841 = arith.constant 16 : index
    %swap3A_1842 = tpu.vector_load %arg9[%swap3A_1840, %swap3A_1841] {strides = array<i32>} : memref<56x128xf32, #tpu.memory_space<vmem>>, vector<1x16xf32>,
    %swap3A_1843 = vector.shape_cast %swap3A_1842 : vector<1x16xf32> to vector<16xf32>
    %swap3A_1844 = vector.shape_cast %broadcast_in_dim3A_9 : vector<16xf32> to vector<1x16xf32>
    tpu.vector_store %arg9[%swap3A_1840, %swap3A_1841], %swap3A_1844 {strides = array<i32>} : memref<56x128xf32, #tpu.memory_space<vmem>>, vector<1x16xf32>,
    %swap3A_1845 = arith.constant 38 : i32
    %swap3A_1846 = arith.index_cast %swap3A_1845 : i32 to index
    %swap3A_1847 = arith.constant 32 : index
    %swap3A_1848 = tpu.vector_load %arg9[%swap3A_1846, %swap3A_1847] {strides = array<i32>} : memref<56x128xf32, #tpu.memory_space<vmem>>, vector<1x16xf32>,
    %swap3A_1849 = vector.shape_cast %swap3A_1848 : vector<1x16xf32> to vector<16xf32>
    %swap3A_1850 = vector.shape_cast %broadcast_in_dim3A_9 : vector<16xf32> to vector<1x16xf32>
    tpu.vector_store %arg9[%swap3A_1846, %swap3A_1847], %swap3A_1850 {strides = array<i32>} : memref<56x128xf32, #tpu.memory_space<vmem>>, vector<1x16xf32>,
    %swap3A_1851 = arith.constant 38 : i32
    %swap3A_1852 = arith.index_cast %swap3A_1851 : i32 to index
    %swap3A_1853 = arith.constant 48 : index
    %swap3A_1854 = tpu.vector_load %arg9[%swap3A_1852, %swap3A_1853] {strides = array<i32>} : memref<56x128xf32, #tpu.memory_space<vmem>>, vector<1x16xf32>,
    %swap3A_1855 = vector.shape_cast %swap3A_1854 : vector<1x16xf32> to vector<16xf32>
    %swap3A_1856 = vector.shape_cast %broadcast_in_dim3A_9 : vector<16xf32> to vector<1x16xf32>
    tpu.vector_store %arg9[%swap3A_1852, %swap3A_1853], %swap3A_1856 {strides = array<i32>} : memref<56x128xf32, #tpu.memory_space<vmem>>, vector<1x16xf32>,
    %swap3A_1857 = arith.constant 38 : i32
    %swap3A_1858 = arith.index_cast %swap3A_1857 : i32 to index
    %swap3A_1859 = arith.constant 64 : index
    %swap3A_1860 = tpu.vector_load %arg9[%swap3A_1858, %swap3A_1859] {strides = array<i32>} : memref<56x128xf32, #tpu.memory_space<vmem>>, vector<1x16xf32>,
    %swap3A_1861 = vector.shape_cast %swap3A_1860 : vector<1x16xf32> to vector<16xf32>
    %swap3A_1862 = vector.shape_cast %broadcast_in_dim3A_9 : vector<16xf32> to vector<1x16xf32>
    tpu.vector_store %arg9[%swap3A_1858, %swap3A_1859], %swap3A_1862 {strides = array<i32>} : memref<56x128xf32, #tpu.memory_space<vmem>>, vector<1x16xf32>,
    %swap3A_1863 = arith.constant 38 : i32
    %swap3A_1864 = arith.index_cast %swap3A_1863 : i32 to index
    %swap3A_1865 = arith.constant 80 : index
    %swap3A_1866 = tpu.vector_load %arg9[%swap3A_1864, %swap3A_1865] {strides = array<i32>} : memref<56x128xf32, #tpu.memory_space<vmem>>, vector<1x16xf32>,
    %swap3A_1867 = vector.shape_cast %swap3A_1866 : vector<1x16xf32> to vector<16xf32>
    %swap3A_1868 = vector.shape_cast %broadcast_in_dim3A_9 : vector<16xf32> to vector<1x16xf32>
    tpu.vector_store %arg9[%swap3A_1864, %swap3A_1865], %swap3A_1868 {strides = array<i32>} : memref<56x128xf32, #tpu.memory_space<vmem>>, vector<1x16xf32>,
    %swap3A_1869 = arith.constant 38 : i32
    %swap3A_1870 = arith.index_cast %swap3A_1869 : i32 to index
    %swap3A_1871 = arith.constant 96 : index
    %swap3A_1872 = tpu.vector_load %arg9[%swap3A_1870, %swap3A_1871] {strides = array<i32>} : memref<56x128xf32, #tpu.memory_space<vmem>>, vector<1x16xf32>,
    %swap3A_1873 = vector.shape_cast %swap3A_1872 : vector<1x16xf32> to vector<16xf32>
    %swap3A_1874 = vector.shape_cast %broadcast_in_dim3A_9 : vector<16xf32> to vector<1x16xf32>
    tpu.vector_store %arg9[%swap3A_1870, %swap3A_1871], %swap3A_1874 {strides = array<i32>} : memref<56x128xf32, #tpu.memory_space<vmem>>, vector<1x16xf32>,
    %swap3A_1875 = arith.constant 38 : i32
    %swap3A_1876 = arith.index_cast %swap3A_1875 : i32 to index
    %swap3A_1877 = arith.constant 112 : index
    %swap3A_1878 = tpu.vector_load %arg9[%swap3A_1876, %swap3A_1877] {strides = array<i32>} : memref<56x128xf32, #tpu.memory_space<vmem>>, vector<1x16xf32>,
    %swap3A_1879 = vector.shape_cast %swap3A_1878 : vector<1x16xf32> to vector<16xf32>
    %swap3A_1880 = vector.shape_cast %broadcast_in_dim3A_9 : vector<16xf32> to vector<1x16xf32>
    tpu.vector_store %arg9[%swap3A_1876, %swap3A_1877], %swap3A_1880 {strides = array<i32>} : memref<56x128xf32, #tpu.memory_space<vmem>>, vector<1x16xf32>,
    %swap3A_1881 = arith.constant 39 : i32
    %swap3A_1882 = arith.index_cast %swap3A_1881 : i32 to index
    %swap3A_1883 = arith.constant 0 : index
    %swap3A_1884 = tpu.vector_load %arg9[%swap3A_1882, %swap3A_1883] {strides = array<i32>} : memref<56x128xf32, #tpu.memory_space<vmem>>, vector<1x16xf32>,
    %swap3A_1885 = vector.shape_cast %swap3A_1884 : vector<1x16xf32> to vector<16xf32>
    %swap3A_1886 = vector.shape_cast %broadcast_in_dim3A_9 : vector<16xf32> to vector<1x16xf32>
    tpu.vector_store %arg9[%swap3A_1882, %swap3A_1883], %swap3A_1886 {strides = array<i32>} : memref<56x128xf32, #tpu.memory_space<vmem>>, vector<1x16xf32>,
    %swap3A_1887 = arith.constant 39 : i32
    %swap3A_1888 = arith.index_cast %swap3A_1887 : i32 to index
    %swap3A_1889 = arith.constant 16 : index
    %swap3A_1890 = tpu.vector_load %arg9[%swap3A_1888, %swap3A_1889] {strides = array<i32>} : memref<56x128xf32, #tpu.memory_space<vmem>>, vector<1x16xf32>,
    %swap3A_1891 = vector.shape_cast %swap3A_1890 : vector<1x16xf32> to vector<16xf32>
    %swap3A_1892 = vector.shape_cast %broadcast_in_dim3A_9 : vector<16xf32> to vector<1x16xf32>
    tpu.vector_store %arg9[%swap3A_1888, %swap3A_1889], %swap3A_1892 {strides = array<i32>} : memref<56x128xf32, #tpu.memory_space<vmem>>, vector<1x16xf32>,
    %swap3A_1893 = arith.constant 39 : i32
    %swap3A_1894 = arith.index_cast %swap3A_1893 : i32 to index
    %swap3A_1895 = arith.constant 32 : index
    %swap3A_1896 = tpu.vector_load %arg9[%swap3A_1894, %swap3A_1895] {strides = array<i32>} : memref<56x128xf32, #tpu.memory_space<vmem>>, vector<1x16xf32>,
    %swap3A_1897 = vector.shape_cast %swap3A_1896 : vector<1x16xf32> to vector<16xf32>
    %swap3A_1898 = vector.shape_cast %broadcast_in_dim3A_9 : vector<16xf32> to vector<1x16xf32>
    tpu.vector_store %arg9[%swap3A_1894, %swap3A_1895], %swap3A_1898 {strides = array<i32>} : memref<56x128xf32, #tpu.memory_space<vmem>>, vector<1x16xf32>,
    %swap3A_1899 = arith.constant 39 : i32
    %swap3A_1900 = arith.index_cast %swap3A_1899 : i32 to index
    %swap3A_1901 = arith.constant 48 : index
    %swap3A_1902 = tpu.vector_load %arg9[%swap3A_1900, %swap3A_1901] {strides = array<i32>} : memref<56x128xf32, #tpu.memory_space<vmem>>, vector<1x16xf32>,
    %swap3A_1903 = vector.shape_cast %swap3A_1902 : vector<1x16xf32> to vector<16xf32>
    %swap3A_1904 = vector.shape_cast %broadcast_in_dim3A_9 : vector<16xf32> to vector<1x16xf32>
    tpu.vector_store %arg9[%swap3A_1900, %swap3A_1901], %swap3A_1904 {strides = array<i32>} : memref<56x128xf32, #tpu.memory_space<vmem>>, vector<1x16xf32>,
    %swap3A_1905 = arith.constant 39 : i32
    %swap3A_1906 = arith.index_cast %swap3A_1905 : i32 to index
    %swap3A_1907 = arith.constant 64 : index
    %swap3A_1908 = tpu.vector_load %arg9[%swap3A_1906, %swap3A_1907] {strides = array<i32>} : memref<56x128xf32, #tpu.memory_space<vmem>>, vector<1x16xf32>,
    %swap3A_1909 = vector.shape_cast %swap3A_1908 : vector<1x16xf32> to vector<16xf32>
    %swap3A_1910 = vector.shape_cast %broadcast_in_dim3A_9 : vector<16xf32> to vector<1x16xf32>
    tpu.vector_store %arg9[%swap3A_1906, %swap3A_1907], %swap3A_1910 {strides = array<i32>} : memref<56x128xf32, #tpu.memory_space<vmem>>, vector<1x16xf32>,
    %swap3A_1911 = arith.constant 39 : i32
    %swap3A_1912 = arith.index_cast %swap3A_1911 : i32 to index
    %swap3A_1913 = arith.constant 80 : index
    %swap3A_1914 = tpu.vector_load %arg9[%swap3A_1912, %swap3A_1913] {strides = array<i32>} : memref<56x128xf32, #tpu.memory_space<vmem>>, vector<1x16xf32>,
    %swap3A_1915 = vector.shape_cast %swap3A_1914 : vector<1x16xf32> to vector<16xf32>
    %swap3A_1916 = vector.shape_cast %broadcast_in_dim3A_9 : vector<16xf32> to vector<1x16xf32>
    tpu.vector_store %arg9[%swap3A_1912, %swap3A_1913], %swap3A_1916 {strides = array<i32>} : memref<56x128xf32, #tpu.memory_space<vmem>>, vector<1x16xf32>,
    %swap3A_1917 = arith.constant 39 : i32
    %swap3A_1918 = arith.index_cast %swap3A_1917 : i32 to index
    %swap3A_1919 = arith.constant 96 : index
    %swap3A_1920 = tpu.vector_load %arg9[%swap3A_1918, %swap3A_1919] {strides = array<i32>} : memref<56x128xf32, #tpu.memory_space<vmem>>, vector<1x16xf32>,
    %swap3A_1921 = vector.shape_cast %swap3A_1920 : vector<1x16xf32> to vector<16xf32>
    %swap3A_1922 = vector.shape_cast %broadcast_in_dim3A_9 : vector<16xf32> to vector<1x16xf32>
    tpu.vector_store %arg9[%swap3A_1918, %swap3A_1919], %swap3A_1922 {strides = array<i32>} : memref<56x128xf32, #tpu.memory_space<vmem>>, vector<1x16xf32>,
    %swap3A_1923 = arith.constant 39 : i32
    %swap3A_1924 = arith.index_cast %swap3A_1923 : i32 to index
    %swap3A_1925 = arith.constant 112 : index
    %swap3A_1926 = tpu.vector_load %arg9[%swap3A_1924, %swap3A_1925] {strides = array<i32>} : memref<56x128xf32, #tpu.memory_space<vmem>>, vector<1x16xf32>,
    %swap3A_1927 = vector.shape_cast %swap3A_1926 : vector<1x16xf32> to vector<16xf32>
    %swap3A_1928 = vector.shape_cast %broadcast_in_dim3A_9 : vector<16xf32> to vector<1x16xf32>
    tpu.vector_store %arg9[%swap3A_1924, %swap3A_1925], %swap3A_1928 {strides = array<i32>} : memref<56x128xf32, #tpu.memory_space<vmem>>, vector<1x16xf32>,
    %swap3A_1929 = arith.constant 40 : i32
    %swap3A_1930 = arith.index_cast %swap3A_1929 : i32 to index
    %swap3A_1931 = arith.constant 0 : index
    %swap3A_1932 = tpu.vector_load %arg9[%swap3A_1930, %swap3A_1931] {strides = array<i32>} : memref<56x128xf32, #tpu.memory_space<vmem>>, vector<1x16xf32>,
    %swap3A_1933 = vector.shape_cast %swap3A_1932 : vector<1x16xf32> to vector<16xf32>
    %swap3A_1934 = vector.shape_cast %broadcast_in_dim3A_9 : vector<16xf32> to vector<1x16xf32>
    tpu.vector_store %arg9[%swap3A_1930, %swap3A_1931], %swap3A_1934 {strides = array<i32>} : memref<56x128xf32, #tpu.memory_space<vmem>>, vector<1x16xf32>,
    %swap3A_1935 = arith.constant 40 : i32
    %swap3A_1936 = arith.index_cast %swap3A_1935 : i32 to index
    %swap3A_1937 = arith.constant 16 : index
    %swap3A_1938 = tpu.vector_load %arg9[%swap3A_1936, %swap3A_1937] {strides = array<i32>} : memref<56x128xf32, #tpu.memory_space<vmem>>, vector<1x16xf32>,
    %swap3A_1939 = vector.shape_cast %swap3A_1938 : vector<1x16xf32> to vector<16xf32>
    %swap3A_1940 = vector.shape_cast %broadcast_in_dim3A_9 : vector<16xf32> to vector<1x16xf32>
    tpu.vector_store %arg9[%swap3A_1936, %swap3A_1937], %swap3A_1940 {strides = array<i32>} : memref<56x128xf32, #tpu.memory_space<vmem>>, vector<1x16xf32>,
    %swap3A_1941 = arith.constant 40 : i32
    %swap3A_1942 = arith.index_cast %swap3A_1941 : i32 to index
    %swap3A_1943 = arith.constant 32 : index
    %swap3A_1944 = tpu.vector_load %arg9[%swap3A_1942, %swap3A_1943] {strides = array<i32>} : memref<56x128xf32, #tpu.memory_space<vmem>>, vector<1x16xf32>,
    %swap3A_1945 = vector.shape_cast %swap3A_1944 : vector<1x16xf32> to vector<16xf32>
    %swap3A_1946 = vector.shape_cast %broadcast_in_dim3A_9 : vector<16xf32> to vector<1x16xf32>
    tpu.vector_store %arg9[%swap3A_1942, %swap3A_1943], %swap3A_1946 {strides = array<i32>} : memref<56x128xf32, #tpu.memory_space<vmem>>, vector<1x16xf32>,
    %swap3A_1947 = arith.constant 40 : i32
    %swap3A_1948 = arith.index_cast %swap3A_1947 : i32 to index
    %swap3A_1949 = arith.constant 48 : index
    %swap3A_1950 = tpu.vector_load %arg9[%swap3A_1948, %swap3A_1949] {strides = array<i32>} : memref<56x128xf32, #tpu.memory_space<vmem>>, vector<1x16xf32>,
    %swap3A_1951 = vector.shape_cast %swap3A_1950 : vector<1x16xf32> to vector<16xf32>
    %swap3A_1952 = vector.shape_cast %broadcast_in_dim3A_9 : vector<16xf32> to vector<1x16xf32>
    tpu.vector_store %arg9[%swap3A_1948, %swap3A_1949], %swap3A_1952 {strides = array<i32>} : memref<56x128xf32, #tpu.memory_space<vmem>>, vector<1x16xf32>,
    %swap3A_1953 = arith.constant 40 : i32
    %swap3A_1954 = arith.index_cast %swap3A_1953 : i32 to index
    %swap3A_1955 = arith.constant 64 : index
    %swap3A_1956 = tpu.vector_load %arg9[%swap3A_1954, %swap3A_1955] {strides = array<i32>} : memref<56x128xf32, #tpu.memory_space<vmem>>, vector<1x16xf32>,
    %swap3A_1957 = vector.shape_cast %swap3A_1956 : vector<1x16xf32> to vector<16xf32>
    %swap3A_1958 = vector.shape_cast %broadcast_in_dim3A_9 : vector<16xf32> to vector<1x16xf32>
    tpu.vector_store %arg9[%swap3A_1954, %swap3A_1955], %swap3A_1958 {strides = array<i32>} : memref<56x128xf32, #tpu.memory_space<vmem>>, vector<1x16xf32>,
    %swap3A_1959 = arith.constant 40 : i32
    %swap3A_1960 = arith.index_cast %swap3A_1959 : i32 to index
    %swap3A_1961 = arith.constant 80 : index
    %swap3A_1962 = tpu.vector_load %arg9[%swap3A_1960, %swap3A_1961] {strides = array<i32>} : memref<56x128xf32, #tpu.memory_space<vmem>>, vector<1x16xf32>,
    %swap3A_1963 = vector.shape_cast %swap3A_1962 : vector<1x16xf32> to vector<16xf32>
    %swap3A_1964 = vector.shape_cast %broadcast_in_dim3A_9 : vector<16xf32> to vector<1x16xf32>
    tpu.vector_store %arg9[%swap3A_1960, %swap3A_1961], %swap3A_1964 {strides = array<i32>} : memref<56x128xf32, #tpu.memory_space<vmem>>, vector<1x16xf32>,
    %swap3A_1965 = arith.constant 40 : i32
    %swap3A_1966 = arith.index_cast %swap3A_1965 : i32 to index
    %swap3A_1967 = arith.constant 96 : index
    %swap3A_1968 = tpu.vector_load %arg9[%swap3A_1966, %swap3A_1967] {strides = array<i32>} : memref<56x128xf32, #tpu.memory_space<vmem>>, vector<1x16xf32>,
    %swap3A_1969 = vector.shape_cast %swap3A_1968 : vector<1x16xf32> to vector<16xf32>
    %swap3A_1970 = vector.shape_cast %broadcast_in_dim3A_9 : vector<16xf32> to vector<1x16xf32>
    tpu.vector_store %arg9[%swap3A_1966, %swap3A_1967], %swap3A_1970 {strides = array<i32>} : memref<56x128xf32, #tpu.memory_space<vmem>>, vector<1x16xf32>,
    %swap3A_1971 = arith.constant 40 : i32
    %swap3A_1972 = arith.index_cast %swap3A_1971 : i32 to index
    %swap3A_1973 = arith.constant 112 : index
    %swap3A_1974 = tpu.vector_load %arg9[%swap3A_1972, %swap3A_1973] {strides = array<i32>} : memref<56x128xf32, #tpu.memory_space<vmem>>, vector<1x16xf32>,
    %swap3A_1975 = vector.shape_cast %swap3A_1974 : vector<1x16xf32> to vector<16xf32>
    %swap3A_1976 = vector.shape_cast %broadcast_in_dim3A_9 : vector<16xf32> to vector<1x16xf32>
    tpu.vector_store %arg9[%swap3A_1972, %swap3A_1973], %swap3A_1976 {strides = array<i32>} : memref<56x128xf32, #tpu.memory_space<vmem>>, vector<1x16xf32>,
    %swap3A_1977 = arith.constant 41 : i32
    %swap3A_1978 = arith.index_cast %swap3A_1977 : i32 to index
    %swap3A_1979 = arith.constant 0 : index
    %swap3A_1980 = tpu.vector_load %arg9[%swap3A_1978, %swap3A_1979] {strides = array<i32>} : memref<56x128xf32, #tpu.memory_space<vmem>>, vector<1x16xf32>,
    %swap3A_1981 = vector.shape_cast %swap3A_1980 : vector<1x16xf32> to vector<16xf32>
    %swap3A_1982 = vector.shape_cast %broadcast_in_dim3A_9 : vector<16xf32> to vector<1x16xf32>
    tpu.vector_store %arg9[%swap3A_1978, %swap3A_1979], %swap3A_1982 {strides = array<i32>} : memref<56x128xf32, #tpu.memory_space<vmem>>, vector<1x16xf32>,
    %swap3A_1983 = arith.constant 41 : i32
    %swap3A_1984 = arith.index_cast %swap3A_1983 : i32 to index
    %swap3A_1985 = arith.constant 16 : index
    %swap3A_1986 = tpu.vector_load %arg9[%swap3A_1984, %swap3A_1985] {strides = array<i32>} : memref<56x128xf32, #tpu.memory_space<vmem>>, vector<1x16xf32>,
    %swap3A_1987 = vector.shape_cast %swap3A_1986 : vector<1x16xf32> to vector<16xf32>
    %swap3A_1988 = vector.shape_cast %broadcast_in_dim3A_9 : vector<16xf32> to vector<1x16xf32>
    tpu.vector_store %arg9[%swap3A_1984, %swap3A_1985], %swap3A_1988 {strides = array<i32>} : memref<56x128xf32, #tpu.memory_space<vmem>>, vector<1x16xf32>,
    %swap3A_1989 = arith.constant 41 : i32
    %swap3A_1990 = arith.index_cast %swap3A_1989 : i32 to index
    %swap3A_1991 = arith.constant 32 : index
    %swap3A_1992 = tpu.vector_load %arg9[%swap3A_1990, %swap3A_1991] {strides = array<i32>} : memref<56x128xf32, #tpu.memory_space<vmem>>, vector<1x16xf32>,
    %swap3A_1993 = vector.shape_cast %swap3A_1992 : vector<1x16xf32> to vector<16xf32>
    %swap3A_1994 = vector.shape_cast %broadcast_in_dim3A_9 : vector<16xf32> to vector<1x16xf32>
    tpu.vector_store %arg9[%swap3A_1990, %swap3A_1991], %swap3A_1994 {strides = array<i32>} : memref<56x128xf32, #tpu.memory_space<vmem>>, vector<1x16xf32>,
    %swap3A_1995 = arith.constant 41 : i32
    %swap3A_1996 = arith.index_cast %swap3A_1995 : i32 to index
    %swap3A_1997 = arith.constant 48 : index
    %swap3A_1998 = tpu.vector_load %arg9[%swap3A_1996, %swap3A_1997] {strides = array<i32>} : memref<56x128xf32, #tpu.memory_space<vmem>>, vector<1x16xf32>,
    %swap3A_1999 = vector.shape_cast %swap3A_1998 : vector<1x16xf32> to vector<16xf32>
    %swap3A_2000 = vector.shape_cast %broadcast_in_dim3A_9 : vector<16xf32> to vector<1x16xf32>
    tpu.vector_store %arg9[%swap3A_1996, %swap3A_1997], %swap3A_2000 {strides = array<i32>} : memref<56x128xf32, #tpu.memory_space<vmem>>, vector<1x16xf32>,
    %swap3A_2001 = arith.constant 41 : i32
    %swap3A_2002 = arith.index_cast %swap3A_2001 : i32 to index
    %swap3A_2003 = arith.constant 64 : index
    %swap3A_2004 = tpu.vector_load %arg9[%swap3A_2002, %swap3A_2003] {strides = array<i32>} : memref<56x128xf32, #tpu.memory_space<vmem>>, vector<1x16xf32>,
    %swap3A_2005 = vector.shape_cast %swap3A_2004 : vector<1x16xf32> to vector<16xf32>
    %swap3A_2006 = vector.shape_cast %broadcast_in_dim3A_9 : vector<16xf32> to vector<1x16xf32>
    tpu.vector_store %arg9[%swap3A_2002, %swap3A_2003], %swap3A_2006 {strides = array<i32>} : memref<56x128xf32, #tpu.memory_space<vmem>>, vector<1x16xf32>,
    %swap3A_2007 = arith.constant 41 : i32
    %swap3A_2008 = arith.index_cast %swap3A_2007 : i32 to index
    %swap3A_2009 = arith.constant 80 : index
    %swap3A_2010 = tpu.vector_load %arg9[%swap3A_2008, %swap3A_2009] {strides = array<i32>} : memref<56x128xf32, #tpu.memory_space<vmem>>, vector<1x16xf32>,
    %swap3A_2011 = vector.shape_cast %swap3A_2010 : vector<1x16xf32> to vector<16xf32>
    %swap3A_2012 = vector.shape_cast %broadcast_in_dim3A_9 : vector<16xf32> to vector<1x16xf32>
    tpu.vector_store %arg9[%swap3A_2008, %swap3A_2009], %swap3A_2012 {strides = array<i32>} : memref<56x128xf32, #tpu.memory_space<vmem>>, vector<1x16xf32>,
    %swap3A_2013 = arith.constant 41 : i32
    %swap3A_2014 = arith.index_cast %swap3A_2013 : i32 to index
    %swap3A_2015 = arith.constant 96 : index
    %swap3A_2016 = tpu.vector_load %arg9[%swap3A_2014, %swap3A_2015] {strides = array<i32>} : memref<56x128xf32, #tpu.memory_space<vmem>>, vector<1x16xf32>,
    %swap3A_2017 = vector.shape_cast %swap3A_2016 : vector<1x16xf32> to vector<16xf32>
    %swap3A_2018 = vector.shape_cast %broadcast_in_dim3A_9 : vector<16xf32> to vector<1x16xf32>
    tpu.vector_store %arg9[%swap3A_2014, %swap3A_2015], %swap3A_2018 {strides = array<i32>} : memref<56x128xf32, #tpu.memory_space<vmem>>, vector<1x16xf32>,
    %swap3A_2019 = arith.constant 41 : i32
    %swap3A_2020 = arith.index_cast %swap3A_2019 : i32 to index
    %swap3A_2021 = arith.constant 112 : index
    %swap3A_2022 = tpu.vector_load %arg9[%swap3A_2020, %swap3A_2021] {strides = array<i32>} : memref<56x128xf32, #tpu.memory_space<vmem>>, vector<1x16xf32>,
    %swap3A_2023 = vector.shape_cast %swap3A_2022 : vector<1x16xf32> to vector<16xf32>
    %swap3A_2024 = vector.shape_cast %broadcast_in_dim3A_9 : vector<16xf32> to vector<1x16xf32>
    tpu.vector_store %arg9[%swap3A_2020, %swap3A_2021], %swap3A_2024 {strides = array<i32>} : memref<56x128xf32, #tpu.memory_space<vmem>>, vector<1x16xf32>,
    %swap3A_2025 = arith.constant 42 : i32
    %swap3A_2026 = arith.index_cast %swap3A_2025 : i32 to index
    %swap3A_2027 = arith.constant 0 : index
    %swap3A_2028 = tpu.vector_load %arg9[%swap3A_2026, %swap3A_2027] {strides = array<i32>} : memref<56x128xf32, #tpu.memory_space<vmem>>, vector<1x16xf32>,
    %swap3A_2029 = vector.shape_cast %swap3A_2028 : vector<1x16xf32> to vector<16xf32>
    %swap3A_2030 = vector.shape_cast %broadcast_in_dim3A_9 : vector<16xf32> to vector<1x16xf32>
    tpu.vector_store %arg9[%swap3A_2026, %swap3A_2027], %swap3A_2030 {strides = array<i32>} : memref<56x128xf32, #tpu.memory_space<vmem>>, vector<1x16xf32>,
    %swap3A_2031 = arith.constant 42 : i32
    %swap3A_2032 = arith.index_cast %swap3A_2031 : i32 to index
    %swap3A_2033 = arith.constant 16 : index
    %swap3A_2034 = tpu.vector_load %arg9[%swap3A_2032, %swap3A_2033] {strides = array<i32>} : memref<56x128xf32, #tpu.memory_space<vmem>>, vector<1x16xf32>,
    %swap3A_2035 = vector.shape_cast %swap3A_2034 : vector<1x16xf32> to vector<16xf32>
    %swap3A_2036 = vector.shape_cast %broadcast_in_dim3A_9 : vector<16xf32> to vector<1x16xf32>
    tpu.vector_store %arg9[%swap3A_2032, %swap3A_2033], %swap3A_2036 {strides = array<i32>} : memref<56x128xf32, #tpu.memory_space<vmem>>, vector<1x16xf32>,
    %swap3A_2037 = arith.constant 42 : i32
    %swap3A_2038 = arith.index_cast %swap3A_2037 : i32 to index
    %swap3A_2039 = arith.constant 32 : index
    %swap3A_2040 = tpu.vector_load %arg9[%swap3A_2038, %swap3A_2039] {strides = array<i32>} : memref<56x128xf32, #tpu.memory_space<vmem>>, vector<1x16xf32>,
    %swap3A_2041 = vector.shape_cast %swap3A_2040 : vector<1x16xf32> to vector<16xf32>
    %swap3A_2042 = vector.shape_cast %broadcast_in_dim3A_9 : vector<16xf32> to vector<1x16xf32>
    tpu.vector_store %arg9[%swap3A_2038, %swap3A_2039], %swap3A_2042 {strides = array<i32>} : memref<56x128xf32, #tpu.memory_space<vmem>>, vector<1x16xf32>,
    %swap3A_2043 = arith.constant 42 : i32
    %swap3A_2044 = arith.index_cast %swap3A_2043 : i32 to index
    %swap3A_2045 = arith.constant 48 : index
    %swap3A_2046 = tpu.vector_load %arg9[%swap3A_2044, %swap3A_2045] {strides = array<i32>} : memref<56x128xf32, #tpu.memory_space<vmem>>, vector<1x16xf32>,
    %swap3A_2047 = vector.shape_cast %swap3A_2046 : vector<1x16xf32> to vector<16xf32>
    %swap3A_2048 = vector.shape_cast %broadcast_in_dim3A_9 : vector<16xf32> to vector<1x16xf32>
    tpu.vector_store %arg9[%swap3A_2044, %swap3A_2045], %swap3A_2048 {strides = array<i32>} : memref<56x128xf32, #tpu.memory_space<vmem>>, vector<1x16xf32>,
    %swap3A_2049 = arith.constant 42 : i32
    %swap3A_2050 = arith.index_cast %swap3A_2049 : i32 to index
    %swap3A_2051 = arith.constant 64 : index
    %swap3A_2052 = tpu.vector_load %arg9[%swap3A_2050, %swap3A_2051] {strides = array<i32>} : memref<56x128xf32, #tpu.memory_space<vmem>>, vector<1x16xf32>,
    %swap3A_2053 = vector.shape_cast %swap3A_2052 : vector<1x16xf32> to vector<16xf32>
    %swap3A_2054 = vector.shape_cast %broadcast_in_dim3A_9 : vector<16xf32> to vector<1x16xf32>
    tpu.vector_store %arg9[%swap3A_2050, %swap3A_2051], %swap3A_2054 {strides = array<i32>} : memref<56x128xf32, #tpu.memory_space<vmem>>, vector<1x16xf32>,
    %swap3A_2055 = arith.constant 42 : i32
    %swap3A_2056 = arith.index_cast %swap3A_2055 : i32 to index
    %swap3A_2057 = arith.constant 80 : index
    %swap3A_2058 = tpu.vector_load %arg9[%swap3A_2056, %swap3A_2057] {strides = array<i32>} : memref<56x128xf32, #tpu.memory_space<vmem>>, vector<1x16xf32>,
    %swap3A_2059 = vector.shape_cast %swap3A_2058 : vector<1x16xf32> to vector<16xf32>
    %swap3A_2060 = vector.shape_cast %broadcast_in_dim3A_9 : vector<16xf32> to vector<1x16xf32>
    tpu.vector_store %arg9[%swap3A_2056, %swap3A_2057], %swap3A_2060 {strides = array<i32>} : memref<56x128xf32, #tpu.memory_space<vmem>>, vector<1x16xf32>,
    %swap3A_2061 = arith.constant 42 : i32
    %swap3A_2062 = arith.index_cast %swap3A_2061 : i32 to index
    %swap3A_2063 = arith.constant 96 : index
    %swap3A_2064 = tpu.vector_load %arg9[%swap3A_2062, %swap3A_2063] {strides = array<i32>} : memref<56x128xf32, #tpu.memory_space<vmem>>, vector<1x16xf32>,
    %swap3A_2065 = vector.shape_cast %swap3A_2064 : vector<1x16xf32> to vector<16xf32>
    %swap3A_2066 = vector.shape_cast %broadcast_in_dim3A_9 : vector<16xf32> to vector<1x16xf32>
    tpu.vector_store %arg9[%swap3A_2062, %swap3A_2063], %swap3A_2066 {strides = array<i32>} : memref<56x128xf32, #tpu.memory_space<vmem>>, vector<1x16xf32>,
    %swap3A_2067 = arith.constant 42 : i32
    %swap3A_2068 = arith.index_cast %swap3A_2067 : i32 to index
    %swap3A_2069 = arith.constant 112 : index
    %swap3A_2070 = tpu.vector_load %arg9[%swap3A_2068, %swap3A_2069] {strides = array<i32>} : memref<56x128xf32, #tpu.memory_space<vmem>>, vector<1x16xf32>,
    %swap3A_2071 = vector.shape_cast %swap3A_2070 : vector<1x16xf32> to vector<16xf32>
    %swap3A_2072 = vector.shape_cast %broadcast_in_dim3A_9 : vector<16xf32> to vector<1x16xf32>
    tpu.vector_store %arg9[%swap3A_2068, %swap3A_2069], %swap3A_2072 {strides = array<i32>} : memref<56x128xf32, #tpu.memory_space<vmem>>, vector<1x16xf32>,
    %swap3A_2073 = arith.constant 43 : i32
    %swap3A_2074 = arith.index_cast %swap3A_2073 : i32 to index
    %swap3A_2075 = arith.constant 0 : index
    %swap3A_2076 = tpu.vector_load %arg9[%swap3A_2074, %swap3A_2075] {strides = array<i32>} : memref<56x128xf32, #tpu.memory_space<vmem>>, vector<1x16xf32>,
    %swap3A_2077 = vector.shape_cast %swap3A_2076 : vector<1x16xf32> to vector<16xf32>
    %swap3A_2078 = vector.shape_cast %broadcast_in_dim3A_9 : vector<16xf32> to vector<1x16xf32>
    tpu.vector_store %arg9[%swap3A_2074, %swap3A_2075], %swap3A_2078 {strides = array<i32>} : memref<56x128xf32, #tpu.memory_space<vmem>>, vector<1x16xf32>,
    %swap3A_2079 = arith.constant 43 : i32
    %swap3A_2080 = arith.index_cast %swap3A_2079 : i32 to index
    %swap3A_2081 = arith.constant 16 : index
    %swap3A_2082 = tpu.vector_load %arg9[%swap3A_2080, %swap3A_2081] {strides = array<i32>} : memref<56x128xf32, #tpu.memory_space<vmem>>, vector<1x16xf32>,
    %swap3A_2083 = vector.shape_cast %swap3A_2082 : vector<1x16xf32> to vector<16xf32>
    %swap3A_2084 = vector.shape_cast %broadcast_in_dim3A_9 : vector<16xf32> to vector<1x16xf32>
    tpu.vector_store %arg9[%swap3A_2080, %swap3A_2081], %swap3A_2084 {strides = array<i32>} : memref<56x128xf32, #tpu.memory_space<vmem>>, vector<1x16xf32>,
    %swap3A_2085 = arith.constant 43 : i32
    %swap3A_2086 = arith.index_cast %swap3A_2085 : i32 to index
    %swap3A_2087 = arith.constant 32 : index
    %swap3A_2088 = tpu.vector_load %arg9[%swap3A_2086, %swap3A_2087] {strides = array<i32>} : memref<56x128xf32, #tpu.memory_space<vmem>>, vector<1x16xf32>,
    %swap3A_2089 = vector.shape_cast %swap3A_2088 : vector<1x16xf32> to vector<16xf32>
    %swap3A_2090 = vector.shape_cast %broadcast_in_dim3A_9 : vector<16xf32> to vector<1x16xf32>
    tpu.vector_store %arg9[%swap3A_2086, %swap3A_2087], %swap3A_2090 {strides = array<i32>} : memref<56x128xf32, #tpu.memory_space<vmem>>, vector<1x16xf32>,
    %swap3A_2091 = arith.constant 43 : i32
    %swap3A_2092 = arith.index_cast %swap3A_2091 : i32 to index
    %swap3A_2093 = arith.constant 48 : index
    %swap3A_2094 = tpu.vector_load %arg9[%swap3A_2092, %swap3A_2093] {strides = array<i32>} : memref<56x128xf32, #tpu.memory_space<vmem>>, vector<1x16xf32>,
    %swap3A_2095 = vector.shape_cast %swap3A_2094 : vector<1x16xf32> to vector<16xf32>
    %swap3A_2096 = vector.shape_cast %broadcast_in_dim3A_9 : vector<16xf32> to vector<1x16xf32>
    tpu.vector_store %arg9[%swap3A_2092, %swap3A_2093], %swap3A_2096 {strides = array<i32>} : memref<56x128xf32, #tpu.memory_space<vmem>>, vector<1x16xf32>,
    %swap3A_2097 = arith.constant 43 : i32
    %swap3A_2098 = arith.index_cast %swap3A_2097 : i32 to index
    %swap3A_2099 = arith.constant 64 : index
    %swap3A_2100 = tpu.vector_load %arg9[%swap3A_2098, %swap3A_2099] {strides = array<i32>} : memref<56x128xf32, #tpu.memory_space<vmem>>, vector<1x16xf32>,
    %swap3A_2101 = vector.shape_cast %swap3A_2100 : vector<1x16xf32> to vector<16xf32>
    %swap3A_2102 = vector.shape_cast %broadcast_in_dim3A_9 : vector<16xf32> to vector<1x16xf32>
    tpu.vector_store %arg9[%swap3A_2098, %swap3A_2099], %swap3A_2102 {strides = array<i32>} : memref<56x128xf32, #tpu.memory_space<vmem>>, vector<1x16xf32>,
    %swap3A_2103 = arith.constant 43 : i32
    %swap3A_2104 = arith.index_cast %swap3A_2103 : i32 to index
    %swap3A_2105 = arith.constant 80 : index
    %swap3A_2106 = tpu.vector_load %arg9[%swap3A_2104, %swap3A_2105] {strides = array<i32>} : memref<56x128xf32, #tpu.memory_space<vmem>>, vector<1x16xf32>,
    %swap3A_2107 = vector.shape_cast %swap3A_2106 : vector<1x16xf32> to vector<16xf32>
    %swap3A_2108 = vector.shape_cast %broadcast_in_dim3A_9 : vector<16xf32> to vector<1x16xf32>
    tpu.vector_store %arg9[%swap3A_2104, %swap3A_2105], %swap3A_2108 {strides = array<i32>} : memref<56x128xf32, #tpu.memory_space<vmem>>, vector<1x16xf32>,
    %swap3A_2109 = arith.constant 43 : i32
    %swap3A_2110 = arith.index_cast %swap3A_2109 : i32 to index
    %swap3A_2111 = arith.constant 96 : index
    %swap3A_2112 = tpu.vector_load %arg9[%swap3A_2110, %swap3A_2111] {strides = array<i32>} : memref<56x128xf32, #tpu.memory_space<vmem>>, vector<1x16xf32>,
    %swap3A_2113 = vector.shape_cast %swap3A_2112 : vector<1x16xf32> to vector<16xf32>
    %swap3A_2114 = vector.shape_cast %broadcast_in_dim3A_9 : vector<16xf32> to vector<1x16xf32>
    tpu.vector_store %arg9[%swap3A_2110, %swap3A_2111], %swap3A_2114 {strides = array<i32>} : memref<56x128xf32, #tpu.memory_space<vmem>>, vector<1x16xf32>,
    %swap3A_2115 = arith.constant 43 : i32
    %swap3A_2116 = arith.index_cast %swap3A_2115 : i32 to index
    %swap3A_2117 = arith.constant 112 : index
    %swap3A_2118 = tpu.vector_load %arg9[%swap3A_2116, %swap3A_2117] {strides = array<i32>} : memref<56x128xf32, #tpu.memory_space<vmem>>, vector<1x16xf32>,
    %swap3A_2119 = vector.shape_cast %swap3A_2118 : vector<1x16xf32> to vector<16xf32>
    %swap3A_2120 = vector.shape_cast %broadcast_in_dim3A_9 : vector<16xf32> to vector<1x16xf32>
    tpu.vector_store %arg9[%swap3A_2116, %swap3A_2117], %swap3A_2120 {strides = array<i32>} : memref<56x128xf32, #tpu.memory_space<vmem>>, vector<1x16xf32>,
    %swap3A_2121 = arith.constant 44 : i32
    %swap3A_2122 = arith.index_cast %swap3A_2121 : i32 to index
    %swap3A_2123 = arith.constant 0 : index
    %swap3A_2124 = tpu.vector_load %arg9[%swap3A_2122, %swap3A_2123] {strides = array<i32>} : memref<56x128xf32, #tpu.memory_space<vmem>>, vector<1x16xf32>,
    %swap3A_2125 = vector.shape_cast %swap3A_2124 : vector<1x16xf32> to vector<16xf32>
    %swap3A_2126 = vector.shape_cast %broadcast_in_dim3A_9 : vector<16xf32> to vector<1x16xf32>
    tpu.vector_store %arg9[%swap3A_2122, %swap3A_2123], %swap3A_2126 {strides = array<i32>} : memref<56x128xf32, #tpu.memory_space<vmem>>, vector<1x16xf32>,
    %swap3A_2127 = arith.constant 44 : i32
    %swap3A_2128 = arith.index_cast %swap3A_2127 : i32 to index
    %swap3A_2129 = arith.constant 16 : index
    %swap3A_2130 = tpu.vector_load %arg9[%swap3A_2128, %swap3A_2129] {strides = array<i32>} : memref<56x128xf32, #tpu.memory_space<vmem>>, vector<1x16xf32>,
    %swap3A_2131 = vector.shape_cast %swap3A_2130 : vector<1x16xf32> to vector<16xf32>
    %swap3A_2132 = vector.shape_cast %broadcast_in_dim3A_9 : vector<16xf32> to vector<1x16xf32>
    tpu.vector_store %arg9[%swap3A_2128, %swap3A_2129], %swap3A_2132 {strides = array<i32>} : memref<56x128xf32, #tpu.memory_space<vmem>>, vector<1x16xf32>,
    %swap3A_2133 = arith.constant 44 : i32
    %swap3A_2134 = arith.index_cast %swap3A_2133 : i32 to index
    %swap3A_2135 = arith.constant 32 : index
    %swap3A_2136 = tpu.vector_load %arg9[%swap3A_2134, %swap3A_2135] {strides = array<i32>} : memref<56x128xf32, #tpu.memory_space<vmem>>, vector<1x16xf32>,
    %swap3A_2137 = vector.shape_cast %swap3A_2136 : vector<1x16xf32> to vector<16xf32>
    %swap3A_2138 = vector.shape_cast %broadcast_in_dim3A_9 : vector<16xf32> to vector<1x16xf32>
    tpu.vector_store %arg9[%swap3A_2134, %swap3A_2135], %swap3A_2138 {strides = array<i32>} : memref<56x128xf32, #tpu.memory_space<vmem>>, vector<1x16xf32>,
    %swap3A_2139 = arith.constant 44 : i32
    %swap3A_2140 = arith.index_cast %swap3A_2139 : i32 to index
    %swap3A_2141 = arith.constant 48 : index
    %swap3A_2142 = tpu.vector_load %arg9[%swap3A_2140, %swap3A_2141] {strides = array<i32>} : memref<56x128xf32, #tpu.memory_space<vmem>>, vector<1x16xf32>,
    %swap3A_2143 = vector.shape_cast %swap3A_2142 : vector<1x16xf32> to vector<16xf32>
    %swap3A_2144 = vector.shape_cast %broadcast_in_dim3A_9 : vector<16xf32> to vector<1x16xf32>
    tpu.vector_store %arg9[%swap3A_2140, %swap3A_2141], %swap3A_2144 {strides = array<i32>} : memref<56x128xf32, #tpu.memory_space<vmem>>, vector<1x16xf32>,
    %swap3A_2145 = arith.constant 44 : i32
    %swap3A_2146 = arith.index_cast %swap3A_2145 : i32 to index
    %swap3A_2147 = arith.constant 64 : index
    %swap3A_2148 = tpu.vector_load %arg9[%swap3A_2146, %swap3A_2147] {strides = array<i32>} : memref<56x128xf32, #tpu.memory_space<vmem>>, vector<1x16xf32>,
    %swap3A_2149 = vector.shape_cast %swap3A_2148 : vector<1x16xf32> to vector<16xf32>
    %swap3A_2150 = vector.shape_cast %broadcast_in_dim3A_9 : vector<16xf32> to vector<1x16xf32>
    tpu.vector_store %arg9[%swap3A_2146, %swap3A_2147], %swap3A_2150 {strides = array<i32>} : memref<56x128xf32, #tpu.memory_space<vmem>>, vector<1x16xf32>,
    %swap3A_2151 = arith.constant 44 : i32
    %swap3A_2152 = arith.index_cast %swap3A_2151 : i32 to index
    %swap3A_2153 = arith.constant 80 : index
    %swap3A_2154 = tpu.vector_load %arg9[%swap3A_2152, %swap3A_2153] {strides = array<i32>} : memref<56x128xf32, #tpu.memory_space<vmem>>, vector<1x16xf32>,
    %swap3A_2155 = vector.shape_cast %swap3A_2154 : vector<1x16xf32> to vector<16xf32>
    %swap3A_2156 = vector.shape_cast %broadcast_in_dim3A_9 : vector<16xf32> to vector<1x16xf32>
    tpu.vector_store %arg9[%swap3A_2152, %swap3A_2153], %swap3A_2156 {strides = array<i32>} : memref<56x128xf32, #tpu.memory_space<vmem>>, vector<1x16xf32>,
    %swap3A_2157 = arith.constant 44 : i32
    %swap3A_2158 = arith.index_cast %swap3A_2157 : i32 to index
    %swap3A_2159 = arith.constant 96 : index
    %swap3A_2160 = tpu.vector_load %arg9[%swap3A_2158, %swap3A_2159] {strides = array<i32>} : memref<56x128xf32, #tpu.memory_space<vmem>>, vector<1x16xf32>,
    %swap3A_2161 = vector.shape_cast %swap3A_2160 : vector<1x16xf32> to vector<16xf32>
    %swap3A_2162 = vector.shape_cast %broadcast_in_dim3A_9 : vector<16xf32> to vector<1x16xf32>
    tpu.vector_store %arg9[%swap3A_2158, %swap3A_2159], %swap3A_2162 {strides = array<i32>} : memref<56x128xf32, #tpu.memory_space<vmem>>, vector<1x16xf32>,
    %swap3A_2163 = arith.constant 44 : i32
    %swap3A_2164 = arith.index_cast %swap3A_2163 : i32 to index
    %swap3A_2165 = arith.constant 112 : index
    %swap3A_2166 = tpu.vector_load %arg9[%swap3A_2164, %swap3A_2165] {strides = array<i32>} : memref<56x128xf32, #tpu.memory_space<vmem>>, vector<1x16xf32>,
    %swap3A_2167 = vector.shape_cast %swap3A_2166 : vector<1x16xf32> to vector<16xf32>
    %swap3A_2168 = vector.shape_cast %broadcast_in_dim3A_9 : vector<16xf32> to vector<1x16xf32>
    tpu.vector_store %arg9[%swap3A_2164, %swap3A_2165], %swap3A_2168 {strides = array<i32>} : memref<56x128xf32, #tpu.memory_space<vmem>>, vector<1x16xf32>,
    %swap3A_2169 = arith.constant 45 : i32
    %swap3A_2170 = arith.index_cast %swap3A_2169 : i32 to index
    %swap3A_2171 = arith.constant 0 : index
    %swap3A_2172 = tpu.vector_load %arg9[%swap3A_2170, %swap3A_2171] {strides = array<i32>} : memref<56x128xf32, #tpu.memory_space<vmem>>, vector<1x16xf32>,
    %swap3A_2173 = vector.shape_cast %swap3A_2172 : vector<1x16xf32> to vector<16xf32>
    %swap3A_2174 = vector.shape_cast %broadcast_in_dim3A_9 : vector<16xf32> to vector<1x16xf32>
    tpu.vector_store %arg9[%swap3A_2170, %swap3A_2171], %swap3A_2174 {strides = array<i32>} : memref<56x128xf32, #tpu.memory_space<vmem>>, vector<1x16xf32>,
    %swap3A_2175 = arith.constant 45 : i32
    %swap3A_2176 = arith.index_cast %swap3A_2175 : i32 to index
    %swap3A_2177 = arith.constant 16 : index
    %swap3A_2178 = tpu.vector_load %arg9[%swap3A_2176, %swap3A_2177] {strides = array<i32>} : memref<56x128xf32, #tpu.memory_space<vmem>>, vector<1x16xf32>,
    %swap3A_2179 = vector.shape_cast %swap3A_2178 : vector<1x16xf32> to vector<16xf32>
    %swap3A_2180 = vector.shape_cast %broadcast_in_dim3A_9 : vector<16xf32> to vector<1x16xf32>
    tpu.vector_store %arg9[%swap3A_2176, %swap3A_2177], %swap3A_2180 {strides = array<i32>} : memref<56x128xf32, #tpu.memory_space<vmem>>, vector<1x16xf32>,
    %swap3A_2181 = arith.constant 45 : i32
    %swap3A_2182 = arith.index_cast %swap3A_2181 : i32 to index
    %swap3A_2183 = arith.constant 32 : index
    %swap3A_2184 = tpu.vector_load %arg9[%swap3A_2182, %swap3A_2183] {strides = array<i32>} : memref<56x128xf32, #tpu.memory_space<vmem>>, vector<1x16xf32>,
    %swap3A_2185 = vector.shape_cast %swap3A_2184 : vector<1x16xf32> to vector<16xf32>
    %swap3A_2186 = vector.shape_cast %broadcast_in_dim3A_9 : vector<16xf32> to vector<1x16xf32>
    tpu.vector_store %arg9[%swap3A_2182, %swap3A_2183], %swap3A_2186 {strides = array<i32>} : memref<56x128xf32, #tpu.memory_space<vmem>>, vector<1x16xf32>,
    %swap3A_2187 = arith.constant 45 : i32
    %swap3A_2188 = arith.index_cast %swap3A_2187 : i32 to index
    %swap3A_2189 = arith.constant 48 : index
    %swap3A_2190 = tpu.vector_load %arg9[%swap3A_2188, %swap3A_2189] {strides = array<i32>} : memref<56x128xf32, #tpu.memory_space<vmem>>, vector<1x16xf32>,
    %swap3A_2191 = vector.shape_cast %swap3A_2190 : vector<1x16xf32> to vector<16xf32>
    %swap3A_2192 = vector.shape_cast %broadcast_in_dim3A_9 : vector<16xf32> to vector<1x16xf32>
    tpu.vector_store %arg9[%swap3A_2188, %swap3A_2189], %swap3A_2192 {strides = array<i32>} : memref<56x128xf32, #tpu.memory_space<vmem>>, vector<1x16xf32>,
    %swap3A_2193 = arith.constant 45 : i32
    %swap3A_2194 = arith.index_cast %swap3A_2193 : i32 to index
    %swap3A_2195 = arith.constant 64 : index
    %swap3A_2196 = tpu.vector_load %arg9[%swap3A_2194, %swap3A_2195] {strides = array<i32>} : memref<56x128xf32, #tpu.memory_space<vmem>>, vector<1x16xf32>,
    %swap3A_2197 = vector.shape_cast %swap3A_2196 : vector<1x16xf32> to vector<16xf32>
    %swap3A_2198 = vector.shape_cast %broadcast_in_dim3A_9 : vector<16xf32> to vector<1x16xf32>
    tpu.vector_store %arg9[%swap3A_2194, %swap3A_2195], %swap3A_2198 {strides = array<i32>} : memref<56x128xf32, #tpu.memory_space<vmem>>, vector<1x16xf32>,
    %swap3A_2199 = arith.constant 45 : i32
    %swap3A_2200 = arith.index_cast %swap3A_2199 : i32 to index
    %swap3A_2201 = arith.constant 80 : index
    %swap3A_2202 = tpu.vector_load %arg9[%swap3A_2200, %swap3A_2201] {strides = array<i32>} : memref<56x128xf32, #tpu.memory_space<vmem>>, vector<1x16xf32>,
    %swap3A_2203 = vector.shape_cast %swap3A_2202 : vector<1x16xf32> to vector<16xf32>
    %swap3A_2204 = vector.shape_cast %broadcast_in_dim3A_9 : vector<16xf32> to vector<1x16xf32>
    tpu.vector_store %arg9[%swap3A_2200, %swap3A_2201], %swap3A_2204 {strides = array<i32>} : memref<56x128xf32, #tpu.memory_space<vmem>>, vector<1x16xf32>,
    %swap3A_2205 = arith.constant 45 : i32
    %swap3A_2206 = arith.index_cast %swap3A_2205 : i32 to index
    %swap3A_2207 = arith.constant 96 : index
    %swap3A_2208 = tpu.vector_load %arg9[%swap3A_2206, %swap3A_2207] {strides = array<i32>} : memref<56x128xf32, #tpu.memory_space<vmem>>, vector<1x16xf32>,
    %swap3A_2209 = vector.shape_cast %swap3A_2208 : vector<1x16xf32> to vector<16xf32>
    %swap3A_2210 = vector.shape_cast %broadcast_in_dim3A_9 : vector<16xf32> to vector<1x16xf32>
    tpu.vector_store %arg9[%swap3A_2206, %swap3A_2207], %swap3A_2210 {strides = array<i32>} : memref<56x128xf32, #tpu.memory_space<vmem>>, vector<1x16xf32>,
    %swap3A_2211 = arith.constant 45 : i32
    %swap3A_2212 = arith.index_cast %swap3A_2211 : i32 to index
    %swap3A_2213 = arith.constant 112 : index
    %swap3A_2214 = tpu.vector_load %arg9[%swap3A_2212, %swap3A_2213] {strides = array<i32>} : memref<56x128xf32, #tpu.memory_space<vmem>>, vector<1x16xf32>,
    %swap3A_2215 = vector.shape_cast %swap3A_2214 : vector<1x16xf32> to vector<16xf32>
    %swap3A_2216 = vector.shape_cast %broadcast_in_dim3A_9 : vector<16xf32> to vector<1x16xf32>
    tpu.vector_store %arg9[%swap3A_2212, %swap3A_2213], %swap3A_2216 {strides = array<i32>} : memref<56x128xf32, #tpu.memory_space<vmem>>, vector<1x16xf32>,
    %swap3A_2217 = arith.constant 46 : i32
    %swap3A_2218 = arith.index_cast %swap3A_2217 : i32 to index
    %swap3A_2219 = arith.constant 0 : index
    %swap3A_2220 = tpu.vector_load %arg9[%swap3A_2218, %swap3A_2219] {strides = array<i32>} : memref<56x128xf32, #tpu.memory_space<vmem>>, vector<1x16xf32>,
    %swap3A_2221 = vector.shape_cast %swap3A_2220 : vector<1x16xf32> to vector<16xf32>
    %swap3A_2222 = vector.shape_cast %broadcast_in_dim3A_9 : vector<16xf32> to vector<1x16xf32>
    tpu.vector_store %arg9[%swap3A_2218, %swap3A_2219], %swap3A_2222 {strides = array<i32>} : memref<56x128xf32, #tpu.memory_space<vmem>>, vector<1x16xf32>,
    %swap3A_2223 = arith.constant 46 : i32
    %swap3A_2224 = arith.index_cast %swap3A_2223 : i32 to index
    %swap3A_2225 = arith.constant 16 : index
    %swap3A_2226 = tpu.vector_load %arg9[%swap3A_2224, %swap3A_2225] {strides = array<i32>} : memref<56x128xf32, #tpu.memory_space<vmem>>, vector<1x16xf32>,
    %swap3A_2227 = vector.shape_cast %swap3A_2226 : vector<1x16xf32> to vector<16xf32>
    %swap3A_2228 = vector.shape_cast %broadcast_in_dim3A_9 : vector<16xf32> to vector<1x16xf32>
    tpu.vector_store %arg9[%swap3A_2224, %swap3A_2225], %swap3A_2228 {strides = array<i32>} : memref<56x128xf32, #tpu.memory_space<vmem>>, vector<1x16xf32>,
    %swap3A_2229 = arith.constant 46 : i32
    %swap3A_2230 = arith.index_cast %swap3A_2229 : i32 to index
    %swap3A_2231 = arith.constant 32 : index
    %swap3A_2232 = tpu.vector_load %arg9[%swap3A_2230, %swap3A_2231] {strides = array<i32>} : memref<56x128xf32, #tpu.memory_space<vmem>>, vector<1x16xf32>,
    %swap3A_2233 = vector.shape_cast %swap3A_2232 : vector<1x16xf32> to vector<16xf32>
    %swap3A_2234 = vector.shape_cast %broadcast_in_dim3A_9 : vector<16xf32> to vector<1x16xf32>
    tpu.vector_store %arg9[%swap3A_2230, %swap3A_2231], %swap3A_2234 {strides = array<i32>} : memref<56x128xf32, #tpu.memory_space<vmem>>, vector<1x16xf32>,
    %swap3A_2235 = arith.constant 46 : i32
    %swap3A_2236 = arith.index_cast %swap3A_2235 : i32 to index
    %swap3A_2237 = arith.constant 48 : index
    %swap3A_2238 = tpu.vector_load %arg9[%swap3A_2236, %swap3A_2237] {strides = array<i32>} : memref<56x128xf32, #tpu.memory_space<vmem>>, vector<1x16xf32>,
    %swap3A_2239 = vector.shape_cast %swap3A_2238 : vector<1x16xf32> to vector<16xf32>
    %swap3A_2240 = vector.shape_cast %broadcast_in_dim3A_9 : vector<16xf32> to vector<1x16xf32>
    tpu.vector_store %arg9[%swap3A_2236, %swap3A_2237], %swap3A_2240 {strides = array<i32>} : memref<56x128xf32, #tpu.memory_space<vmem>>, vector<1x16xf32>,
    %swap3A_2241 = arith.constant 46 : i32
    %swap3A_2242 = arith.index_cast %swap3A_2241 : i32 to index
    %swap3A_2243 = arith.constant 64 : index
    %swap3A_2244 = tpu.vector_load %arg9[%swap3A_2242, %swap3A_2243] {strides = array<i32>} : memref<56x128xf32, #tpu.memory_space<vmem>>, vector<1x16xf32>,
    %swap3A_2245 = vector.shape_cast %swap3A_2244 : vector<1x16xf32> to vector<16xf32>
    %swap3A_2246 = vector.shape_cast %broadcast_in_dim3A_9 : vector<16xf32> to vector<1x16xf32>
    tpu.vector_store %arg9[%swap3A_2242, %swap3A_2243], %swap3A_2246 {strides = array<i32>} : memref<56x128xf32, #tpu.memory_space<vmem>>, vector<1x16xf32>,
    %swap3A_2247 = arith.constant 46 : i32
    %swap3A_2248 = arith.index_cast %swap3A_2247 : i32 to index
    %swap3A_2249 = arith.constant 80 : index
    %swap3A_2250 = tpu.vector_load %arg9[%swap3A_2248, %swap3A_2249] {strides = array<i32>} : memref<56x128xf32, #tpu.memory_space<vmem>>, vector<1x16xf32>,
    %swap3A_2251 = vector.shape_cast %swap3A_2250 : vector<1x16xf32> to vector<16xf32>
    %swap3A_2252 = vector.shape_cast %broadcast_in_dim3A_9 : vector<16xf32> to vector<1x16xf32>
    tpu.vector_store %arg9[%swap3A_2248, %swap3A_2249], %swap3A_2252 {strides = array<i32>} : memref<56x128xf32, #tpu.memory_space<vmem>>, vector<1x16xf32>,
    %swap3A_2253 = arith.constant 46 : i32
    %swap3A_2254 = arith.index_cast %swap3A_2253 : i32 to index
    %swap3A_2255 = arith.constant 96 : index
    %swap3A_2256 = tpu.vector_load %arg9[%swap3A_2254, %swap3A_2255] {strides = array<i32>} : memref<56x128xf32, #tpu.memory_space<vmem>>, vector<1x16xf32>,
    %swap3A_2257 = vector.shape_cast %swap3A_2256 : vector<1x16xf32> to vector<16xf32>
    %swap3A_2258 = vector.shape_cast %broadcast_in_dim3A_9 : vector<16xf32> to vector<1x16xf32>
    tpu.vector_store %arg9[%swap3A_2254, %swap3A_2255], %swap3A_2258 {strides = array<i32>} : memref<56x128xf32, #tpu.memory_space<vmem>>, vector<1x16xf32>,
    %swap3A_2259 = arith.constant 46 : i32
    %swap3A_2260 = arith.index_cast %swap3A_2259 : i32 to index
    %swap3A_2261 = arith.constant 112 : index
    %swap3A_2262 = tpu.vector_load %arg9[%swap3A_2260, %swap3A_2261] {strides = array<i32>} : memref<56x128xf32, #tpu.memory_space<vmem>>, vector<1x16xf32>,
    %swap3A_2263 = vector.shape_cast %swap3A_2262 : vector<1x16xf32> to vector<16xf32>
    %swap3A_2264 = vector.shape_cast %broadcast_in_dim3A_9 : vector<16xf32> to vector<1x16xf32>
    tpu.vector_store %arg9[%swap3A_2260, %swap3A_2261], %swap3A_2264 {strides = array<i32>} : memref<56x128xf32, #tpu.memory_space<vmem>>, vector<1x16xf32>,
    %swap3A_2265 = arith.constant 47 : i32
    %swap3A_2266 = arith.index_cast %swap3A_2265 : i32 to index
    %swap3A_2267 = arith.constant 0 : index
    %swap3A_2268 = tpu.vector_load %arg9[%swap3A_2266, %swap3A_2267] {strides = array<i32>} : memref<56x128xf32, #tpu.memory_space<vmem>>, vector<1x16xf32>,
    %swap3A_2269 = vector.shape_cast %swap3A_2268 : vector<1x16xf32> to vector<16xf32>
    %swap3A_2270 = vector.shape_cast %broadcast_in_dim3A_9 : vector<16xf32> to vector<1x16xf32>
    tpu.vector_store %arg9[%swap3A_2266, %swap3A_2267], %swap3A_2270 {strides = array<i32>} : memref<56x128xf32, #tpu.memory_space<vmem>>, vector<1x16xf32>,
    %swap3A_2271 = arith.constant 47 : i32
    %swap3A_2272 = arith.index_cast %swap3A_2271 : i32 to index
    %swap3A_2273 = arith.constant 16 : index
    %swap3A_2274 = tpu.vector_load %arg9[%swap3A_2272, %swap3A_2273] {strides = array<i32>} : memref<56x128xf32, #tpu.memory_space<vmem>>, vector<1x16xf32>,
    %swap3A_2275 = vector.shape_cast %swap3A_2274 : vector<1x16xf32> to vector<16xf32>
    %swap3A_2276 = vector.shape_cast %broadcast_in_dim3A_9 : vector<16xf32> to vector<1x16xf32>
    tpu.vector_store %arg9[%swap3A_2272, %swap3A_2273], %swap3A_2276 {strides = array<i32>} : memref<56x128xf32, #tpu.memory_space<vmem>>, vector<1x16xf32>,
    %swap3A_2277 = arith.constant 47 : i32
    %swap3A_2278 = arith.index_cast %swap3A_2277 : i32 to index
    %swap3A_2279 = arith.constant 32 : index
    %swap3A_2280 = tpu.vector_load %arg9[%swap3A_2278, %swap3A_2279] {strides = array<i32>} : memref<56x128xf32, #tpu.memory_space<vmem>>, vector<1x16xf32>,
    %swap3A_2281 = vector.shape_cast %swap3A_2280 : vector<1x16xf32> to vector<16xf32>
    %swap3A_2282 = vector.shape_cast %broadcast_in_dim3A_9 : vector<16xf32> to vector<1x16xf32>
    tpu.vector_store %arg9[%swap3A_2278, %swap3A_2279], %swap3A_2282 {strides = array<i32>} : memref<56x128xf32, #tpu.memory_space<vmem>>, vector<1x16xf32>,
    %swap3A_2283 = arith.constant 47 : i32
    %swap3A_2284 = arith.index_cast %swap3A_2283 : i32 to index
    %swap3A_2285 = arith.constant 48 : index
    %swap3A_2286 = tpu.vector_load %arg9[%swap3A_2284, %swap3A_2285] {strides = array<i32>} : memref<56x128xf32, #tpu.memory_space<vmem>>, vector<1x16xf32>,
    %swap3A_2287 = vector.shape_cast %swap3A_2286 : vector<1x16xf32> to vector<16xf32>
    %swap3A_2288 = vector.shape_cast %broadcast_in_dim3A_9 : vector<16xf32> to vector<1x16xf32>
    tpu.vector_store %arg9[%swap3A_2284, %swap3A_2285], %swap3A_2288 {strides = array<i32>} : memref<56x128xf32, #tpu.memory_space<vmem>>, vector<1x16xf32>,
    %swap3A_2289 = arith.constant 47 : i32
    %swap3A_2290 = arith.index_cast %swap3A_2289 : i32 to index
    %swap3A_2291 = arith.constant 64 : index
    %swap3A_2292 = tpu.vector_load %arg9[%swap3A_2290, %swap3A_2291] {strides = array<i32>} : memref<56x128xf32, #tpu.memory_space<vmem>>, vector<1x16xf32>,
    %swap3A_2293 = vector.shape_cast %swap3A_2292 : vector<1x16xf32> to vector<16xf32>
    %swap3A_2294 = vector.shape_cast %broadcast_in_dim3A_9 : vector<16xf32> to vector<1x16xf32>
    tpu.vector_store %arg9[%swap3A_2290, %swap3A_2291], %swap3A_2294 {strides = array<i32>} : memref<56x128xf32, #tpu.memory_space<vmem>>, vector<1x16xf32>,
    %swap3A_2295 = arith.constant 47 : i32
    %swap3A_2296 = arith.index_cast %swap3A_2295 : i32 to index
    %swap3A_2297 = arith.constant 80 : index
    %swap3A_2298 = tpu.vector_load %arg9[%swap3A_2296, %swap3A_2297] {strides = array<i32>} : memref<56x128xf32, #tpu.memory_space<vmem>>, vector<1x16xf32>,
    %swap3A_2299 = vector.shape_cast %swap3A_2298 : vector<1x16xf32> to vector<16xf32>
    %swap3A_2300 = vector.shape_cast %broadcast_in_dim3A_9 : vector<16xf32> to vector<1x16xf32>
    tpu.vector_store %arg9[%swap3A_2296, %swap3A_2297], %swap3A_2300 {strides = array<i32>} : memref<56x128xf32, #tpu.memory_space<vmem>>, vector<1x16xf32>,
    %swap3A_2301 = arith.constant 47 : i32
    %swap3A_2302 = arith.index_cast %swap3A_2301 : i32 to index
    %swap3A_2303 = arith.constant 96 : index
    %swap3A_2304 = tpu.vector_load %arg9[%swap3A_2302, %swap3A_2303] {strides = array<i32>} : memref<56x128xf32, #tpu.memory_space<vmem>>, vector<1x16xf32>,
    %swap3A_2305 = vector.shape_cast %swap3A_2304 : vector<1x16xf32> to vector<16xf32>
    %swap3A_2306 = vector.shape_cast %broadcast_in_dim3A_9 : vector<16xf32> to vector<1x16xf32>
    tpu.vector_store %arg9[%swap3A_2302, %swap3A_2303], %swap3A_2306 {strides = array<i32>} : memref<56x128xf32, #tpu.memory_space<vmem>>, vector<1x16xf32>,
    %swap3A_2307 = arith.constant 47 : i32
    %swap3A_2308 = arith.index_cast %swap3A_2307 : i32 to index
    %swap3A_2309 = arith.constant 112 : index
    %swap3A_2310 = tpu.vector_load %arg9[%swap3A_2308, %swap3A_2309] {strides = array<i32>} : memref<56x128xf32, #tpu.memory_space<vmem>>, vector<1x16xf32>,
    %swap3A_2311 = vector.shape_cast %swap3A_2310 : vector<1x16xf32> to vector<16xf32>
    %swap3A_2312 = vector.shape_cast %broadcast_in_dim3A_9 : vector<16xf32> to vector<1x16xf32>
    tpu.vector_store %arg9[%swap3A_2308, %swap3A_2309], %swap3A_2312 {strides = array<i32>} : memref<56x128xf32, #tpu.memory_space<vmem>>, vector<1x16xf32>,
    %swap3A_2313 = arith.constant 48 : i32
    %swap3A_2314 = arith.index_cast %swap3A_2313 : i32 to index
    %swap3A_2315 = arith.constant 0 : index
    %swap3A_2316 = tpu.vector_load %arg9[%swap3A_2314, %swap3A_2315] {strides = array<i32>} : memref<56x128xf32, #tpu.memory_space<vmem>>, vector<1x16xf32>,
    %swap3A_2317 = vector.shape_cast %swap3A_2316 : vector<1x16xf32> to vector<16xf32>
    %swap3A_2318 = vector.shape_cast %broadcast_in_dim3A_9 : vector<16xf32> to vector<1x16xf32>
    tpu.vector_store %arg9[%swap3A_2314, %swap3A_2315], %swap3A_2318 {strides = array<i32>} : memref<56x128xf32, #tpu.memory_space<vmem>>, vector<1x16xf32>,
    %swap3A_2319 = arith.constant 48 : i32
    %swap3A_2320 = arith.index_cast %swap3A_2319 : i32 to index
    %swap3A_2321 = arith.constant 16 : index
    %swap3A_2322 = tpu.vector_load %arg9[%swap3A_2320, %swap3A_2321] {strides = array<i32>} : memref<56x128xf32, #tpu.memory_space<vmem>>, vector<1x16xf32>,
    %swap3A_2323 = vector.shape_cast %swap3A_2322 : vector<1x16xf32> to vector<16xf32>
    %swap3A_2324 = vector.shape_cast %broadcast_in_dim3A_9 : vector<16xf32> to vector<1x16xf32>
    tpu.vector_store %arg9[%swap3A_2320, %swap3A_2321], %swap3A_2324 {strides = array<i32>} : memref<56x128xf32, #tpu.memory_space<vmem>>, vector<1x16xf32>,
    %swap3A_2325 = arith.constant 48 : i32
    %swap3A_2326 = arith.index_cast %swap3A_2325 : i32 to index
    %swap3A_2327 = arith.constant 32 : index
    %swap3A_2328 = tpu.vector_load %arg9[%swap3A_2326, %swap3A_2327] {strides = array<i32>} : memref<56x128xf32, #tpu.memory_space<vmem>>, vector<1x16xf32>,
    %swap3A_2329 = vector.shape_cast %swap3A_2328 : vector<1x16xf32> to vector<16xf32>
    %swap3A_2330 = vector.shape_cast %broadcast_in_dim3A_9 : vector<16xf32> to vector<1x16xf32>
    tpu.vector_store %arg9[%swap3A_2326, %swap3A_2327], %swap3A_2330 {strides = array<i32>} : memref<56x128xf32, #tpu.memory_space<vmem>>, vector<1x16xf32>,
    %swap3A_2331 = arith.constant 48 : i32
    %swap3A_2332 = arith.index_cast %swap3A_2331 : i32 to index
    %swap3A_2333 = arith.constant 48 : index
    %swap3A_2334 = tpu.vector_load %arg9[%swap3A_2332, %swap3A_2333] {strides = array<i32>} : memref<56x128xf32, #tpu.memory_space<vmem>>, vector<1x16xf32>,
    %swap3A_2335 = vector.shape_cast %swap3A_2334 : vector<1x16xf32> to vector<16xf32>
    %swap3A_2336 = vector.shape_cast %broadcast_in_dim3A_9 : vector<16xf32> to vector<1x16xf32>
    tpu.vector_store %arg9[%swap3A_2332, %swap3A_2333], %swap3A_2336 {strides = array<i32>} : memref<56x128xf32, #tpu.memory_space<vmem>>, vector<1x16xf32>,
    %swap3A_2337 = arith.constant 48 : i32
    %swap3A_2338 = arith.index_cast %swap3A_2337 : i32 to index
    %swap3A_2339 = arith.constant 64 : index
    %swap3A_2340 = tpu.vector_load %arg9[%swap3A_2338, %swap3A_2339] {strides = array<i32>} : memref<56x128xf32, #tpu.memory_space<vmem>>, vector<1x16xf32>,
    %swap3A_2341 = vector.shape_cast %swap3A_2340 : vector<1x16xf32> to vector<16xf32>
    %swap3A_2342 = vector.shape_cast %broadcast_in_dim3A_9 : vector<16xf32> to vector<1x16xf32>
    tpu.vector_store %arg9[%swap3A_2338, %swap3A_2339], %swap3A_2342 {strides = array<i32>} : memref<56x128xf32, #tpu.memory_space<vmem>>, vector<1x16xf32>,
    %swap3A_2343 = arith.constant 48 : i32
    %swap3A_2344 = arith.index_cast %swap3A_2343 : i32 to index
    %swap3A_2345 = arith.constant 80 : index
    %swap3A_2346 = tpu.vector_load %arg9[%swap3A_2344, %swap3A_2345] {strides = array<i32>} : memref<56x128xf32, #tpu.memory_space<vmem>>, vector<1x16xf32>,
    %swap3A_2347 = vector.shape_cast %swap3A_2346 : vector<1x16xf32> to vector<16xf32>
    %swap3A_2348 = vector.shape_cast %broadcast_in_dim3A_9 : vector<16xf32> to vector<1x16xf32>
    tpu.vector_store %arg9[%swap3A_2344, %swap3A_2345], %swap3A_2348 {strides = array<i32>} : memref<56x128xf32, #tpu.memory_space<vmem>>, vector<1x16xf32>,
    %swap3A_2349 = arith.constant 48 : i32
    %swap3A_2350 = arith.index_cast %swap3A_2349 : i32 to index
    %swap3A_2351 = arith.constant 96 : index
    %swap3A_2352 = tpu.vector_load %arg9[%swap3A_2350, %swap3A_2351] {strides = array<i32>} : memref<56x128xf32, #tpu.memory_space<vmem>>, vector<1x16xf32>,
    %swap3A_2353 = vector.shape_cast %swap3A_2352 : vector<1x16xf32> to vector<16xf32>
    %swap3A_2354 = vector.shape_cast %broadcast_in_dim3A_9 : vector<16xf32> to vector<1x16xf32>
    tpu.vector_store %arg9[%swap3A_2350, %swap3A_2351], %swap3A_2354 {strides = array<i32>} : memref<56x128xf32, #tpu.memory_space<vmem>>, vector<1x16xf32>,
    %swap3A_2355 = arith.constant 48 : i32
    %swap3A_2356 = arith.index_cast %swap3A_2355 : i32 to index
    %swap3A_2357 = arith.constant 112 : index
    %swap3A_2358 = tpu.vector_load %arg9[%swap3A_2356, %swap3A_2357] {strides = array<i32>} : memref<56x128xf32, #tpu.memory_space<vmem>>, vector<1x16xf32>,
    %swap3A_2359 = vector.shape_cast %swap3A_2358 : vector<1x16xf32> to vector<16xf32>
    %swap3A_2360 = vector.shape_cast %broadcast_in_dim3A_9 : vector<16xf32> to vector<1x16xf32>
    tpu.vector_store %arg9[%swap3A_2356, %swap3A_2357], %swap3A_2360 {strides = array<i32>} : memref<56x128xf32, #tpu.memory_space<vmem>>, vector<1x16xf32>,
    %swap3A_2361 = arith.constant 49 : i32
    %swap3A_2362 = arith.index_cast %swap3A_2361 : i32 to index
    %swap3A_2363 = arith.constant 0 : index
    %swap3A_2364 = tpu.vector_load %arg9[%swap3A_2362, %swap3A_2363] {strides = array<i32>} : memref<56x128xf32, #tpu.memory_space<vmem>>, vector<1x16xf32>,
    %swap3A_2365 = vector.shape_cast %swap3A_2364 : vector<1x16xf32> to vector<16xf32>
    %swap3A_2366 = vector.shape_cast %broadcast_in_dim3A_9 : vector<16xf32> to vector<1x16xf32>
    tpu.vector_store %arg9[%swap3A_2362, %swap3A_2363], %swap3A_2366 {strides = array<i32>} : memref<56x128xf32, #tpu.memory_space<vmem>>, vector<1x16xf32>,
    %swap3A_2367 = arith.constant 49 : i32
    %swap3A_2368 = arith.index_cast %swap3A_2367 : i32 to index
    %swap3A_2369 = arith.constant 16 : index
    %swap3A_2370 = tpu.vector_load %arg9[%swap3A_2368, %swap3A_2369] {strides = array<i32>} : memref<56x128xf32, #tpu.memory_space<vmem>>, vector<1x16xf32>,
    %swap3A_2371 = vector.shape_cast %swap3A_2370 : vector<1x16xf32> to vector<16xf32>
    %swap3A_2372 = vector.shape_cast %broadcast_in_dim3A_9 : vector<16xf32> to vector<1x16xf32>
    tpu.vector_store %arg9[%swap3A_2368, %swap3A_2369], %swap3A_2372 {strides = array<i32>} : memref<56x128xf32, #tpu.memory_space<vmem>>, vector<1x16xf32>,
    %swap3A_2373 = arith.constant 49 : i32
    %swap3A_2374 = arith.index_cast %swap3A_2373 : i32 to index
    %swap3A_2375 = arith.constant 32 : index
    %swap3A_2376 = tpu.vector_load %arg9[%swap3A_2374, %swap3A_2375] {strides = array<i32>} : memref<56x128xf32, #tpu.memory_space<vmem>>, vector<1x16xf32>,
    %swap3A_2377 = vector.shape_cast %swap3A_2376 : vector<1x16xf32> to vector<16xf32>
    %swap3A_2378 = vector.shape_cast %broadcast_in_dim3A_9 : vector<16xf32> to vector<1x16xf32>
    tpu.vector_store %arg9[%swap3A_2374, %swap3A_2375], %swap3A_2378 {strides = array<i32>} : memref<56x128xf32, #tpu.memory_space<vmem>>, vector<1x16xf32>,
    %swap3A_2379 = arith.constant 49 : i32
    %swap3A_2380 = arith.index_cast %swap3A_2379 : i32 to index
    %swap3A_2381 = arith.constant 48 : index
    %swap3A_2382 = tpu.vector_load %arg9[%swap3A_2380, %swap3A_2381] {strides = array<i32>} : memref<56x128xf32, #tpu.memory_space<vmem>>, vector<1x16xf32>,
    %swap3A_2383 = vector.shape_cast %swap3A_2382 : vector<1x16xf32> to vector<16xf32>
    %swap3A_2384 = vector.shape_cast %broadcast_in_dim3A_9 : vector<16xf32> to vector<1x16xf32>
    tpu.vector_store %arg9[%swap3A_2380, %swap3A_2381], %swap3A_2384 {strides = array<i32>} : memref<56x128xf32, #tpu.memory_space<vmem>>, vector<1x16xf32>,
    %swap3A_2385 = arith.constant 49 : i32
    %swap3A_2386 = arith.index_cast %swap3A_2385 : i32 to index
    %swap3A_2387 = arith.constant 64 : index
    %swap3A_2388 = tpu.vector_load %arg9[%swap3A_2386, %swap3A_2387] {strides = array<i32>} : memref<56x128xf32, #tpu.memory_space<vmem>>, vector<1x16xf32>,
    %swap3A_2389 = vector.shape_cast %swap3A_2388 : vector<1x16xf32> to vector<16xf32>
    %swap3A_2390 = vector.shape_cast %broadcast_in_dim3A_9 : vector<16xf32> to vector<1x16xf32>
    tpu.vector_store %arg9[%swap3A_2386, %swap3A_2387], %swap3A_2390 {strides = array<i32>} : memref<56x128xf32, #tpu.memory_space<vmem>>, vector<1x16xf32>,
    %swap3A_2391 = arith.constant 49 : i32
    %swap3A_2392 = arith.index_cast %swap3A_2391 : i32 to index
    %swap3A_2393 = arith.constant 80 : index
    %swap3A_2394 = tpu.vector_load %arg9[%swap3A_2392, %swap3A_2393] {strides = array<i32>} : memref<56x128xf32, #tpu.memory_space<vmem>>, vector<1x16xf32>,
    %swap3A_2395 = vector.shape_cast %swap3A_2394 : vector<1x16xf32> to vector<16xf32>
    %swap3A_2396 = vector.shape_cast %broadcast_in_dim3A_9 : vector<16xf32> to vector<1x16xf32>
    tpu.vector_store %arg9[%swap3A_2392, %swap3A_2393], %swap3A_2396 {strides = array<i32>} : memref<56x128xf32, #tpu.memory_space<vmem>>, vector<1x16xf32>,
    %swap3A_2397 = arith.constant 49 : i32
    %swap3A_2398 = arith.index_cast %swap3A_2397 : i32 to index
    %swap3A_2399 = arith.constant 96 : index
    %swap3A_2400 = tpu.vector_load %arg9[%swap3A_2398, %swap3A_2399] {strides = array<i32>} : memref<56x128xf32, #tpu.memory_space<vmem>>, vector<1x16xf32>,
    %swap3A_2401 = vector.shape_cast %swap3A_2400 : vector<1x16xf32> to vector<16xf32>
    %swap3A_2402 = vector.shape_cast %broadcast_in_dim3A_9 : vector<16xf32> to vector<1x16xf32>
    tpu.vector_store %arg9[%swap3A_2398, %swap3A_2399], %swap3A_2402 {strides = array<i32>} : memref<56x128xf32, #tpu.memory_space<vmem>>, vector<1x16xf32>,
    %swap3A_2403 = arith.constant 49 : i32
    %swap3A_2404 = arith.index_cast %swap3A_2403 : i32 to index
    %swap3A_2405 = arith.constant 112 : index
    %swap3A_2406 = tpu.vector_load %arg9[%swap3A_2404, %swap3A_2405] {strides = array<i32>} : memref<56x128xf32, #tpu.memory_space<vmem>>, vector<1x16xf32>,
    %swap3A_2407 = vector.shape_cast %swap3A_2406 : vector<1x16xf32> to vector<16xf32>
    %swap3A_2408 = vector.shape_cast %broadcast_in_dim3A_9 : vector<16xf32> to vector<1x16xf32>
    tpu.vector_store %arg9[%swap3A_2404, %swap3A_2405], %swap3A_2408 {strides = array<i32>} : memref<56x128xf32, #tpu.memory_space<vmem>>, vector<1x16xf32>,
    %swap3A_2409 = arith.constant 50 : i32
    %swap3A_2410 = arith.index_cast %swap3A_2409 : i32 to index
    %swap3A_2411 = arith.constant 0 : index
    %swap3A_2412 = tpu.vector_load %arg9[%swap3A_2410, %swap3A_2411] {strides = array<i32>} : memref<56x128xf32, #tpu.memory_space<vmem>>, vector<1x16xf32>,
    %swap3A_2413 = vector.shape_cast %swap3A_2412 : vector<1x16xf32> to vector<16xf32>
    %swap3A_2414 = vector.shape_cast %broadcast_in_dim3A_9 : vector<16xf32> to vector<1x16xf32>
    tpu.vector_store %arg9[%swap3A_2410, %swap3A_2411], %swap3A_2414 {strides = array<i32>} : memref<56x128xf32, #tpu.memory_space<vmem>>, vector<1x16xf32>,
    %swap3A_2415 = arith.constant 50 : i32
    %swap3A_2416 = arith.index_cast %swap3A_2415 : i32 to index
    %swap3A_2417 = arith.constant 16 : index
    %swap3A_2418 = tpu.vector_load %arg9[%swap3A_2416, %swap3A_2417] {strides = array<i32>} : memref<56x128xf32, #tpu.memory_space<vmem>>, vector<1x16xf32>,
    %swap3A_2419 = vector.shape_cast %swap3A_2418 : vector<1x16xf32> to vector<16xf32>
    %swap3A_2420 = vector.shape_cast %broadcast_in_dim3A_9 : vector<16xf32> to vector<1x16xf32>
    tpu.vector_store %arg9[%swap3A_2416, %swap3A_2417], %swap3A_2420 {strides = array<i32>} : memref<56x128xf32, #tpu.memory_space<vmem>>, vector<1x16xf32>,
    %swap3A_2421 = arith.constant 50 : i32
    %swap3A_2422 = arith.index_cast %swap3A_2421 : i32 to index
    %swap3A_2423 = arith.constant 32 : index
    %swap3A_2424 = tpu.vector_load %arg9[%swap3A_2422, %swap3A_2423] {strides = array<i32>} : memref<56x128xf32, #tpu.memory_space<vmem>>, vector<1x16xf32>,
    %swap3A_2425 = vector.shape_cast %swap3A_2424 : vector<1x16xf32> to vector<16xf32>
    %swap3A_2426 = vector.shape_cast %broadcast_in_dim3A_9 : vector<16xf32> to vector<1x16xf32>
    tpu.vector_store %arg9[%swap3A_2422, %swap3A_2423], %swap3A_2426 {strides = array<i32>} : memref<56x128xf32, #tpu.memory_space<vmem>>, vector<1x16xf32>,
    %swap3A_2427 = arith.constant 50 : i32
    %swap3A_2428 = arith.index_cast %swap3A_2427 : i32 to index
    %swap3A_2429 = arith.constant 48 : index
    %swap3A_2430 = tpu.vector_load %arg9[%swap3A_2428, %swap3A_2429] {strides = array<i32>} : memref<56x128xf32, #tpu.memory_space<vmem>>, vector<1x16xf32>,
    %swap3A_2431 = vector.shape_cast %swap3A_2430 : vector<1x16xf32> to vector<16xf32>
    %swap3A_2432 = vector.shape_cast %broadcast_in_dim3A_9 : vector<16xf32> to vector<1x16xf32>
    tpu.vector_store %arg9[%swap3A_2428, %swap3A_2429], %swap3A_2432 {strides = array<i32>} : memref<56x128xf32, #tpu.memory_space<vmem>>, vector<1x16xf32>,
    %swap3A_2433 = arith.constant 50 : i32
    %swap3A_2434 = arith.index_cast %swap3A_2433 : i32 to index
    %swap3A_2435 = arith.constant 64 : index
    %swap3A_2436 = tpu.vector_load %arg9[%swap3A_2434, %swap3A_2435] {strides = array<i32>} : memref<56x128xf32, #tpu.memory_space<vmem>>, vector<1x16xf32>,
    %swap3A_2437 = vector.shape_cast %swap3A_2436 : vector<1x16xf32> to vector<16xf32>
    %swap3A_2438 = vector.shape_cast %broadcast_in_dim3A_9 : vector<16xf32> to vector<1x16xf32>
    tpu.vector_store %arg9[%swap3A_2434, %swap3A_2435], %swap3A_2438 {strides = array<i32>} : memref<56x128xf32, #tpu.memory_space<vmem>>, vector<1x16xf32>,
    %swap3A_2439 = arith.constant 50 : i32
    %swap3A_2440 = arith.index_cast %swap3A_2439 : i32 to index
    %swap3A_2441 = arith.constant 80 : index
    %swap3A_2442 = tpu.vector_load %arg9[%swap3A_2440, %swap3A_2441] {strides = array<i32>} : memref<56x128xf32, #tpu.memory_space<vmem>>, vector<1x16xf32>,
    %swap3A_2443 = vector.shape_cast %swap3A_2442 : vector<1x16xf32> to vector<16xf32>
    %swap3A_2444 = vector.shape_cast %broadcast_in_dim3A_9 : vector<16xf32> to vector<1x16xf32>
    tpu.vector_store %arg9[%swap3A_2440, %swap3A_2441], %swap3A_2444 {strides = array<i32>} : memref<56x128xf32, #tpu.memory_space<vmem>>, vector<1x16xf32>,
    %swap3A_2445 = arith.constant 50 : i32
    %swap3A_2446 = arith.index_cast %swap3A_2445 : i32 to index
    %swap3A_2447 = arith.constant 96 : index
    %swap3A_2448 = tpu.vector_load %arg9[%swap3A_2446, %swap3A_2447] {strides = array<i32>} : memref<56x128xf32, #tpu.memory_space<vmem>>, vector<1x16xf32>,
    %swap3A_2449 = vector.shape_cast %swap3A_2448 : vector<1x16xf32> to vector<16xf32>
    %swap3A_2450 = vector.shape_cast %broadcast_in_dim3A_9 : vector<16xf32> to vector<1x16xf32>
    tpu.vector_store %arg9[%swap3A_2446, %swap3A_2447], %swap3A_2450 {strides = array<i32>} : memref<56x128xf32, #tpu.memory_space<vmem>>, vector<1x16xf32>,
    %swap3A_2451 = arith.constant 50 : i32
    %swap3A_2452 = arith.index_cast %swap3A_2451 : i32 to index
    %swap3A_2453 = arith.constant 112 : index
    %swap3A_2454 = tpu.vector_load %arg9[%swap3A_2452, %swap3A_2453] {strides = array<i32>} : memref<56x128xf32, #tpu.memory_space<vmem>>, vector<1x16xf32>,
    %swap3A_2455 = vector.shape_cast %swap3A_2454 : vector<1x16xf32> to vector<16xf32>
    %swap3A_2456 = vector.shape_cast %broadcast_in_dim3A_9 : vector<16xf32> to vector<1x16xf32>
    tpu.vector_store %arg9[%swap3A_2452, %swap3A_2453], %swap3A_2456 {strides = array<i32>} : memref<56x128xf32, #tpu.memory_space<vmem>>, vector<1x16xf32>,
    %swap3A_2457 = arith.constant 51 : i32
    %swap3A_2458 = arith.index_cast %swap3A_2457 : i32 to index
    %swap3A_2459 = arith.constant 0 : index
    %swap3A_2460 = tpu.vector_load %arg9[%swap3A_2458, %swap3A_2459] {strides = array<i32>} : memref<56x128xf32, #tpu.memory_space<vmem>>, vector<1x16xf32>,
    %swap3A_2461 = vector.shape_cast %swap3A_2460 : vector<1x16xf32> to vector<16xf32>
    %swap3A_2462 = vector.shape_cast %broadcast_in_dim3A_9 : vector<16xf32> to vector<1x16xf32>
    tpu.vector_store %arg9[%swap3A_2458, %swap3A_2459], %swap3A_2462 {strides = array<i32>} : memref<56x128xf32, #tpu.memory_space<vmem>>, vector<1x16xf32>,
    %swap3A_2463 = arith.constant 51 : i32
    %swap3A_2464 = arith.index_cast %swap3A_2463 : i32 to index
    %swap3A_2465 = arith.constant 16 : index
    %swap3A_2466 = tpu.vector_load %arg9[%swap3A_2464, %swap3A_2465] {strides = array<i32>} : memref<56x128xf32, #tpu.memory_space<vmem>>, vector<1x16xf32>,
    %swap3A_2467 = vector.shape_cast %swap3A_2466 : vector<1x16xf32> to vector<16xf32>
    %swap3A_2468 = vector.shape_cast %broadcast_in_dim3A_9 : vector<16xf32> to vector<1x16xf32>
    tpu.vector_store %arg9[%swap3A_2464, %swap3A_2465], %swap3A_2468 {strides = array<i32>} : memref<56x128xf32, #tpu.memory_space<vmem>>, vector<1x16xf32>,
    %swap3A_2469 = arith.constant 51 : i32
    %swap3A_2470 = arith.index_cast %swap3A_2469 : i32 to index
    %swap3A_2471 = arith.constant 32 : index
    %swap3A_2472 = tpu.vector_load %arg9[%swap3A_2470, %swap3A_2471] {strides = array<i32>} : memref<56x128xf32, #tpu.memory_space<vmem>>, vector<1x16xf32>,
    %swap3A_2473 = vector.shape_cast %swap3A_2472 : vector<1x16xf32> to vector<16xf32>
    %swap3A_2474 = vector.shape_cast %broadcast_in_dim3A_9 : vector<16xf32> to vector<1x16xf32>
    tpu.vector_store %arg9[%swap3A_2470, %swap3A_2471], %swap3A_2474 {strides = array<i32>} : memref<56x128xf32, #tpu.memory_space<vmem>>, vector<1x16xf32>,
    %swap3A_2475 = arith.constant 51 : i32
    %swap3A_2476 = arith.index_cast %swap3A_2475 : i32 to index
    %swap3A_2477 = arith.constant 48 : index
    %swap3A_2478 = tpu.vector_load %arg9[%swap3A_2476, %swap3A_2477] {strides = array<i32>} : memref<56x128xf32, #tpu.memory_space<vmem>>, vector<1x16xf32>,
    %swap3A_2479 = vector.shape_cast %swap3A_2478 : vector<1x16xf32> to vector<16xf32>
    %swap3A_2480 = vector.shape_cast %broadcast_in_dim3A_9 : vector<16xf32> to vector<1x16xf32>
    tpu.vector_store %arg9[%swap3A_2476, %swap3A_2477], %swap3A_2480 {strides = array<i32>} : memref<56x128xf32, #tpu.memory_space<vmem>>, vector<1x16xf32>,
    %swap3A_2481 = arith.constant 51 : i32
    %swap3A_2482 = arith.index_cast %swap3A_2481 : i32 to index
    %swap3A_2483 = arith.constant 64 : index
    %swap3A_2484 = tpu.vector_load %arg9[%swap3A_2482, %swap3A_2483] {strides = array<i32>} : memref<56x128xf32, #tpu.memory_space<vmem>>, vector<1x16xf32>,
    %swap3A_2485 = vector.shape_cast %swap3A_2484 : vector<1x16xf32> to vector<16xf32>
    %swap3A_2486 = vector.shape_cast %broadcast_in_dim3A_9 : vector<16xf32> to vector<1x16xf32>
    tpu.vector_store %arg9[%swap3A_2482, %swap3A_2483], %swap3A_2486 {strides = array<i32>} : memref<56x128xf32, #tpu.memory_space<vmem>>, vector<1x16xf32>,
    %swap3A_2487 = arith.constant 51 : i32
    %swap3A_2488 = arith.index_cast %swap3A_2487 : i32 to index
    %swap3A_2489 = arith.constant 80 : index
    %swap3A_2490 = tpu.vector_load %arg9[%swap3A_2488, %swap3A_2489] {strides = array<i32>} : memref<56x128xf32, #tpu.memory_space<vmem>>, vector<1x16xf32>,
    %swap3A_2491 = vector.shape_cast %swap3A_2490 : vector<1x16xf32> to vector<16xf32>
    %swap3A_2492 = vector.shape_cast %broadcast_in_dim3A_9 : vector<16xf32> to vector<1x16xf32>
    tpu.vector_store %arg9[%swap3A_2488, %swap3A_2489], %swap3A_2492 {strides = array<i32>} : memref<56x128xf32, #tpu.memory_space<vmem>>, vector<1x16xf32>,
    %swap3A_2493 = arith.constant 51 : i32
    %swap3A_2494 = arith.index_cast %swap3A_2493 : i32 to index
    %swap3A_2495 = arith.constant 96 : index
    %swap3A_2496 = tpu.vector_load %arg9[%swap3A_2494, %swap3A_2495] {strides = array<i32>} : memref<56x128xf32, #tpu.memory_space<vmem>>, vector<1x16xf32>,
    %swap3A_2497 = vector.shape_cast %swap3A_2496 : vector<1x16xf32> to vector<16xf32>
    %swap3A_2498 = vector.shape_cast %broadcast_in_dim3A_9 : vector<16xf32> to vector<1x16xf32>
    tpu.vector_store %arg9[%swap3A_2494, %swap3A_2495], %swap3A_2498 {strides = array<i32>} : memref<56x128xf32, #tpu.memory_space<vmem>>, vector<1x16xf32>,
    %swap3A_2499 = arith.constant 51 : i32
    %swap3A_2500 = arith.index_cast %swap3A_2499 : i32 to index
    %swap3A_2501 = arith.constant 112 : index
    %swap3A_2502 = tpu.vector_load %arg9[%swap3A_2500, %swap3A_2501] {strides = array<i32>} : memref<56x128xf32, #tpu.memory_space<vmem>>, vector<1x16xf32>,
    %swap3A_2503 = vector.shape_cast %swap3A_2502 : vector<1x16xf32> to vector<16xf32>
    %swap3A_2504 = vector.shape_cast %broadcast_in_dim3A_9 : vector<16xf32> to vector<1x16xf32>
    tpu.vector_store %arg9[%swap3A_2500, %swap3A_2501], %swap3A_2504 {strides = array<i32>} : memref<56x128xf32, #tpu.memory_space<vmem>>, vector<1x16xf32>,
    %swap3A_2505 = arith.constant 52 : i32
    %swap3A_2506 = arith.index_cast %swap3A_2505 : i32 to index
    %swap3A_2507 = arith.constant 0 : index
    %swap3A_2508 = tpu.vector_load %arg9[%swap3A_2506, %swap3A_2507] {strides = array<i32>} : memref<56x128xf32, #tpu.memory_space<vmem>>, vector<1x16xf32>,
    %swap3A_2509 = vector.shape_cast %swap3A_2508 : vector<1x16xf32> to vector<16xf32>
    %swap3A_2510 = vector.shape_cast %broadcast_in_dim3A_9 : vector<16xf32> to vector<1x16xf32>
    tpu.vector_store %arg9[%swap3A_2506, %swap3A_2507], %swap3A_2510 {strides = array<i32>} : memref<56x128xf32, #tpu.memory_space<vmem>>, vector<1x16xf32>,
    %swap3A_2511 = arith.constant 52 : i32
    %swap3A_2512 = arith.index_cast %swap3A_2511 : i32 to index
    %swap3A_2513 = arith.constant 16 : index
    %swap3A_2514 = tpu.vector_load %arg9[%swap3A_2512, %swap3A_2513] {strides = array<i32>} : memref<56x128xf32, #tpu.memory_space<vmem>>, vector<1x16xf32>,
    %swap3A_2515 = vector.shape_cast %swap3A_2514 : vector<1x16xf32> to vector<16xf32>
    %swap3A_2516 = vector.shape_cast %broadcast_in_dim3A_9 : vector<16xf32> to vector<1x16xf32>
    tpu.vector_store %arg9[%swap3A_2512, %swap3A_2513], %swap3A_2516 {strides = array<i32>} : memref<56x128xf32, #tpu.memory_space<vmem>>, vector<1x16xf32>,
    %swap3A_2517 = arith.constant 52 : i32
    %swap3A_2518 = arith.index_cast %swap3A_2517 : i32 to index
    %swap3A_2519 = arith.constant 32 : index
    %swap3A_2520 = tpu.vector_load %arg9[%swap3A_2518, %swap3A_2519] {strides = array<i32>} : memref<56x128xf32, #tpu.memory_space<vmem>>, vector<1x16xf32>,
    %swap3A_2521 = vector.shape_cast %swap3A_2520 : vector<1x16xf32> to vector<16xf32>
    %swap3A_2522 = vector.shape_cast %broadcast_in_dim3A_9 : vector<16xf32> to vector<1x16xf32>
    tpu.vector_store %arg9[%swap3A_2518, %swap3A_2519], %swap3A_2522 {strides = array<i32>} : memref<56x128xf32, #tpu.memory_space<vmem>>, vector<1x16xf32>,
    %swap3A_2523 = arith.constant 52 : i32
    %swap3A_2524 = arith.index_cast %swap3A_2523 : i32 to index
    %swap3A_2525 = arith.constant 48 : index
    %swap3A_2526 = tpu.vector_load %arg9[%swap3A_2524, %swap3A_2525] {strides = array<i32>} : memref<56x128xf32, #tpu.memory_space<vmem>>, vector<1x16xf32>,
    %swap3A_2527 = vector.shape_cast %swap3A_2526 : vector<1x16xf32> to vector<16xf32>
    %swap3A_2528 = vector.shape_cast %broadcast_in_dim3A_9 : vector<16xf32> to vector<1x16xf32>
    tpu.vector_store %arg9[%swap3A_2524, %swap3A_2525], %swap3A_2528 {strides = array<i32>} : memref<56x128xf32, #tpu.memory_space<vmem>>, vector<1x16xf32>,
    %swap3A_2529 = arith.constant 52 : i32
    %swap3A_2530 = arith.index_cast %swap3A_2529 : i32 to index
    %swap3A_2531 = arith.constant 64 : index
    %swap3A_2532 = tpu.vector_load %arg9[%swap3A_2530, %swap3A_2531] {strides = array<i32>} : memref<56x128xf32, #tpu.memory_space<vmem>>, vector<1x16xf32>,
    %swap3A_2533 = vector.shape_cast %swap3A_2532 : vector<1x16xf32> to vector<16xf32>
    %swap3A_2534 = vector.shape_cast %broadcast_in_dim3A_9 : vector<16xf32> to vector<1x16xf32>
    tpu.vector_store %arg9[%swap3A_2530, %swap3A_2531], %swap3A_2534 {strides = array<i32>} : memref<56x128xf32, #tpu.memory_space<vmem>>, vector<1x16xf32>,
    %swap3A_2535 = arith.constant 52 : i32
    %swap3A_2536 = arith.index_cast %swap3A_2535 : i32 to index
    %swap3A_2537 = arith.constant 80 : index
    %swap3A_2538 = tpu.vector_load %arg9[%swap3A_2536, %swap3A_2537] {strides = array<i32>} : memref<56x128xf32, #tpu.memory_space<vmem>>, vector<1x16xf32>,
    %swap3A_2539 = vector.shape_cast %swap3A_2538 : vector<1x16xf32> to vector<16xf32>
    %swap3A_2540 = vector.shape_cast %broadcast_in_dim3A_9 : vector<16xf32> to vector<1x16xf32>
    tpu.vector_store %arg9[%swap3A_2536, %swap3A_2537], %swap3A_2540 {strides = array<i32>} : memref<56x128xf32, #tpu.memory_space<vmem>>, vector<1x16xf32>,
    %swap3A_2541 = arith.constant 52 : i32
    %swap3A_2542 = arith.index_cast %swap3A_2541 : i32 to index
    %swap3A_2543 = arith.constant 96 : index
    %swap3A_2544 = tpu.vector_load %arg9[%swap3A_2542, %swap3A_2543] {strides = array<i32>} : memref<56x128xf32, #tpu.memory_space<vmem>>, vector<1x16xf32>,
    %swap3A_2545 = vector.shape_cast %swap3A_2544 : vector<1x16xf32> to vector<16xf32>
    %swap3A_2546 = vector.shape_cast %broadcast_in_dim3A_9 : vector<16xf32> to vector<1x16xf32>
    tpu.vector_store %arg9[%swap3A_2542, %swap3A_2543], %swap3A_2546 {strides = array<i32>} : memref<56x128xf32, #tpu.memory_space<vmem>>, vector<1x16xf32>,
    %swap3A_2547 = arith.constant 52 : i32
    %swap3A_2548 = arith.index_cast %swap3A_2547 : i32 to index
    %swap3A_2549 = arith.constant 112 : index
    %swap3A_2550 = tpu.vector_load %arg9[%swap3A_2548, %swap3A_2549] {strides = array<i32>} : memref<56x128xf32, #tpu.memory_space<vmem>>, vector<1x16xf32>,
    %swap3A_2551 = vector.shape_cast %swap3A_2550 : vector<1x16xf32> to vector<16xf32>
    %swap3A_2552 = vector.shape_cast %broadcast_in_dim3A_9 : vector<16xf32> to vector<1x16xf32>
    tpu.vector_store %arg9[%swap3A_2548, %swap3A_2549], %swap3A_2552 {strides = array<i32>} : memref<56x128xf32, #tpu.memory_space<vmem>>, vector<1x16xf32>,
    %swap3A_2553 = arith.constant 53 : i32
    %swap3A_2554 = arith.index_cast %swap3A_2553 : i32 to index
    %swap3A_2555 = arith.constant 0 : index
    %swap3A_2556 = tpu.vector_load %arg9[%swap3A_2554, %swap3A_2555] {strides = array<i32>} : memref<56x128xf32, #tpu.memory_space<vmem>>, vector<1x16xf32>,
    %swap3A_2557 = vector.shape_cast %swap3A_2556 : vector<1x16xf32> to vector<16xf32>
    %swap3A_2558 = vector.shape_cast %broadcast_in_dim3A_9 : vector<16xf32> to vector<1x16xf32>
    tpu.vector_store %arg9[%swap3A_2554, %swap3A_2555], %swap3A_2558 {strides = array<i32>} : memref<56x128xf32, #tpu.memory_space<vmem>>, vector<1x16xf32>,
    %swap3A_2559 = arith.constant 53 : i32
    %swap3A_2560 = arith.index_cast %swap3A_2559 : i32 to index
    %swap3A_2561 = arith.constant 16 : index
    %swap3A_2562 = tpu.vector_load %arg9[%swap3A_2560, %swap3A_2561] {strides = array<i32>} : memref<56x128xf32, #tpu.memory_space<vmem>>, vector<1x16xf32>,
    %swap3A_2563 = vector.shape_cast %swap3A_2562 : vector<1x16xf32> to vector<16xf32>
    %swap3A_2564 = vector.shape_cast %broadcast_in_dim3A_9 : vector<16xf32> to vector<1x16xf32>
    tpu.vector_store %arg9[%swap3A_2560, %swap3A_2561], %swap3A_2564 {strides = array<i32>} : memref<56x128xf32, #tpu.memory_space<vmem>>, vector<1x16xf32>,
    %swap3A_2565 = arith.constant 53 : i32
    %swap3A_2566 = arith.index_cast %swap3A_2565 : i32 to index
    %swap3A_2567 = arith.constant 32 : index
    %swap3A_2568 = tpu.vector_load %arg9[%swap3A_2566, %swap3A_2567] {strides = array<i32>} : memref<56x128xf32, #tpu.memory_space<vmem>>, vector<1x16xf32>,
    %swap3A_2569 = vector.shape_cast %swap3A_2568 : vector<1x16xf32> to vector<16xf32>
    %swap3A_2570 = vector.shape_cast %broadcast_in_dim3A_9 : vector<16xf32> to vector<1x16xf32>
    tpu.vector_store %arg9[%swap3A_2566, %swap3A_2567], %swap3A_2570 {strides = array<i32>} : memref<56x128xf32, #tpu.memory_space<vmem>>, vector<1x16xf32>,
    %swap3A_2571 = arith.constant 53 : i32
    %swap3A_2572 = arith.index_cast %swap3A_2571 : i32 to index
    %swap3A_2573 = arith.constant 48 : index
    %swap3A_2574 = tpu.vector_load %arg9[%swap3A_2572, %swap3A_2573] {strides = array<i32>} : memref<56x128xf32, #tpu.memory_space<vmem>>, vector<1x16xf32>,
    %swap3A_2575 = vector.shape_cast %swap3A_2574 : vector<1x16xf32> to vector<16xf32>
    %swap3A_2576 = vector.shape_cast %broadcast_in_dim3A_9 : vector<16xf32> to vector<1x16xf32>
    tpu.vector_store %arg9[%swap3A_2572, %swap3A_2573], %swap3A_2576 {strides = array<i32>} : memref<56x128xf32, #tpu.memory_space<vmem>>, vector<1x16xf32>,
    %swap3A_2577 = arith.constant 53 : i32
    %swap3A_2578 = arith.index_cast %swap3A_2577 : i32 to index
    %swap3A_2579 = arith.constant 64 : index
    %swap3A_2580 = tpu.vector_load %arg9[%swap3A_2578, %swap3A_2579] {strides = array<i32>} : memref<56x128xf32, #tpu.memory_space<vmem>>, vector<1x16xf32>,
    %swap3A_2581 = vector.shape_cast %swap3A_2580 : vector<1x16xf32> to vector<16xf32>
    %swap3A_2582 = vector.shape_cast %broadcast_in_dim3A_9 : vector<16xf32> to vector<1x16xf32>
    tpu.vector_store %arg9[%swap3A_2578, %swap3A_2579], %swap3A_2582 {strides = array<i32>} : memref<56x128xf32, #tpu.memory_space<vmem>>, vector<1x16xf32>,
    %swap3A_2583 = arith.constant 53 : i32
    %swap3A_2584 = arith.index_cast %swap3A_2583 : i32 to index
    %swap3A_2585 = arith.constant 80 : index
    %swap3A_2586 = tpu.vector_load %arg9[%swap3A_2584, %swap3A_2585] {strides = array<i32>} : memref<56x128xf32, #tpu.memory_space<vmem>>, vector<1x16xf32>,
    %swap3A_2587 = vector.shape_cast %swap3A_2586 : vector<1x16xf32> to vector<16xf32>
    %swap3A_2588 = vector.shape_cast %broadcast_in_dim3A_9 : vector<16xf32> to vector<1x16xf32>
    tpu.vector_store %arg9[%swap3A_2584, %swap3A_2585], %swap3A_2588 {strides = array<i32>} : memref<56x128xf32, #tpu.memory_space<vmem>>, vector<1x16xf32>,
    %swap3A_2589 = arith.constant 53 : i32
    %swap3A_2590 = arith.index_cast %swap3A_2589 : i32 to index
    %swap3A_2591 = arith.constant 96 : index
    %swap3A_2592 = tpu.vector_load %arg9[%swap3A_2590, %swap3A_2591] {strides = array<i32>} : memref<56x128xf32, #tpu.memory_space<vmem>>, vector<1x16xf32>,
    %swap3A_2593 = vector.shape_cast %swap3A_2592 : vector<1x16xf32> to vector<16xf32>
    %swap3A_2594 = vector.shape_cast %broadcast_in_dim3A_9 : vector<16xf32> to vector<1x16xf32>
    tpu.vector_store %arg9[%swap3A_2590, %swap3A_2591], %swap3A_2594 {strides = array<i32>} : memref<56x128xf32, #tpu.memory_space<vmem>>, vector<1x16xf32>,
    %swap3A_2595 = arith.constant 53 : i32
    %swap3A_2596 = arith.index_cast %swap3A_2595 : i32 to index
    %swap3A_2597 = arith.constant 112 : index
    %swap3A_2598 = tpu.vector_load %arg9[%swap3A_2596, %swap3A_2597] {strides = array<i32>} : memref<56x128xf32, #tpu.memory_space<vmem>>, vector<1x16xf32>,
    %swap3A_2599 = vector.shape_cast %swap3A_2598 : vector<1x16xf32> to vector<16xf32>
    %swap3A_2600 = vector.shape_cast %broadcast_in_dim3A_9 : vector<16xf32> to vector<1x16xf32>
    tpu.vector_store %arg9[%swap3A_2596, %swap3A_2597], %swap3A_2600 {strides = array<i32>} : memref<56x128xf32, #tpu.memory_space<vmem>>, vector<1x16xf32>,
    %swap3A_2601 = arith.constant 54 : i32
    %swap3A_2602 = arith.index_cast %swap3A_2601 : i32 to index
    %swap3A_2603 = arith.constant 0 : index
    %swap3A_2604 = tpu.vector_load %arg9[%swap3A_2602, %swap3A_2603] {strides = array<i32>} : memref<56x128xf32, #tpu.memory_space<vmem>>, vector<1x16xf32>,
    %swap3A_2605 = vector.shape_cast %swap3A_2604 : vector<1x16xf32> to vector<16xf32>
    %swap3A_2606 = vector.shape_cast %broadcast_in_dim3A_9 : vector<16xf32> to vector<1x16xf32>
    tpu.vector_store %arg9[%swap3A_2602, %swap3A_2603], %swap3A_2606 {strides = array<i32>} : memref<56x128xf32, #tpu.memory_space<vmem>>, vector<1x16xf32>,
    %swap3A_2607 = arith.constant 54 : i32
    %swap3A_2608 = arith.index_cast %swap3A_2607 : i32 to index
    %swap3A_2609 = arith.constant 16 : index
    %swap3A_2610 = tpu.vector_load %arg9[%swap3A_2608, %swap3A_2609] {strides = array<i32>} : memref<56x128xf32, #tpu.memory_space<vmem>>, vector<1x16xf32>,
    %swap3A_2611 = vector.shape_cast %swap3A_2610 : vector<1x16xf32> to vector<16xf32>
    %swap3A_2612 = vector.shape_cast %broadcast_in_dim3A_9 : vector<16xf32> to vector<1x16xf32>
    tpu.vector_store %arg9[%swap3A_2608, %swap3A_2609], %swap3A_2612 {strides = array<i32>} : memref<56x128xf32, #tpu.memory_space<vmem>>, vector<1x16xf32>,
    %swap3A_2613 = arith.constant 54 : i32
    %swap3A_2614 = arith.index_cast %swap3A_2613 : i32 to index
    %swap3A_2615 = arith.constant 32 : index
    %swap3A_2616 = tpu.vector_load %arg9[%swap3A_2614, %swap3A_2615] {strides = array<i32>} : memref<56x128xf32, #tpu.memory_space<vmem>>, vector<1x16xf32>,
    %swap3A_2617 = vector.shape_cast %swap3A_2616 : vector<1x16xf32> to vector<16xf32>
    %swap3A_2618 = vector.shape_cast %broadcast_in_dim3A_9 : vector<16xf32> to vector<1x16xf32>
    tpu.vector_store %arg9[%swap3A_2614, %swap3A_2615], %swap3A_2618 {strides = array<i32>} : memref<56x128xf32, #tpu.memory_space<vmem>>, vector<1x16xf32>,
    %swap3A_2619 = arith.constant 54 : i32
    %swap3A_2620 = arith.index_cast %swap3A_2619 : i32 to index
    %swap3A_2621 = arith.constant 48 : index
    %swap3A_2622 = tpu.vector_load %arg9[%swap3A_2620, %swap3A_2621] {strides = array<i32>} : memref<56x128xf32, #tpu.memory_space<vmem>>, vector<1x16xf32>,
    %swap3A_2623 = vector.shape_cast %swap3A_2622 : vector<1x16xf32> to vector<16xf32>
    %swap3A_2624 = vector.shape_cast %broadcast_in_dim3A_9 : vector<16xf32> to vector<1x16xf32>
    tpu.vector_store %arg9[%swap3A_2620, %swap3A_2621], %swap3A_2624 {strides = array<i32>} : memref<56x128xf32, #tpu.memory_space<vmem>>, vector<1x16xf32>,
    %swap3A_2625 = arith.constant 54 : i32
    %swap3A_2626 = arith.index_cast %swap3A_2625 : i32 to index
    %swap3A_2627 = arith.constant 64 : index
    %swap3A_2628 = tpu.vector_load %arg9[%swap3A_2626, %swap3A_2627] {strides = array<i32>} : memref<56x128xf32, #tpu.memory_space<vmem>>, vector<1x16xf32>,
    %swap3A_2629 = vector.shape_cast %swap3A_2628 : vector<1x16xf32> to vector<16xf32>
    %swap3A_2630 = vector.shape_cast %broadcast_in_dim3A_9 : vector<16xf32> to vector<1x16xf32>
    tpu.vector_store %arg9[%swap3A_2626, %swap3A_2627], %swap3A_2630 {strides = array<i32>} : memref<56x128xf32, #tpu.memory_space<vmem>>, vector<1x16xf32>,
    %swap3A_2631 = arith.constant 54 : i32
    %swap3A_2632 = arith.index_cast %swap3A_2631 : i32 to index
    %swap3A_2633 = arith.constant 80 : index
    %swap3A_2634 = tpu.vector_load %arg9[%swap3A_2632, %swap3A_2633] {strides = array<i32>} : memref<56x128xf32, #tpu.memory_space<vmem>>, vector<1x16xf32>,
    %swap3A_2635 = vector.shape_cast %swap3A_2634 : vector<1x16xf32> to vector<16xf32>
    %swap3A_2636 = vector.shape_cast %broadcast_in_dim3A_9 : vector<16xf32> to vector<1x16xf32>
    tpu.vector_store %arg9[%swap3A_2632, %swap3A_2633], %swap3A_2636 {strides = array<i32>} : memref<56x128xf32, #tpu.memory_space<vmem>>, vector<1x16xf32>,
    %swap3A_2637 = arith.constant 54 : i32
    %swap3A_2638 = arith.index_cast %swap3A_2637 : i32 to index
    %swap3A_2639 = arith.constant 96 : index
    %swap3A_2640 = tpu.vector_load %arg9[%swap3A_2638, %swap3A_2639] {strides = array<i32>} : memref<56x128xf32, #tpu.memory_space<vmem>>, vector<1x16xf32>,
    %swap3A_2641 = vector.shape_cast %swap3A_2640 : vector<1x16xf32> to vector<16xf32>
    %swap3A_2642 = vector.shape_cast %broadcast_in_dim3A_9 : vector<16xf32> to vector<1x16xf32>
    tpu.vector_store %arg9[%swap3A_2638, %swap3A_2639], %swap3A_2642 {strides = array<i32>} : memref<56x128xf32, #tpu.memory_space<vmem>>, vector<1x16xf32>,
    %swap3A_2643 = arith.constant 54 : i32
    %swap3A_2644 = arith.index_cast %swap3A_2643 : i32 to index
    %swap3A_2645 = arith.constant 112 : index
    %swap3A_2646 = tpu.vector_load %arg9[%swap3A_2644, %swap3A_2645] {strides = array<i32>} : memref<56x128xf32, #tpu.memory_space<vmem>>, vector<1x16xf32>,
    %swap3A_2647 = vector.shape_cast %swap3A_2646 : vector<1x16xf32> to vector<16xf32>
    %swap3A_2648 = vector.shape_cast %broadcast_in_dim3A_9 : vector<16xf32> to vector<1x16xf32>
    tpu.vector_store %arg9[%swap3A_2644, %swap3A_2645], %swap3A_2648 {strides = array<i32>} : memref<56x128xf32, #tpu.memory_space<vmem>>, vector<1x16xf32>,
    %swap3A_2649 = arith.constant 55 : i32
    %swap3A_2650 = arith.index_cast %swap3A_2649 : i32 to index
    %swap3A_2651 = arith.constant 0 : index
    %swap3A_2652 = tpu.vector_load %arg9[%swap3A_2650, %swap3A_2651] {strides = array<i32>} : memref<56x128xf32, #tpu.memory_space<vmem>>, vector<1x16xf32>,
    %swap3A_2653 = vector.shape_cast %swap3A_2652 : vector<1x16xf32> to vector<16xf32>
    %swap3A_2654 = vector.shape_cast %broadcast_in_dim3A_9 : vector<16xf32> to vector<1x16xf32>
    tpu.vector_store %arg9[%swap3A_2650, %swap3A_2651], %swap3A_2654 {strides = array<i32>} : memref<56x128xf32, #tpu.memory_space<vmem>>, vector<1x16xf32>,
    %swap3A_2655 = arith.constant 55 : i32
    %swap3A_2656 = arith.index_cast %swap3A_2655 : i32 to index
    %swap3A_2657 = arith.constant 16 : index
    %swap3A_2658 = tpu.vector_load %arg9[%swap3A_2656, %swap3A_2657] {strides = array<i32>} : memref<56x128xf32, #tpu.memory_space<vmem>>, vector<1x16xf32>,
    %swap3A_2659 = vector.shape_cast %swap3A_2658 : vector<1x16xf32> to vector<16xf32>
    %swap3A_2660 = vector.shape_cast %broadcast_in_dim3A_9 : vector<16xf32> to vector<1x16xf32>
    tpu.vector_store %arg9[%swap3A_2656, %swap3A_2657], %swap3A_2660 {strides = array<i32>} : memref<56x128xf32, #tpu.memory_space<vmem>>, vector<1x16xf32>,
    %swap3A_2661 = arith.constant 55 : i32
    %swap3A_2662 = arith.index_cast %swap3A_2661 : i32 to index
    %swap3A_2663 = arith.constant 32 : index
    %swap3A_2664 = tpu.vector_load %arg9[%swap3A_2662, %swap3A_2663] {strides = array<i32>} : memref<56x128xf32, #tpu.memory_space<vmem>>, vector<1x16xf32>,
    %swap3A_2665 = vector.shape_cast %swap3A_2664 : vector<1x16xf32> to vector<16xf32>
    %swap3A_2666 = vector.shape_cast %broadcast_in_dim3A_9 : vector<16xf32> to vector<1x16xf32>
    tpu.vector_store %arg9[%swap3A_2662, %swap3A_2663], %swap3A_2666 {strides = array<i32>} : memref<56x128xf32, #tpu.memory_space<vmem>>, vector<1x16xf32>,
    %swap3A_2667 = arith.constant 55 : i32
    %swap3A_2668 = arith.index_cast %swap3A_2667 : i32 to index
    %swap3A_2669 = arith.constant 48 : index
    %swap3A_2670 = tpu.vector_load %arg9[%swap3A_2668, %swap3A_2669] {strides = array<i32>} : memref<56x128xf32, #tpu.memory_space<vmem>>, vector<1x16xf32>,
    %swap3A_2671 = vector.shape_cast %swap3A_2670 : vector<1x16xf32> to vector<16xf32>
    %swap3A_2672 = vector.shape_cast %broadcast_in_dim3A_9 : vector<16xf32> to vector<1x16xf32>
    tpu.vector_store %arg9[%swap3A_2668, %swap3A_2669], %swap3A_2672 {strides = array<i32>} : memref<56x128xf32, #tpu.memory_space<vmem>>, vector<1x16xf32>,
    %swap3A_2673 = arith.constant 55 : i32
    %swap3A_2674 = arith.index_cast %swap3A_2673 : i32 to index
    %swap3A_2675 = arith.constant 64 : index
    %swap3A_2676 = tpu.vector_load %arg9[%swap3A_2674, %swap3A_2675] {strides = array<i32>} : memref<56x128xf32, #tpu.memory_space<vmem>>, vector<1x16xf32>,
    %swap3A_2677 = vector.shape_cast %swap3A_2676 : vector<1x16xf32> to vector<16xf32>
    %swap3A_2678 = vector.shape_cast %broadcast_in_dim3A_9 : vector<16xf32> to vector<1x16xf32>
    tpu.vector_store %arg9[%swap3A_2674, %swap3A_2675], %swap3A_2678 {strides = array<i32>} : memref<56x128xf32, #tpu.memory_space<vmem>>, vector<1x16xf32>,
    %swap3A_2679 = arith.constant 55 : i32
    %swap3A_2680 = arith.index_cast %swap3A_2679 : i32 to index
    %swap3A_2681 = arith.constant 80 : index
    %swap3A_2682 = tpu.vector_load %arg9[%swap3A_2680, %swap3A_2681] {strides = array<i32>} : memref<56x128xf32, #tpu.memory_space<vmem>>, vector<1x16xf32>,
    %swap3A_2683 = vector.shape_cast %swap3A_2682 : vector<1x16xf32> to vector<16xf32>
    %swap3A_2684 = vector.shape_cast %broadcast_in_dim3A_9 : vector<16xf32> to vector<1x16xf32>
    tpu.vector_store %arg9[%swap3A_2680, %swap3A_2681], %swap3A_2684 {strides = array<i32>} : memref<56x128xf32, #tpu.memory_space<vmem>>, vector<1x16xf32>,
    %swap3A_2685 = arith.constant 55 : i32
    %swap3A_2686 = arith.index_cast %swap3A_2685 : i32 to index
    %swap3A_2687 = arith.constant 96 : index
    %swap3A_2688 = tpu.vector_load %arg9[%swap3A_2686, %swap3A_2687] {strides = array<i32>} : memref<56x128xf32, #tpu.memory_space<vmem>>, vector<1x16xf32>,
    %swap3A_2689 = vector.shape_cast %swap3A_2688 : vector<1x16xf32> to vector<16xf32>
    %swap3A_2690 = vector.shape_cast %broadcast_in_dim3A_9 : vector<16xf32> to vector<1x16xf32>
    tpu.vector_store %arg9[%swap3A_2686, %swap3A_2687], %swap3A_2690 {strides = array<i32>} : memref<56x128xf32, #tpu.memory_space<vmem>>, vector<1x16xf32>,
    %swap3A_2691 = arith.constant 55 : i32
    %swap3A_2692 = arith.index_cast %swap3A_2691 : i32 to index
    %swap3A_2693 = arith.constant 112 : index
    %swap3A_2694 = tpu.vector_load %arg9[%swap3A_2692, %swap3A_2693] {strides = array<i32>} : memref<56x128xf32, #tpu.memory_space<vmem>>, vector<1x16xf32>,
    %swap3A_2695 = vector.shape_cast %swap3A_2694 : vector<1x16xf32> to vector<16xf32>
    %swap3A_2696 = vector.shape_cast %broadcast_in_dim3A_9 : vector<16xf32> to vector<1x16xf32>
    tpu.vector_store %arg9[%swap3A_2692, %swap3A_2693], %swap3A_2696 {strides = array<i32>} : memref<56x128xf32, #tpu.memory_space<vmem>>, vector<1x16xf32>,
    %mul3A_2697 = arith.constant 632 : i32
    %mul3A_2698 = arith.muli %arg1, %mul3A_2697 : i32
    %add3A_2699 = arith.constant 0 : i32
    %add3A_2700 = arith.addi %mul3A_2698, %add3A_2699 : i32
    "tpu.region"() ({
      %run_scoped3A = tpu.sem_alloc : memref<!tpu.dma_semaphore, #tpu.memory_space<semaphore_mem>>
      %dma_start3A_2784 = arith.constant 0 : i32
      %dma_start3A_2785 = tpu.memref_slice %arg12[%add3A_2700, %dma_start3A_2784] : memref<10112x128xf32, #tpu.memory_space<vmem_shared>> -> memref<56x128xf32, #tpu.memory_space<vmem_shared>>
      %dma_start3A_2786 = arith.constant 0 : i32
      %dma_start3A_2787 = tpu.memref_slice %arg12[%add3A_2700, %dma_start3A_2786] : memref<10112x128xf32, #tpu.memory_space<vmem_shared>> -> memref<56x128xf32, #tpu.memory_space<vmem_shared>>
      tpu.enqueue_dma source(%arg9 : memref<56x128xf32, #tpu.memory_space<vmem>>) target(%dma_start3A_2787 : memref<56x128xf32, #tpu.memory_space<vmem_shared>>) target_semaphore(%run_scoped3A : memref<!tpu.dma_semaphore, #tpu.memory_space<semaphore_mem>>)
      %dma_wait3A = arith.constant 0 : i32
      %dma_wait3A_2788 = tpu.memref_slice %arg12[%add3A_2700, %dma_wait3A] : memref<10112x128xf32, #tpu.memory_space<vmem_shared>> -> memref<56x128xf32, #tpu.memory_space<vmem_shared>>
      %dma_wait3A_2789 = arith.constant 0 : i32
      %dma_wait3A_2790 = tpu.memref_slice %arg12[%add3A_2700, %dma_wait3A_2789] : memref<10112x128xf32, #tpu.memory_space<vmem_shared>> -> memref<56x128xf32, #tpu.memory_space<vmem_shared>>
      tpu.wait_dma2 semaphore(%run_scoped3A : memref<!tpu.dma_semaphore, #tpu.memory_space<semaphore_mem>>) src(%arg9 : memref<56x128xf32, #tpu.memory_space<vmem>>) dst(%dma_wait3A_2790 : memref<56x128xf32, #tpu.memory_space<vmem_shared>>)
      tpu.yield
    }) : () -> ()
    %mul3A_2701 = arith.constant 632 : i32
    %mul3A_2702 = arith.muli %arg1, %mul3A_2701 : i32
    %add3A_2703 = arith.constant 56 : i32
    %add3A_2704 = arith.addi %mul3A_2702, %add3A_2703 : i32
    "tpu.region"() ({
      %run_scoped3A = tpu.sem_alloc : memref<!tpu.dma_semaphore, #tpu.memory_space<semaphore_mem>>
      %dma_start3A_2784 = arith.constant 0 : i32
      %dma_start3A_2785 = tpu.memref_slice %arg12[%add3A_2704, %dma_start3A_2784] : memref<10112x128xf32, #tpu.memory_space<vmem_shared>> -> memref<56x128xf32, #tpu.memory_space<vmem_shared>>
      %dma_start3A_2786 = arith.constant 0 : i32
      %dma_start3A_2787 = tpu.memref_slice %arg12[%add3A_2704, %dma_start3A_2786] : memref<10112x128xf32, #tpu.memory_space<vmem_shared>> -> memref<56x128xf32, #tpu.memory_space<vmem_shared>>
      tpu.enqueue_dma source(%arg9 : memref<56x128xf32, #tpu.memory_space<vmem>>) target(%dma_start3A_2787 : memref<56x128xf32, #tpu.memory_space<vmem_shared>>) target_semaphore(%run_scoped3A : memref<!tpu.dma_semaphore, #tpu.memory_space<semaphore_mem>>)
      %dma_wait3A = arith.constant 0 : i32
      %dma_wait3A_2788 = tpu.memref_slice %arg12[%add3A_2704, %dma_wait3A] : memref<10112x128xf32, #tpu.memory_space<vmem_shared>> -> memref<56x128xf32, #tpu.memory_space<vmem_shared>>
      %dma_wait3A_2789 = arith.constant 0 : i32
      %dma_wait3A_2790 = tpu.memref_slice %arg12[%add3A_2704, %dma_wait3A_2789] : memref<10112x128xf32, #tpu.memory_space<vmem_shared>> -> memref<56x128xf32, #tpu.memory_space<vmem_shared>>
      tpu.wait_dma2 semaphore(%run_scoped3A : memref<!tpu.dma_semaphore, #tpu.memory_space<semaphore_mem>>) src(%arg9 : memref<56x128xf32, #tpu.memory_space<vmem>>) dst(%dma_wait3A_2790 : memref<56x128xf32, #tpu.memory_space<vmem_shared>>)
      tpu.yield
    }) : () -> ()
    %mul3A_2705 = arith.constant 632 : i32
    %mul3A_2706 = arith.muli %arg1, %mul3A_2705 : i32
    %add3A_2707 = arith.constant 112 : i32
    %add3A_2708 = arith.addi %mul3A_2706, %add3A_2707 : i32
    "tpu.region"() ({
      %run_scoped3A = tpu.sem_alloc : memref<!tpu.dma_semaphore, #tpu.memory_space<semaphore_mem>>
      %dma_start3A_2784 = arith.constant 0 : i32
      %dma_start3A_2785 = tpu.memref_slice %arg12[%add3A_2708, %dma_start3A_2784] : memref<10112x128xf32, #tpu.memory_space<vmem_shared>> -> memref<56x128xf32, #tpu.memory_space<vmem_shared>>
      %dma_start3A_2786 = arith.constant 0 : i32
      %dma_start3A_2787 = tpu.memref_slice %arg12[%add3A_2708, %dma_start3A_2786] : memref<10112x128xf32, #tpu.memory_space<vmem_shared>> -> memref<56x128xf32, #tpu.memory_space<vmem_shared>>
      tpu.enqueue_dma source(%arg9 : memref<56x128xf32, #tpu.memory_space<vmem>>) target(%dma_start3A_2787 : memref<56x128xf32, #tpu.memory_space<vmem_shared>>) target_semaphore(%run_scoped3A : memref<!tpu.dma_semaphore, #tpu.memory_space<semaphore_mem>>)
      %dma_wait3A = arith.constant 0 : i32
      %dma_wait3A_2788 = tpu.memref_slice %arg12[%add3A_2708, %dma_wait3A] : memref<10112x128xf32, #tpu.memory_space<vmem_shared>> -> memref<56x128xf32, #tpu.memory_space<vmem_shared>>
      %dma_wait3A_2789 = arith.constant 0 : i32
      %dma_wait3A_2790 = tpu.memref_slice %arg12[%add3A_2708, %dma_wait3A_2789] : memref<10112x128xf32, #tpu.memory_space<vmem_shared>> -> memref<56x128xf32, #tpu.memory_space<vmem_shared>>
      tpu.wait_dma2 semaphore(%run_scoped3A : memref<!tpu.dma_semaphore, #tpu.memory_space<semaphore_mem>>) src(%arg9 : memref<56x128xf32, #tpu.memory_space<vmem>>) dst(%dma_wait3A_2790 : memref<56x128xf32, #tpu.memory_space<vmem_shared>>)
      tpu.yield
    }) : () -> ()
    %mul3A_2709 = arith.constant 632 : i32
    %mul3A_2710 = arith.muli %arg1, %mul3A_2709 : i32
    %add3A_2711 = arith.constant 168 : i32
    %add3A_2712 = arith.addi %mul3A_2710, %add3A_2711 : i32
    "tpu.region"() ({
      %run_scoped3A = tpu.sem_alloc : memref<!tpu.dma_semaphore, #tpu.memory_space<semaphore_mem>>
      %dma_start3A_2784 = arith.constant 0 : i32
      %dma_start3A_2785 = tpu.memref_slice %arg12[%add3A_2712, %dma_start3A_2784] : memref<10112x128xf32, #tpu.memory_space<vmem_shared>> -> memref<56x128xf32, #tpu.memory_space<vmem_shared>>
      %dma_start3A_2786 = arith.constant 0 : i32
      %dma_start3A_2787 = tpu.memref_slice %arg12[%add3A_2712, %dma_start3A_2786] : memref<10112x128xf32, #tpu.memory_space<vmem_shared>> -> memref<56x128xf32, #tpu.memory_space<vmem_shared>>
      tpu.enqueue_dma source(%arg9 : memref<56x128xf32, #tpu.memory_space<vmem>>) target(%dma_start3A_2787 : memref<56x128xf32, #tpu.memory_space<vmem_shared>>) target_semaphore(%run_scoped3A : memref<!tpu.dma_semaphore, #tpu.memory_space<semaphore_mem>>)
      %dma_wait3A = arith.constant 0 : i32
      %dma_wait3A_2788 = tpu.memref_slice %arg12[%add3A_2712, %dma_wait3A] : memref<10112x128xf32, #tpu.memory_space<vmem_shared>> -> memref<56x128xf32, #tpu.memory_space<vmem_shared>>
      %dma_wait3A_2789 = arith.constant 0 : i32
      %dma_wait3A_2790 = tpu.memref_slice %arg12[%add3A_2712, %dma_wait3A_2789] : memref<10112x128xf32, #tpu.memory_space<vmem_shared>> -> memref<56x128xf32, #tpu.memory_space<vmem_shared>>
      tpu.wait_dma2 semaphore(%run_scoped3A : memref<!tpu.dma_semaphore, #tpu.memory_space<semaphore_mem>>) src(%arg9 : memref<56x128xf32, #tpu.memory_space<vmem>>) dst(%dma_wait3A_2790 : memref<56x128xf32, #tpu.memory_space<vmem_shared>>)
      tpu.yield
    }) : () -> ()
    %mul3A_2713 = arith.constant 632 : i32
    %mul3A_2714 = arith.muli %arg1, %mul3A_2713 : i32
    %add3A_2715 = arith.constant 224 : i32
    %add3A_2716 = arith.addi %mul3A_2714, %add3A_2715 : i32
    "tpu.region"() ({
      %run_scoped3A = tpu.sem_alloc : memref<!tpu.dma_semaphore, #tpu.memory_space<semaphore_mem>>
      %dma_start3A_2784 = arith.constant 0 : i32
      %dma_start3A_2785 = tpu.memref_slice %arg12[%add3A_2716, %dma_start3A_2784] : memref<10112x128xf32, #tpu.memory_space<vmem_shared>> -> memref<56x128xf32, #tpu.memory_space<vmem_shared>>
      %dma_start3A_2786 = arith.constant 0 : i32
      %dma_start3A_2787 = tpu.memref_slice %arg12[%add3A_2716, %dma_start3A_2786] : memref<10112x128xf32, #tpu.memory_space<vmem_shared>> -> memref<56x128xf32, #tpu.memory_space<vmem_shared>>
      tpu.enqueue_dma source(%arg9 : memref<56x128xf32, #tpu.memory_space<vmem>>) target(%dma_start3A_2787 : memref<56x128xf32, #tpu.memory_space<vmem_shared>>) target_semaphore(%run_scoped3A : memref<!tpu.dma_semaphore, #tpu.memory_space<semaphore_mem>>)
      %dma_wait3A = arith.constant 0 : i32
      %dma_wait3A_2788 = tpu.memref_slice %arg12[%add3A_2716, %dma_wait3A] : memref<10112x128xf32, #tpu.memory_space<vmem_shared>> -> memref<56x128xf32, #tpu.memory_space<vmem_shared>>
      %dma_wait3A_2789 = arith.constant 0 : i32
      %dma_wait3A_2790 = tpu.memref_slice %arg12[%add3A_2716, %dma_wait3A_2789] : memref<10112x128xf32, #tpu.memory_space<vmem_shared>> -> memref<56x128xf32, #tpu.memory_space<vmem_shared>>
      tpu.wait_dma2 semaphore(%run_scoped3A : memref<!tpu.dma_semaphore, #tpu.memory_space<semaphore_mem>>) src(%arg9 : memref<56x128xf32, #tpu.memory_space<vmem>>) dst(%dma_wait3A_2790 : memref<56x128xf32, #tpu.memory_space<vmem_shared>>)
      tpu.yield
    }) : () -> ()
    %mul3A_2717 = arith.constant 632 : i32
    %mul3A_2718 = arith.muli %arg1, %mul3A_2717 : i32
    %add3A_2719 = arith.constant 280 : i32
    %add3A_2720 = arith.addi %mul3A_2718, %add3A_2719 : i32
    "tpu.region"() ({
      %run_scoped3A = tpu.sem_alloc : memref<!tpu.dma_semaphore, #tpu.memory_space<semaphore_mem>>
      %dma_start3A_2784 = arith.constant 0 : i32
      %dma_start3A_2785 = tpu.memref_slice %arg12[%add3A_2720, %dma_start3A_2784] : memref<10112x128xf32, #tpu.memory_space<vmem_shared>> -> memref<56x128xf32, #tpu.memory_space<vmem_shared>>
      %dma_start3A_2786 = arith.constant 0 : i32
      %dma_start3A_2787 = tpu.memref_slice %arg12[%add3A_2720, %dma_start3A_2786] : memref<10112x128xf32, #tpu.memory_space<vmem_shared>> -> memref<56x128xf32, #tpu.memory_space<vmem_shared>>
      tpu.enqueue_dma source(%arg9 : memref<56x128xf32, #tpu.memory_space<vmem>>) target(%dma_start3A_2787 : memref<56x128xf32, #tpu.memory_space<vmem_shared>>) target_semaphore(%run_scoped3A : memref<!tpu.dma_semaphore, #tpu.memory_space<semaphore_mem>>)
      %dma_wait3A = arith.constant 0 : i32
      %dma_wait3A_2788 = tpu.memref_slice %arg12[%add3A_2720, %dma_wait3A] : memref<10112x128xf32, #tpu.memory_space<vmem_shared>> -> memref<56x128xf32, #tpu.memory_space<vmem_shared>>
      %dma_wait3A_2789 = arith.constant 0 : i32
      %dma_wait3A_2790 = tpu.memref_slice %arg12[%add3A_2720, %dma_wait3A_2789] : memref<10112x128xf32, #tpu.memory_space<vmem_shared>> -> memref<56x128xf32, #tpu.memory_space<vmem_shared>>
      tpu.wait_dma2 semaphore(%run_scoped3A : memref<!tpu.dma_semaphore, #tpu.memory_space<semaphore_mem>>) src(%arg9 : memref<56x128xf32, #tpu.memory_space<vmem>>) dst(%dma_wait3A_2790 : memref<56x128xf32, #tpu.memory_space<vmem_shared>>)
      tpu.yield
    }) : () -> ()
    %mul3A_2721 = arith.constant 632 : i32
    %mul3A_2722 = arith.muli %arg1, %mul3A_2721 : i32
    %add3A_2723 = arith.constant 336 : i32
    %add3A_2724 = arith.addi %mul3A_2722, %add3A_2723 : i32
    "tpu.region"() ({
      %run_scoped3A = tpu.sem_alloc : memref<!tpu.dma_semaphore, #tpu.memory_space<semaphore_mem>>
      %dma_start3A_2784 = arith.constant 0 : i32
      %dma_start3A_2785 = tpu.memref_slice %arg12[%add3A_2724, %dma_start3A_2784] : memref<10112x128xf32, #tpu.memory_space<vmem_shared>> -> memref<56x128xf32, #tpu.memory_space<vmem_shared>>
      %dma_start3A_2786 = arith.constant 0 : i32
      %dma_start3A_2787 = tpu.memref_slice %arg12[%add3A_2724, %dma_start3A_2786] : memref<10112x128xf32, #tpu.memory_space<vmem_shared>> -> memref<56x128xf32, #tpu.memory_space<vmem_shared>>
      tpu.enqueue_dma source(%arg9 : memref<56x128xf32, #tpu.memory_space<vmem>>) target(%dma_start3A_2787 : memref<56x128xf32, #tpu.memory_space<vmem_shared>>) target_semaphore(%run_scoped3A : memref<!tpu.dma_semaphore, #tpu.memory_space<semaphore_mem>>)
      %dma_wait3A = arith.constant 0 : i32
      %dma_wait3A_2788 = tpu.memref_slice %arg12[%add3A_2724, %dma_wait3A] : memref<10112x128xf32, #tpu.memory_space<vmem_shared>> -> memref<56x128xf32, #tpu.memory_space<vmem_shared>>
      %dma_wait3A_2789 = arith.constant 0 : i32
      %dma_wait3A_2790 = tpu.memref_slice %arg12[%add3A_2724, %dma_wait3A_2789] : memref<10112x128xf32, #tpu.memory_space<vmem_shared>> -> memref<56x128xf32, #tpu.memory_space<vmem_shared>>
      tpu.wait_dma2 semaphore(%run_scoped3A : memref<!tpu.dma_semaphore, #tpu.memory_space<semaphore_mem>>) src(%arg9 : memref<56x128xf32, #tpu.memory_space<vmem>>) dst(%dma_wait3A_2790 : memref<56x128xf32, #tpu.memory_space<vmem_shared>>)
      tpu.yield
    }) : () -> ()
    %mul3A_2725 = arith.constant 632 : i32
    %mul3A_2726 = arith.muli %arg1, %mul3A_2725 : i32
    %add3A_2727 = arith.constant 392 : i32
    %add3A_2728 = arith.addi %mul3A_2726, %add3A_2727 : i32
    "tpu.region"() ({
      %run_scoped3A = tpu.sem_alloc : memref<!tpu.dma_semaphore, #tpu.memory_space<semaphore_mem>>
      %dma_start3A_2784 = arith.constant 0 : i32
      %dma_start3A_2785 = tpu.memref_slice %arg12[%add3A_2728, %dma_start3A_2784] : memref<10112x128xf32, #tpu.memory_space<vmem_shared>> -> memref<56x128xf32, #tpu.memory_space<vmem_shared>>
      %dma_start3A_2786 = arith.constant 0 : i32
      %dma_start3A_2787 = tpu.memref_slice %arg12[%add3A_2728, %dma_start3A_2786] : memref<10112x128xf32, #tpu.memory_space<vmem_shared>> -> memref<56x128xf32, #tpu.memory_space<vmem_shared>>
      tpu.enqueue_dma source(%arg9 : memref<56x128xf32, #tpu.memory_space<vmem>>) target(%dma_start3A_2787 : memref<56x128xf32, #tpu.memory_space<vmem_shared>>) target_semaphore(%run_scoped3A : memref<!tpu.dma_semaphore, #tpu.memory_space<semaphore_mem>>)
      %dma_wait3A = arith.constant 0 : i32
      %dma_wait3A_2788 = tpu.memref_slice %arg12[%add3A_2728, %dma_wait3A] : memref<10112x128xf32, #tpu.memory_space<vmem_shared>> -> memref<56x128xf32, #tpu.memory_space<vmem_shared>>
      %dma_wait3A_2789 = arith.constant 0 : i32
      %dma_wait3A_2790 = tpu.memref_slice %arg12[%add3A_2728, %dma_wait3A_2789] : memref<10112x128xf32, #tpu.memory_space<vmem_shared>> -> memref<56x128xf32, #tpu.memory_space<vmem_shared>>
      tpu.wait_dma2 semaphore(%run_scoped3A : memref<!tpu.dma_semaphore, #tpu.memory_space<semaphore_mem>>) src(%arg9 : memref<56x128xf32, #tpu.memory_space<vmem>>) dst(%dma_wait3A_2790 : memref<56x128xf32, #tpu.memory_space<vmem_shared>>)
      tpu.yield
    }) : () -> ()
    %mul3A_2729 = arith.constant 632 : i32
    %mul3A_2730 = arith.muli %arg1, %mul3A_2729 : i32
    %add3A_2731 = arith.constant 448 : i32
    %add3A_2732 = arith.addi %mul3A_2730, %add3A_2731 : i32
    "tpu.region"() ({
      %run_scoped3A = tpu.sem_alloc : memref<!tpu.dma_semaphore, #tpu.memory_space<semaphore_mem>>
      %dma_start3A_2784 = arith.constant 0 : i32
      %dma_start3A_2785 = tpu.memref_slice %arg12[%add3A_2732, %dma_start3A_2784] : memref<10112x128xf32, #tpu.memory_space<vmem_shared>> -> memref<56x128xf32, #tpu.memory_space<vmem_shared>>
      %dma_start3A_2786 = arith.constant 0 : i32
      %dma_start3A_2787 = tpu.memref_slice %arg12[%add3A_2732, %dma_start3A_2786] : memref<10112x128xf32, #tpu.memory_space<vmem_shared>> -> memref<56x128xf32, #tpu.memory_space<vmem_shared>>
      tpu.enqueue_dma source(%arg9 : memref<56x128xf32, #tpu.memory_space<vmem>>) target(%dma_start3A_2787 : memref<56x128xf32, #tpu.memory_space<vmem_shared>>) target_semaphore(%run_scoped3A : memref<!tpu.dma_semaphore, #tpu.memory_space<semaphore_mem>>)
      %dma_wait3A = arith.constant 0 : i32
      %dma_wait3A_2788 = tpu.memref_slice %arg12[%add3A_2732, %dma_wait3A] : memref<10112x128xf32, #tpu.memory_space<vmem_shared>> -> memref<56x128xf32, #tpu.memory_space<vmem_shared>>
      %dma_wait3A_2789 = arith.constant 0 : i32
      %dma_wait3A_2790 = tpu.memref_slice %arg12[%add3A_2732, %dma_wait3A_2789] : memref<10112x128xf32, #tpu.memory_space<vmem_shared>> -> memref<56x128xf32, #tpu.memory_space<vmem_shared>>
      tpu.wait_dma2 semaphore(%run_scoped3A : memref<!tpu.dma_semaphore, #tpu.memory_space<semaphore_mem>>) src(%arg9 : memref<56x128xf32, #tpu.memory_space<vmem>>) dst(%dma_wait3A_2790 : memref<56x128xf32, #tpu.memory_space<vmem_shared>>)
      tpu.yield
    }) : () -> ()
    %mul3A_2733 = arith.constant 632 : i32
    %mul3A_2734 = arith.muli %arg1, %mul3A_2733 : i32
    %add3A_2735 = arith.constant 504 : i32
    %add3A_2736 = arith.addi %mul3A_2734, %add3A_2735 : i32
    "tpu.region"() ({
      %run_scoped3A = tpu.sem_alloc : memref<!tpu.dma_semaphore, #tpu.memory_space<semaphore_mem>>
      %dma_start3A_2784 = arith.constant 0 : i32
      %dma_start3A_2785 = tpu.memref_slice %arg12[%add3A_2736, %dma_start3A_2784] : memref<10112x128xf32, #tpu.memory_space<vmem_shared>> -> memref<56x128xf32, #tpu.memory_space<vmem_shared>>
      %dma_start3A_2786 = arith.constant 0 : i32
      %dma_start3A_2787 = tpu.memref_slice %arg12[%add3A_2736, %dma_start3A_2786] : memref<10112x128xf32, #tpu.memory_space<vmem_shared>> -> memref<56x128xf32, #tpu.memory_space<vmem_shared>>
      tpu.enqueue_dma source(%arg9 : memref<56x128xf32, #tpu.memory_space<vmem>>) target(%dma_start3A_2787 : memref<56x128xf32, #tpu.memory_space<vmem_shared>>) target_semaphore(%run_scoped3A : memref<!tpu.dma_semaphore, #tpu.memory_space<semaphore_mem>>)
      %dma_wait3A = arith.constant 0 : i32
      %dma_wait3A_2788 = tpu.memref_slice %arg12[%add3A_2736, %dma_wait3A] : memref<10112x128xf32, #tpu.memory_space<vmem_shared>> -> memref<56x128xf32, #tpu.memory_space<vmem_shared>>
      %dma_wait3A_2789 = arith.constant 0 : i32
      %dma_wait3A_2790 = tpu.memref_slice %arg12[%add3A_2736, %dma_wait3A_2789] : memref<10112x128xf32, #tpu.memory_space<vmem_shared>> -> memref<56x128xf32, #tpu.memory_space<vmem_shared>>
      tpu.wait_dma2 semaphore(%run_scoped3A : memref<!tpu.dma_semaphore, #tpu.memory_space<semaphore_mem>>) src(%arg9 : memref<56x128xf32, #tpu.memory_space<vmem>>) dst(%dma_wait3A_2790 : memref<56x128xf32, #tpu.memory_space<vmem_shared>>)
      tpu.yield
    }) : () -> ()
    %mul3A_2737 = arith.constant 632 : i32
    %mul3A_2738 = arith.muli %arg1, %mul3A_2737 : i32
    %add3A_2739 = arith.constant 560 : i32
    %add3A_2740 = arith.addi %mul3A_2738, %add3A_2739 : i32
    "tpu.region"() ({
      %run_scoped3A = tpu.sem_alloc : memref<!tpu.dma_semaphore, #tpu.memory_space<semaphore_mem>>
      %dma_start3A_2784 = arith.constant 0 : i32
      %dma_start3A_2785 = tpu.memref_slice %arg12[%add3A_2740, %dma_start3A_2784] : memref<10112x128xf32, #tpu.memory_space<vmem_shared>> -> memref<56x128xf32, #tpu.memory_space<vmem_shared>>
      %dma_start3A_2786 = arith.constant 0 : i32
      %dma_start3A_2787 = tpu.memref_slice %arg12[%add3A_2740, %dma_start3A_2786] : memref<10112x128xf32, #tpu.memory_space<vmem_shared>> -> memref<56x128xf32, #tpu.memory_space<vmem_shared>>
      tpu.enqueue_dma source(%arg9 : memref<56x128xf32, #tpu.memory_space<vmem>>) target(%dma_start3A_2787 : memref<56x128xf32, #tpu.memory_space<vmem_shared>>) target_semaphore(%run_scoped3A : memref<!tpu.dma_semaphore, #tpu.memory_space<semaphore_mem>>)
      %dma_wait3A = arith.constant 0 : i32
      %dma_wait3A_2788 = tpu.memref_slice %arg12[%add3A_2740, %dma_wait3A] : memref<10112x128xf32, #tpu.memory_space<vmem_shared>> -> memref<56x128xf32, #tpu.memory_space<vmem_shared>>
      %dma_wait3A_2789 = arith.constant 0 : i32
      %dma_wait3A_2790 = tpu.memref_slice %arg12[%add3A_2740, %dma_wait3A_2789] : memref<10112x128xf32, #tpu.memory_space<vmem_shared>> -> memref<56x128xf32, #tpu.memory_space<vmem_shared>>
      tpu.wait_dma2 semaphore(%run_scoped3A : memref<!tpu.dma_semaphore, #tpu.memory_space<semaphore_mem>>) src(%arg9 : memref<56x128xf32, #tpu.memory_space<vmem>>) dst(%dma_wait3A_2790 : memref<56x128xf32, #tpu.memory_space<vmem_shared>>)
      tpu.yield
    }) : () -> ()
    %mul3A_2741 = arith.constant 632 : i32
    %mul3A_2742 = arith.muli %arg1, %mul3A_2741 : i32
    %add3A_2743 = arith.constant 616 : i32
    %add3A_2744 = arith.addi %mul3A_2742, %add3A_2743 : i32
    "tpu.region"() ({
      %run_scoped3A = tpu.sem_alloc : memref<!tpu.dma_semaphore, #tpu.memory_space<semaphore_mem>>
      %dma_start3A_2784 = arith.constant 0 : i32
      %dma_start3A_2785 = arith.constant 0 : i32
      %dma_start3A_2786 = tpu.memref_slice %arg9[%dma_start3A_2784, %dma_start3A_2785] : memref<56x128xf32, #tpu.memory_space<vmem>> -> memref<16x128xf32, #tpu.memory_space<vmem>>
      %dma_start3A_2787 = arith.constant 0 : i32
      %dma_start3A_2788 = tpu.memref_slice %arg12[%add3A_2744, %dma_start3A_2787] : memref<10112x128xf32, #tpu.memory_space<vmem_shared>> -> memref<16x128xf32, #tpu.memory_space<vmem_shared>>
      %dma_start3A_2789 = arith.constant 0 : i32
      %dma_start3A_2790 = tpu.memref_slice %arg12[%add3A_2744, %dma_start3A_2789] : memref<10112x128xf32, #tpu.memory_space<vmem_shared>> -> memref<16x128xf32, #tpu.memory_space<vmem_shared>>
      %dma_start3A_2791 = arith.constant 0 : i32
      %dma_start3A_2792 = arith.constant 0 : i32
      %dma_start3A_2793 = tpu.memref_slice %arg9[%dma_start3A_2791, %dma_start3A_2792] : memref<56x128xf32, #tpu.memory_space<vmem>> -> memref<16x128xf32, #tpu.memory_space<vmem>>
      tpu.enqueue_dma source(%dma_start3A_2793 : memref<16x128xf32, #tpu.memory_space<vmem>>) target(%dma_start3A_2790 : memref<16x128xf32, #tpu.memory_space<vmem_shared>>) target_semaphore(%run_scoped3A : memref<!tpu.dma_semaphore, #tpu.memory_space<semaphore_mem>>)
      %dma_wait3A = arith.constant 0 : i32
      %dma_wait3A_2794 = arith.constant 0 : i32
      %dma_wait3A_2795 = tpu.memref_slice %arg9[%dma_wait3A, %dma_wait3A_2794] : memref<56x128xf32, #tpu.memory_space<vmem>> -> memref<16x128xf32, #tpu.memory_space<vmem>>
      %dma_wait3A_2796 = arith.constant 0 : i32
      %dma_wait3A_2797 = tpu.memref_slice %arg12[%add3A_2744, %dma_wait3A_2796] : memref<10112x128xf32, #tpu.memory_space<vmem_shared>> -> memref<16x128xf32, #tpu.memory_space<vmem_shared>>
      %dma_wait3A_2798 = arith.constant 0 : i32
      %dma_wait3A_2799 = tpu.memref_slice %arg12[%add3A_2744, %dma_wait3A_2798] : memref<10112x128xf32, #tpu.memory_space<vmem_shared>> -> memref<16x128xf32, #tpu.memory_space<vmem_shared>>
      %dma_wait3A_2800 = arith.constant 0 : i32
      %dma_wait3A_2801 = arith.constant 0 : i32
      %dma_wait3A_2802 = tpu.memref_slice %arg9[%dma_wait3A_2800, %dma_wait3A_2801] : memref<56x128xf32, #tpu.memory_space<vmem>> -> memref<16x128xf32, #tpu.memory_space<vmem>>
      tpu.wait_dma2 semaphore(%run_scoped3A : memref<!tpu.dma_semaphore, #tpu.memory_space<semaphore_mem>>) src(%dma_wait3A_2802 : memref<16x128xf32, #tpu.memory_space<vmem>>) dst(%dma_wait3A_2799 : memref<16x128xf32, #tpu.memory_space<vmem_shared>>)
      tpu.yield
    }) : () -> ()
    %barrier3A = arith.constant 0 : index
    tpu.barrier barrier_id(%barrier3A)
    %add3A_2745 = arith.constant 0 : i32
    %add3A_2746 = arith.addi %select_n3A, %add3A_2745 : i32
    %mul3A_2747 = arith.constant 56 : i32
    %mul3A_2748 = arith.muli %add3A_2746, %mul3A_2747 : i32
    %dma_start3A = arith.constant 0 : i32
    %dma_start3A_2749 = tpu.memref_slice %arg3[%mul3A_2748, %dma_start3A] : memref<322560x128xf32, #tpu.memory_space<hbm>> -> memref<56x128xf32, #tpu.memory_space<hbm>>
    %dma_start3A_2750 = arith.constant 0 : i32
    %dma_start3A_2751 = tpu.memref_slice %arg3[%mul3A_2748, %dma_start3A_2750] : memref<322560x128xf32, #tpu.memory_space<hbm>> -> memref<56x128xf32, #tpu.memory_space<hbm>>
    tpu.enqueue_dma source(%dma_start3A_2751 : memref<56x128xf32, #tpu.memory_space<hbm>>) target(%arg9 : memref<56x128xf32, #tpu.memory_space<vmem>>) target_semaphore(%arg13 : memref<!tpu.dma_semaphore, #tpu.memory_space<semaphore_mem>>)
    %add3A_2752 = arith.constant 1 : i32
    %add3A_2753 = arith.addi %select_n3A, %add3A_2752 : i32
    %mul3A_2754 = arith.constant 56 : i32
    %mul3A_2755 = arith.muli %add3A_2753, %mul3A_2754 : i32
    %dma_start3A_2756 = arith.constant 0 : i32
    %dma_start3A_2757 = tpu.memref_slice %arg3[%mul3A_2755, %dma_start3A_2756] : memref<322560x128xf32, #tpu.memory_space<hbm>> -> memref<56x128xf32, #tpu.memory_space<hbm>>
    %dma_start3A_2758 = arith.constant 0 : i32
    %dma_start3A_2759 = tpu.memref_slice %arg3[%mul3A_2755, %dma_start3A_2758] : memref<322560x128xf32, #tpu.memory_space<hbm>> -> memref<56x128xf32, #tpu.memory_space<hbm>>
    tpu.enqueue_dma source(%dma_start3A_2759 : memref<56x128xf32, #tpu.memory_space<hbm>>) target(%arg10 : memref<56x128xf32, #tpu.memory_space<vmem>>) target_semaphore(%arg14 : memref<!tpu.dma_semaphore, #tpu.memory_space<semaphore_mem>>)
    %add3A_2760 = arith.constant 2 : i32
    %add3A_2761 = arith.addi %select_n3A, %add3A_2760 : i32
    %mul3A_2762 = arith.constant 56 : i32
    %mul3A_2763 = arith.muli %add3A_2761, %mul3A_2762 : i32
    %dma_start3A_2764 = arith.constant 0 : i32
    %dma_start3A_2765 = tpu.memref_slice %arg3[%mul3A_2763, %dma_start3A_2764] : memref<322560x128xf32, #tpu.memory_space<hbm>> -> memref<56x128xf32, #tpu.memory_space<hbm>>
    %dma_start3A_2766 = arith.constant 0 : i32
    %dma_start3A_2767 = tpu.memref_slice %arg3[%mul3A_2763, %dma_start3A_2766] : memref<322560x128xf32, #tpu.memory_space<hbm>> -> memref<56x128xf32, #tpu.memory_space<hbm>>
    tpu.enqueue_dma source(%dma_start3A_2767 : memref<56x128xf32, #tpu.memory_space<hbm>>) target(%arg11 : memref<56x128xf32, #tpu.memory_space<vmem>>) target_semaphore(%arg15 : memref<!tpu.dma_semaphore, #tpu.memory_space<semaphore_mem>>)
    %while3A = arith.constant 0 : i32
    %while3A_2768 = arith.constant 0 : i32
    %while3A_2769 = arith.subi %select_n3A_8, %while3A : i32
    %while3A_2770 = arith.addi %while3A, %while3A_2769 : i32
    %while3A_2771 = arith.constant 1 : i32
    %while3A_2772 = arith.divsi %while3A_2769, %while3A_2771 : i32
    %while3A_2773 = arith.muli %while3A_2772, %while3A_2771 : i32
    %while3A_2774 = arith.addi %while3A, %while3A_2773 : i32
    %while3A_2775 = arith.constant 1 : i32
    %while3A_2776 = scf.for %while3A_2784 = %while3A to %while3A_2774 step %while3A_2775 iter_args(%while3A_2785 = %while3A_2768) -> (i32)  : i32 {
      %rem3A = arith.constant 8 : i32
      %rem3A_2786 = arith.remsi %while3A_2784, %rem3A : i32
      %eq3A_2787 = arith.constant 0 : i32
      %eq3A_2788 = arith.cmpi eq, %rem3A_2786, %eq3A_2787 : i32
      %convert_element_type3A = arith.extui %eq3A_2788 : i1 to i32
      %cond3A = arith.constant 0 : i32
      %cond3A_2789 = arith.cmpi ne, %convert_element_type3A, %cond3A : i32
      scf.if %cond3A_2789 {
        %div3A = arith.constant 8 : i32
        %div3A_2986 = arith.divsi %while3A_2784, %div3A : i32
        %mul3A_2987 = arith.constant 24 : i32
        %mul3A_2988 = arith.muli %div3A_2986, %mul3A_2987 : i32
        %add3A_2989 = arith.addi %select_n3A, %mul3A_2988 : i32
        "tpu.region"() ({
          %run_scoped3A = tpu.sem_alloc : memref<!tpu.dma_semaphore, #tpu.memory_space<semaphore_mem>>
          %dma_start3A_2993 = arith.constant 0 : i32
          %dma_start3A_2994 = tpu.memref_slice %arg5[%add3A_2989, %dma_start3A_2993] : memref<5760x56xi32, #tpu.memory_space<hbm>> -> memref<24x56xi32, #tpu.memory_space<hbm>>
          %dma_start3A_2995 = arith.constant 0 : i32
          %dma_start3A_2996 = tpu.memref_slice %arg5[%add3A_2989, %dma_start3A_2995] : memref<5760x56xi32, #tpu.memory_space<hbm>> -> memref<24x56xi32, #tpu.memory_space<hbm>>
          tpu.enqueue_dma source(%dma_start3A_2996 : memref<24x56xi32, #tpu.memory_space<hbm>>) target(%arg7 : memref<24x56xi32, #tpu.memory_space<vmem>>) target_semaphore(%run_scoped3A : memref<!tpu.dma_semaphore, #tpu.memory_space<semaphore_mem>>)
          %dma_wait3A_2997 = arith.constant 0 : i32
          %dma_wait3A_2998 = tpu.memref_slice %arg5[%add3A_2989, %dma_wait3A_2997] : memref<5760x56xi32, #tpu.memory_space<hbm>> -> memref<24x56xi32, #tpu.memory_space<hbm>>
          %dma_wait3A_2999 = arith.constant 0 : i32
          %dma_wait3A_3000 = tpu.memref_slice %arg5[%add3A_2989, %dma_wait3A_2999] : memref<5760x56xi32, #tpu.memory_space<hbm>> -> memref<24x56xi32, #tpu.memory_space<hbm>>
          tpu.wait_dma2 semaphore(%run_scoped3A : memref<!tpu.dma_semaphore, #tpu.memory_space<semaphore_mem>>) src(%dma_wait3A_3000 : memref<24x56xi32, #tpu.memory_space<hbm>>) dst(%arg7 : memref<24x56xi32, #tpu.memory_space<vmem>>)
          tpu.yield
        }) : () -> ()
        %mul3A_2990 = arith.constant 24 : i32
        %mul3A_2991 = arith.muli %div3A_2986, %mul3A_2990 : i32
        %add3A_2992 = arith.addi %select_n3A, %mul3A_2991 : i32
        "tpu.region"() ({
          %run_scoped3A = tpu.sem_alloc : memref<!tpu.dma_semaphore, #tpu.memory_space<semaphore_mem>>
          %dma_start3A_2993 = arith.constant 0 : i32
          %dma_start3A_2994 = tpu.memref_slice %arg4[%add3A_2992, %dma_start3A_2993] : memref<5760x56xi32, #tpu.memory_space<hbm>> -> memref<24x56xi32, #tpu.memory_space<hbm>>
          %dma_start3A_2995 = arith.constant 0 : i32
          %dma_start3A_2996 = tpu.memref_slice %arg4[%add3A_2992, %dma_start3A_2995] : memref<5760x56xi32, #tpu.memory_space<hbm>> -> memref<24x56xi32, #tpu.memory_space<hbm>>
          tpu.enqueue_dma source(%dma_start3A_2996 : memref<24x56xi32, #tpu.memory_space<hbm>>) target(%arg8 : memref<24x56xi32, #tpu.memory_space<vmem>>) target_semaphore(%run_scoped3A : memref<!tpu.dma_semaphore, #tpu.memory_space<semaphore_mem>>)
          %dma_wait3A_2997 = arith.constant 0 : i32
          %dma_wait3A_2998 = tpu.memref_slice %arg4[%add3A_2992, %dma_wait3A_2997] : memref<5760x56xi32, #tpu.memory_space<hbm>> -> memref<24x56xi32, #tpu.memory_space<hbm>>
          %dma_wait3A_2999 = arith.constant 0 : i32
          %dma_wait3A_3000 = tpu.memref_slice %arg4[%add3A_2992, %dma_wait3A_2999] : memref<5760x56xi32, #tpu.memory_space<hbm>> -> memref<24x56xi32, #tpu.memory_space<hbm>>
          tpu.wait_dma2 semaphore(%run_scoped3A : memref<!tpu.dma_semaphore, #tpu.memory_space<semaphore_mem>>) src(%dma_wait3A_3000 : memref<24x56xi32, #tpu.memory_space<hbm>>) dst(%arg8 : memref<24x56xi32, #tpu.memory_space<vmem>>)
          tpu.yield
        }) : () -> ()
      } else {
      }
      %rem3A_2790 = arith.constant 8 : i32
      %rem3A_2791 = arith.remsi %while3A_2784, %rem3A_2790 : i32
      %mul3A_2792 = arith.constant 3 : i32
      %mul3A_2793 = arith.muli %rem3A_2791, %mul3A_2792 : i32
      %add3A_2794 = arith.constant 0 : i32
      %add3A_2795 = arith.addi %mul3A_2793, %add3A_2794 : i32
      %mul3A_2796 = arith.constant 3 : i32
      %mul3A_2797 = arith.muli %while3A_2784, %mul3A_2796 : i32
      %add3A_2798 = arith.addi %select_n3A, %mul3A_2797 : i32
      %add3A_2799 = arith.constant 0 : i32
      %add3A_2800 = arith.addi %add3A_2798, %add3A_2799 : i32
      %mul3A_2801 = arith.constant 56 : i32
      %mul3A_2802 = arith.muli %add3A_2800, %mul3A_2801 : i32
      %dma_wait3A = arith.constant 0 : i32
      %dma_wait3A_2803 = tpu.memref_slice %arg3[%mul3A_2802, %dma_wait3A] : memref<322560x128xf32, #tpu.memory_space<hbm>> -> memref<56x128xf32, #tpu.memory_space<hbm>>
      %dma_wait3A_2804 = arith.constant 0 : i32
      %dma_wait3A_2805 = tpu.memref_slice %arg3[%mul3A_2802, %dma_wait3A_2804] : memref<322560x128xf32, #tpu.memory_space<hbm>> -> memref<56x128xf32, #tpu.memory_space<hbm>>
      tpu.wait_dma2 semaphore(%arg13 : memref<!tpu.dma_semaphore, #tpu.memory_space<semaphore_mem>>) src(%dma_wait3A_2805 : memref<56x128xf32, #tpu.memory_space<hbm>>) dst(%arg9 : memref<56x128xf32, #tpu.memory_space<vmem>>)
      %dma_start3A_2806 = arith.constant 0 : i32
      %dma_start3A_2807 = tpu.memref_slice %arg7[%add3A_2795, %dma_start3A_2806] : memref<24x56xi32, #tpu.memory_space<vmem>> -> memref<1x56xi32, #tpu.memory_space<vmem>>
      %dma_start3A_2808 = tpu.memref_squeeze %dma_start3A_2807 : memref<1x56xi32, #tpu.memory_space<vmem>> -> memref<56xi32, #tpu.memory_space<vmem>>
      %dma_start3A_2809 = arith.constant 0 : i32
      %dma_start3A_2810 = arith.constant 0 : i32
      %dma_start3A_2811 = tpu.memref_slice %arg2[%dma_start3A_2809, %dma_start3A_2810] : memref<10000x128xf32, #tpu.memory_space<hbm>> -> memref<10000x128xf32, #tpu.memory_space<hbm>>
      tpu.enqueue_indirect_dma source(%dma_start3A_2811 : memref<10000x128xf32, #tpu.memory_space<hbm>>) target(%arg9 : memref<56x128xf32, #tpu.memory_space<vmem>>) offsets(%dma_start3A_2808 : memref<56xi32, #tpu.memory_space<vmem>>) semaphore(%arg16 : memref<!tpu.dma_semaphore, #tpu.memory_space<semaphore_mem>>) {add = true}
      %rem3A_2812 = arith.constant 8 : i32
      %rem3A_2813 = arith.remsi %while3A_2784, %rem3A_2812 : i32
      %mul3A_2814 = arith.constant 3 : i32
      %mul3A_2815 = arith.muli %rem3A_2813, %mul3A_2814 : i32
      %add3A_2816 = arith.constant 1 : i32
      %add3A_2817 = arith.addi %mul3A_2815, %add3A_2816 : i32
      %mul3A_2818 = arith.constant 3 : i32
      %mul3A_2819 = arith.muli %while3A_2784, %mul3A_2818 : i32
      %add3A_2820 = arith.addi %select_n3A, %mul3A_2819 : i32
      %add3A_2821 = arith.constant 1 : i32
      %add3A_2822 = arith.addi %add3A_2820, %add3A_2821 : i32
      %mul3A_2823 = arith.constant 56 : i32
      %mul3A_2824 = arith.muli %add3A_2822, %mul3A_2823 : i32
      %dma_wait3A_2825 = arith.constant 0 : i32
      %dma_wait3A_2826 = tpu.memref_slice %arg3[%mul3A_2824, %dma_wait3A_2825] : memref<322560x128xf32, #tpu.memory_space<hbm>> -> memref<56x128xf32, #tpu.memory_space<hbm>>
      %dma_wait3A_2827 = arith.constant 0 : i32
      %dma_wait3A_2828 = tpu.memref_slice %arg3[%mul3A_2824, %dma_wait3A_2827] : memref<322560x128xf32, #tpu.memory_space<hbm>> -> memref<56x128xf32, #tpu.memory_space<hbm>>
      tpu.wait_dma2 semaphore(%arg14 : memref<!tpu.dma_semaphore, #tpu.memory_space<semaphore_mem>>) src(%dma_wait3A_2828 : memref<56x128xf32, #tpu.memory_space<hbm>>) dst(%arg10 : memref<56x128xf32, #tpu.memory_space<vmem>>)
      %dma_start3A_2829 = arith.constant 0 : i32
      %dma_start3A_2830 = tpu.memref_slice %arg7[%add3A_2817, %dma_start3A_2829] : memref<24x56xi32, #tpu.memory_space<vmem>> -> memref<1x56xi32, #tpu.memory_space<vmem>>
      %dma_start3A_2831 = tpu.memref_squeeze %dma_start3A_2830 : memref<1x56xi32, #tpu.memory_space<vmem>> -> memref<56xi32, #tpu.memory_space<vmem>>
      %dma_start3A_2832 = arith.constant 0 : i32
      %dma_start3A_2833 = arith.constant 0 : i32
      %dma_start3A_2834 = tpu.memref_slice %arg2[%dma_start3A_2832, %dma_start3A_2833] : memref<10000x128xf32, #tpu.memory_space<hbm>> -> memref<10000x128xf32, #tpu.memory_space<hbm>>
      tpu.enqueue_indirect_dma source(%dma_start3A_2834 : memref<10000x128xf32, #tpu.memory_space<hbm>>) target(%arg10 : memref<56x128xf32, #tpu.memory_space<vmem>>) offsets(%dma_start3A_2831 : memref<56xi32, #tpu.memory_space<vmem>>) semaphore(%arg17 : memref<!tpu.dma_semaphore, #tpu.memory_space<semaphore_mem>>) {add = true}
      %rem3A_2835 = arith.constant 8 : i32
      %rem3A_2836 = arith.remsi %while3A_2784, %rem3A_2835 : i32
      %mul3A_2837 = arith.constant 3 : i32
      %mul3A_2838 = arith.muli %rem3A_2836, %mul3A_2837 : i32
      %add3A_2839 = arith.constant 2 : i32
      %add3A_2840 = arith.addi %mul3A_2838, %add3A_2839 : i32
      %mul3A_2841 = arith.constant 3 : i32
      %mul3A_2842 = arith.muli %while3A_2784, %mul3A_2841 : i32
      %add3A_2843 = arith.addi %select_n3A, %mul3A_2842 : i32
      %add3A_2844 = arith.constant 2 : i32
      %add3A_2845 = arith.addi %add3A_2843, %add3A_2844 : i32
      %mul3A_2846 = arith.constant 56 : i32
      %mul3A_2847 = arith.muli %add3A_2845, %mul3A_2846 : i32
      %dma_wait3A_2848 = arith.constant 0 : i32
      %dma_wait3A_2849 = tpu.memref_slice %arg3[%mul3A_2847, %dma_wait3A_2848] : memref<322560x128xf32, #tpu.memory_space<hbm>> -> memref<56x128xf32, #tpu.memory_space<hbm>>
      %dma_wait3A_2850 = arith.constant 0 : i32
      %dma_wait3A_2851 = tpu.memref_slice %arg3[%mul3A_2847, %dma_wait3A_2850] : memref<322560x128xf32, #tpu.memory_space<hbm>> -> memref<56x128xf32, #tpu.memory_space<hbm>>
      tpu.wait_dma2 semaphore(%arg15 : memref<!tpu.dma_semaphore, #tpu.memory_space<semaphore_mem>>) src(%dma_wait3A_2851 : memref<56x128xf32, #tpu.memory_space<hbm>>) dst(%arg11 : memref<56x128xf32, #tpu.memory_space<vmem>>)
      %dma_start3A_2852 = arith.constant 0 : i32
      %dma_start3A_2853 = tpu.memref_slice %arg7[%add3A_2840, %dma_start3A_2852] : memref<24x56xi32, #tpu.memory_space<vmem>> -> memref<1x56xi32, #tpu.memory_space<vmem>>
      %dma_start3A_2854 = tpu.memref_squeeze %dma_start3A_2853 : memref<1x56xi32, #tpu.memory_space<vmem>> -> memref<56xi32, #tpu.memory_space<vmem>>
      %dma_start3A_2855 = arith.constant 0 : i32
      %dma_start3A_2856 = arith.constant 0 : i32
      %dma_start3A_2857 = tpu.memref_slice %arg2[%dma_start3A_2855, %dma_start3A_2856] : memref<10000x128xf32, #tpu.memory_space<hbm>> -> memref<10000x128xf32, #tpu.memory_space<hbm>>
      tpu.enqueue_indirect_dma source(%dma_start3A_2857 : memref<10000x128xf32, #tpu.memory_space<hbm>>) target(%arg11 : memref<56x128xf32, #tpu.memory_space<vmem>>) offsets(%dma_start3A_2854 : memref<56xi32, #tpu.memory_space<vmem>>) semaphore(%arg18 : memref<!tpu.dma_semaphore, #tpu.memory_space<semaphore_mem>>) {add = true}
      %rem3A_2858 = arith.constant 8 : i32
      %rem3A_2859 = arith.remsi %while3A_2784, %rem3A_2858 : i32
      %mul3A_2860 = arith.constant 3 : i32
      %mul3A_2861 = arith.muli %rem3A_2859, %mul3A_2860 : i32
      %add3A_2862 = arith.constant 0 : i32
      %add3A_2863 = arith.addi %mul3A_2861, %add3A_2862 : i32
      %dma_wait3A_2864 = arith.constant 0 : i32
      %dma_wait3A_2865 = tpu.memref_slice %arg7[%add3A_2863, %dma_wait3A_2864] : memref<24x56xi32, #tpu.memory_space<vmem>> -> memref<1x56xi32, #tpu.memory_space<vmem>>
      %dma_wait3A_2866 = tpu.memref_squeeze %dma_wait3A_2865 : memref<1x56xi32, #tpu.memory_space<vmem>> -> memref<56xi32, #tpu.memory_space<vmem>>
      %dma_wait3A_2867 = arith.constant 0 : i32
      %dma_wait3A_2868 = arith.constant 0 : i32
      %dma_wait3A_2869 = tpu.memref_slice %arg2[%dma_wait3A_2867, %dma_wait3A_2868] : memref<10000x128xf32, #tpu.memory_space<hbm>> -> memref<10000x128xf32, #tpu.memory_space<hbm>>
      tpu.wait_indirect_dma semaphore(%arg16 : memref<!tpu.dma_semaphore, #tpu.memory_space<semaphore_mem>>) src(%dma_wait3A_2869 : memref<10000x128xf32, #tpu.memory_space<hbm>>) dst(%arg9 : memref<56x128xf32, #tpu.memory_space<vmem>>)
      %scan3A = arith.constant 0 : i32
      %scan3A_2870 = arith.constant 0 : i32
      %scan3A_2871 = arith.constant 56 : i32
      %scan3A_2872 = arith.addi %scan3A_2870, %scan3A_2871 : i32
      %scan3A_2873 = arith.constant 1 : i32
      %scan3A_2874 = scf.for %scan3A_2986 = %scan3A_2870 to %scan3A_2872 step %scan3A_2873 iter_args(%scan3A_2987 = %scan3A) -> (i32)  : i32 {
        %get3A = arith.index_cast %scan3A_2986 : i32 to index
        %get3A_2988 = arith.constant 0 : index
        %get3A_2989 = tpu.vector_load %arg9[%get3A, %get3A_2988] {strides = array<i32>} : memref<56x128xf32, #tpu.memory_space<vmem>>, vector<1x16xf32>,
        %get3A_2990 = vector.shape_cast %get3A_2989 : vector<1x16xf32> to vector<16xf32>
        %max3A = arith.constant 0.000000e+00 : f32
        %max3A_2991 = vector.broadcast %max3A : f32 to vector<16xf32>
        %max3A_2992 = arith.maximumf %get3A_2990, %max3A_2991 : vector<16xf32>
        %swap3A_2993 = arith.index_cast %scan3A_2986 : i32 to index
        %swap3A_2994 = arith.constant 0 : index
        %swap3A_2995 = tpu.vector_load %arg9[%swap3A_2993, %swap3A_2994] {strides = array<i32>} : memref<56x128xf32, #tpu.memory_space<vmem>>, vector<1x16xf32>,
        %swap3A_2996 = vector.shape_cast %swap3A_2995 : vector<1x16xf32> to vector<16xf32>
        %swap3A_2997 = vector.shape_cast %max3A_2992 : vector<16xf32> to vector<1x16xf32>
        tpu.vector_store %arg9[%swap3A_2993, %swap3A_2994], %swap3A_2997 {strides = array<i32>} : memref<56x128xf32, #tpu.memory_space<vmem>>, vector<1x16xf32>,
        %get3A_2998 = arith.index_cast %scan3A_2986 : i32 to index
        %get3A_2999 = arith.constant 16 : index
        %get3A_3000 = tpu.vector_load %arg9[%get3A_2998, %get3A_2999] {strides = array<i32>} : memref<56x128xf32, #tpu.memory_space<vmem>>, vector<1x16xf32>,
        %get3A_3001 = vector.shape_cast %get3A_3000 : vector<1x16xf32> to vector<16xf32>
        %max3A_3002 = arith.constant 0.000000e+00 : f32
        %max3A_3003 = vector.broadcast %max3A_3002 : f32 to vector<16xf32>
        %max3A_3004 = arith.maximumf %get3A_3001, %max3A_3003 : vector<16xf32>
        %swap3A_3005 = arith.index_cast %scan3A_2986 : i32 to index
        %swap3A_3006 = arith.constant 16 : index
        %swap3A_3007 = tpu.vector_load %arg9[%swap3A_3005, %swap3A_3006] {strides = array<i32>} : memref<56x128xf32, #tpu.memory_space<vmem>>, vector<1x16xf32>,
        %swap3A_3008 = vector.shape_cast %swap3A_3007 : vector<1x16xf32> to vector<16xf32>
        %swap3A_3009 = vector.shape_cast %max3A_3004 : vector<16xf32> to vector<1x16xf32>
        tpu.vector_store %arg9[%swap3A_3005, %swap3A_3006], %swap3A_3009 {strides = array<i32>} : memref<56x128xf32, #tpu.memory_space<vmem>>, vector<1x16xf32>,
        %get3A_3010 = arith.index_cast %scan3A_2986 : i32 to index
        %get3A_3011 = arith.constant 32 : index
        %get3A_3012 = tpu.vector_load %arg9[%get3A_3010, %get3A_3011] {strides = array<i32>} : memref<56x128xf32, #tpu.memory_space<vmem>>, vector<1x16xf32>,
        %get3A_3013 = vector.shape_cast %get3A_3012 : vector<1x16xf32> to vector<16xf32>
        %max3A_3014 = arith.constant 0.000000e+00 : f32
        %max3A_3015 = vector.broadcast %max3A_3014 : f32 to vector<16xf32>
        %max3A_3016 = arith.maximumf %get3A_3013, %max3A_3015 : vector<16xf32>
        %swap3A_3017 = arith.index_cast %scan3A_2986 : i32 to index
        %swap3A_3018 = arith.constant 32 : index
        %swap3A_3019 = tpu.vector_load %arg9[%swap3A_3017, %swap3A_3018] {strides = array<i32>} : memref<56x128xf32, #tpu.memory_space<vmem>>, vector<1x16xf32>,
        %swap3A_3020 = vector.shape_cast %swap3A_3019 : vector<1x16xf32> to vector<16xf32>
        %swap3A_3021 = vector.shape_cast %max3A_3016 : vector<16xf32> to vector<1x16xf32>
        tpu.vector_store %arg9[%swap3A_3017, %swap3A_3018], %swap3A_3021 {strides = array<i32>} : memref<56x128xf32, #tpu.memory_space<vmem>>, vector<1x16xf32>,
        %get3A_3022 = arith.index_cast %scan3A_2986 : i32 to index
        %get3A_3023 = arith.constant 48 : index
        %get3A_3024 = tpu.vector_load %arg9[%get3A_3022, %get3A_3023] {strides = array<i32>} : memref<56x128xf32, #tpu.memory_space<vmem>>, vector<1x16xf32>,
        %get3A_3025 = vector.shape_cast %get3A_3024 : vector<1x16xf32> to vector<16xf32>
        %max3A_3026 = arith.constant 0.000000e+00 : f32
        %max3A_3027 = vector.broadcast %max3A_3026 : f32 to vector<16xf32>
        %max3A_3028 = arith.maximumf %get3A_3025, %max3A_3027 : vector<16xf32>
        %swap3A_3029 = arith.index_cast %scan3A_2986 : i32 to index
        %swap3A_3030 = arith.constant 48 : index
        %swap3A_3031 = tpu.vector_load %arg9[%swap3A_3029, %swap3A_3030] {strides = array<i32>} : memref<56x128xf32, #tpu.memory_space<vmem>>, vector<1x16xf32>,
        %swap3A_3032 = vector.shape_cast %swap3A_3031 : vector<1x16xf32> to vector<16xf32>
        %swap3A_3033 = vector.shape_cast %max3A_3028 : vector<16xf32> to vector<1x16xf32>
        tpu.vector_store %arg9[%swap3A_3029, %swap3A_3030], %swap3A_3033 {strides = array<i32>} : memref<56x128xf32, #tpu.memory_space<vmem>>, vector<1x16xf32>,
        %get3A_3034 = arith.index_cast %scan3A_2986 : i32 to index
        %get3A_3035 = arith.constant 64 : index
        %get3A_3036 = tpu.vector_load %arg9[%get3A_3034, %get3A_3035] {strides = array<i32>} : memref<56x128xf32, #tpu.memory_space<vmem>>, vector<1x16xf32>,
        %get3A_3037 = vector.shape_cast %get3A_3036 : vector<1x16xf32> to vector<16xf32>
        %max3A_3038 = arith.constant 0.000000e+00 : f32
        %max3A_3039 = vector.broadcast %max3A_3038 : f32 to vector<16xf32>
        %max3A_3040 = arith.maximumf %get3A_3037, %max3A_3039 : vector<16xf32>
        %swap3A_3041 = arith.index_cast %scan3A_2986 : i32 to index
        %swap3A_3042 = arith.constant 64 : index
        %swap3A_3043 = tpu.vector_load %arg9[%swap3A_3041, %swap3A_3042] {strides = array<i32>} : memref<56x128xf32, #tpu.memory_space<vmem>>, vector<1x16xf32>,
        %swap3A_3044 = vector.shape_cast %swap3A_3043 : vector<1x16xf32> to vector<16xf32>
        %swap3A_3045 = vector.shape_cast %max3A_3040 : vector<16xf32> to vector<1x16xf32>
        tpu.vector_store %arg9[%swap3A_3041, %swap3A_3042], %swap3A_3045 {strides = array<i32>} : memref<56x128xf32, #tpu.memory_space<vmem>>, vector<1x16xf32>,
        %get3A_3046 = arith.index_cast %scan3A_2986 : i32 to index
        %get3A_3047 = arith.constant 80 : index
        %get3A_3048 = tpu.vector_load %arg9[%get3A_3046, %get3A_3047] {strides = array<i32>} : memref<56x128xf32, #tpu.memory_space<vmem>>, vector<1x16xf32>,
        %get3A_3049 = vector.shape_cast %get3A_3048 : vector<1x16xf32> to vector<16xf32>
        %max3A_3050 = arith.constant 0.000000e+00 : f32
        %max3A_3051 = vector.broadcast %max3A_3050 : f32 to vector<16xf32>
        %max3A_3052 = arith.maximumf %get3A_3049, %max3A_3051 : vector<16xf32>
        %swap3A_3053 = arith.index_cast %scan3A_2986 : i32 to index
        %swap3A_3054 = arith.constant 80 : index
        %swap3A_3055 = tpu.vector_load %arg9[%swap3A_3053, %swap3A_3054] {strides = array<i32>} : memref<56x128xf32, #tpu.memory_space<vmem>>, vector<1x16xf32>,
        %swap3A_3056 = vector.shape_cast %swap3A_3055 : vector<1x16xf32> to vector<16xf32>
        %swap3A_3057 = vector.shape_cast %max3A_3052 : vector<16xf32> to vector<1x16xf32>
        tpu.vector_store %arg9[%swap3A_3053, %swap3A_3054], %swap3A_3057 {strides = array<i32>} : memref<56x128xf32, #tpu.memory_space<vmem>>, vector<1x16xf32>,
        %get3A_3058 = arith.index_cast %scan3A_2986 : i32 to index
        %get3A_3059 = arith.constant 96 : index
        %get3A_3060 = tpu.vector_load %arg9[%get3A_3058, %get3A_3059] {strides = array<i32>} : memref<56x128xf32, #tpu.memory_space<vmem>>, vector<1x16xf32>,
        %get3A_3061 = vector.shape_cast %get3A_3060 : vector<1x16xf32> to vector<16xf32>
        %max3A_3062 = arith.constant 0.000000e+00 : f32
        %max3A_3063 = vector.broadcast %max3A_3062 : f32 to vector<16xf32>
        %max3A_3064 = arith.maximumf %get3A_3061, %max3A_3063 : vector<16xf32>
        %swap3A_3065 = arith.index_cast %scan3A_2986 : i32 to index
        %swap3A_3066 = arith.constant 96 : index
        %swap3A_3067 = tpu.vector_load %arg9[%swap3A_3065, %swap3A_3066] {strides = array<i32>} : memref<56x128xf32, #tpu.memory_space<vmem>>, vector<1x16xf32>,
        %swap3A_3068 = vector.shape_cast %swap3A_3067 : vector<1x16xf32> to vector<16xf32>
        %swap3A_3069 = vector.shape_cast %max3A_3064 : vector<16xf32> to vector<1x16xf32>
        tpu.vector_store %arg9[%swap3A_3065, %swap3A_3066], %swap3A_3069 {strides = array<i32>} : memref<56x128xf32, #tpu.memory_space<vmem>>, vector<1x16xf32>,
        %get3A_3070 = arith.index_cast %scan3A_2986 : i32 to index
        %get3A_3071 = arith.constant 112 : index
        %get3A_3072 = tpu.vector_load %arg9[%get3A_3070, %get3A_3071] {strides = array<i32>} : memref<56x128xf32, #tpu.memory_space<vmem>>, vector<1x16xf32>,
        %get3A_3073 = vector.shape_cast %get3A_3072 : vector<1x16xf32> to vector<16xf32>
        %max3A_3074 = arith.constant 0.000000e+00 : f32
        %max3A_3075 = vector.broadcast %max3A_3074 : f32 to vector<16xf32>
        %max3A_3076 = arith.maximumf %get3A_3073, %max3A_3075 : vector<16xf32>
        %swap3A_3077 = arith.index_cast %scan3A_2986 : i32 to index
        %swap3A_3078 = arith.constant 112 : index
        %swap3A_3079 = tpu.vector_load %arg9[%swap3A_3077, %swap3A_3078] {strides = array<i32>} : memref<56x128xf32, #tpu.memory_space<vmem>>, vector<1x16xf32>,
        %swap3A_3080 = vector.shape_cast %swap3A_3079 : vector<1x16xf32> to vector<16xf32>
        %swap3A_3081 = vector.shape_cast %max3A_3076 : vector<16xf32> to vector<1x16xf32>
        tpu.vector_store %arg9[%swap3A_3077, %swap3A_3078], %swap3A_3081 {strides = array<i32>} : memref<56x128xf32, #tpu.memory_space<vmem>>, vector<1x16xf32>,
        %scan3A_3082 = arith.constant 0 : i32
        scf.yield %scan3A_3082 : i32
      }
      %scan3A_2875 = arith.constant 56 : i32
      %dma_start3A_2876 = arith.constant 0 : i32
      %dma_start3A_2877 = tpu.memref_slice %arg8[%add3A_2863, %dma_start3A_2876] : memref<24x56xi32, #tpu.memory_space<vmem>> -> memref<1x56xi32, #tpu.memory_space<vmem>>
      %dma_start3A_2878 = tpu.memref_squeeze %dma_start3A_2877 : memref<1x56xi32, #tpu.memory_space<vmem>> -> memref<56xi32, #tpu.memory_space<vmem>>
      %dma_start3A_2879 = arith.constant 0 : i32
      %dma_start3A_2880 = arith.constant 0 : i32
      %dma_start3A_2881 = tpu.memref_slice %arg12[%dma_start3A_2879, %dma_start3A_2880] : memref<10112x128xf32, #tpu.memory_space<vmem_shared>> -> memref<10112x128xf32, #tpu.memory_space<vmem_shared>>
      tpu.enqueue_indirect_dma source(%arg9 : memref<56x128xf32, #tpu.memory_space<vmem>>) target(%dma_start3A_2881 : memref<10112x128xf32, #tpu.memory_space<vmem_shared>>) offsets(%dma_start3A_2878 : memref<56xi32, #tpu.memory_space<vmem>>) semaphore(%arg19 : memref<!tpu.dma_semaphore, #tpu.memory_space<semaphore_mem>>) {add = true}
      %rem3A_2882 = arith.constant 8 : i32
      %rem3A_2883 = arith.remsi %while3A_2784, %rem3A_2882 : i32
      %mul3A_2884 = arith.constant 3 : i32
      %mul3A_2885 = arith.muli %rem3A_2883, %mul3A_2884 : i32
      %add3A_2886 = arith.constant 1 : i32
      %add3A_2887 = arith.addi %mul3A_2885, %add3A_2886 : i32
      %dma_wait3A_2888 = arith.constant 0 : i32
      %dma_wait3A_2889 = tpu.memref_slice %arg7[%add3A_2887, %dma_wait3A_2888] : memref<24x56xi32, #tpu.memory_space<vmem>> -> memref<1x56xi32, #tpu.memory_space<vmem>>
      %dma_wait3A_2890 = tpu.memref_squeeze %dma_wait3A_2889 : memref<1x56xi32, #tpu.memory_space<vmem>> -> memref<56xi32, #tpu.memory_space<vmem>>
      %dma_wait3A_2891 = arith.constant 0 : i32
      %dma_wait3A_2892 = arith.constant 0 : i32
      %dma_wait3A_2893 = tpu.memref_slice %arg2[%dma_wait3A_2891, %dma_wait3A_2892] : memref<10000x128xf32, #tpu.memory_space<hbm>> -> memref<10000x128xf32, #tpu.memory_space<hbm>>
      tpu.wait_indirect_dma semaphore(%arg17 : memref<!tpu.dma_semaphore, #tpu.memory_space<semaphore_mem>>) src(%dma_wait3A_2893 : memref<10000x128xf32, #tpu.memory_space<hbm>>) dst(%arg10 : memref<56x128xf32, #tpu.memory_space<vmem>>)
      %scan3A_2894 = arith.constant 0 : i32
      %scan3A_2895 = arith.constant 0 : i32
      %scan3A_2896 = arith.constant 56 : i32
      %scan3A_2897 = arith.addi %scan3A_2895, %scan3A_2896 : i32
      %scan3A_2898 = arith.constant 1 : i32
      %scan3A_2899 = scf.for %scan3A_2986 = %scan3A_2895 to %scan3A_2897 step %scan3A_2898 iter_args(%scan3A_2987 = %scan3A_2894) -> (i32)  : i32 {
        %get3A = arith.index_cast %scan3A_2986 : i32 to index
        %get3A_2988 = arith.constant 0 : index
        %get3A_2989 = tpu.vector_load %arg10[%get3A, %get3A_2988] {strides = array<i32>} : memref<56x128xf32, #tpu.memory_space<vmem>>, vector<1x16xf32>,
        %get3A_2990 = vector.shape_cast %get3A_2989 : vector<1x16xf32> to vector<16xf32>
        %max3A = arith.constant 0.000000e+00 : f32
        %max3A_2991 = vector.broadcast %max3A : f32 to vector<16xf32>
        %max3A_2992 = arith.maximumf %get3A_2990, %max3A_2991 : vector<16xf32>
        %swap3A_2993 = arith.index_cast %scan3A_2986 : i32 to index
        %swap3A_2994 = arith.constant 0 : index
        %swap3A_2995 = tpu.vector_load %arg10[%swap3A_2993, %swap3A_2994] {strides = array<i32>} : memref<56x128xf32, #tpu.memory_space<vmem>>, vector<1x16xf32>,
        %swap3A_2996 = vector.shape_cast %swap3A_2995 : vector<1x16xf32> to vector<16xf32>
        %swap3A_2997 = vector.shape_cast %max3A_2992 : vector<16xf32> to vector<1x16xf32>
        tpu.vector_store %arg10[%swap3A_2993, %swap3A_2994], %swap3A_2997 {strides = array<i32>} : memref<56x128xf32, #tpu.memory_space<vmem>>, vector<1x16xf32>,
        %get3A_2998 = arith.index_cast %scan3A_2986 : i32 to index
        %get3A_2999 = arith.constant 16 : index
        %get3A_3000 = tpu.vector_load %arg10[%get3A_2998, %get3A_2999] {strides = array<i32>} : memref<56x128xf32, #tpu.memory_space<vmem>>, vector<1x16xf32>,
        %get3A_3001 = vector.shape_cast %get3A_3000 : vector<1x16xf32> to vector<16xf32>
        %max3A_3002 = arith.constant 0.000000e+00 : f32
        %max3A_3003 = vector.broadcast %max3A_3002 : f32 to vector<16xf32>
        %max3A_3004 = arith.maximumf %get3A_3001, %max3A_3003 : vector<16xf32>
        %swap3A_3005 = arith.index_cast %scan3A_2986 : i32 to index
        %swap3A_3006 = arith.constant 16 : index
        %swap3A_3007 = tpu.vector_load %arg10[%swap3A_3005, %swap3A_3006] {strides = array<i32>} : memref<56x128xf32, #tpu.memory_space<vmem>>, vector<1x16xf32>,
        %swap3A_3008 = vector.shape_cast %swap3A_3007 : vector<1x16xf32> to vector<16xf32>
        %swap3A_3009 = vector.shape_cast %max3A_3004 : vector<16xf32> to vector<1x16xf32>
        tpu.vector_store %arg10[%swap3A_3005, %swap3A_3006], %swap3A_3009 {strides = array<i32>} : memref<56x128xf32, #tpu.memory_space<vmem>>, vector<1x16xf32>,
        %get3A_3010 = arith.index_cast %scan3A_2986 : i32 to index
        %get3A_3011 = arith.constant 32 : index
        %get3A_3012 = tpu.vector_load %arg10[%get3A_3010, %get3A_3011] {strides = array<i32>} : memref<56x128xf32, #tpu.memory_space<vmem>>, vector<1x16xf32>,
        %get3A_3013 = vector.shape_cast %get3A_3012 : vector<1x16xf32> to vector<16xf32>
        %max3A_3014 = arith.constant 0.000000e+00 : f32
        %max3A_3015 = vector.broadcast %max3A_3014 : f32 to vector<16xf32>
        %max3A_3016 = arith.maximumf %get3A_3013, %max3A_3015 : vector<16xf32>
        %swap3A_3017 = arith.index_cast %scan3A_2986 : i32 to index
        %swap3A_3018 = arith.constant 32 : index
        %swap3A_3019 = tpu.vector_load %arg10[%swap3A_3017, %swap3A_3018] {strides = array<i32>} : memref<56x128xf32, #tpu.memory_space<vmem>>, vector<1x16xf32>,
        %swap3A_3020 = vector.shape_cast %swap3A_3019 : vector<1x16xf32> to vector<16xf32>
        %swap3A_3021 = vector.shape_cast %max3A_3016 : vector<16xf32> to vector<1x16xf32>
        tpu.vector_store %arg10[%swap3A_3017, %swap3A_3018], %swap3A_3021 {strides = array<i32>} : memref<56x128xf32, #tpu.memory_space<vmem>>, vector<1x16xf32>,
        %get3A_3022 = arith.index_cast %scan3A_2986 : i32 to index
        %get3A_3023 = arith.constant 48 : index
        %get3A_3024 = tpu.vector_load %arg10[%get3A_3022, %get3A_3023] {strides = array<i32>} : memref<56x128xf32, #tpu.memory_space<vmem>>, vector<1x16xf32>,
        %get3A_3025 = vector.shape_cast %get3A_3024 : vector<1x16xf32> to vector<16xf32>
        %max3A_3026 = arith.constant 0.000000e+00 : f32
        %max3A_3027 = vector.broadcast %max3A_3026 : f32 to vector<16xf32>
        %max3A_3028 = arith.maximumf %get3A_3025, %max3A_3027 : vector<16xf32>
        %swap3A_3029 = arith.index_cast %scan3A_2986 : i32 to index
        %swap3A_3030 = arith.constant 48 : index
        %swap3A_3031 = tpu.vector_load %arg10[%swap3A_3029, %swap3A_3030] {strides = array<i32>} : memref<56x128xf32, #tpu.memory_space<vmem>>, vector<1x16xf32>,
        %swap3A_3032 = vector.shape_cast %swap3A_3031 : vector<1x16xf32> to vector<16xf32>
        %swap3A_3033 = vector.shape_cast %max3A_3028 : vector<16xf32> to vector<1x16xf32>
        tpu.vector_store %arg10[%swap3A_3029, %swap3A_3030], %swap3A_3033 {strides = array<i32>} : memref<56x128xf32, #tpu.memory_space<vmem>>, vector<1x16xf32>,
        %get3A_3034 = arith.index_cast %scan3A_2986 : i32 to index
        %get3A_3035 = arith.constant 64 : index
        %get3A_3036 = tpu.vector_load %arg10[%get3A_3034, %get3A_3035] {strides = array<i32>} : memref<56x128xf32, #tpu.memory_space<vmem>>, vector<1x16xf32>,
        %get3A_3037 = vector.shape_cast %get3A_3036 : vector<1x16xf32> to vector<16xf32>
        %max3A_3038 = arith.constant 0.000000e+00 : f32
        %max3A_3039 = vector.broadcast %max3A_3038 : f32 to vector<16xf32>
        %max3A_3040 = arith.maximumf %get3A_3037, %max3A_3039 : vector<16xf32>
        %swap3A_3041 = arith.index_cast %scan3A_2986 : i32 to index
        %swap3A_3042 = arith.constant 64 : index
        %swap3A_3043 = tpu.vector_load %arg10[%swap3A_3041, %swap3A_3042] {strides = array<i32>} : memref<56x128xf32, #tpu.memory_space<vmem>>, vector<1x16xf32>,
        %swap3A_3044 = vector.shape_cast %swap3A_3043 : vector<1x16xf32> to vector<16xf32>
        %swap3A_3045 = vector.shape_cast %max3A_3040 : vector<16xf32> to vector<1x16xf32>
        tpu.vector_store %arg10[%swap3A_3041, %swap3A_3042], %swap3A_3045 {strides = array<i32>} : memref<56x128xf32, #tpu.memory_space<vmem>>, vector<1x16xf32>,
        %get3A_3046 = arith.index_cast %scan3A_2986 : i32 to index
        %get3A_3047 = arith.constant 80 : index
        %get3A_3048 = tpu.vector_load %arg10[%get3A_3046, %get3A_3047] {strides = array<i32>} : memref<56x128xf32, #tpu.memory_space<vmem>>, vector<1x16xf32>,
        %get3A_3049 = vector.shape_cast %get3A_3048 : vector<1x16xf32> to vector<16xf32>
        %max3A_3050 = arith.constant 0.000000e+00 : f32
        %max3A_3051 = vector.broadcast %max3A_3050 : f32 to vector<16xf32>
        %max3A_3052 = arith.maximumf %get3A_3049, %max3A_3051 : vector<16xf32>
        %swap3A_3053 = arith.index_cast %scan3A_2986 : i32 to index
        %swap3A_3054 = arith.constant 80 : index
        %swap3A_3055 = tpu.vector_load %arg10[%swap3A_3053, %swap3A_3054] {strides = array<i32>} : memref<56x128xf32, #tpu.memory_space<vmem>>, vector<1x16xf32>,
        %swap3A_3056 = vector.shape_cast %swap3A_3055 : vector<1x16xf32> to vector<16xf32>
        %swap3A_3057 = vector.shape_cast %max3A_3052 : vector<16xf32> to vector<1x16xf32>
        tpu.vector_store %arg10[%swap3A_3053, %swap3A_3054], %swap3A_3057 {strides = array<i32>} : memref<56x128xf32, #tpu.memory_space<vmem>>, vector<1x16xf32>,
        %get3A_3058 = arith.index_cast %scan3A_2986 : i32 to index
        %get3A_3059 = arith.constant 96 : index
        %get3A_3060 = tpu.vector_load %arg10[%get3A_3058, %get3A_3059] {strides = array<i32>} : memref<56x128xf32, #tpu.memory_space<vmem>>, vector<1x16xf32>,
        %get3A_3061 = vector.shape_cast %get3A_3060 : vector<1x16xf32> to vector<16xf32>
        %max3A_3062 = arith.constant 0.000000e+00 : f32
        %max3A_3063 = vector.broadcast %max3A_3062 : f32 to vector<16xf32>
        %max3A_3064 = arith.maximumf %get3A_3061, %max3A_3063 : vector<16xf32>
        %swap3A_3065 = arith.index_cast %scan3A_2986 : i32 to index
        %swap3A_3066 = arith.constant 96 : index
        %swap3A_3067 = tpu.vector_load %arg10[%swap3A_3065, %swap3A_3066] {strides = array<i32>} : memref<56x128xf32, #tpu.memory_space<vmem>>, vector<1x16xf32>,
        %swap3A_3068 = vector.shape_cast %swap3A_3067 : vector<1x16xf32> to vector<16xf32>
        %swap3A_3069 = vector.shape_cast %max3A_3064 : vector<16xf32> to vector<1x16xf32>
        tpu.vector_store %arg10[%swap3A_3065, %swap3A_3066], %swap3A_3069 {strides = array<i32>} : memref<56x128xf32, #tpu.memory_space<vmem>>, vector<1x16xf32>,
        %get3A_3070 = arith.index_cast %scan3A_2986 : i32 to index
        %get3A_3071 = arith.constant 112 : index
        %get3A_3072 = tpu.vector_load %arg10[%get3A_3070, %get3A_3071] {strides = array<i32>} : memref<56x128xf32, #tpu.memory_space<vmem>>, vector<1x16xf32>,
        %get3A_3073 = vector.shape_cast %get3A_3072 : vector<1x16xf32> to vector<16xf32>
        %max3A_3074 = arith.constant 0.000000e+00 : f32
        %max3A_3075 = vector.broadcast %max3A_3074 : f32 to vector<16xf32>
        %max3A_3076 = arith.maximumf %get3A_3073, %max3A_3075 : vector<16xf32>
        %swap3A_3077 = arith.index_cast %scan3A_2986 : i32 to index
        %swap3A_3078 = arith.constant 112 : index
        %swap3A_3079 = tpu.vector_load %arg10[%swap3A_3077, %swap3A_3078] {strides = array<i32>} : memref<56x128xf32, #tpu.memory_space<vmem>>, vector<1x16xf32>,
        %swap3A_3080 = vector.shape_cast %swap3A_3079 : vector<1x16xf32> to vector<16xf32>
        %swap3A_3081 = vector.shape_cast %max3A_3076 : vector<16xf32> to vector<1x16xf32>
        tpu.vector_store %arg10[%swap3A_3077, %swap3A_3078], %swap3A_3081 {strides = array<i32>} : memref<56x128xf32, #tpu.memory_space<vmem>>, vector<1x16xf32>,
        %scan3A_3082 = arith.constant 0 : i32
        scf.yield %scan3A_3082 : i32
      }
      %scan3A_2900 = arith.constant 56 : i32
      %dma_start3A_2901 = arith.constant 0 : i32
      %dma_start3A_2902 = tpu.memref_slice %arg8[%add3A_2887, %dma_start3A_2901] : memref<24x56xi32, #tpu.memory_space<vmem>> -> memref<1x56xi32, #tpu.memory_space<vmem>>
      %dma_start3A_2903 = tpu.memref_squeeze %dma_start3A_2902 : memref<1x56xi32, #tpu.memory_space<vmem>> -> memref<56xi32, #tpu.memory_space<vmem>>
      %dma_start3A_2904 = arith.constant 0 : i32
      %dma_start3A_2905 = arith.constant 0 : i32
      %dma_start3A_2906 = tpu.memref_slice %arg12[%dma_start3A_2904, %dma_start3A_2905] : memref<10112x128xf32, #tpu.memory_space<vmem_shared>> -> memref<10112x128xf32, #tpu.memory_space<vmem_shared>>
      tpu.enqueue_indirect_dma source(%arg10 : memref<56x128xf32, #tpu.memory_space<vmem>>) target(%dma_start3A_2906 : memref<10112x128xf32, #tpu.memory_space<vmem_shared>>) offsets(%dma_start3A_2903 : memref<56xi32, #tpu.memory_space<vmem>>) semaphore(%arg20 : memref<!tpu.dma_semaphore, #tpu.memory_space<semaphore_mem>>) {add = true}
      %rem3A_2907 = arith.constant 8 : i32
      %rem3A_2908 = arith.remsi %while3A_2784, %rem3A_2907 : i32
      %mul3A_2909 = arith.constant 3 : i32
      %mul3A_2910 = arith.muli %rem3A_2908, %mul3A_2909 : i32
      %add3A_2911 = arith.constant 2 : i32
      %add3A_2912 = arith.addi %mul3A_2910, %add3A_2911 : i32
      %dma_wait3A_2913 = arith.constant 0 : i32
      %dma_wait3A_2914 = tpu.memref_slice %arg7[%add3A_2912, %dma_wait3A_2913] : memref<24x56xi32, #tpu.memory_space<vmem>> -> memref<1x56xi32, #tpu.memory_space<vmem>>
      %dma_wait3A_2915 = tpu.memref_squeeze %dma_wait3A_2914 : memref<1x56xi32, #tpu.memory_space<vmem>> -> memref<56xi32, #tpu.memory_space<vmem>>
      %dma_wait3A_2916 = arith.constant 0 : i32
      %dma_wait3A_2917 = arith.constant 0 : i32
      %dma_wait3A_2918 = tpu.memref_slice %arg2[%dma_wait3A_2916, %dma_wait3A_2917] : memref<10000x128xf32, #tpu.memory_space<hbm>> -> memref<10000x128xf32, #tpu.memory_space<hbm>>
      tpu.wait_indirect_dma semaphore(%arg18 : memref<!tpu.dma_semaphore, #tpu.memory_space<semaphore_mem>>) src(%dma_wait3A_2918 : memref<10000x128xf32, #tpu.memory_space<hbm>>) dst(%arg11 : memref<56x128xf32, #tpu.memory_space<vmem>>)
      %scan3A_2919 = arith.constant 0 : i32
      %scan3A_2920 = arith.constant 0 : i32
      %scan3A_2921 = arith.constant 56 : i32
      %scan3A_2922 = arith.addi %scan3A_2920, %scan3A_2921 : i32
      %scan3A_2923 = arith.constant 1 : i32
      %scan3A_2924 = scf.for %scan3A_2986 = %scan3A_2920 to %scan3A_2922 step %scan3A_2923 iter_args(%scan3A_2987 = %scan3A_2919) -> (i32)  : i32 {
        %get3A = arith.index_cast %scan3A_2986 : i32 to index
        %get3A_2988 = arith.constant 0 : index
        %get3A_2989 = tpu.vector_load %arg11[%get3A, %get3A_2988] {strides = array<i32>} : memref<56x128xf32, #tpu.memory_space<vmem>>, vector<1x16xf32>,
        %get3A_2990 = vector.shape_cast %get3A_2989 : vector<1x16xf32> to vector<16xf32>
        %max3A = arith.constant 0.000000e+00 : f32
        %max3A_2991 = vector.broadcast %max3A : f32 to vector<16xf32>
        %max3A_2992 = arith.maximumf %get3A_2990, %max3A_2991 : vector<16xf32>
        %swap3A_2993 = arith.index_cast %scan3A_2986 : i32 to index
        %swap3A_2994 = arith.constant 0 : index
        %swap3A_2995 = tpu.vector_load %arg11[%swap3A_2993, %swap3A_2994] {strides = array<i32>} : memref<56x128xf32, #tpu.memory_space<vmem>>, vector<1x16xf32>,
        %swap3A_2996 = vector.shape_cast %swap3A_2995 : vector<1x16xf32> to vector<16xf32>
        %swap3A_2997 = vector.shape_cast %max3A_2992 : vector<16xf32> to vector<1x16xf32>
        tpu.vector_store %arg11[%swap3A_2993, %swap3A_2994], %swap3A_2997 {strides = array<i32>} : memref<56x128xf32, #tpu.memory_space<vmem>>, vector<1x16xf32>,
        %get3A_2998 = arith.index_cast %scan3A_2986 : i32 to index
        %get3A_2999 = arith.constant 16 : index
        %get3A_3000 = tpu.vector_load %arg11[%get3A_2998, %get3A_2999] {strides = array<i32>} : memref<56x128xf32, #tpu.memory_space<vmem>>, vector<1x16xf32>,
        %get3A_3001 = vector.shape_cast %get3A_3000 : vector<1x16xf32> to vector<16xf32>
        %max3A_3002 = arith.constant 0.000000e+00 : f32
        %max3A_3003 = vector.broadcast %max3A_3002 : f32 to vector<16xf32>
        %max3A_3004 = arith.maximumf %get3A_3001, %max3A_3003 : vector<16xf32>
        %swap3A_3005 = arith.index_cast %scan3A_2986 : i32 to index
        %swap3A_3006 = arith.constant 16 : index
        %swap3A_3007 = tpu.vector_load %arg11[%swap3A_3005, %swap3A_3006] {strides = array<i32>} : memref<56x128xf32, #tpu.memory_space<vmem>>, vector<1x16xf32>,
        %swap3A_3008 = vector.shape_cast %swap3A_3007 : vector<1x16xf32> to vector<16xf32>
        %swap3A_3009 = vector.shape_cast %max3A_3004 : vector<16xf32> to vector<1x16xf32>
        tpu.vector_store %arg11[%swap3A_3005, %swap3A_3006], %swap3A_3009 {strides = array<i32>} : memref<56x128xf32, #tpu.memory_space<vmem>>, vector<1x16xf32>,
        %get3A_3010 = arith.index_cast %scan3A_2986 : i32 to index
        %get3A_3011 = arith.constant 32 : index
        %get3A_3012 = tpu.vector_load %arg11[%get3A_3010, %get3A_3011] {strides = array<i32>} : memref<56x128xf32, #tpu.memory_space<vmem>>, vector<1x16xf32>,
        %get3A_3013 = vector.shape_cast %get3A_3012 : vector<1x16xf32> to vector<16xf32>
        %max3A_3014 = arith.constant 0.000000e+00 : f32
        %max3A_3015 = vector.broadcast %max3A_3014 : f32 to vector<16xf32>
        %max3A_3016 = arith.maximumf %get3A_3013, %max3A_3015 : vector<16xf32>
        %swap3A_3017 = arith.index_cast %scan3A_2986 : i32 to index
        %swap3A_3018 = arith.constant 32 : index
        %swap3A_3019 = tpu.vector_load %arg11[%swap3A_3017, %swap3A_3018] {strides = array<i32>} : memref<56x128xf32, #tpu.memory_space<vmem>>, vector<1x16xf32>,
        %swap3A_3020 = vector.shape_cast %swap3A_3019 : vector<1x16xf32> to vector<16xf32>
        %swap3A_3021 = vector.shape_cast %max3A_3016 : vector<16xf32> to vector<1x16xf32>
        tpu.vector_store %arg11[%swap3A_3017, %swap3A_3018], %swap3A_3021 {strides = array<i32>} : memref<56x128xf32, #tpu.memory_space<vmem>>, vector<1x16xf32>,
        %get3A_3022 = arith.index_cast %scan3A_2986 : i32 to index
        %get3A_3023 = arith.constant 48 : index
        %get3A_3024 = tpu.vector_load %arg11[%get3A_3022, %get3A_3023] {strides = array<i32>} : memref<56x128xf32, #tpu.memory_space<vmem>>, vector<1x16xf32>,
        %get3A_3025 = vector.shape_cast %get3A_3024 : vector<1x16xf32> to vector<16xf32>
        %max3A_3026 = arith.constant 0.000000e+00 : f32
        %max3A_3027 = vector.broadcast %max3A_3026 : f32 to vector<16xf32>
        %max3A_3028 = arith.maximumf %get3A_3025, %max3A_3027 : vector<16xf32>
        %swap3A_3029 = arith.index_cast %scan3A_2986 : i32 to index
        %swap3A_3030 = arith.constant 48 : index
        %swap3A_3031 = tpu.vector_load %arg11[%swap3A_3029, %swap3A_3030] {strides = array<i32>} : memref<56x128xf32, #tpu.memory_space<vmem>>, vector<1x16xf32>,
        %swap3A_3032 = vector.shape_cast %swap3A_3031 : vector<1x16xf32> to vector<16xf32>
        %swap3A_3033 = vector.shape_cast %max3A_3028 : vector<16xf32> to vector<1x16xf32>
        tpu.vector_store %arg11[%swap3A_3029, %swap3A_3030], %swap3A_3033 {strides = array<i32>} : memref<56x128xf32, #tpu.memory_space<vmem>>, vector<1x16xf32>,
        %get3A_3034 = arith.index_cast %scan3A_2986 : i32 to index
        %get3A_3035 = arith.constant 64 : index
        %get3A_3036 = tpu.vector_load %arg11[%get3A_3034, %get3A_3035] {strides = array<i32>} : memref<56x128xf32, #tpu.memory_space<vmem>>, vector<1x16xf32>,
        %get3A_3037 = vector.shape_cast %get3A_3036 : vector<1x16xf32> to vector<16xf32>
        %max3A_3038 = arith.constant 0.000000e+00 : f32
        %max3A_3039 = vector.broadcast %max3A_3038 : f32 to vector<16xf32>
        %max3A_3040 = arith.maximumf %get3A_3037, %max3A_3039 : vector<16xf32>
        %swap3A_3041 = arith.index_cast %scan3A_2986 : i32 to index
        %swap3A_3042 = arith.constant 64 : index
        %swap3A_3043 = tpu.vector_load %arg11[%swap3A_3041, %swap3A_3042] {strides = array<i32>} : memref<56x128xf32, #tpu.memory_space<vmem>>, vector<1x16xf32>,
        %swap3A_3044 = vector.shape_cast %swap3A_3043 : vector<1x16xf32> to vector<16xf32>
        %swap3A_3045 = vector.shape_cast %max3A_3040 : vector<16xf32> to vector<1x16xf32>
        tpu.vector_store %arg11[%swap3A_3041, %swap3A_3042], %swap3A_3045 {strides = array<i32>} : memref<56x128xf32, #tpu.memory_space<vmem>>, vector<1x16xf32>,
        %get3A_3046 = arith.index_cast %scan3A_2986 : i32 to index
        %get3A_3047 = arith.constant 80 : index
        %get3A_3048 = tpu.vector_load %arg11[%get3A_3046, %get3A_3047] {strides = array<i32>} : memref<56x128xf32, #tpu.memory_space<vmem>>, vector<1x16xf32>,
        %get3A_3049 = vector.shape_cast %get3A_3048 : vector<1x16xf32> to vector<16xf32>
        %max3A_3050 = arith.constant 0.000000e+00 : f32
        %max3A_3051 = vector.broadcast %max3A_3050 : f32 to vector<16xf32>
        %max3A_3052 = arith.maximumf %get3A_3049, %max3A_3051 : vector<16xf32>
        %swap3A_3053 = arith.index_cast %scan3A_2986 : i32 to index
        %swap3A_3054 = arith.constant 80 : index
        %swap3A_3055 = tpu.vector_load %arg11[%swap3A_3053, %swap3A_3054] {strides = array<i32>} : memref<56x128xf32, #tpu.memory_space<vmem>>, vector<1x16xf32>,
        %swap3A_3056 = vector.shape_cast %swap3A_3055 : vector<1x16xf32> to vector<16xf32>
        %swap3A_3057 = vector.shape_cast %max3A_3052 : vector<16xf32> to vector<1x16xf32>
        tpu.vector_store %arg11[%swap3A_3053, %swap3A_3054], %swap3A_3057 {strides = array<i32>} : memref<56x128xf32, #tpu.memory_space<vmem>>, vector<1x16xf32>,
        %get3A_3058 = arith.index_cast %scan3A_2986 : i32 to index
        %get3A_3059 = arith.constant 96 : index
        %get3A_3060 = tpu.vector_load %arg11[%get3A_3058, %get3A_3059] {strides = array<i32>} : memref<56x128xf32, #tpu.memory_space<vmem>>, vector<1x16xf32>,
        %get3A_3061 = vector.shape_cast %get3A_3060 : vector<1x16xf32> to vector<16xf32>
        %max3A_3062 = arith.constant 0.000000e+00 : f32
        %max3A_3063 = vector.broadcast %max3A_3062 : f32 to vector<16xf32>
        %max3A_3064 = arith.maximumf %get3A_3061, %max3A_3063 : vector<16xf32>
        %swap3A_3065 = arith.index_cast %scan3A_2986 : i32 to index
        %swap3A_3066 = arith.constant 96 : index
        %swap3A_3067 = tpu.vector_load %arg11[%swap3A_3065, %swap3A_3066] {strides = array<i32>} : memref<56x128xf32, #tpu.memory_space<vmem>>, vector<1x16xf32>,
        %swap3A_3068 = vector.shape_cast %swap3A_3067 : vector<1x16xf32> to vector<16xf32>
        %swap3A_3069 = vector.shape_cast %max3A_3064 : vector<16xf32> to vector<1x16xf32>
        tpu.vector_store %arg11[%swap3A_3065, %swap3A_3066], %swap3A_3069 {strides = array<i32>} : memref<56x128xf32, #tpu.memory_space<vmem>>, vector<1x16xf32>,
        %get3A_3070 = arith.index_cast %scan3A_2986 : i32 to index
        %get3A_3071 = arith.constant 112 : index
        %get3A_3072 = tpu.vector_load %arg11[%get3A_3070, %get3A_3071] {strides = array<i32>} : memref<56x128xf32, #tpu.memory_space<vmem>>, vector<1x16xf32>,
        %get3A_3073 = vector.shape_cast %get3A_3072 : vector<1x16xf32> to vector<16xf32>
        %max3A_3074 = arith.constant 0.000000e+00 : f32
        %max3A_3075 = vector.broadcast %max3A_3074 : f32 to vector<16xf32>
        %max3A_3076 = arith.maximumf %get3A_3073, %max3A_3075 : vector<16xf32>
        %swap3A_3077 = arith.index_cast %scan3A_2986 : i32 to index
        %swap3A_3078 = arith.constant 112 : index
        %swap3A_3079 = tpu.vector_load %arg11[%swap3A_3077, %swap3A_3078] {strides = array<i32>} : memref<56x128xf32, #tpu.memory_space<vmem>>, vector<1x16xf32>,
        %swap3A_3080 = vector.shape_cast %swap3A_3079 : vector<1x16xf32> to vector<16xf32>
        %swap3A_3081 = vector.shape_cast %max3A_3076 : vector<16xf32> to vector<1x16xf32>
        tpu.vector_store %arg11[%swap3A_3077, %swap3A_3078], %swap3A_3081 {strides = array<i32>} : memref<56x128xf32, #tpu.memory_space<vmem>>, vector<1x16xf32>,
        %scan3A_3082 = arith.constant 0 : i32
        scf.yield %scan3A_3082 : i32
      }
      %scan3A_2925 = arith.constant 56 : i32
      %dma_start3A_2926 = arith.constant 0 : i32
      %dma_start3A_2927 = tpu.memref_slice %arg8[%add3A_2912, %dma_start3A_2926] : memref<24x56xi32, #tpu.memory_space<vmem>> -> memref<1x56xi32, #tpu.memory_space<vmem>>
      %dma_start3A_2928 = tpu.memref_squeeze %dma_start3A_2927 : memref<1x56xi32, #tpu.memory_space<vmem>> -> memref<56xi32, #tpu.memory_space<vmem>>
      %dma_start3A_2929 = arith.constant 0 : i32
      %dma_start3A_2930 = arith.constant 0 : i32
      %dma_start3A_2931 = tpu.memref_slice %arg12[%dma_start3A_2929, %dma_start3A_2930] : memref<10112x128xf32, #tpu.memory_space<vmem_shared>> -> memref<10112x128xf32, #tpu.memory_space<vmem_shared>>
      tpu.enqueue_indirect_dma source(%arg11 : memref<56x128xf32, #tpu.memory_space<vmem>>) target(%dma_start3A_2931 : memref<10112x128xf32, #tpu.memory_space<vmem_shared>>) offsets(%dma_start3A_2928 : memref<56xi32, #tpu.memory_space<vmem>>) semaphore(%arg21 : memref<!tpu.dma_semaphore, #tpu.memory_space<semaphore_mem>>) {add = true}
      %rem3A_2932 = arith.constant 8 : i32
      %rem3A_2933 = arith.remsi %while3A_2784, %rem3A_2932 : i32
      %mul3A_2934 = arith.constant 3 : i32
      %mul3A_2935 = arith.muli %rem3A_2933, %mul3A_2934 : i32
      %add3A_2936 = arith.constant 0 : i32
      %add3A_2937 = arith.addi %mul3A_2935, %add3A_2936 : i32
      %dma_wait3A_2938 = arith.constant 0 : i32
      %dma_wait3A_2939 = tpu.memref_slice %arg8[%add3A_2937, %dma_wait3A_2938] : memref<24x56xi32, #tpu.memory_space<vmem>> -> memref<1x56xi32, #tpu.memory_space<vmem>>
      %dma_wait3A_2940 = tpu.memref_squeeze %dma_wait3A_2939 : memref<1x56xi32, #tpu.memory_space<vmem>> -> memref<56xi32, #tpu.memory_space<vmem>>
      %dma_wait3A_2941 = arith.constant 0 : i32
      %dma_wait3A_2942 = arith.constant 0 : i32
      %dma_wait3A_2943 = tpu.memref_slice %arg12[%dma_wait3A_2941, %dma_wait3A_2942] : memref<10112x128xf32, #tpu.memory_space<vmem_shared>> -> memref<10112x128xf32, #tpu.memory_space<vmem_shared>>
      tpu.wait_indirect_dma semaphore(%arg19 : memref<!tpu.dma_semaphore, #tpu.memory_space<semaphore_mem>>) src(%arg9 : memref<56x128xf32, #tpu.memory_space<vmem>>) dst(%dma_wait3A_2943 : memref<10112x128xf32, #tpu.memory_space<vmem_shared>>)
      %add3A_2944 = arith.constant 1 : i32
      %add3A_2945 = arith.addi %while3A_2784, %add3A_2944 : i32
      %lt3A = arith.cmpi slt, %add3A_2945, %select_n3A_8 : i32
      %convert_element_type3A_2946 = arith.extui %lt3A : i1 to i32
      %cond3A_2947 = arith.constant 0 : i32
      %cond3A_2948 = arith.cmpi ne, %convert_element_type3A_2946, %cond3A_2947 : i32
      scf.if %cond3A_2948 {
        %add3A_2986 = arith.constant 1 : i32
        %add3A_2987 = arith.addi %while3A_2784, %add3A_2986 : i32
        %mul3A_2988 = arith.constant 3 : i32
        %mul3A_2989 = arith.muli %add3A_2987, %mul3A_2988 : i32
        %add3A_2990 = arith.addi %select_n3A, %mul3A_2989 : i32
        %add3A_2991 = arith.constant 0 : i32
        %add3A_2992 = arith.addi %add3A_2990, %add3A_2991 : i32
        %mul3A_2993 = arith.constant 56 : i32
        %mul3A_2994 = arith.muli %add3A_2992, %mul3A_2993 : i32
        %dma_start3A_2995 = arith.constant 0 : i32
        %dma_start3A_2996 = tpu.memref_slice %arg3[%mul3A_2994, %dma_start3A_2995] : memref<322560x128xf32, #tpu.memory_space<hbm>> -> memref<56x128xf32, #tpu.memory_space<hbm>>
        %dma_start3A_2997 = arith.constant 0 : i32
        %dma_start3A_2998 = tpu.memref_slice %arg3[%mul3A_2994, %dma_start3A_2997] : memref<322560x128xf32, #tpu.memory_space<hbm>> -> memref<56x128xf32, #tpu.memory_space<hbm>>
        tpu.enqueue_dma source(%dma_start3A_2998 : memref<56x128xf32, #tpu.memory_space<hbm>>) target(%arg9 : memref<56x128xf32, #tpu.memory_space<vmem>>) target_semaphore(%arg13 : memref<!tpu.dma_semaphore, #tpu.memory_space<semaphore_mem>>)
      } else {
      }
      %rem3A_2949 = arith.constant 8 : i32
      %rem3A_2950 = arith.remsi %while3A_2784, %rem3A_2949 : i32
      %mul3A_2951 = arith.constant 3 : i32
      %mul3A_2952 = arith.muli %rem3A_2950, %mul3A_2951 : i32
      %add3A_2953 = arith.constant 1 : i32
      %add3A_2954 = arith.addi %mul3A_2952, %add3A_2953 : i32
      %dma_wait3A_2955 = arith.constant 0 : i32
      %dma_wait3A_2956 = tpu.memref_slice %arg8[%add3A_2954, %dma_wait3A_2955] : memref<24x56xi32, #tpu.memory_space<vmem>> -> memref<1x56xi32, #tpu.memory_space<vmem>>
      %dma_wait3A_2957 = tpu.memref_squeeze %dma_wait3A_2956 : memref<1x56xi32, #tpu.memory_space<vmem>> -> memref<56xi32, #tpu.memory_space<vmem>>
      %dma_wait3A_2958 = arith.constant 0 : i32
      %dma_wait3A_2959 = arith.constant 0 : i32
      %dma_wait3A_2960 = tpu.memref_slice %arg12[%dma_wait3A_2958, %dma_wait3A_2959] : memref<10112x128xf32, #tpu.memory_space<vmem_shared>> -> memref<10112x128xf32, #tpu.memory_space<vmem_shared>>
      tpu.wait_indirect_dma semaphore(%arg20 : memref<!tpu.dma_semaphore, #tpu.memory_space<semaphore_mem>>) src(%arg10 : memref<56x128xf32, #tpu.memory_space<vmem>>) dst(%dma_wait3A_2960 : memref<10112x128xf32, #tpu.memory_space<vmem_shared>>)
      %add3A_2961 = arith.constant 1 : i32
      %add3A_2962 = arith.addi %while3A_2784, %add3A_2961 : i32
      %lt3A_2963 = arith.cmpi slt, %add3A_2962, %select_n3A_8 : i32
      %convert_element_type3A_2964 = arith.extui %lt3A_2963 : i1 to i32
      %cond3A_2965 = arith.constant 0 : i32
      %cond3A_2966 = arith.cmpi ne, %convert_element_type3A_2964, %cond3A_2965 : i32
      scf.if %cond3A_2966 {
        %add3A_2986 = arith.constant 1 : i32
        %add3A_2987 = arith.addi %while3A_2784, %add3A_2986 : i32
        %mul3A_2988 = arith.constant 3 : i32
        %mul3A_2989 = arith.muli %add3A_2987, %mul3A_2988 : i32
        %add3A_2990 = arith.addi %select_n3A, %mul3A_2989 : i32
        %add3A_2991 = arith.constant 1 : i32
        %add3A_2992 = arith.addi %add3A_2990, %add3A_2991 : i32
        %mul3A_2993 = arith.constant 56 : i32
        %mul3A_2994 = arith.muli %add3A_2992, %mul3A_2993 : i32
        %dma_start3A_2995 = arith.constant 0 : i32
        %dma_start3A_2996 = tpu.memref_slice %arg3[%mul3A_2994, %dma_start3A_2995] : memref<322560x128xf32, #tpu.memory_space<hbm>> -> memref<56x128xf32, #tpu.memory_space<hbm>>
        %dma_start3A_2997 = arith.constant 0 : i32
        %dma_start3A_2998 = tpu.memref_slice %arg3[%mul3A_2994, %dma_start3A_2997] : memref<322560x128xf32, #tpu.memory_space<hbm>> -> memref<56x128xf32, #tpu.memory_space<hbm>>
        tpu.enqueue_dma source(%dma_start3A_2998 : memref<56x128xf32, #tpu.memory_space<hbm>>) target(%arg10 : memref<56x128xf32, #tpu.memory_space<vmem>>) target_semaphore(%arg14 : memref<!tpu.dma_semaphore, #tpu.memory_space<semaphore_mem>>)
      } else {
      }
      %rem3A_2967 = arith.constant 8 : i32
      %rem3A_2968 = arith.remsi %while3A_2784, %rem3A_2967 : i32
      %mul3A_2969 = arith.constant 3 : i32
      %mul3A_2970 = arith.muli %rem3A_2968, %mul3A_2969 : i32
      %add3A_2971 = arith.constant 2 : i32
      %add3A_2972 = arith.addi %mul3A_2970, %add3A_2971 : i32
      %dma_wait3A_2973 = arith.constant 0 : i32
      %dma_wait3A_2974 = tpu.memref_slice %arg8[%add3A_2972, %dma_wait3A_2973] : memref<24x56xi32, #tpu.memory_space<vmem>> -> memref<1x56xi32, #tpu.memory_space<vmem>>
      %dma_wait3A_2975 = tpu.memref_squeeze %dma_wait3A_2974 : memref<1x56xi32, #tpu.memory_space<vmem>> -> memref<56xi32, #tpu.memory_space<vmem>>
      %dma_wait3A_2976 = arith.constant 0 : i32
      %dma_wait3A_2977 = arith.constant 0 : i32
      %dma_wait3A_2978 = tpu.memref_slice %arg12[%dma_wait3A_2976, %dma_wait3A_2977] : memref<10112x128xf32, #tpu.memory_space<vmem_shared>> -> memref<10112x128xf32, #tpu.memory_space<vmem_shared>>
      tpu.wait_indirect_dma semaphore(%arg21 : memref<!tpu.dma_semaphore, #tpu.memory_space<semaphore_mem>>) src(%arg11 : memref<56x128xf32, #tpu.memory_space<vmem>>) dst(%dma_wait3A_2978 : memref<10112x128xf32, #tpu.memory_space<vmem_shared>>)
      %add3A_2979 = arith.constant 1 : i32
      %add3A_2980 = arith.addi %while3A_2784, %add3A_2979 : i32
      %lt3A_2981 = arith.cmpi slt, %add3A_2980, %select_n3A_8 : i32
      %convert_element_type3A_2982 = arith.extui %lt3A_2981 : i1 to i32
      %cond3A_2983 = arith.constant 0 : i32
      %cond3A_2984 = arith.cmpi ne, %convert_element_type3A_2982, %cond3A_2983 : i32
      scf.if %cond3A_2984 {
        %add3A_2986 = arith.constant 1 : i32
        %add3A_2987 = arith.addi %while3A_2784, %add3A_2986 : i32
        %mul3A_2988 = arith.constant 3 : i32
        %mul3A_2989 = arith.muli %add3A_2987, %mul3A_2988 : i32
        %add3A_2990 = arith.addi %select_n3A, %mul3A_2989 : i32
        %add3A_2991 = arith.constant 2 : i32
        %add3A_2992 = arith.addi %add3A_2990, %add3A_2991 : i32
        %mul3A_2993 = arith.constant 56 : i32
        %mul3A_2994 = arith.muli %add3A_2992, %mul3A_2993 : i32
        %dma_start3A_2995 = arith.constant 0 : i32
        %dma_start3A_2996 = tpu.memref_slice %arg3[%mul3A_2994, %dma_start3A_2995] : memref<322560x128xf32, #tpu.memory_space<hbm>> -> memref<56x128xf32, #tpu.memory_space<hbm>>
        %dma_start3A_2997 = arith.constant 0 : i32
        %dma_start3A_2998 = tpu.memref_slice %arg3[%mul3A_2994, %dma_start3A_2997] : memref<322560x128xf32, #tpu.memory_space<hbm>> -> memref<56x128xf32, #tpu.memory_space<hbm>>
        tpu.enqueue_dma source(%dma_start3A_2998 : memref<56x128xf32, #tpu.memory_space<hbm>>) target(%arg11 : memref<56x128xf32, #tpu.memory_space<vmem>>) target_semaphore(%arg15 : memref<!tpu.dma_semaphore, #tpu.memory_space<semaphore_mem>>)
      } else {
      }
      %while3A_2985 = arith.constant 0 : i32
      scf.yield %while3A_2985 : i32
    }
    %while3A_2777 = arith.constant 1 : i32
    %while3A_2778 = scf.for %while3A_2784 = %while3A_2774 to %while3A_2770 step %while3A_2777 iter_args(%while3A_2785 = %while3A_2776) -> (i32)  : i32 {
      %rem3A = arith.constant 8 : i32
      %rem3A_2786 = arith.remsi %while3A_2784, %rem3A : i32
      %eq3A_2787 = arith.constant 0 : i32
      %eq3A_2788 = arith.cmpi eq, %rem3A_2786, %eq3A_2787 : i32
      %convert_element_type3A = arith.extui %eq3A_2788 : i1 to i32
      %cond3A = arith.constant 0 : i32
      %cond3A_2789 = arith.cmpi ne, %convert_element_type3A, %cond3A : i32
      scf.if %cond3A_2789 {
        %div3A = arith.constant 8 : i32
        %div3A_2986 = arith.divsi %while3A_2784, %div3A : i32
        %mul3A_2987 = arith.constant 24 : i32
        %mul3A_2988 = arith.muli %div3A_2986, %mul3A_2987 : i32
        %add3A_2989 = arith.addi %select_n3A, %mul3A_2988 : i32
        "tpu.region"() ({
          %run_scoped3A = tpu.sem_alloc : memref<!tpu.dma_semaphore, #tpu.memory_space<semaphore_mem>>
          %dma_start3A_2993 = arith.constant 0 : i32
          %dma_start3A_2994 = tpu.memref_slice %arg5[%add3A_2989, %dma_start3A_2993] : memref<5760x56xi32, #tpu.memory_space<hbm>> -> memref<24x56xi32, #tpu.memory_space<hbm>>
          %dma_start3A_2995 = arith.constant 0 : i32
          %dma_start3A_2996 = tpu.memref_slice %arg5[%add3A_2989, %dma_start3A_2995] : memref<5760x56xi32, #tpu.memory_space<hbm>> -> memref<24x56xi32, #tpu.memory_space<hbm>>
          tpu.enqueue_dma source(%dma_start3A_2996 : memref<24x56xi32, #tpu.memory_space<hbm>>) target(%arg7 : memref<24x56xi32, #tpu.memory_space<vmem>>) target_semaphore(%run_scoped3A : memref<!tpu.dma_semaphore, #tpu.memory_space<semaphore_mem>>)
          %dma_wait3A_2997 = arith.constant 0 : i32
          %dma_wait3A_2998 = tpu.memref_slice %arg5[%add3A_2989, %dma_wait3A_2997] : memref<5760x56xi32, #tpu.memory_space<hbm>> -> memref<24x56xi32, #tpu.memory_space<hbm>>
          %dma_wait3A_2999 = arith.constant 0 : i32
          %dma_wait3A_3000 = tpu.memref_slice %arg5[%add3A_2989, %dma_wait3A_2999] : memref<5760x56xi32, #tpu.memory_space<hbm>> -> memref<24x56xi32, #tpu.memory_space<hbm>>
          tpu.wait_dma2 semaphore(%run_scoped3A : memref<!tpu.dma_semaphore, #tpu.memory_space<semaphore_mem>>) src(%dma_wait3A_3000 : memref<24x56xi32, #tpu.memory_space<hbm>>) dst(%arg7 : memref<24x56xi32, #tpu.memory_space<vmem>>)
          tpu.yield
        }) : () -> ()
        %mul3A_2990 = arith.constant 24 : i32
        %mul3A_2991 = arith.muli %div3A_2986, %mul3A_2990 : i32
        %add3A_2992 = arith.addi %select_n3A, %mul3A_2991 : i32
        "tpu.region"() ({
          %run_scoped3A = tpu.sem_alloc : memref<!tpu.dma_semaphore, #tpu.memory_space<semaphore_mem>>
          %dma_start3A_2993 = arith.constant 0 : i32
          %dma_start3A_2994 = tpu.memref_slice %arg4[%add3A_2992, %dma_start3A_2993] : memref<5760x56xi32, #tpu.memory_space<hbm>> -> memref<24x56xi32, #tpu.memory_space<hbm>>
          %dma_start3A_2995 = arith.constant 0 : i32
          %dma_start3A_2996 = tpu.memref_slice %arg4[%add3A_2992, %dma_start3A_2995] : memref<5760x56xi32, #tpu.memory_space<hbm>> -> memref<24x56xi32, #tpu.memory_space<hbm>>
          tpu.enqueue_dma source(%dma_start3A_2996 : memref<24x56xi32, #tpu.memory_space<hbm>>) target(%arg8 : memref<24x56xi32, #tpu.memory_space<vmem>>) target_semaphore(%run_scoped3A : memref<!tpu.dma_semaphore, #tpu.memory_space<semaphore_mem>>)
          %dma_wait3A_2997 = arith.constant 0 : i32
          %dma_wait3A_2998 = tpu.memref_slice %arg4[%add3A_2992, %dma_wait3A_2997] : memref<5760x56xi32, #tpu.memory_space<hbm>> -> memref<24x56xi32, #tpu.memory_space<hbm>>
          %dma_wait3A_2999 = arith.constant 0 : i32
          %dma_wait3A_3000 = tpu.memref_slice %arg4[%add3A_2992, %dma_wait3A_2999] : memref<5760x56xi32, #tpu.memory_space<hbm>> -> memref<24x56xi32, #tpu.memory_space<hbm>>
          tpu.wait_dma2 semaphore(%run_scoped3A : memref<!tpu.dma_semaphore, #tpu.memory_space<semaphore_mem>>) src(%dma_wait3A_3000 : memref<24x56xi32, #tpu.memory_space<hbm>>) dst(%arg8 : memref<24x56xi32, #tpu.memory_space<vmem>>)
          tpu.yield
        }) : () -> ()
      } else {
      }
      %rem3A_2790 = arith.constant 8 : i32
      %rem3A_2791 = arith.remsi %while3A_2784, %rem3A_2790 : i32
      %mul3A_2792 = arith.constant 3 : i32
      %mul3A_2793 = arith.muli %rem3A_2791, %mul3A_2792 : i32
      %add3A_2794 = arith.constant 0 : i32
      %add3A_2795 = arith.addi %mul3A_2793, %add3A_2794 : i32
      %mul3A_2796 = arith.constant 3 : i32
      %mul3A_2797 = arith.muli %while3A_2784, %mul3A_2796 : i32
      %add3A_2798 = arith.addi %select_n3A, %mul3A_2797 : i32
      %add3A_2799 = arith.constant 0 : i32
      %add3A_2800 = arith.addi %add3A_2798, %add3A_2799 : i32
      %mul3A_2801 = arith.constant 56 : i32
      %mul3A_2802 = arith.muli %add3A_2800, %mul3A_2801 : i32
      %dma_wait3A = arith.constant 0 : i32
      %dma_wait3A_2803 = tpu.memref_slice %arg3[%mul3A_2802, %dma_wait3A] : memref<322560x128xf32, #tpu.memory_space<hbm>> -> memref<56x128xf32, #tpu.memory_space<hbm>>
      %dma_wait3A_2804 = arith.constant 0 : i32
      %dma_wait3A_2805 = tpu.memref_slice %arg3[%mul3A_2802, %dma_wait3A_2804] : memref<322560x128xf32, #tpu.memory_space<hbm>> -> memref<56x128xf32, #tpu.memory_space<hbm>>
      tpu.wait_dma2 semaphore(%arg13 : memref<!tpu.dma_semaphore, #tpu.memory_space<semaphore_mem>>) src(%dma_wait3A_2805 : memref<56x128xf32, #tpu.memory_space<hbm>>) dst(%arg9 : memref<56x128xf32, #tpu.memory_space<vmem>>)
      %dma_start3A_2806 = arith.constant 0 : i32
      %dma_start3A_2807 = tpu.memref_slice %arg7[%add3A_2795, %dma_start3A_2806] : memref<24x56xi32, #tpu.memory_space<vmem>> -> memref<1x56xi32, #tpu.memory_space<vmem>>
      %dma_start3A_2808 = tpu.memref_squeeze %dma_start3A_2807 : memref<1x56xi32, #tpu.memory_space<vmem>> -> memref<56xi32, #tpu.memory_space<vmem>>
      %dma_start3A_2809 = arith.constant 0 : i32
      %dma_start3A_2810 = arith.constant 0 : i32
      %dma_start3A_2811 = tpu.memref_slice %arg2[%dma_start3A_2809, %dma_start3A_2810] : memref<10000x128xf32, #tpu.memory_space<hbm>> -> memref<10000x128xf32, #tpu.memory_space<hbm>>
      tpu.enqueue_indirect_dma source(%dma_start3A_2811 : memref<10000x128xf32, #tpu.memory_space<hbm>>) target(%arg9 : memref<56x128xf32, #tpu.memory_space<vmem>>) offsets(%dma_start3A_2808 : memref<56xi32, #tpu.memory_space<vmem>>) semaphore(%arg16 : memref<!tpu.dma_semaphore, #tpu.memory_space<semaphore_mem>>) {add = true}
      %rem3A_2812 = arith.constant 8 : i32
      %rem3A_2813 = arith.remsi %while3A_2784, %rem3A_2812 : i32
      %mul3A_2814 = arith.constant 3 : i32
      %mul3A_2815 = arith.muli %rem3A_2813, %mul3A_2814 : i32
      %add3A_2816 = arith.constant 1 : i32
      %add3A_2817 = arith.addi %mul3A_2815, %add3A_2816 : i32
      %mul3A_2818 = arith.constant 3 : i32
      %mul3A_2819 = arith.muli %while3A_2784, %mul3A_2818 : i32
      %add3A_2820 = arith.addi %select_n3A, %mul3A_2819 : i32
      %add3A_2821 = arith.constant 1 : i32
      %add3A_2822 = arith.addi %add3A_2820, %add3A_2821 : i32
      %mul3A_2823 = arith.constant 56 : i32
      %mul3A_2824 = arith.muli %add3A_2822, %mul3A_2823 : i32
      %dma_wait3A_2825 = arith.constant 0 : i32
      %dma_wait3A_2826 = tpu.memref_slice %arg3[%mul3A_2824, %dma_wait3A_2825] : memref<322560x128xf32, #tpu.memory_space<hbm>> -> memref<56x128xf32, #tpu.memory_space<hbm>>
      %dma_wait3A_2827 = arith.constant 0 : i32
      %dma_wait3A_2828 = tpu.memref_slice %arg3[%mul3A_2824, %dma_wait3A_2827] : memref<322560x128xf32, #tpu.memory_space<hbm>> -> memref<56x128xf32, #tpu.memory_space<hbm>>
      tpu.wait_dma2 semaphore(%arg14 : memref<!tpu.dma_semaphore, #tpu.memory_space<semaphore_mem>>) src(%dma_wait3A_2828 : memref<56x128xf32, #tpu.memory_space<hbm>>) dst(%arg10 : memref<56x128xf32, #tpu.memory_space<vmem>>)
      %dma_start3A_2829 = arith.constant 0 : i32
      %dma_start3A_2830 = tpu.memref_slice %arg7[%add3A_2817, %dma_start3A_2829] : memref<24x56xi32, #tpu.memory_space<vmem>> -> memref<1x56xi32, #tpu.memory_space<vmem>>
      %dma_start3A_2831 = tpu.memref_squeeze %dma_start3A_2830 : memref<1x56xi32, #tpu.memory_space<vmem>> -> memref<56xi32, #tpu.memory_space<vmem>>
      %dma_start3A_2832 = arith.constant 0 : i32
      %dma_start3A_2833 = arith.constant 0 : i32
      %dma_start3A_2834 = tpu.memref_slice %arg2[%dma_start3A_2832, %dma_start3A_2833] : memref<10000x128xf32, #tpu.memory_space<hbm>> -> memref<10000x128xf32, #tpu.memory_space<hbm>>
      tpu.enqueue_indirect_dma source(%dma_start3A_2834 : memref<10000x128xf32, #tpu.memory_space<hbm>>) target(%arg10 : memref<56x128xf32, #tpu.memory_space<vmem>>) offsets(%dma_start3A_2831 : memref<56xi32, #tpu.memory_space<vmem>>) semaphore(%arg17 : memref<!tpu.dma_semaphore, #tpu.memory_space<semaphore_mem>>) {add = true}
      %rem3A_2835 = arith.constant 8 : i32
      %rem3A_2836 = arith.remsi %while3A_2784, %rem3A_2835 : i32
      %mul3A_2837 = arith.constant 3 : i32
      %mul3A_2838 = arith.muli %rem3A_2836, %mul3A_2837 : i32
      %add3A_2839 = arith.constant 2 : i32
      %add3A_2840 = arith.addi %mul3A_2838, %add3A_2839 : i32
      %mul3A_2841 = arith.constant 3 : i32
      %mul3A_2842 = arith.muli %while3A_2784, %mul3A_2841 : i32
      %add3A_2843 = arith.addi %select_n3A, %mul3A_2842 : i32
      %add3A_2844 = arith.constant 2 : i32
      %add3A_2845 = arith.addi %add3A_2843, %add3A_2844 : i32
      %mul3A_2846 = arith.constant 56 : i32
      %mul3A_2847 = arith.muli %add3A_2845, %mul3A_2846 : i32
      %dma_wait3A_2848 = arith.constant 0 : i32
      %dma_wait3A_2849 = tpu.memref_slice %arg3[%mul3A_2847, %dma_wait3A_2848] : memref<322560x128xf32, #tpu.memory_space<hbm>> -> memref<56x128xf32, #tpu.memory_space<hbm>>
      %dma_wait3A_2850 = arith.constant 0 : i32
      %dma_wait3A_2851 = tpu.memref_slice %arg3[%mul3A_2847, %dma_wait3A_2850] : memref<322560x128xf32, #tpu.memory_space<hbm>> -> memref<56x128xf32, #tpu.memory_space<hbm>>
      tpu.wait_dma2 semaphore(%arg15 : memref<!tpu.dma_semaphore, #tpu.memory_space<semaphore_mem>>) src(%dma_wait3A_2851 : memref<56x128xf32, #tpu.memory_space<hbm>>) dst(%arg11 : memref<56x128xf32, #tpu.memory_space<vmem>>)
      %dma_start3A_2852 = arith.constant 0 : i32
      %dma_start3A_2853 = tpu.memref_slice %arg7[%add3A_2840, %dma_start3A_2852] : memref<24x56xi32, #tpu.memory_space<vmem>> -> memref<1x56xi32, #tpu.memory_space<vmem>>
      %dma_start3A_2854 = tpu.memref_squeeze %dma_start3A_2853 : memref<1x56xi32, #tpu.memory_space<vmem>> -> memref<56xi32, #tpu.memory_space<vmem>>
      %dma_start3A_2855 = arith.constant 0 : i32
      %dma_start3A_2856 = arith.constant 0 : i32
      %dma_start3A_2857 = tpu.memref_slice %arg2[%dma_start3A_2855, %dma_start3A_2856] : memref<10000x128xf32, #tpu.memory_space<hbm>> -> memref<10000x128xf32, #tpu.memory_space<hbm>>
      tpu.enqueue_indirect_dma source(%dma_start3A_2857 : memref<10000x128xf32, #tpu.memory_space<hbm>>) target(%arg11 : memref<56x128xf32, #tpu.memory_space<vmem>>) offsets(%dma_start3A_2854 : memref<56xi32, #tpu.memory_space<vmem>>) semaphore(%arg18 : memref<!tpu.dma_semaphore, #tpu.memory_space<semaphore_mem>>) {add = true}
      %rem3A_2858 = arith.constant 8 : i32
      %rem3A_2859 = arith.remsi %while3A_2784, %rem3A_2858 : i32
      %mul3A_2860 = arith.constant 3 : i32
      %mul3A_2861 = arith.muli %rem3A_2859, %mul3A_2860 : i32
      %add3A_2862 = arith.constant 0 : i32
      %add3A_2863 = arith.addi %mul3A_2861, %add3A_2862 : i32
      %dma_wait3A_2864 = arith.constant 0 : i32
      %dma_wait3A_2865 = tpu.memref_slice %arg7[%add3A_2863, %dma_wait3A_2864] : memref<24x56xi32, #tpu.memory_space<vmem>> -> memref<1x56xi32, #tpu.memory_space<vmem>>
      %dma_wait3A_2866 = tpu.memref_squeeze %dma_wait3A_2865 : memref<1x56xi32, #tpu.memory_space<vmem>> -> memref<56xi32, #tpu.memory_space<vmem>>
      %dma_wait3A_2867 = arith.constant 0 : i32
      %dma_wait3A_2868 = arith.constant 0 : i32
      %dma_wait3A_2869 = tpu.memref_slice %arg2[%dma_wait3A_2867, %dma_wait3A_2868] : memref<10000x128xf32, #tpu.memory_space<hbm>> -> memref<10000x128xf32, #tpu.memory_space<hbm>>
      tpu.wait_indirect_dma semaphore(%arg16 : memref<!tpu.dma_semaphore, #tpu.memory_space<semaphore_mem>>) src(%dma_wait3A_2869 : memref<10000x128xf32, #tpu.memory_space<hbm>>) dst(%arg9 : memref<56x128xf32, #tpu.memory_space<vmem>>)
      %scan3A = arith.constant 0 : i32
      %scan3A_2870 = arith.constant 0 : i32
      %scan3A_2871 = arith.constant 56 : i32
      %scan3A_2872 = arith.addi %scan3A_2870, %scan3A_2871 : i32
      %scan3A_2873 = arith.constant 1 : i32
      %scan3A_2874 = scf.for %scan3A_2986 = %scan3A_2870 to %scan3A_2872 step %scan3A_2873 iter_args(%scan3A_2987 = %scan3A) -> (i32)  : i32 {
        %get3A = arith.index_cast %scan3A_2986 : i32 to index
        %get3A_2988 = arith.constant 0 : index
        %get3A_2989 = tpu.vector_load %arg9[%get3A, %get3A_2988] {strides = array<i32>} : memref<56x128xf32, #tpu.memory_space<vmem>>, vector<1x16xf32>,
        %get3A_2990 = vector.shape_cast %get3A_2989 : vector<1x16xf32> to vector<16xf32>
        %max3A = arith.constant 0.000000e+00 : f32
        %max3A_2991 = vector.broadcast %max3A : f32 to vector<16xf32>
        %max3A_2992 = arith.maximumf %get3A_2990, %max3A_2991 : vector<16xf32>
        %swap3A_2993 = arith.index_cast %scan3A_2986 : i32 to index
        %swap3A_2994 = arith.constant 0 : index
        %swap3A_2995 = tpu.vector_load %arg9[%swap3A_2993, %swap3A_2994] {strides = array<i32>} : memref<56x128xf32, #tpu.memory_space<vmem>>, vector<1x16xf32>,
        %swap3A_2996 = vector.shape_cast %swap3A_2995 : vector<1x16xf32> to vector<16xf32>
        %swap3A_2997 = vector.shape_cast %max3A_2992 : vector<16xf32> to vector<1x16xf32>
        tpu.vector_store %arg9[%swap3A_2993, %swap3A_2994], %swap3A_2997 {strides = array<i32>} : memref<56x128xf32, #tpu.memory_space<vmem>>, vector<1x16xf32>,
        %get3A_2998 = arith.index_cast %scan3A_2986 : i32 to index
        %get3A_2999 = arith.constant 16 : index
        %get3A_3000 = tpu.vector_load %arg9[%get3A_2998, %get3A_2999] {strides = array<i32>} : memref<56x128xf32, #tpu.memory_space<vmem>>, vector<1x16xf32>,
        %get3A_3001 = vector.shape_cast %get3A_3000 : vector<1x16xf32> to vector<16xf32>
        %max3A_3002 = arith.constant 0.000000e+00 : f32
        %max3A_3003 = vector.broadcast %max3A_3002 : f32 to vector<16xf32>
        %max3A_3004 = arith.maximumf %get3A_3001, %max3A_3003 : vector<16xf32>
        %swap3A_3005 = arith.index_cast %scan3A_2986 : i32 to index
        %swap3A_3006 = arith.constant 16 : index
        %swap3A_3007 = tpu.vector_load %arg9[%swap3A_3005, %swap3A_3006] {strides = array<i32>} : memref<56x128xf32, #tpu.memory_space<vmem>>, vector<1x16xf32>,
        %swap3A_3008 = vector.shape_cast %swap3A_3007 : vector<1x16xf32> to vector<16xf32>
        %swap3A_3009 = vector.shape_cast %max3A_3004 : vector<16xf32> to vector<1x16xf32>
        tpu.vector_store %arg9[%swap3A_3005, %swap3A_3006], %swap3A_3009 {strides = array<i32>} : memref<56x128xf32, #tpu.memory_space<vmem>>, vector<1x16xf32>,
        %get3A_3010 = arith.index_cast %scan3A_2986 : i32 to index
        %get3A_3011 = arith.constant 32 : index
        %get3A_3012 = tpu.vector_load %arg9[%get3A_3010, %get3A_3011] {strides = array<i32>} : memref<56x128xf32, #tpu.memory_space<vmem>>, vector<1x16xf32>,
        %get3A_3013 = vector.shape_cast %get3A_3012 : vector<1x16xf32> to vector<16xf32>
        %max3A_3014 = arith.constant 0.000000e+00 : f32
        %max3A_3015 = vector.broadcast %max3A_3014 : f32 to vector<16xf32>
        %max3A_3016 = arith.maximumf %get3A_3013, %max3A_3015 : vector<16xf32>
        %swap3A_3017 = arith.index_cast %scan3A_2986 : i32 to index
        %swap3A_3018 = arith.constant 32 : index
        %swap3A_3019 = tpu.vector_load %arg9[%swap3A_3017, %swap3A_3018] {strides = array<i32>} : memref<56x128xf32, #tpu.memory_space<vmem>>, vector<1x16xf32>,
        %swap3A_3020 = vector.shape_cast %swap3A_3019 : vector<1x16xf32> to vector<16xf32>
        %swap3A_3021 = vector.shape_cast %max3A_3016 : vector<16xf32> to vector<1x16xf32>
        tpu.vector_store %arg9[%swap3A_3017, %swap3A_3018], %swap3A_3021 {strides = array<i32>} : memref<56x128xf32, #tpu.memory_space<vmem>>, vector<1x16xf32>,
        %get3A_3022 = arith.index_cast %scan3A_2986 : i32 to index
        %get3A_3023 = arith.constant 48 : index
        %get3A_3024 = tpu.vector_load %arg9[%get3A_3022, %get3A_3023] {strides = array<i32>} : memref<56x128xf32, #tpu.memory_space<vmem>>, vector<1x16xf32>,
        %get3A_3025 = vector.shape_cast %get3A_3024 : vector<1x16xf32> to vector<16xf32>
        %max3A_3026 = arith.constant 0.000000e+00 : f32
        %max3A_3027 = vector.broadcast %max3A_3026 : f32 to vector<16xf32>
        %max3A_3028 = arith.maximumf %get3A_3025, %max3A_3027 : vector<16xf32>
        %swap3A_3029 = arith.index_cast %scan3A_2986 : i32 to index
        %swap3A_3030 = arith.constant 48 : index
        %swap3A_3031 = tpu.vector_load %arg9[%swap3A_3029, %swap3A_3030] {strides = array<i32>} : memref<56x128xf32, #tpu.memory_space<vmem>>, vector<1x16xf32>,
        %swap3A_3032 = vector.shape_cast %swap3A_3031 : vector<1x16xf32> to vector<16xf32>
        %swap3A_3033 = vector.shape_cast %max3A_3028 : vector<16xf32> to vector<1x16xf32>
        tpu.vector_store %arg9[%swap3A_3029, %swap3A_3030], %swap3A_3033 {strides = array<i32>} : memref<56x128xf32, #tpu.memory_space<vmem>>, vector<1x16xf32>,
        %get3A_3034 = arith.index_cast %scan3A_2986 : i32 to index
        %get3A_3035 = arith.constant 64 : index
        %get3A_3036 = tpu.vector_load %arg9[%get3A_3034, %get3A_3035] {strides = array<i32>} : memref<56x128xf32, #tpu.memory_space<vmem>>, vector<1x16xf32>,
        %get3A_3037 = vector.shape_cast %get3A_3036 : vector<1x16xf32> to vector<16xf32>
        %max3A_3038 = arith.constant 0.000000e+00 : f32
        %max3A_3039 = vector.broadcast %max3A_3038 : f32 to vector<16xf32>
        %max3A_3040 = arith.maximumf %get3A_3037, %max3A_3039 : vector<16xf32>
        %swap3A_3041 = arith.index_cast %scan3A_2986 : i32 to index
        %swap3A_3042 = arith.constant 64 : index
        %swap3A_3043 = tpu.vector_load %arg9[%swap3A_3041, %swap3A_3042] {strides = array<i32>} : memref<56x128xf32, #tpu.memory_space<vmem>>, vector<1x16xf32>,
        %swap3A_3044 = vector.shape_cast %swap3A_3043 : vector<1x16xf32> to vector<16xf32>
        %swap3A_3045 = vector.shape_cast %max3A_3040 : vector<16xf32> to vector<1x16xf32>
        tpu.vector_store %arg9[%swap3A_3041, %swap3A_3042], %swap3A_3045 {strides = array<i32>} : memref<56x128xf32, #tpu.memory_space<vmem>>, vector<1x16xf32>,
        %get3A_3046 = arith.index_cast %scan3A_2986 : i32 to index
        %get3A_3047 = arith.constant 80 : index
        %get3A_3048 = tpu.vector_load %arg9[%get3A_3046, %get3A_3047] {strides = array<i32>} : memref<56x128xf32, #tpu.memory_space<vmem>>, vector<1x16xf32>,
        %get3A_3049 = vector.shape_cast %get3A_3048 : vector<1x16xf32> to vector<16xf32>
        %max3A_3050 = arith.constant 0.000000e+00 : f32
        %max3A_3051 = vector.broadcast %max3A_3050 : f32 to vector<16xf32>
        %max3A_3052 = arith.maximumf %get3A_3049, %max3A_3051 : vector<16xf32>
        %swap3A_3053 = arith.index_cast %scan3A_2986 : i32 to index
        %swap3A_3054 = arith.constant 80 : index
        %swap3A_3055 = tpu.vector_load %arg9[%swap3A_3053, %swap3A_3054] {strides = array<i32>} : memref<56x128xf32, #tpu.memory_space<vmem>>, vector<1x16xf32>,
        %swap3A_3056 = vector.shape_cast %swap3A_3055 : vector<1x16xf32> to vector<16xf32>
        %swap3A_3057 = vector.shape_cast %max3A_3052 : vector<16xf32> to vector<1x16xf32>
        tpu.vector_store %arg9[%swap3A_3053, %swap3A_3054], %swap3A_3057 {strides = array<i32>} : memref<56x128xf32, #tpu.memory_space<vmem>>, vector<1x16xf32>,
        %get3A_3058 = arith.index_cast %scan3A_2986 : i32 to index
        %get3A_3059 = arith.constant 96 : index
        %get3A_3060 = tpu.vector_load %arg9[%get3A_3058, %get3A_3059] {strides = array<i32>} : memref<56x128xf32, #tpu.memory_space<vmem>>, vector<1x16xf32>,
        %get3A_3061 = vector.shape_cast %get3A_3060 : vector<1x16xf32> to vector<16xf32>
        %max3A_3062 = arith.constant 0.000000e+00 : f32
        %max3A_3063 = vector.broadcast %max3A_3062 : f32 to vector<16xf32>
        %max3A_3064 = arith.maximumf %get3A_3061, %max3A_3063 : vector<16xf32>
        %swap3A_3065 = arith.index_cast %scan3A_2986 : i32 to index
        %swap3A_3066 = arith.constant 96 : index
        %swap3A_3067 = tpu.vector_load %arg9[%swap3A_3065, %swap3A_3066] {strides = array<i32>} : memref<56x128xf32, #tpu.memory_space<vmem>>, vector<1x16xf32>,
        %swap3A_3068 = vector.shape_cast %swap3A_3067 : vector<1x16xf32> to vector<16xf32>
        %swap3A_3069 = vector.shape_cast %max3A_3064 : vector<16xf32> to vector<1x16xf32>
        tpu.vector_store %arg9[%swap3A_3065, %swap3A_3066], %swap3A_3069 {strides = array<i32>} : memref<56x128xf32, #tpu.memory_space<vmem>>, vector<1x16xf32>,
        %get3A_3070 = arith.index_cast %scan3A_2986 : i32 to index
        %get3A_3071 = arith.constant 112 : index
        %get3A_3072 = tpu.vector_load %arg9[%get3A_3070, %get3A_3071] {strides = array<i32>} : memref<56x128xf32, #tpu.memory_space<vmem>>, vector<1x16xf32>,
        %get3A_3073 = vector.shape_cast %get3A_3072 : vector<1x16xf32> to vector<16xf32>
        %max3A_3074 = arith.constant 0.000000e+00 : f32
        %max3A_3075 = vector.broadcast %max3A_3074 : f32 to vector<16xf32>
        %max3A_3076 = arith.maximumf %get3A_3073, %max3A_3075 : vector<16xf32>
        %swap3A_3077 = arith.index_cast %scan3A_2986 : i32 to index
        %swap3A_3078 = arith.constant 112 : index
        %swap3A_3079 = tpu.vector_load %arg9[%swap3A_3077, %swap3A_3078] {strides = array<i32>} : memref<56x128xf32, #tpu.memory_space<vmem>>, vector<1x16xf32>,
        %swap3A_3080 = vector.shape_cast %swap3A_3079 : vector<1x16xf32> to vector<16xf32>
        %swap3A_3081 = vector.shape_cast %max3A_3076 : vector<16xf32> to vector<1x16xf32>
        tpu.vector_store %arg9[%swap3A_3077, %swap3A_3078], %swap3A_3081 {strides = array<i32>} : memref<56x128xf32, #tpu.memory_space<vmem>>, vector<1x16xf32>,
        %scan3A_3082 = arith.constant 0 : i32
        scf.yield %scan3A_3082 : i32
      }
      %scan3A_2875 = arith.constant 56 : i32
      %dma_start3A_2876 = arith.constant 0 : i32
      %dma_start3A_2877 = tpu.memref_slice %arg8[%add3A_2863, %dma_start3A_2876] : memref<24x56xi32, #tpu.memory_space<vmem>> -> memref<1x56xi32, #tpu.memory_space<vmem>>
      %dma_start3A_2878 = tpu.memref_squeeze %dma_start3A_2877 : memref<1x56xi32, #tpu.memory_space<vmem>> -> memref<56xi32, #tpu.memory_space<vmem>>
      %dma_start3A_2879 = arith.constant 0 : i32
      %dma_start3A_2880 = arith.constant 0 : i32
      %dma_start3A_2881 = tpu.memref_slice %arg12[%dma_start3A_2879, %dma_start3A_2880] : memref<10112x128xf32, #tpu.memory_space<vmem_shared>> -> memref<10112x128xf32, #tpu.memory_space<vmem_shared>>
      tpu.enqueue_indirect_dma source(%arg9 : memref<56x128xf32, #tpu.memory_space<vmem>>) target(%dma_start3A_2881 : memref<10112x128xf32, #tpu.memory_space<vmem_shared>>) offsets(%dma_start3A_2878 : memref<56xi32, #tpu.memory_space<vmem>>) semaphore(%arg19 : memref<!tpu.dma_semaphore, #tpu.memory_space<semaphore_mem>>) {add = true}
      %rem3A_2882 = arith.constant 8 : i32
      %rem3A_2883 = arith.remsi %while3A_2784, %rem3A_2882 : i32
      %mul3A_2884 = arith.constant 3 : i32
      %mul3A_2885 = arith.muli %rem3A_2883, %mul3A_2884 : i32
      %add3A_2886 = arith.constant 1 : i32
      %add3A_2887 = arith.addi %mul3A_2885, %add3A_2886 : i32
      %dma_wait3A_2888 = arith.constant 0 : i32
      %dma_wait3A_2889 = tpu.memref_slice %arg7[%add3A_2887, %dma_wait3A_2888] : memref<24x56xi32, #tpu.memory_space<vmem>> -> memref<1x56xi32, #tpu.memory_space<vmem>>
      %dma_wait3A_2890 = tpu.memref_squeeze %dma_wait3A_2889 : memref<1x56xi32, #tpu.memory_space<vmem>> -> memref<56xi32, #tpu.memory_space<vmem>>
      %dma_wait3A_2891 = arith.constant 0 : i32
      %dma_wait3A_2892 = arith.constant 0 : i32
      %dma_wait3A_2893 = tpu.memref_slice %arg2[%dma_wait3A_2891, %dma_wait3A_2892] : memref<10000x128xf32, #tpu.memory_space<hbm>> -> memref<10000x128xf32, #tpu.memory_space<hbm>>
      tpu.wait_indirect_dma semaphore(%arg17 : memref<!tpu.dma_semaphore, #tpu.memory_space<semaphore_mem>>) src(%dma_wait3A_2893 : memref<10000x128xf32, #tpu.memory_space<hbm>>) dst(%arg10 : memref<56x128xf32, #tpu.memory_space<vmem>>)
      %scan3A_2894 = arith.constant 0 : i32
      %scan3A_2895 = arith.constant 0 : i32
      %scan3A_2896 = arith.constant 56 : i32
      %scan3A_2897 = arith.addi %scan3A_2895, %scan3A_2896 : i32
      %scan3A_2898 = arith.constant 1 : i32
      %scan3A_2899 = scf.for %scan3A_2986 = %scan3A_2895 to %scan3A_2897 step %scan3A_2898 iter_args(%scan3A_2987 = %scan3A_2894) -> (i32)  : i32 {
        %get3A = arith.index_cast %scan3A_2986 : i32 to index
        %get3A_2988 = arith.constant 0 : index
        %get3A_2989 = tpu.vector_load %arg10[%get3A, %get3A_2988] {strides = array<i32>} : memref<56x128xf32, #tpu.memory_space<vmem>>, vector<1x16xf32>,
        %get3A_2990 = vector.shape_cast %get3A_2989 : vector<1x16xf32> to vector<16xf32>
        %max3A = arith.constant 0.000000e+00 : f32
        %max3A_2991 = vector.broadcast %max3A : f32 to vector<16xf32>
        %max3A_2992 = arith.maximumf %get3A_2990, %max3A_2991 : vector<16xf32>
        %swap3A_2993 = arith.index_cast %scan3A_2986 : i32 to index
        %swap3A_2994 = arith.constant 0 : index
        %swap3A_2995 = tpu.vector_load %arg10[%swap3A_2993, %swap3A_2994] {strides = array<i32>} : memref<56x128xf32, #tpu.memory_space<vmem>>, vector<1x16xf32>,
        %swap3A_2996 = vector.shape_cast %swap3A_2995 : vector<1x16xf32> to vector<16xf32>
        %swap3A_2997 = vector.shape_cast %max3A_2992 : vector<16xf32> to vector<1x16xf32>
        tpu.vector_store %arg10[%swap3A_2993, %swap3A_2994], %swap3A_2997 {strides = array<i32>} : memref<56x128xf32, #tpu.memory_space<vmem>>, vector<1x16xf32>,
        %get3A_2998 = arith.index_cast %scan3A_2986 : i32 to index
        %get3A_2999 = arith.constant 16 : index
        %get3A_3000 = tpu.vector_load %arg10[%get3A_2998, %get3A_2999] {strides = array<i32>} : memref<56x128xf32, #tpu.memory_space<vmem>>, vector<1x16xf32>,
        %get3A_3001 = vector.shape_cast %get3A_3000 : vector<1x16xf32> to vector<16xf32>
        %max3A_3002 = arith.constant 0.000000e+00 : f32
        %max3A_3003 = vector.broadcast %max3A_3002 : f32 to vector<16xf32>
        %max3A_3004 = arith.maximumf %get3A_3001, %max3A_3003 : vector<16xf32>
        %swap3A_3005 = arith.index_cast %scan3A_2986 : i32 to index
        %swap3A_3006 = arith.constant 16 : index
        %swap3A_3007 = tpu.vector_load %arg10[%swap3A_3005, %swap3A_3006] {strides = array<i32>} : memref<56x128xf32, #tpu.memory_space<vmem>>, vector<1x16xf32>,
        %swap3A_3008 = vector.shape_cast %swap3A_3007 : vector<1x16xf32> to vector<16xf32>
        %swap3A_3009 = vector.shape_cast %max3A_3004 : vector<16xf32> to vector<1x16xf32>
        tpu.vector_store %arg10[%swap3A_3005, %swap3A_3006], %swap3A_3009 {strides = array<i32>} : memref<56x128xf32, #tpu.memory_space<vmem>>, vector<1x16xf32>,
        %get3A_3010 = arith.index_cast %scan3A_2986 : i32 to index
        %get3A_3011 = arith.constant 32 : index
        %get3A_3012 = tpu.vector_load %arg10[%get3A_3010, %get3A_3011] {strides = array<i32>} : memref<56x128xf32, #tpu.memory_space<vmem>>, vector<1x16xf32>,
        %get3A_3013 = vector.shape_cast %get3A_3012 : vector<1x16xf32> to vector<16xf32>
        %max3A_3014 = arith.constant 0.000000e+00 : f32
        %max3A_3015 = vector.broadcast %max3A_3014 : f32 to vector<16xf32>
        %max3A_3016 = arith.maximumf %get3A_3013, %max3A_3015 : vector<16xf32>
        %swap3A_3017 = arith.index_cast %scan3A_2986 : i32 to index
        %swap3A_3018 = arith.constant 32 : index
        %swap3A_3019 = tpu.vector_load %arg10[%swap3A_3017, %swap3A_3018] {strides = array<i32>} : memref<56x128xf32, #tpu.memory_space<vmem>>, vector<1x16xf32>,
        %swap3A_3020 = vector.shape_cast %swap3A_3019 : vector<1x16xf32> to vector<16xf32>
        %swap3A_3021 = vector.shape_cast %max3A_3016 : vector<16xf32> to vector<1x16xf32>
        tpu.vector_store %arg10[%swap3A_3017, %swap3A_3018], %swap3A_3021 {strides = array<i32>} : memref<56x128xf32, #tpu.memory_space<vmem>>, vector<1x16xf32>,
        %get3A_3022 = arith.index_cast %scan3A_2986 : i32 to index
        %get3A_3023 = arith.constant 48 : index
        %get3A_3024 = tpu.vector_load %arg10[%get3A_3022, %get3A_3023] {strides = array<i32>} : memref<56x128xf32, #tpu.memory_space<vmem>>, vector<1x16xf32>,
        %get3A_3025 = vector.shape_cast %get3A_3024 : vector<1x16xf32> to vector<16xf32>
        %max3A_3026 = arith.constant 0.000000e+00 : f32
        %max3A_3027 = vector.broadcast %max3A_3026 : f32 to vector<16xf32>
        %max3A_3028 = arith.maximumf %get3A_3025, %max3A_3027 : vector<16xf32>
        %swap3A_3029 = arith.index_cast %scan3A_2986 : i32 to index
        %swap3A_3030 = arith.constant 48 : index
        %swap3A_3031 = tpu.vector_load %arg10[%swap3A_3029, %swap3A_3030] {strides = array<i32>} : memref<56x128xf32, #tpu.memory_space<vmem>>, vector<1x16xf32>,
        %swap3A_3032 = vector.shape_cast %swap3A_3031 : vector<1x16xf32> to vector<16xf32>
        %swap3A_3033 = vector.shape_cast %max3A_3028 : vector<16xf32> to vector<1x16xf32>
        tpu.vector_store %arg10[%swap3A_3029, %swap3A_3030], %swap3A_3033 {strides = array<i32>} : memref<56x128xf32, #tpu.memory_space<vmem>>, vector<1x16xf32>,
        %get3A_3034 = arith.index_cast %scan3A_2986 : i32 to index
        %get3A_3035 = arith.constant 64 : index
        %get3A_3036 = tpu.vector_load %arg10[%get3A_3034, %get3A_3035] {strides = array<i32>} : memref<56x128xf32, #tpu.memory_space<vmem>>, vector<1x16xf32>,
        %get3A_3037 = vector.shape_cast %get3A_3036 : vector<1x16xf32> to vector<16xf32>
        %max3A_3038 = arith.constant 0.000000e+00 : f32
        %max3A_3039 = vector.broadcast %max3A_3038 : f32 to vector<16xf32>
        %max3A_3040 = arith.maximumf %get3A_3037, %max3A_3039 : vector<16xf32>
        %swap3A_3041 = arith.index_cast %scan3A_2986 : i32 to index
        %swap3A_3042 = arith.constant 64 : index
        %swap3A_3043 = tpu.vector_load %arg10[%swap3A_3041, %swap3A_3042] {strides = array<i32>} : memref<56x128xf32, #tpu.memory_space<vmem>>, vector<1x16xf32>,
        %swap3A_3044 = vector.shape_cast %swap3A_3043 : vector<1x16xf32> to vector<16xf32>
        %swap3A_3045 = vector.shape_cast %max3A_3040 : vector<16xf32> to vector<1x16xf32>
        tpu.vector_store %arg10[%swap3A_3041, %swap3A_3042], %swap3A_3045 {strides = array<i32>} : memref<56x128xf32, #tpu.memory_space<vmem>>, vector<1x16xf32>,
        %get3A_3046 = arith.index_cast %scan3A_2986 : i32 to index
        %get3A_3047 = arith.constant 80 : index
        %get3A_3048 = tpu.vector_load %arg10[%get3A_3046, %get3A_3047] {strides = array<i32>} : memref<56x128xf32, #tpu.memory_space<vmem>>, vector<1x16xf32>,
        %get3A_3049 = vector.shape_cast %get3A_3048 : vector<1x16xf32> to vector<16xf32>
        %max3A_3050 = arith.constant 0.000000e+00 : f32
        %max3A_3051 = vector.broadcast %max3A_3050 : f32 to vector<16xf32>
        %max3A_3052 = arith.maximumf %get3A_3049, %max3A_3051 : vector<16xf32>
        %swap3A_3053 = arith.index_cast %scan3A_2986 : i32 to index
        %swap3A_3054 = arith.constant 80 : index
        %swap3A_3055 = tpu.vector_load %arg10[%swap3A_3053, %swap3A_3054] {strides = array<i32>} : memref<56x128xf32, #tpu.memory_space<vmem>>, vector<1x16xf32>,
        %swap3A_3056 = vector.shape_cast %swap3A_3055 : vector<1x16xf32> to vector<16xf32>
        %swap3A_3057 = vector.shape_cast %max3A_3052 : vector<16xf32> to vector<1x16xf32>
        tpu.vector_store %arg10[%swap3A_3053, %swap3A_3054], %swap3A_3057 {strides = array<i32>} : memref<56x128xf32, #tpu.memory_space<vmem>>, vector<1x16xf32>,
        %get3A_3058 = arith.index_cast %scan3A_2986 : i32 to index
        %get3A_3059 = arith.constant 96 : index
        %get3A_3060 = tpu.vector_load %arg10[%get3A_3058, %get3A_3059] {strides = array<i32>} : memref<56x128xf32, #tpu.memory_space<vmem>>, vector<1x16xf32>,
        %get3A_3061 = vector.shape_cast %get3A_3060 : vector<1x16xf32> to vector<16xf32>
        %max3A_3062 = arith.constant 0.000000e+00 : f32
        %max3A_3063 = vector.broadcast %max3A_3062 : f32 to vector<16xf32>
        %max3A_3064 = arith.maximumf %get3A_3061, %max3A_3063 : vector<16xf32>
        %swap3A_3065 = arith.index_cast %scan3A_2986 : i32 to index
        %swap3A_3066 = arith.constant 96 : index
        %swap3A_3067 = tpu.vector_load %arg10[%swap3A_3065, %swap3A_3066] {strides = array<i32>} : memref<56x128xf32, #tpu.memory_space<vmem>>, vector<1x16xf32>,
        %swap3A_3068 = vector.shape_cast %swap3A_3067 : vector<1x16xf32> to vector<16xf32>
        %swap3A_3069 = vector.shape_cast %max3A_3064 : vector<16xf32> to vector<1x16xf32>
        tpu.vector_store %arg10[%swap3A_3065, %swap3A_3066], %swap3A_3069 {strides = array<i32>} : memref<56x128xf32, #tpu.memory_space<vmem>>, vector<1x16xf32>,
        %get3A_3070 = arith.index_cast %scan3A_2986 : i32 to index
        %get3A_3071 = arith.constant 112 : index
        %get3A_3072 = tpu.vector_load %arg10[%get3A_3070, %get3A_3071] {strides = array<i32>} : memref<56x128xf32, #tpu.memory_space<vmem>>, vector<1x16xf32>,
        %get3A_3073 = vector.shape_cast %get3A_3072 : vector<1x16xf32> to vector<16xf32>
        %max3A_3074 = arith.constant 0.000000e+00 : f32
        %max3A_3075 = vector.broadcast %max3A_3074 : f32 to vector<16xf32>
        %max3A_3076 = arith.maximumf %get3A_3073, %max3A_3075 : vector<16xf32>
        %swap3A_3077 = arith.index_cast %scan3A_2986 : i32 to index
        %swap3A_3078 = arith.constant 112 : index
        %swap3A_3079 = tpu.vector_load %arg10[%swap3A_3077, %swap3A_3078] {strides = array<i32>} : memref<56x128xf32, #tpu.memory_space<vmem>>, vector<1x16xf32>,
        %swap3A_3080 = vector.shape_cast %swap3A_3079 : vector<1x16xf32> to vector<16xf32>
        %swap3A_3081 = vector.shape_cast %max3A_3076 : vector<16xf32> to vector<1x16xf32>
        tpu.vector_store %arg10[%swap3A_3077, %swap3A_3078], %swap3A_3081 {strides = array<i32>} : memref<56x128xf32, #tpu.memory_space<vmem>>, vector<1x16xf32>,
        %scan3A_3082 = arith.constant 0 : i32
        scf.yield %scan3A_3082 : i32
      }
      %scan3A_2900 = arith.constant 56 : i32
      %dma_start3A_2901 = arith.constant 0 : i32
      %dma_start3A_2902 = tpu.memref_slice %arg8[%add3A_2887, %dma_start3A_2901] : memref<24x56xi32, #tpu.memory_space<vmem>> -> memref<1x56xi32, #tpu.memory_space<vmem>>
      %dma_start3A_2903 = tpu.memref_squeeze %dma_start3A_2902 : memref<1x56xi32, #tpu.memory_space<vmem>> -> memref<56xi32, #tpu.memory_space<vmem>>
      %dma_start3A_2904 = arith.constant 0 : i32
      %dma_start3A_2905 = arith.constant 0 : i32
      %dma_start3A_2906 = tpu.memref_slice %arg12[%dma_start3A_2904, %dma_start3A_2905] : memref<10112x128xf32, #tpu.memory_space<vmem_shared>> -> memref<10112x128xf32, #tpu.memory_space<vmem_shared>>
      tpu.enqueue_indirect_dma source(%arg10 : memref<56x128xf32, #tpu.memory_space<vmem>>) target(%dma_start3A_2906 : memref<10112x128xf32, #tpu.memory_space<vmem_shared>>) offsets(%dma_start3A_2903 : memref<56xi32, #tpu.memory_space<vmem>>) semaphore(%arg20 : memref<!tpu.dma_semaphore, #tpu.memory_space<semaphore_mem>>) {add = true}
      %rem3A_2907 = arith.constant 8 : i32
      %rem3A_2908 = arith.remsi %while3A_2784, %rem3A_2907 : i32
      %mul3A_2909 = arith.constant 3 : i32
      %mul3A_2910 = arith.muli %rem3A_2908, %mul3A_2909 : i32
      %add3A_2911 = arith.constant 2 : i32
      %add3A_2912 = arith.addi %mul3A_2910, %add3A_2911 : i32
      %dma_wait3A_2913 = arith.constant 0 : i32
      %dma_wait3A_2914 = tpu.memref_slice %arg7[%add3A_2912, %dma_wait3A_2913] : memref<24x56xi32, #tpu.memory_space<vmem>> -> memref<1x56xi32, #tpu.memory_space<vmem>>
      %dma_wait3A_2915 = tpu.memref_squeeze %dma_wait3A_2914 : memref<1x56xi32, #tpu.memory_space<vmem>> -> memref<56xi32, #tpu.memory_space<vmem>>
      %dma_wait3A_2916 = arith.constant 0 : i32
      %dma_wait3A_2917 = arith.constant 0 : i32
      %dma_wait3A_2918 = tpu.memref_slice %arg2[%dma_wait3A_2916, %dma_wait3A_2917] : memref<10000x128xf32, #tpu.memory_space<hbm>> -> memref<10000x128xf32, #tpu.memory_space<hbm>>
      tpu.wait_indirect_dma semaphore(%arg18 : memref<!tpu.dma_semaphore, #tpu.memory_space<semaphore_mem>>) src(%dma_wait3A_2918 : memref<10000x128xf32, #tpu.memory_space<hbm>>) dst(%arg11 : memref<56x128xf32, #tpu.memory_space<vmem>>)
      %scan3A_2919 = arith.constant 0 : i32
      %scan3A_2920 = arith.constant 0 : i32
      %scan3A_2921 = arith.constant 56 : i32
      %scan3A_2922 = arith.addi %scan3A_2920, %scan3A_2921 : i32
      %scan3A_2923 = arith.constant 1 : i32
      %scan3A_2924 = scf.for %scan3A_2986 = %scan3A_2920 to %scan3A_2922 step %scan3A_2923 iter_args(%scan3A_2987 = %scan3A_2919) -> (i32)  : i32 {
        %get3A = arith.index_cast %scan3A_2986 : i32 to index
        %get3A_2988 = arith.constant 0 : index
        %get3A_2989 = tpu.vector_load %arg11[%get3A, %get3A_2988] {strides = array<i32>} : memref<56x128xf32, #tpu.memory_space<vmem>>, vector<1x16xf32>,
        %get3A_2990 = vector.shape_cast %get3A_2989 : vector<1x16xf32> to vector<16xf32>
        %max3A = arith.constant 0.000000e+00 : f32
        %max3A_2991 = vector.broadcast %max3A : f32 to vector<16xf32>
        %max3A_2992 = arith.maximumf %get3A_2990, %max3A_2991 : vector<16xf32>
        %swap3A_2993 = arith.index_cast %scan3A_2986 : i32 to index
        %swap3A_2994 = arith.constant 0 : index
        %swap3A_2995 = tpu.vector_load %arg11[%swap3A_2993, %swap3A_2994] {strides = array<i32>} : memref<56x128xf32, #tpu.memory_space<vmem>>, vector<1x16xf32>,
        %swap3A_2996 = vector.shape_cast %swap3A_2995 : vector<1x16xf32> to vector<16xf32>
        %swap3A_2997 = vector.shape_cast %max3A_2992 : vector<16xf32> to vector<1x16xf32>
        tpu.vector_store %arg11[%swap3A_2993, %swap3A_2994], %swap3A_2997 {strides = array<i32>} : memref<56x128xf32, #tpu.memory_space<vmem>>, vector<1x16xf32>,
        %get3A_2998 = arith.index_cast %scan3A_2986 : i32 to index
        %get3A_2999 = arith.constant 16 : index
        %get3A_3000 = tpu.vector_load %arg11[%get3A_2998, %get3A_2999] {strides = array<i32>} : memref<56x128xf32, #tpu.memory_space<vmem>>, vector<1x16xf32>,
        %get3A_3001 = vector.shape_cast %get3A_3000 : vector<1x16xf32> to vector<16xf32>
        %max3A_3002 = arith.constant 0.000000e+00 : f32
        %max3A_3003 = vector.broadcast %max3A_3002 : f32 to vector<16xf32>
        %max3A_3004 = arith.maximumf %get3A_3001, %max3A_3003 : vector<16xf32>
        %swap3A_3005 = arith.index_cast %scan3A_2986 : i32 to index
        %swap3A_3006 = arith.constant 16 : index
        %swap3A_3007 = tpu.vector_load %arg11[%swap3A_3005, %swap3A_3006] {strides = array<i32>} : memref<56x128xf32, #tpu.memory_space<vmem>>, vector<1x16xf32>,
        %swap3A_3008 = vector.shape_cast %swap3A_3007 : vector<1x16xf32> to vector<16xf32>
        %swap3A_3009 = vector.shape_cast %max3A_3004 : vector<16xf32> to vector<1x16xf32>
        tpu.vector_store %arg11[%swap3A_3005, %swap3A_3006], %swap3A_3009 {strides = array<i32>} : memref<56x128xf32, #tpu.memory_space<vmem>>, vector<1x16xf32>,
        %get3A_3010 = arith.index_cast %scan3A_2986 : i32 to index
        %get3A_3011 = arith.constant 32 : index
        %get3A_3012 = tpu.vector_load %arg11[%get3A_3010, %get3A_3011] {strides = array<i32>} : memref<56x128xf32, #tpu.memory_space<vmem>>, vector<1x16xf32>,
        %get3A_3013 = vector.shape_cast %get3A_3012 : vector<1x16xf32> to vector<16xf32>
        %max3A_3014 = arith.constant 0.000000e+00 : f32
        %max3A_3015 = vector.broadcast %max3A_3014 : f32 to vector<16xf32>
        %max3A_3016 = arith.maximumf %get3A_3013, %max3A_3015 : vector<16xf32>
        %swap3A_3017 = arith.index_cast %scan3A_2986 : i32 to index
        %swap3A_3018 = arith.constant 32 : index
        %swap3A_3019 = tpu.vector_load %arg11[%swap3A_3017, %swap3A_3018] {strides = array<i32>} : memref<56x128xf32, #tpu.memory_space<vmem>>, vector<1x16xf32>,
        %swap3A_3020 = vector.shape_cast %swap3A_3019 : vector<1x16xf32> to vector<16xf32>
        %swap3A_3021 = vector.shape_cast %max3A_3016 : vector<16xf32> to vector<1x16xf32>
        tpu.vector_store %arg11[%swap3A_3017, %swap3A_3018], %swap3A_3021 {strides = array<i32>} : memref<56x128xf32, #tpu.memory_space<vmem>>, vector<1x16xf32>,
        %get3A_3022 = arith.index_cast %scan3A_2986 : i32 to index
        %get3A_3023 = arith.constant 48 : index
        %get3A_3024 = tpu.vector_load %arg11[%get3A_3022, %get3A_3023] {strides = array<i32>} : memref<56x128xf32, #tpu.memory_space<vmem>>, vector<1x16xf32>,
        %get3A_3025 = vector.shape_cast %get3A_3024 : vector<1x16xf32> to vector<16xf32>
        %max3A_3026 = arith.constant 0.000000e+00 : f32
        %max3A_3027 = vector.broadcast %max3A_3026 : f32 to vector<16xf32>
        %max3A_3028 = arith.maximumf %get3A_3025, %max3A_3027 : vector<16xf32>
        %swap3A_3029 = arith.index_cast %scan3A_2986 : i32 to index
        %swap3A_3030 = arith.constant 48 : index
        %swap3A_3031 = tpu.vector_load %arg11[%swap3A_3029, %swap3A_3030] {strides = array<i32>} : memref<56x128xf32, #tpu.memory_space<vmem>>, vector<1x16xf32>,
        %swap3A_3032 = vector.shape_cast %swap3A_3031 : vector<1x16xf32> to vector<16xf32>
        %swap3A_3033 = vector.shape_cast %max3A_3028 : vector<16xf32> to vector<1x16xf32>
        tpu.vector_store %arg11[%swap3A_3029, %swap3A_3030], %swap3A_3033 {strides = array<i32>} : memref<56x128xf32, #tpu.memory_space<vmem>>, vector<1x16xf32>,
        %get3A_3034 = arith.index_cast %scan3A_2986 : i32 to index
        %get3A_3035 = arith.constant 64 : index
        %get3A_3036 = tpu.vector_load %arg11[%get3A_3034, %get3A_3035] {strides = array<i32>} : memref<56x128xf32, #tpu.memory_space<vmem>>, vector<1x16xf32>,
        %get3A_3037 = vector.shape_cast %get3A_3036 : vector<1x16xf32> to vector<16xf32>
        %max3A_3038 = arith.constant 0.000000e+00 : f32
        %max3A_3039 = vector.broadcast %max3A_3038 : f32 to vector<16xf32>
        %max3A_3040 = arith.maximumf %get3A_3037, %max3A_3039 : vector<16xf32>
        %swap3A_3041 = arith.index_cast %scan3A_2986 : i32 to index
        %swap3A_3042 = arith.constant 64 : index
        %swap3A_3043 = tpu.vector_load %arg11[%swap3A_3041, %swap3A_3042] {strides = array<i32>} : memref<56x128xf32, #tpu.memory_space<vmem>>, vector<1x16xf32>,
        %swap3A_3044 = vector.shape_cast %swap3A_3043 : vector<1x16xf32> to vector<16xf32>
        %swap3A_3045 = vector.shape_cast %max3A_3040 : vector<16xf32> to vector<1x16xf32>
        tpu.vector_store %arg11[%swap3A_3041, %swap3A_3042], %swap3A_3045 {strides = array<i32>} : memref<56x128xf32, #tpu.memory_space<vmem>>, vector<1x16xf32>,
        %get3A_3046 = arith.index_cast %scan3A_2986 : i32 to index
        %get3A_3047 = arith.constant 80 : index
        %get3A_3048 = tpu.vector_load %arg11[%get3A_3046, %get3A_3047] {strides = array<i32>} : memref<56x128xf32, #tpu.memory_space<vmem>>, vector<1x16xf32>,
        %get3A_3049 = vector.shape_cast %get3A_3048 : vector<1x16xf32> to vector<16xf32>
        %max3A_3050 = arith.constant 0.000000e+00 : f32
        %max3A_3051 = vector.broadcast %max3A_3050 : f32 to vector<16xf32>
        %max3A_3052 = arith.maximumf %get3A_3049, %max3A_3051 : vector<16xf32>
        %swap3A_3053 = arith.index_cast %scan3A_2986 : i32 to index
        %swap3A_3054 = arith.constant 80 : index
        %swap3A_3055 = tpu.vector_load %arg11[%swap3A_3053, %swap3A_3054] {strides = array<i32>} : memref<56x128xf32, #tpu.memory_space<vmem>>, vector<1x16xf32>,
        %swap3A_3056 = vector.shape_cast %swap3A_3055 : vector<1x16xf32> to vector<16xf32>
        %swap3A_3057 = vector.shape_cast %max3A_3052 : vector<16xf32> to vector<1x16xf32>
        tpu.vector_store %arg11[%swap3A_3053, %swap3A_3054], %swap3A_3057 {strides = array<i32>} : memref<56x128xf32, #tpu.memory_space<vmem>>, vector<1x16xf32>,
        %get3A_3058 = arith.index_cast %scan3A_2986 : i32 to index
        %get3A_3059 = arith.constant 96 : index
        %get3A_3060 = tpu.vector_load %arg11[%get3A_3058, %get3A_3059] {strides = array<i32>} : memref<56x128xf32, #tpu.memory_space<vmem>>, vector<1x16xf32>,
        %get3A_3061 = vector.shape_cast %get3A_3060 : vector<1x16xf32> to vector<16xf32>
        %max3A_3062 = arith.constant 0.000000e+00 : f32
        %max3A_3063 = vector.broadcast %max3A_3062 : f32 to vector<16xf32>
        %max3A_3064 = arith.maximumf %get3A_3061, %max3A_3063 : vector<16xf32>
        %swap3A_3065 = arith.index_cast %scan3A_2986 : i32 to index
        %swap3A_3066 = arith.constant 96 : index
        %swap3A_3067 = tpu.vector_load %arg11[%swap3A_3065, %swap3A_3066] {strides = array<i32>} : memref<56x128xf32, #tpu.memory_space<vmem>>, vector<1x16xf32>,
        %swap3A_3068 = vector.shape_cast %swap3A_3067 : vector<1x16xf32> to vector<16xf32>
        %swap3A_3069 = vector.shape_cast %max3A_3064 : vector<16xf32> to vector<1x16xf32>
        tpu.vector_store %arg11[%swap3A_3065, %swap3A_3066], %swap3A_3069 {strides = array<i32>} : memref<56x128xf32, #tpu.memory_space<vmem>>, vector<1x16xf32>,
        %get3A_3070 = arith.index_cast %scan3A_2986 : i32 to index
        %get3A_3071 = arith.constant 112 : index
        %get3A_3072 = tpu.vector_load %arg11[%get3A_3070, %get3A_3071] {strides = array<i32>} : memref<56x128xf32, #tpu.memory_space<vmem>>, vector<1x16xf32>,
        %get3A_3073 = vector.shape_cast %get3A_3072 : vector<1x16xf32> to vector<16xf32>
        %max3A_3074 = arith.constant 0.000000e+00 : f32
        %max3A_3075 = vector.broadcast %max3A_3074 : f32 to vector<16xf32>
        %max3A_3076 = arith.maximumf %get3A_3073, %max3A_3075 : vector<16xf32>
        %swap3A_3077 = arith.index_cast %scan3A_2986 : i32 to index
        %swap3A_3078 = arith.constant 112 : index
        %swap3A_3079 = tpu.vector_load %arg11[%swap3A_3077, %swap3A_3078] {strides = array<i32>} : memref<56x128xf32, #tpu.memory_space<vmem>>, vector<1x16xf32>,
        %swap3A_3080 = vector.shape_cast %swap3A_3079 : vector<1x16xf32> to vector<16xf32>
        %swap3A_3081 = vector.shape_cast %max3A_3076 : vector<16xf32> to vector<1x16xf32>
        tpu.vector_store %arg11[%swap3A_3077, %swap3A_3078], %swap3A_3081 {strides = array<i32>} : memref<56x128xf32, #tpu.memory_space<vmem>>, vector<1x16xf32>,
        %scan3A_3082 = arith.constant 0 : i32
        scf.yield %scan3A_3082 : i32
      }
      %scan3A_2925 = arith.constant 56 : i32
      %dma_start3A_2926 = arith.constant 0 : i32
      %dma_start3A_2927 = tpu.memref_slice %arg8[%add3A_2912, %dma_start3A_2926] : memref<24x56xi32, #tpu.memory_space<vmem>> -> memref<1x56xi32, #tpu.memory_space<vmem>>
      %dma_start3A_2928 = tpu.memref_squeeze %dma_start3A_2927 : memref<1x56xi32, #tpu.memory_space<vmem>> -> memref<56xi32, #tpu.memory_space<vmem>>
      %dma_start3A_2929 = arith.constant 0 : i32
      %dma_start3A_2930 = arith.constant 0 : i32
      %dma_start3A_2931 = tpu.memref_slice %arg12[%dma_start3A_2929, %dma_start3A_2930] : memref<10112x128xf32, #tpu.memory_space<vmem_shared>> -> memref<10112x128xf32, #tpu.memory_space<vmem_shared>>
      tpu.enqueue_indirect_dma source(%arg11 : memref<56x128xf32, #tpu.memory_space<vmem>>) target(%dma_start3A_2931 : memref<10112x128xf32, #tpu.memory_space<vmem_shared>>) offsets(%dma_start3A_2928 : memref<56xi32, #tpu.memory_space<vmem>>) semaphore(%arg21 : memref<!tpu.dma_semaphore, #tpu.memory_space<semaphore_mem>>) {add = true}
      %rem3A_2932 = arith.constant 8 : i32
      %rem3A_2933 = arith.remsi %while3A_2784, %rem3A_2932 : i32
      %mul3A_2934 = arith.constant 3 : i32
      %mul3A_2935 = arith.muli %rem3A_2933, %mul3A_2934 : i32
      %add3A_2936 = arith.constant 0 : i32
      %add3A_2937 = arith.addi %mul3A_2935, %add3A_2936 : i32
      %dma_wait3A_2938 = arith.constant 0 : i32
      %dma_wait3A_2939 = tpu.memref_slice %arg8[%add3A_2937, %dma_wait3A_2938] : memref<24x56xi32, #tpu.memory_space<vmem>> -> memref<1x56xi32, #tpu.memory_space<vmem>>
      %dma_wait3A_2940 = tpu.memref_squeeze %dma_wait3A_2939 : memref<1x56xi32, #tpu.memory_space<vmem>> -> memref<56xi32, #tpu.memory_space<vmem>>
      %dma_wait3A_2941 = arith.constant 0 : i32
      %dma_wait3A_2942 = arith.constant 0 : i32
      %dma_wait3A_2943 = tpu.memref_slice %arg12[%dma_wait3A_2941, %dma_wait3A_2942] : memref<10112x128xf32, #tpu.memory_space<vmem_shared>> -> memref<10112x128xf32, #tpu.memory_space<vmem_shared>>
      tpu.wait_indirect_dma semaphore(%arg19 : memref<!tpu.dma_semaphore, #tpu.memory_space<semaphore_mem>>) src(%arg9 : memref<56x128xf32, #tpu.memory_space<vmem>>) dst(%dma_wait3A_2943 : memref<10112x128xf32, #tpu.memory_space<vmem_shared>>)
      %add3A_2944 = arith.constant 1 : i32
      %add3A_2945 = arith.addi %while3A_2784, %add3A_2944 : i32
      %lt3A = arith.cmpi slt, %add3A_2945, %select_n3A_8 : i32
      %convert_element_type3A_2946 = arith.extui %lt3A : i1 to i32
      %cond3A_2947 = arith.constant 0 : i32
      %cond3A_2948 = arith.cmpi ne, %convert_element_type3A_2946, %cond3A_2947 : i32
      scf.if %cond3A_2948 {
        %add3A_2986 = arith.constant 1 : i32
        %add3A_2987 = arith.addi %while3A_2784, %add3A_2986 : i32
        %mul3A_2988 = arith.constant 3 : i32
        %mul3A_2989 = arith.muli %add3A_2987, %mul3A_2988 : i32
        %add3A_2990 = arith.addi %select_n3A, %mul3A_2989 : i32
        %add3A_2991 = arith.constant 0 : i32
        %add3A_2992 = arith.addi %add3A_2990, %add3A_2991 : i32
        %mul3A_2993 = arith.constant 56 : i32
        %mul3A_2994 = arith.muli %add3A_2992, %mul3A_2993 : i32
        %dma_start3A_2995 = arith.constant 0 : i32
        %dma_start3A_2996 = tpu.memref_slice %arg3[%mul3A_2994, %dma_start3A_2995] : memref<322560x128xf32, #tpu.memory_space<hbm>> -> memref<56x128xf32, #tpu.memory_space<hbm>>
        %dma_start3A_2997 = arith.constant 0 : i32
        %dma_start3A_2998 = tpu.memref_slice %arg3[%mul3A_2994, %dma_start3A_2997] : memref<322560x128xf32, #tpu.memory_space<hbm>> -> memref<56x128xf32, #tpu.memory_space<hbm>>
        tpu.enqueue_dma source(%dma_start3A_2998 : memref<56x128xf32, #tpu.memory_space<hbm>>) target(%arg9 : memref<56x128xf32, #tpu.memory_space<vmem>>) target_semaphore(%arg13 : memref<!tpu.dma_semaphore, #tpu.memory_space<semaphore_mem>>)
      } else {
      }
      %rem3A_2949 = arith.constant 8 : i32
      %rem3A_2950 = arith.remsi %while3A_2784, %rem3A_2949 : i32
      %mul3A_2951 = arith.constant 3 : i32
      %mul3A_2952 = arith.muli %rem3A_2950, %mul3A_2951 : i32
      %add3A_2953 = arith.constant 1 : i32
      %add3A_2954 = arith.addi %mul3A_2952, %add3A_2953 : i32
      %dma_wait3A_2955 = arith.constant 0 : i32
      %dma_wait3A_2956 = tpu.memref_slice %arg8[%add3A_2954, %dma_wait3A_2955] : memref<24x56xi32, #tpu.memory_space<vmem>> -> memref<1x56xi32, #tpu.memory_space<vmem>>
      %dma_wait3A_2957 = tpu.memref_squeeze %dma_wait3A_2956 : memref<1x56xi32, #tpu.memory_space<vmem>> -> memref<56xi32, #tpu.memory_space<vmem>>
      %dma_wait3A_2958 = arith.constant 0 : i32
      %dma_wait3A_2959 = arith.constant 0 : i32
      %dma_wait3A_2960 = tpu.memref_slice %arg12[%dma_wait3A_2958, %dma_wait3A_2959] : memref<10112x128xf32, #tpu.memory_space<vmem_shared>> -> memref<10112x128xf32, #tpu.memory_space<vmem_shared>>
      tpu.wait_indirect_dma semaphore(%arg20 : memref<!tpu.dma_semaphore, #tpu.memory_space<semaphore_mem>>) src(%arg10 : memref<56x128xf32, #tpu.memory_space<vmem>>) dst(%dma_wait3A_2960 : memref<10112x128xf32, #tpu.memory_space<vmem_shared>>)
      %add3A_2961 = arith.constant 1 : i32
      %add3A_2962 = arith.addi %while3A_2784, %add3A_2961 : i32
      %lt3A_2963 = arith.cmpi slt, %add3A_2962, %select_n3A_8 : i32
      %convert_element_type3A_2964 = arith.extui %lt3A_2963 : i1 to i32
      %cond3A_2965 = arith.constant 0 : i32
      %cond3A_2966 = arith.cmpi ne, %convert_element_type3A_2964, %cond3A_2965 : i32
      scf.if %cond3A_2966 {
        %add3A_2986 = arith.constant 1 : i32
        %add3A_2987 = arith.addi %while3A_2784, %add3A_2986 : i32
        %mul3A_2988 = arith.constant 3 : i32
        %mul3A_2989 = arith.muli %add3A_2987, %mul3A_2988 : i32
        %add3A_2990 = arith.addi %select_n3A, %mul3A_2989 : i32
        %add3A_2991 = arith.constant 1 : i32
        %add3A_2992 = arith.addi %add3A_2990, %add3A_2991 : i32
        %mul3A_2993 = arith.constant 56 : i32
        %mul3A_2994 = arith.muli %add3A_2992, %mul3A_2993 : i32
        %dma_start3A_2995 = arith.constant 0 : i32
        %dma_start3A_2996 = tpu.memref_slice %arg3[%mul3A_2994, %dma_start3A_2995] : memref<322560x128xf32, #tpu.memory_space<hbm>> -> memref<56x128xf32, #tpu.memory_space<hbm>>
        %dma_start3A_2997 = arith.constant 0 : i32
        %dma_start3A_2998 = tpu.memref_slice %arg3[%mul3A_2994, %dma_start3A_2997] : memref<322560x128xf32, #tpu.memory_space<hbm>> -> memref<56x128xf32, #tpu.memory_space<hbm>>
        tpu.enqueue_dma source(%dma_start3A_2998 : memref<56x128xf32, #tpu.memory_space<hbm>>) target(%arg10 : memref<56x128xf32, #tpu.memory_space<vmem>>) target_semaphore(%arg14 : memref<!tpu.dma_semaphore, #tpu.memory_space<semaphore_mem>>)
      } else {
      }
      %rem3A_2967 = arith.constant 8 : i32
      %rem3A_2968 = arith.remsi %while3A_2784, %rem3A_2967 : i32
      %mul3A_2969 = arith.constant 3 : i32
      %mul3A_2970 = arith.muli %rem3A_2968, %mul3A_2969 : i32
      %add3A_2971 = arith.constant 2 : i32
      %add3A_2972 = arith.addi %mul3A_2970, %add3A_2971 : i32
      %dma_wait3A_2973 = arith.constant 0 : i32
      %dma_wait3A_2974 = tpu.memref_slice %arg8[%add3A_2972, %dma_wait3A_2973] : memref<24x56xi32, #tpu.memory_space<vmem>> -> memref<1x56xi32, #tpu.memory_space<vmem>>
      %dma_wait3A_2975 = tpu.memref_squeeze %dma_wait3A_2974 : memref<1x56xi32, #tpu.memory_space<vmem>> -> memref<56xi32, #tpu.memory_space<vmem>>
      %dma_wait3A_2976 = arith.constant 0 : i32
      %dma_wait3A_2977 = arith.constant 0 : i32
      %dma_wait3A_2978 = tpu.memref_slice %arg12[%dma_wait3A_2976, %dma_wait3A_2977] : memref<10112x128xf32, #tpu.memory_space<vmem_shared>> -> memref<10112x128xf32, #tpu.memory_space<vmem_shared>>
      tpu.wait_indirect_dma semaphore(%arg21 : memref<!tpu.dma_semaphore, #tpu.memory_space<semaphore_mem>>) src(%arg11 : memref<56x128xf32, #tpu.memory_space<vmem>>) dst(%dma_wait3A_2978 : memref<10112x128xf32, #tpu.memory_space<vmem_shared>>)
      %add3A_2979 = arith.constant 1 : i32
      %add3A_2980 = arith.addi %while3A_2784, %add3A_2979 : i32
      %lt3A_2981 = arith.cmpi slt, %add3A_2980, %select_n3A_8 : i32
      %convert_element_type3A_2982 = arith.extui %lt3A_2981 : i1 to i32
      %cond3A_2983 = arith.constant 0 : i32
      %cond3A_2984 = arith.cmpi ne, %convert_element_type3A_2982, %cond3A_2983 : i32
      scf.if %cond3A_2984 {
        %add3A_2986 = arith.constant 1 : i32
        %add3A_2987 = arith.addi %while3A_2784, %add3A_2986 : i32
        %mul3A_2988 = arith.constant 3 : i32
        %mul3A_2989 = arith.muli %add3A_2987, %mul3A_2988 : i32
        %add3A_2990 = arith.addi %select_n3A, %mul3A_2989 : i32
        %add3A_2991 = arith.constant 2 : i32
        %add3A_2992 = arith.addi %add3A_2990, %add3A_2991 : i32
        %mul3A_2993 = arith.constant 56 : i32
        %mul3A_2994 = arith.muli %add3A_2992, %mul3A_2993 : i32
        %dma_start3A_2995 = arith.constant 0 : i32
        %dma_start3A_2996 = tpu.memref_slice %arg3[%mul3A_2994, %dma_start3A_2995] : memref<322560x128xf32, #tpu.memory_space<hbm>> -> memref<56x128xf32, #tpu.memory_space<hbm>>
        %dma_start3A_2997 = arith.constant 0 : i32
        %dma_start3A_2998 = tpu.memref_slice %arg3[%mul3A_2994, %dma_start3A_2997] : memref<322560x128xf32, #tpu.memory_space<hbm>> -> memref<56x128xf32, #tpu.memory_space<hbm>>
        tpu.enqueue_dma source(%dma_start3A_2998 : memref<56x128xf32, #tpu.memory_space<hbm>>) target(%arg11 : memref<56x128xf32, #tpu.memory_space<vmem>>) target_semaphore(%arg15 : memref<!tpu.dma_semaphore, #tpu.memory_space<semaphore_mem>>)
      } else {
      }
      %while3A_2985 = arith.constant 0 : i32
      scf.yield %while3A_2985 : i32
    }
    %barrier3A_2779 = arith.constant 0 : index
    tpu.barrier barrier_id(%barrier3A_2779)
    %mul3A_2780 = arith.constant 632 : i32
    %mul3A_2781 = arith.muli %arg1, %mul3A_2780 : i32
    %mul3A_2782 = arith.constant 632 : i32
    %mul3A_2783 = arith.muli %arg1, %mul3A_2782 : i32
    "tpu.region"() ({
      %run_scoped3A = tpu.sem_alloc : memref<!tpu.dma_semaphore, #tpu.memory_space<semaphore_mem>>
      %dma_start3A_2784 = arith.constant 0 : i32
      %dma_start3A_2785 = tpu.memref_slice %arg6[%arg0, %mul3A_2783, %dma_start3A_2784] : memref<2x10112x128xf32, #tpu.memory_space<hbm>> -> memref<1x632x128xf32, #tpu.memory_space<hbm>>
      %dma_start3A_2786 = tpu.memref_squeeze %dma_start3A_2785 : memref<1x632x128xf32, #tpu.memory_space<hbm>> -> memref<632x128xf32, #tpu.memory_space<hbm>>
      %dma_start3A_2787 = arith.constant 0 : i32
      %dma_start3A_2788 = tpu.memref_slice %arg12[%mul3A_2781, %dma_start3A_2787] : memref<10112x128xf32, #tpu.memory_space<vmem_shared>> -> memref<632x128xf32, #tpu.memory_space<vmem_shared>>
      tpu.enqueue_dma source(%dma_start3A_2788 : memref<632x128xf32, #tpu.memory_space<vmem_shared>>) target(%dma_start3A_2786 : memref<632x128xf32, #tpu.memory_space<hbm>>) target_semaphore(%run_scoped3A : memref<!tpu.dma_semaphore, #tpu.memory_space<semaphore_mem>>)
      %dma_wait3A = arith.constant 0 : i32
      %dma_wait3A_2789 = tpu.memref_slice %arg6[%arg0, %mul3A_2783, %dma_wait3A] : memref<2x10112x128xf32, #tpu.memory_space<hbm>> -> memref<1x632x128xf32, #tpu.memory_space<hbm>>
      %dma_wait3A_2790 = tpu.memref_squeeze %dma_wait3A_2789 : memref<1x632x128xf32, #tpu.memory_space<hbm>> -> memref<632x128xf32, #tpu.memory_space<hbm>>
      %dma_wait3A_2791 = arith.constant 0 : i32
      %dma_wait3A_2792 = tpu.memref_slice %arg12[%mul3A_2781, %dma_wait3A_2791] : memref<10112x128xf32, #tpu.memory_space<vmem_shared>> -> memref<632x128xf32, #tpu.memory_space<vmem_shared>>
      tpu.wait_dma2 semaphore(%run_scoped3A : memref<!tpu.dma_semaphore, #tpu.memory_space<semaphore_mem>>) src(%dma_wait3A_2792 : memref<632x128xf32, #tpu.memory_space<vmem_shared>>) dst(%dma_wait3A_2790 : memref<632x128xf32, #tpu.memory_space<hbm>>)
      tpu.yield
    }) : () -> ()
    return
  }
}

module attributes {stable_mosaic.version = 14 : i64} {
  func.func @_proj_body(%arg0: i32, %arg1: memref<1920x16xf32, #tpu.memory_space<vmem>>, %arg2: memref<16x128xf32, #tpu.memory_space<vmem>>, %arg3: memref<1x128xf32, #tpu.memory_space<vmem>>, %arg4: memref<1920x128xf32, #tpu.memory_space<vmem>>) attributes {dimension_semantics = [#tpu.dimension_semantics<arbitrary>], iteration_bounds = array<i64: 168>, scalar_prefetch = 0 : i64, scratch_operands = 0 : i64, tpu.core_type = #tpu.core_type<tc>, window_params = [{transform_indices = @transform_0, window_bounds = array<i64: 1920, 16>}, {pipeline_mode = #tpu.pipeline_mode<synchronous>, transform_indices = @transform_1, window_bounds = array<i64: 16, 128>}, {pipeline_mode = #tpu.pipeline_mode<synchronous>, transform_indices = @transform_2, window_bounds = array<i64: 1, 128>}, {transform_indices = @transform_3, window_bounds = array<i64: 1920, 128>}]} {
    %get3A = arith.constant 0 : index
    %get3A_0 = arith.constant 0 : index
    %get3A_1 = vector.load %arg1[%get3A, %get3A_0] : memref<1920x16xf32, #tpu.memory_space<vmem>>, vector<1920x16xf32>
    %get3A_2 = arith.constant 0 : index
    %get3A_3 = arith.constant 0 : index
    %get3A_4 = vector.load %arg2[%get3A_2, %get3A_3] : memref<16x128xf32, #tpu.memory_space<vmem>>, vector<16x128xf32>
    %dot_general3A = arith.constant dense<0.000000e+00> : vector<1920x128xf32>
    %dot_general3A_5 = tpu.matmul %get3A_1, %get3A_4, %dot_general3A {dimension_numbers = #tpu.dot_dimension_numbers<[1], [0], [0], [1], [0, 0, 1, 1], [], []>, transpose_lhs_hint = false} : vector<1920x16xf32>, vector<16x128xf32>, vector<1920x128xf32> -> vector<1920x128xf32>
    %get3A_6 = arith.constant 0 : index
    %get3A_7 = arith.constant 0 : index
    %get3A_8 = vector.load %arg3[%get3A_6, %get3A_7] : memref<1x128xf32, #tpu.memory_space<vmem>>, vector<1x128xf32>
    %add3A = vector.broadcast %get3A_8 : vector<1x128xf32> to vector<1920x128xf32>
    %add3A_9 = arith.addf %dot_general3A_5, %add3A : vector<1920x128xf32>
    %swap3A = arith.constant 0 : index
    %swap3A_10 = arith.constant 0 : index
    %swap3A_11 = vector.load %arg4[%swap3A, %swap3A_10] : memref<1920x128xf32, #tpu.memory_space<vmem>>, vector<1920x128xf32>
    tpu.vector_store %arg4[%swap3A, %swap3A_10], %add3A_9 {strides = array<i32>} : memref<1920x128xf32, #tpu.memory_space<vmem>>, vector<1920x128xf32>,
    return
  }
  func.func @transform_0(%arg0: i32) -> (i32, i32) {
    %c0_i32 = arith.constant 0 : i32
    %c0_i32_0 = arith.constant 0 : i32
    return %arg0, %c0_i32 : i32, i32
  }
  func.func @transform_1(%arg0: i32) -> (i32, i32) {
    %c0_i32 = arith.constant 0 : i32
    %c0_i32_0 = arith.constant 0 : i32
    %c0_i32_1 = arith.constant 0 : i32
    return %c0_i32, %c0_i32_0 : i32, i32
  }
  func.func @transform_2(%arg0: i32) -> (i32, i32) {
    %c0_i32 = arith.constant 0 : i32
    %c0_i32_0 = arith.constant 0 : i32
    %c0_i32_1 = arith.constant 0 : i32
    return %c0_i32, %c0_i32_0 : i32, i32
  }
  func.func @transform_3(%arg0: i32) -> (i32, i32) {
    %c0_i32 = arith.constant 0 : i32
    %c0_i32_0 = arith.constant 0 : i32
    return %arg0, %c0_i32 : i32, i32
  }
}

module attributes {stable_mosaic.version = 14 : i64} {
  func.func @_proj_body(%arg0: i32, %arg1: memref<1000x128xf32, #tpu.memory_space<vmem>>, %arg2: memref<128x128xf32, #tpu.memory_space<vmem>>, %arg3: memref<1x128xf32, #tpu.memory_space<vmem>>, %arg4: memref<1000x128xf32, #tpu.memory_space<vmem>>) attributes {dimension_semantics = [#tpu.dimension_semantics<arbitrary>], iteration_bounds = array<i64: 10>, scalar_prefetch = 0 : i64, scratch_operands = 0 : i64, tpu.core_type = #tpu.core_type<tc>, window_params = [{transform_indices = @transform_0, window_bounds = array<i64: 1000, 128>}, {pipeline_mode = #tpu.pipeline_mode<synchronous>, transform_indices = @transform_1, window_bounds = array<i64: 128, 128>}, {pipeline_mode = #tpu.pipeline_mode<synchronous>, transform_indices = @transform_2, window_bounds = array<i64: 1, 128>}, {transform_indices = @transform_3, window_bounds = array<i64: 1000, 128>}]} {
    %get3A = arith.constant 0 : index
    %get3A_0 = arith.constant 0 : index
    %get3A_1 = vector.load %arg1[%get3A, %get3A_0] : memref<1000x128xf32, #tpu.memory_space<vmem>>, vector<1000x128xf32>
    %get3A_2 = arith.constant 0 : index
    %get3A_3 = arith.constant 0 : index
    %get3A_4 = vector.load %arg2[%get3A_2, %get3A_3] : memref<128x128xf32, #tpu.memory_space<vmem>>, vector<128x128xf32>
    %dot_general3A = arith.constant dense<0.000000e+00> : vector<1000x128xf32>
    %dot_general3A_5 = tpu.matmul %get3A_1, %get3A_4, %dot_general3A {dimension_numbers = #tpu.dot_dimension_numbers<[1], [0], [0], [1], [0, 0, 1, 1], [], []>, transpose_lhs_hint = false} : vector<1000x128xf32>, vector<128x128xf32>, vector<1000x128xf32> -> vector<1000x128xf32>
    %get3A_6 = arith.constant 0 : index
    %get3A_7 = arith.constant 0 : index
    %get3A_8 = vector.load %arg3[%get3A_6, %get3A_7] : memref<1x128xf32, #tpu.memory_space<vmem>>, vector<1x128xf32>
    %add3A = vector.broadcast %get3A_8 : vector<1x128xf32> to vector<1000x128xf32>
    %add3A_9 = arith.addf %dot_general3A_5, %add3A : vector<1000x128xf32>
    %swap3A = arith.constant 0 : index
    %swap3A_10 = arith.constant 0 : index
    %swap3A_11 = vector.load %arg4[%swap3A, %swap3A_10] : memref<1000x128xf32, #tpu.memory_space<vmem>>, vector<1000x128xf32>
    tpu.vector_store %arg4[%swap3A, %swap3A_10], %add3A_9 {strides = array<i32>} : memref<1000x128xf32, #tpu.memory_space<vmem>>, vector<1000x128xf32>,
    return
  }
  func.func @transform_0(%arg0: i32) -> (i32, i32) {
    %c0_i32 = arith.constant 0 : i32
    %c0_i32_0 = arith.constant 0 : i32
    return %arg0, %c0_i32 : i32, i32
  }
  func.func @transform_1(%arg0: i32) -> (i32, i32) {
    %c0_i32 = arith.constant 0 : i32
    %c0_i32_0 = arith.constant 0 : i32
    %c0_i32_1 = arith.constant 0 : i32
    return %c0_i32, %c0_i32_0 : i32, i32
  }
  func.func @transform_2(%arg0: i32) -> (i32, i32) {
    %c0_i32 = arith.constant 0 : i32
    %c0_i32_0 = arith.constant 0 : i32
    %c0_i32_1 = arith.constant 0 : i32
    return %c0_i32, %c0_i32_0 : i32, i32
  }
  func.func @transform_3(%arg0: i32) -> (i32, i32) {
    %c0_i32 = arith.constant 0 : i32
    %c0_i32_0 = arith.constant 0 : i32
    return %arg0, %c0_i32 : i32, i32
  }
}

module attributes {stable_mosaic.version = 14 : i64} {
  func.func @_mlp_body(%arg0: i32, %arg1: memref<1000x128xf32, #tpu.memory_space<vmem>>, %arg2: memref<2x1000x128xf32, #tpu.memory_space<vmem>>, %arg3: memref<128x64xf32, #tpu.memory_space<vmem>>, %arg4: memref<1x64xf32, #tpu.memory_space<vmem>>, %arg5: memref<64x128xf32, #tpu.memory_space<vmem>>, %arg6: memref<1x128xf32, #tpu.memory_space<vmem>>, %arg7: memref<1x128xf32, #tpu.memory_space<vmem>>, %arg8: memref<1x128xf32, #tpu.memory_space<vmem>>, %arg9: memref<1000x128xf32, #tpu.memory_space<vmem>>) attributes {dimension_semantics = [#tpu.dimension_semantics<arbitrary>], iteration_bounds = array<i64: 10>, scalar_prefetch = 0 : i64, scratch_operands = 0 : i64, tpu.core_type = #tpu.core_type<tc>, window_params = [{transform_indices = @transform_0, window_bounds = array<i64: 1000, 128>}, {transform_indices = @transform_1, window_bounds = array<i64: 2, 1000, 128>}, {pipeline_mode = #tpu.pipeline_mode<synchronous>, transform_indices = @transform_2, window_bounds = array<i64: 128, 64>}, {pipeline_mode = #tpu.pipeline_mode<synchronous>, transform_indices = @transform_3, window_bounds = array<i64: 1, 64>}, {pipeline_mode = #tpu.pipeline_mode<synchronous>, transform_indices = @transform_4, window_bounds = array<i64: 64, 128>}, {pipeline_mode = #tpu.pipeline_mode<synchronous>, transform_indices = @transform_5, window_bounds = array<i64: 1, 128>}, {pipeline_mode = #tpu.pipeline_mode<synchronous>, transform_indices = @transform_6, window_bounds = array<i64: 1, 128>}, {pipeline_mode = #tpu.pipeline_mode<synchronous>, transform_indices = @transform_7, window_bounds = array<i64: 1, 128>}, {transform_indices = @transform_8, window_bounds = array<i64: 1000, 128>}]} {
    %get3A = arith.constant 0 : index
    %get3A_0 = arith.constant 0 : index
    %get3A_1 = vector.load %arg1[%get3A, %get3A_0] : memref<1000x128xf32, #tpu.memory_space<vmem>>, vector<1000x128xf32>
    %get3A_2 = arith.constant 0 : index
    %get3A_3 = arith.constant 0 : index
    %get3A_4 = arith.constant 0 : index
    %get3A_5 = vector.load %arg2[%get3A_2, %get3A_3, %get3A_4] : memref<2x1000x128xf32, #tpu.memory_space<vmem>>, vector<1x1000x128xf32>
    %get3A_6 = vector.shape_cast %get3A_5 : vector<1x1000x128xf32> to vector<1000x128xf32>
    %add3A = arith.addf %get3A_1, %get3A_6 : vector<1000x128xf32>
    %get3A_7 = arith.constant 1 : index
    %get3A_8 = arith.constant 0 : index
    %get3A_9 = arith.constant 0 : index
    %get3A_10 = vector.load %arg2[%get3A_7, %get3A_8, %get3A_9] : memref<2x1000x128xf32, #tpu.memory_space<vmem>>, vector<1x1000x128xf32>
    %get3A_11 = vector.shape_cast %get3A_10 : vector<1x1000x128xf32> to vector<1000x128xf32>
    %add3A_12 = arith.addf %add3A, %get3A_11 : vector<1000x128xf32>
    %get3A_13 = arith.constant 0 : index
    %get3A_14 = arith.constant 0 : index
    %get3A_15 = vector.load %arg3[%get3A_13, %get3A_14] : memref<128x64xf32, #tpu.memory_space<vmem>>, vector<128x64xf32>
    %dot_general3A = arith.constant dense<0.000000e+00> : vector<1000x64xf32>
    %dot_general3A_16 = tpu.matmul %add3A_12, %get3A_15, %dot_general3A {dimension_numbers = #tpu.dot_dimension_numbers<[1], [0], [0], [1], [0, 0, 1, 1], [], []>, transpose_lhs_hint = false} : vector<1000x128xf32>, vector<128x64xf32>, vector<1000x64xf32> -> vector<1000x64xf32>
    %get3A_17 = arith.constant 0 : index
    %get3A_18 = arith.constant 0 : index
    %get3A_19 = vector.load %arg4[%get3A_17, %get3A_18] : memref<1x64xf32, #tpu.memory_space<vmem>>, vector<1x64xf32>
    %add3A_20 = vector.broadcast %get3A_19 : vector<1x64xf32> to vector<1000x64xf32>
    %add3A_21 = arith.addf %dot_general3A_16, %add3A_20 : vector<1000x64xf32>
    %integer_pow3A = arith.mulf %add3A_21, %add3A_21 : vector<1000x64xf32>
    %integer_pow3A_22 = arith.mulf %add3A_21, %integer_pow3A : vector<1000x64xf32>
    %mul3A = arith.constant 4.471500e-02 : f32
    %mul3A_23 = vector.broadcast %mul3A : f32 to vector<1000x64xf32>
    %mul3A_24 = arith.mulf %mul3A_23, %integer_pow3A_22 : vector<1000x64xf32>
    %add3A_25 = arith.addf %add3A_21, %mul3A_24 : vector<1000x64xf32>
    %mul3A_26 = arith.constant 0.797884583 : f32
    %mul3A_27 = vector.broadcast %mul3A_26 : f32 to vector<1000x64xf32>
    %mul3A_28 = arith.mulf %mul3A_27, %add3A_25 : vector<1000x64xf32>
    %tanh3A = math.tanh %mul3A_28 : vector<1000x64xf32>
    %add3A_29 = arith.constant 1.000000e+00 : f32
    %add3A_30 = vector.broadcast %add3A_29 : f32 to vector<1000x64xf32>
    %add3A_31 = arith.addf %add3A_30, %tanh3A : vector<1000x64xf32>
    %mul3A_32 = arith.constant 5.000000e-01 : f32
    %mul3A_33 = vector.broadcast %mul3A_32 : f32 to vector<1000x64xf32>
    %mul3A_34 = arith.mulf %mul3A_33, %add3A_31 : vector<1000x64xf32>
    %mul3A_35 = arith.mulf %add3A_21, %mul3A_34 : vector<1000x64xf32>
    %get3A_36 = arith.constant 0 : index
    %get3A_37 = arith.constant 0 : index
    %get3A_38 = vector.load %arg5[%get3A_36, %get3A_37] : memref<64x128xf32, #tpu.memory_space<vmem>>, vector<64x128xf32>
    %dot_general3A_39 = arith.constant dense<0.000000e+00> : vector<1000x128xf32>
    %dot_general3A_40 = tpu.matmul %mul3A_35, %get3A_38, %dot_general3A_39 {dimension_numbers = #tpu.dot_dimension_numbers<[1], [0], [0], [1], [0, 0, 1, 1], [], []>, transpose_lhs_hint = false} : vector<1000x64xf32>, vector<64x128xf32>, vector<1000x128xf32> -> vector<1000x128xf32>
    %get3A_41 = arith.constant 0 : index
    %get3A_42 = arith.constant 0 : index
    %get3A_43 = vector.load %arg6[%get3A_41, %get3A_42] : memref<1x128xf32, #tpu.memory_space<vmem>>, vector<1x128xf32>
    %add3A_44 = vector.broadcast %get3A_43 : vector<1x128xf32> to vector<1000x128xf32>
    %add3A_45 = arith.addf %dot_general3A_40, %add3A_44 : vector<1000x128xf32>
    %add3A_46 = arith.addf %add3A_45, %get3A_1 : vector<1000x128xf32>
    %reduce_sum3A = arith.constant dense<0.000000e+00> : vector<1000xf32>
    %reduce_sum3A_47 = vector.multi_reduction <add>, %add3A_46, %reduce_sum3A [1] : vector<1000x128xf32> to vector<1000xf32>
    %broadcast_in_dim3A = vector.shape_cast %reduce_sum3A_47 : vector<1000xf32> to vector<1000x1xf32>
    %div3A = arith.constant 1.280000e+02 : f32
    %div3A_48 = vector.broadcast %div3A : f32 to vector<1000x1xf32>
    %div3A_49 = arith.divf %broadcast_in_dim3A, %div3A_48 : vector<1000x1xf32>
    %sub3A = vector.broadcast %div3A_49 : vector<1000x1xf32> to vector<1000x128xf32>
    %sub3A_50 = arith.subf %add3A_46, %sub3A : vector<1000x128xf32>
    %integer_pow3A_51 = arith.mulf %sub3A_50, %sub3A_50 : vector<1000x128xf32>
    %reduce_sum3A_52 = arith.constant dense<0.000000e+00> : vector<1000xf32>
    %reduce_sum3A_53 = vector.multi_reduction <add>, %integer_pow3A_51, %reduce_sum3A_52 [1] : vector<1000x128xf32> to vector<1000xf32>
    %broadcast_in_dim3A_54 = vector.shape_cast %reduce_sum3A_53 : vector<1000xf32> to vector<1000x1xf32>
    %div3A_55 = arith.constant 1.280000e+02 : f32
    %div3A_56 = vector.broadcast %div3A_55 : f32 to vector<1000x1xf32>
    %div3A_57 = arith.divf %broadcast_in_dim3A_54, %div3A_56 : vector<1000x1xf32>
    %sub3A_58 = vector.broadcast %div3A_49 : vector<1000x1xf32> to vector<1000x128xf32>
    %sub3A_59 = arith.subf %add3A_46, %sub3A_58 : vector<1000x128xf32>
    %add3A_60 = arith.constant 9.99999974E-6 : f32
    %add3A_61 = vector.broadcast %add3A_60 : f32 to vector<1000x1xf32>
    %add3A_62 = arith.addf %div3A_57, %add3A_61 : vector<1000x1xf32>
    %sqrt3A = math.sqrt %add3A_62 : vector<1000x1xf32>
    %div3A_63 = vector.broadcast %sqrt3A : vector<1000x1xf32> to vector<1000x128xf32>
    %div3A_64 = arith.divf %sub3A_59, %div3A_63 : vector<1000x128xf32>
    %get3A_65 = arith.constant 0 : index
    %get3A_66 = arith.constant 0 : index
    %get3A_67 = vector.load %arg7[%get3A_65, %get3A_66] : memref<1x128xf32, #tpu.memory_space<vmem>>, vector<1x128xf32>
    %mul3A_68 = vector.broadcast %get3A_67 : vector<1x128xf32> to vector<1000x128xf32>
    %mul3A_69 = arith.mulf %div3A_64, %mul3A_68 : vector<1000x128xf32>
    %get3A_70 = arith.constant 0 : index
    %get3A_71 = arith.constant 0 : index
    %get3A_72 = vector.load %arg8[%get3A_70, %get3A_71] : memref<1x128xf32, #tpu.memory_space<vmem>>, vector<1x128xf32>
    %add3A_73 = vector.broadcast %get3A_72 : vector<1x128xf32> to vector<1000x128xf32>
    %add3A_74 = arith.addf %mul3A_69, %add3A_73 : vector<1000x128xf32>
    %swap3A = arith.constant 0 : index
    %swap3A_75 = arith.constant 0 : index
    %swap3A_76 = vector.load %arg9[%swap3A, %swap3A_75] : memref<1000x128xf32, #tpu.memory_space<vmem>>, vector<1000x128xf32>
    tpu.vector_store %arg9[%swap3A, %swap3A_75], %add3A_74 {strides = array<i32>} : memref<1000x128xf32, #tpu.memory_space<vmem>>, vector<1000x128xf32>,
    return
  }
  func.func @transform_0(%arg0: i32) -> (i32, i32) {
    %c0_i32 = arith.constant 0 : i32
    %c0_i32_0 = arith.constant 0 : i32
    return %arg0, %c0_i32 : i32, i32
  }
  func.func @transform_1(%arg0: i32) -> (i32, i32, i32) {
    %c0_i32 = arith.constant 0 : i32
    %c0_i32_0 = arith.constant 0 : i32
    %c0_i32_1 = arith.constant 0 : i32
    return %c0_i32, %arg0, %c0_i32_0 : i32, i32, i32
  }
  func.func @transform_2(%arg0: i32) -> (i32, i32) {
    %c0_i32 = arith.constant 0 : i32
    %c0_i32_0 = arith.constant 0 : i32
    %c0_i32_1 = arith.constant 0 : i32
    return %c0_i32, %c0_i32_0 : i32, i32
  }
  func.func @transform_3(%arg0: i32) -> (i32, i32) {
    %c0_i32 = arith.constant 0 : i32
    %c0_i32_0 = arith.constant 0 : i32
    %c0_i32_1 = arith.constant 0 : i32
    return %c0_i32, %c0_i32_0 : i32, i32
  }
  func.func @transform_4(%arg0: i32) -> (i32, i32) {
    %c0_i32 = arith.constant 0 : i32
    %c0_i32_0 = arith.constant 0 : i32
    %c0_i32_1 = arith.constant 0 : i32
    return %c0_i32, %c0_i32_0 : i32, i32
  }
  func.func @transform_5(%arg0: i32) -> (i32, i32) {
    %c0_i32 = arith.constant 0 : i32
    %c0_i32_0 = arith.constant 0 : i32
    %c0_i32_1 = arith.constant 0 : i32
    return %c0_i32, %c0_i32_0 : i32, i32
  }
  func.func @transform_6(%arg0: i32) -> (i32, i32) {
    %c0_i32 = arith.constant 0 : i32
    %c0_i32_0 = arith.constant 0 : i32
    %c0_i32_1 = arith.constant 0 : i32
    return %c0_i32, %c0_i32_0 : i32, i32
  }
  func.func @transform_7(%arg0: i32) -> (i32, i32) {
    %c0_i32 = arith.constant 0 : i32
    %c0_i32_0 = arith.constant 0 : i32
    %c0_i32_1 = arith.constant 0 : i32
    return %c0_i32, %c0_i32_0 : i32, i32
  }
  func.func @transform_8(%arg0: i32) -> (i32, i32) {
    %c0_i32 = arith.constant 0 : i32
    %c0_i32_0 = arith.constant 0 : i32
    return %arg0, %c0_i32 : i32, i32
  }
}

</mosaic_0001>

<sc_bundles>
// kernel: closed_call.9.cloned.1.call-start
scs
__scs_entry_jumppad:
0x0: {  	(pc) =	sbr.rel $0x88, $3  }
0x1: {  	(tag) =	ssettag $0x0;
	lr =	simm.s32 $0x1  }
0x2: {  	[smem:$0x3F94] =	sst lr;
	_ =	strace $0xD0000000  }
0x3: {  	_ = 	snop  }
0x4: {  	_ = 	snop  }
0x5: {  	_ = 	snop  }
0x6: {  	_ = 	snop  }
0x7: {  	_ = 	snop  }
__scs_overlays_trampoline_lowered:
0x8: {  	[smem:$0x3FA3] =	sst s0  }
0x9: {  	[smem:$0x3FA4] =	sst s1  }
0xa: {  	[smem:$0x3FA5] =	sst s2  }
0xb: {  	[smem:$0x3FA6] =	sst s3  }
0xc: {  	[smem:$0x3FA7] =	sst s4  }
0xd: {  	[smem:$0x3FA8] =	sst s5  }
0xe: {  	[smem:$0x3FA9] =	sst s6  }
0xf: {  	[smem:$0x3FAA] =	sst s7  }
0x10: {  	[smem:$0x3FAB] =	sst s8  }
0x11: {  	[smem:$0x3FAC] =	sst s9;
	s0 =	simm.s32 @!p0 $0x0  }
0x12: {  	s1 =	sld [smem:$0x3F92];
	s0 =	simm.s32 @p0 $0x1  }
0x13: {  	[smem:$0x3FAD] =	sst s0;
	s0 =	simm.s32 @!p1 $0x0  }
0x14: {  	s2 =	sld [smem:$0x3F91];
	s0 =	simm.s32 @p1 $0x1  }
0x15: {  	[smem:$0x3FAE] =	sst s0;
	s0 =	simm.s32 @!p2 $0x0  }
0x16: {  	s3 =	sld [smem:$0x3FDB];
	s0 =	simm.s32 @p2 $0x1  }
0x17: {  	s4 =	simm.s32 $0x1BF5;
	[smem:$0x3FB0] =	sst s0  }
0x18: {  	s0 =	sld [smem:$0x3F93];
	_ =	swait.ge [sflag:s4], $0x0  }
0x19: {  	s7 =	sld [smem:$0x3F94]  }
0x1a: {  	s8 =	sadd.s32 $0xFFFFE003, lr  }
0x1b: {  	s9 =	sadd.s32 $0xFFFFFEF7, lr;
	s5 =	simm.s32 $0xFFFFFFFF;
	p2 =	slt.u32 s8, $0xFFFFF086  }
0x1c: {  	p1 =	slt.u32 s9, $0xF7A;
	s5 =	simm.s32 @!p2 $0x0  }
0x1d: {  	s5 =	simm.s32 @p1 $0x1;
	p0 =	seq.s32 s7, s2  }
0x1e: {  	s7 =	smul.u32 @!p0 $0xF7A, s2;
	p2 =	seq.s32 @!p0 s5, $0x0  }
0x1f: {  	s9 =	smul.u32 $0xF7A, s1;
	s8 =	simm.s32 @!p0 $0x1BF5;
	p2 =	por !p2, p0  }
0x20: {  	[sflag:s8] =	ssyncset.s32 @!p0 $0xFFFFF086;
	s6 =	sadd.s32 @!p0 s3, s7;
	s7 =	simm.s32 @!p0 $0x108  }
0x21: {  	s3 =	sadd.s32 s3, s9;
	s6 =	sadd.s32 @!p0 $0x88, s6;
	s7 =	simm.s32 @p2 $0x1082  }
0x22: {  	[simem:s7], [sflag:s8] =	dma.local @!p0 [hbm:s6], $0xF7A  }
0x23: {  	s9 =	sor.u32 $0xD0000000, s2;
	s6 =	simm.s32 $0x108;
	_ =	swait.ge @!p0 [sflag:s8], $0x0  }
0x24: {  	s3 =	sadd.s32 $0x88, s3;
	s6 =	simm.s32 @!p1 $0x1082;
	[sflag:s4] =	ssyncset.s32 $0xFFFFF086  }
0x25: {  	[simem:s6], [sflag:s4] =	dma.local [hbm:s3], $0xF7A  }
0x26: {  	[smem:$0x3F94] =	sst s1;
	(tag) =	ssettag s2;
	_ =	strace s9  }
0x27: {  	s1 =	sld [smem:$0x3FA4]  }
0x28: {  	s2 =	sld [smem:$0x3FA5]  }
0x29: {  	s4 =	sld [smem:$0x3FA7]  }
0x2a: {  	p0 =	seq.s32 s5, $0x0;
	s5 =	sld [smem:$0x3FA8]  }
0x2b: {  	s6 =	sld [smem:$0x3FA9]  }
0x2c: {  	s7 =	sld [smem:$0x3FAA]  }
0x2d: {  	s3 =	simm.s32 $0x108;
	s8 =	sld [smem:$0x3FAB]  }
0x2e: {  	s3 =	simm.s32 @!p0 $0x1082;
	s9 =	sld [smem:$0x3FAC]  }
0x2f: {  	lr =	sadd.s32 s0, s3;
	s0 =	sld [smem:$0x3FA3]  }
0x30: {  	s3 =	sld [smem:$0x3FA6]  }
0x31: {  	[smem:$0x3FAF] =	sst s10  }
0x32: {  	s10 =	sld [smem:$0x3FAD];
	_ =	sdelay $0x3  }
0x33: {  	p0 =	seq.s32 s10, $0x1;
	s10 =	sld [smem:$0x3FAF];
	_ =	sdelay $0x3  }
0x34: {  	[smem:$0x3FAF] =	sst s10  }
0x35: {  	s10 =	sld [smem:$0x3FAE];
	_ =	sdelay $0x3  }
0x36: {  	p1 =	seq.s32 s10, $0x1;
	s10 =	sld [smem:$0x3FAF];
	_ =	sdelay $0x3  }
0x37: {  	[smem:$0x3FAF] =	sst s10  }
0x38: {  	s10 =	sld [smem:$0x3FB0]  }
0x39: {  	_ = 	snop;
	(pc) =	sbr.ind lr, $3  }
0x3a: {  	_ = 	snop  }
0x3b: {  	_ = 	snop  }
0x3c: {  	p2 =	seq.s32 s10, $0x1;
	s10 =	sld [smem:$0x3FAF]  }
0x3d: {  	_ =	shalt  }
0x3e: {  	_ =	shalt  }
0x3f: {  	_ =	shalt  }
0x40: {  	_ =	shalt  }
0x41: {  	_ =	shalt  }
0x42: {  	_ =	shalt  }
0x43: {  	_ =	shalt  }
0x44: {  	_ =	shalt  }
0x45: {  	_ =	shalt  }
0x46: {  	_ =	shalt  }
0x47: {  	_ =	shalt  }
0x48: {  	_ =	shalt  }
0x49: {  	_ =	shalt  }
0x4a: {  	_ =	shalt  }
0x4b: {  	_ =	shalt  }
0x4c: {  	_ =	shalt  }
0x4d: {  	_ =	shalt  }
0x4e: {  	_ =	shalt  }
0x4f: {  	_ =	shalt  }
0x50: {  	_ =	shalt  }
0x51: {  	_ =	shalt  }
0x52: {  	_ =	shalt  }
0x53: {  	_ =	shalt  }
0x54: {  	_ =	shalt  }
0x55: {  	_ =	shalt  }
0x56: {  	_ =	shalt  }
0x57: {  	_ =	shalt  }
0x58: {  	_ =	shalt  }
0x59: {  	_ =	shalt  }
0x5a: {  	_ =	shalt  }
0x5b: {  	_ =	shalt  }
0x5c: {  	_ =	shalt  }
0x5d: {  	_ =	shalt  }
0x5e: {  	_ =	shalt  }
0x5f: {  	_ =	shalt  }
0x60: {  	_ =	shalt  }
0x61: {  	_ =	shalt  }
0x62: {  	_ =	shalt  }
0x63: {  	_ =	shalt  }
0x64: {  	_ =	shalt  }
0x65: {  	_ =	shalt  }
0x66: {  	_ =	shalt  }
0x67: {  	_ =	shalt  }
0x68: {  	_ =	shalt  }
0x69: {  	_ =	shalt  }
0x6a: {  	_ =	shalt  }
0x6b: {  	_ =	shalt  }
0x6c: {  	_ =	shalt  }
0x6d: {  	_ =	shalt  }
0x6e: {  	_ =	shalt  }
0x6f: {  	_ =	shalt  }
0x70: {  	_ =	shalt  }
0x71: {  	_ =	shalt  }
0x72: {  	_ =	shalt  }
0x73: {  	_ =	shalt  }
0x74: {  	_ =	shalt  }
0x75: {  	_ =	shalt  }
0x76: {  	_ =	shalt  }
0x77: {  	_ =	shalt  }
0x78: {  	_ =	shalt  }
0x79: {  	_ =	shalt  }
0x7a: {  	_ =	shalt  }
0x7b: {  	_ =	shalt  }
0x7c: {  	_ =	shalt  }
0x7d: {  	_ =	shalt  }
0x7e: {  	_ =	shalt  }
0x7f: {  	_ =	shalt  }
0x80: {  	_ =	shalt  }
0x81: {  	_ =	shalt  }
0x82: {  	_ =	shalt  }
0x83: {  	_ =	shalt  }
0x84: {  	_ =	shalt  }
0x85: {  	_ =	shalt  }
0x86: {  	_ =	shalt  }
0x87: {  	_ =	shalt  }
.Lfunc_end0:
.L_simem_size_0:
called_computation_lowered:
.L_overlay_start_0:
0x88: {  	s2 =	sld [smem:$0x3FD9]  }
0x89: {  	s3 =	sld [smem:$0x3FFE];
	_ =	sdelay $0x1  }
0x8a: {  	s1 =	srdreg.scid  }
0x8b: {  	s0 =	sand.u32 $0x1, s1  }
0x8c: {  	s16 =	sshll.u32 s0, $0xA;
	s2 =	sadd.s32 s3, s2  }
0x8d: {  	s2 =	sadd.s32 s2, s16  }
0x8e: {  	[smem:$0x3FBB] =	sst s2  }
0x8f: {  	_ = 	snop  }
0x90: {  	(tm) =	ssettm $0x1  }
0x91: {  	s17 =	sld [smem:$0x3FFB];
	_ =	sdelay $0x3  }
0x92: {  	_ =	strace s17  }
0x93: {  	s2 =	sld [smem:$0x3FFC];
	_ =	sdelay $0x3  }
0x94: {  	_ =	strace s2  }
0x95: {  	s2 =	sld [smem:$0x3FFD];
	_ =	sdelay $0x3  }
0x96: {  	_ =	strace s2  }
0x97: {  	_ =	strace $0x8FFFFFFF  }
0x98: {  	s18 =	sld [smem:$0x3FDB];
	_ =	sdelay $0x1  }
0x99: {  	s19 =	simm.s32 $_scs_section_size  }
0x9a: {  	s4 =	simm.s32 $_size__tile_overlayer_lowered;
	s5 =	simm.s32 $_tile_overlayer_lowered  }
0x9b: {  	s22 =	simm.s32 $0x1BFF;
	s21 =	sshll.u32 s5, $0x1;
	s2 =	sadd.s32 s19, s18  }
0x9c: {  	s6 =	simm.s32 $0x0;
	s20 =	sshll.u32 s4, $0x1;
	s4 =	sadd.s32 s21, s2  }
0x9d: {  	[timem:s6], [sflag:s22] =	dma.local [hbm:s4], s20  }
0x9e: {  	_ =	swait.ge [sflag:s22], s20  }
0x9f: {  	s3 =	ssub.s32 $0x0, s20;
	[sflag:s22] =	ssyncset.done $0x0  }
0xa0: {  	[sflag:s22] =	ssyncadd.s32 s3;
	_ =	sdelay $0x1  }
0xa1: {  	s23 =	simm.s32 $0x1B8B  }
0xa2: {  	_ =	swait.ge [sflag:s23], $0x1  }
0xa3: {  	[sflag:s23] =	ssyncset.done $0x0  }
0xa4: {  	s25 =	simm.s32 $0x1B8E;
	s24 =	sld [smem:$0x3FFE];
	[sflag:s23] =	ssyncadd.s32 $0xFFFFFFFF  }
0xa5: {  	s26 =	simm.s32 $execute0_lowered;
	[smem:$0x3FD2] =	sst s25  }
0xa6: {  	s4 =	sshll.u32 s26, $0x1;
	_ =	strace $0x80000046;
	[dreg:$0x1] =	wrdreg $0xFFFFFFFF  }
0xa7: {  	s28 =	simm.s32 $_size_execute0_lowered;
	s2 =	sadd.s32 s2, s4;
	[dreg:$0x0] =	wrdreg $0x0  }
0xa8: {  	s4 =	sshll.u32 s28, $0x1;
	[dreg:$0x2] =	wrdreg s2  }
0xa9: {  	[dreg:$0x3] =	wrdreg s4  }
0xaa: {  	[dreg:$0x4] =	wrdreg $0xC0  }
0xab: {  	_ =	task [dreg:s6], $0x5FFFF  }
0xac: {  	[dreg:$0x1] =	wrdreg $0xFFFFFFFF  }
0xad: {  	[dreg:$0x0] =	wrdreg $0x60  }
0xae: {  	[dreg:$0x2] =	wrdreg s24  }
0xaf: {  	[dreg:$0x3] =	wrdreg $0x6C000  }
0xb0: {  	[dreg:$0x4] =	wrdreg $0x9  }
0xb1: {  	_ =	task.clear_ibuf [dreg:s6], $0x5FFFF;
	_ =	strace $0x90000046  }
0xb2: {  	s29 =	simm.s32 $0x9;
	_ =	strace $0x80000048  }
0xb3: {  	_ =	swait.ge [sflag:s29], $0x1  }
0xb4: {  	[sflag:s29] =	ssyncadd.s32 $0xFFFFFFFF  }
0xb5: {  	_ =	strace $0x90000048  }
0xb6: {  	_ =	sfence  }
0xb7: {  	s30 =	sld [smem:$0x0];
	_ =	sdelay $0x2  }
0xb8: {  	s31 =	sshll.u32 s1, $0xD;
	s1 =	sshrl.u32 s1, $0x2  }
0xb9: {  	s3 =	sand.u32 $0x4000, s31;
	s1 =	sadd.s32 s1, s30  }
0xba: {  	s0 =	sor.u32 s3, s0;
	s1 =	sshll.u32 s1, $0x11  }
0xbb: {  	s0 =	sor.u32 s1, s0  }
0xbc: {  	s0 =	sadd.s32 $0x8F2B, s0  }
0xbd: {  	[sflag:s0] =	ssyncadd.remote.s32 $0x1  }
0xbe: {  	_ =	sfence.sel $0xFFFF  }
0xbf: {  	[dreg:$0x0] =	wrdreg $0xFFFFFFFF;
	(pc) =	sbr.abs _section_cstart, $3  }
0xc0: {  	[dreg:$0x1] =	wrdreg $0xFFFFFFFF  }
0xc1: {  	_ =	task.clear_ibuf [dreg:s6], $0x2FFFF;
	_ =	strace $0x9FFFFFFF  }
0xc2: {  	(tm) =	ssettm $0x7FFFFFFF  }
0xc3: {  	_ =	shalt  }
tec
execute0_lowered:
.L_overlay_start_1:
0x0: {  	(tag) =	ssettag $0x1  }
0x1: {  	s0 =	rddreg [dreg:$0x0]  }
0x2: {  	s1 =	rddreg [dreg:$0x1];
	s3 =	simm.s32 $0x0;
	s2 =	srdreg.scid  }
0x3: {  	s13 =	stileid.u32;
	[smem:$0x7FF] =	sst s3  }
0x4: {  	s2 =	sand.u32 $0x1, s2;
	s9 =	smul.u32 $0x13C00, s13;
	s4 =	sadd.s32 $0x2EA00, s0  }
0x5: {  	s5 =	sadd.s32 $0x9CFA00, s0;
	s6 =	sadd.s32 $0x1A00, s0;
	s10 =	smul.u32 $0x90, s13  }
0x6: {  	s7 =	sadd.s32 $0x18200, s0;
	s8 =	smul.u32 $0x13C000, s2;
	s25 =	ssub.s32 $0x2, s2  }
0x7: {  	s11 =	smul.u32 $0x4F000, s13;
	_ =	strace $0x80000047;
	s26 =	sshrl.u32 s25, $0x1  }
0x8: {  	p0 =	seq.s32 s2, $0x0;
	s8 =	sadd.s32 s9, s8;
	s12 =	ssub.s32 s25, s26  }
0x9: {  	s11 =	sshrl.u32 s11, $0x2;
	s8 =	sshrl.u32 s8, $0x3;
	s26 =	smax.u32 s12, $0x1  }
0xa: {  	s0 =	sadd.s32 s8, s0;
	s8 =	sadd.s32 $0xD80, s10;
	s10 =	sadd.s32 s11, s1  }
0xb: {  	s2 =	smul.u32 $0xD8, s13;
	[dreg:$0x10] =	wrdreg s26;
	s13 =	sadd.s32 $0x1C00, s10  }
0xc: {  	s14 =	sadd.s32 $0x3800, s10;
	[dreg:$0x3] =	wrdreg s13  }
0xd: {  	s28 =	simm.s32 $0x1800;
	s15 =	sadd.s32 $0x5400, s10;
	[dreg:$0x4] =	wrdreg s14  }
0xe: {  	s29 =	simm.s32 $0xA;
	s16 =	sadd.s32 $0x7000, s10;
	[dreg:$0x5] =	wrdreg s15  }
0xf: {  	s30 =	simm.s32 $0x3400;
	s17 =	sadd.s32 $0x8C00, s10;
	[dreg:$0x6] =	wrdreg s16  }
0x10: {  	s31 =	simm.s32 $0x5000;
	s19 =	sadd.s32 $0xA800, s10;
	[dreg:$0x7] =	wrdreg s17  }
0x11: {  	s9 =	simm.s32 $0x48;
	s20 =	sadd.s32 $0xC400, s10;
	[dreg:$0x8] =	wrdreg s19  }
0x12: {  	s9 =	simm.s32 @!p0 $0x30;
	s21 =	sadd.s32 $0xE000, s10;
	[dreg:$0x9] =	wrdreg s20  }
0x13: {  	s12 =	simm.s32 $0x3;
	s22 =	sadd.s32 $0xFC00, s10;
	[dreg:$0xa] =	wrdreg s21  }
0x14: {  	s11 =	simm.s32 $0x2;
	s24 =	sadd.s32 $0x11800, s10;
	[dreg:$0xb] =	wrdreg s22  }
0x15: {  	s8 =	smov.u32 @p0 s2;
	s25 =	sadd.s32 $0x13400, s10;
	[dreg:$0xc] =	wrdreg s24  }
0x16: {  	s0 =	sadd.s32 $0x55C00, s0;
	s18 =	smul.u32 $0x1C00, s8;
	[dreg:$0xd] =	wrdreg s25  }
0x17: {  	s23 =	smul.u32 $0x380, s8;
	[dreg:$0xf] =	wrdreg s0;
	s0 =	simm.s32 $0x1  }
0x18: {  	s13 =	simm.s32 $0x4;
	s14 =	simm.s32 $0x5;
	s2 =	sshrl.u32 s18, $0x3  }
0x19: {  	s15 =	simm.s32 $0x6;
	s16 =	simm.s32 $0x7;
	s2 =	sadd.s32 s5, s2  }
0x1a: {  	s17 =	simm.s32 $0x0;
	s22 =	sadd.s32 s5, s23;
	s2 =	sadd.s32 $0x700, s2  }
0x1b: {  	v0 =	vimm.f32 $0.0e+00;
	s26 =	sadd.s32 $0x380, s22;
	[dreg:$0xe] =	wrdreg s2;
	s2 =	simm.s32 $0x38  }
.LBB2_1:
0x1c: {  	[tilespmem:$0x1800] =	vst v0  }
0x1d: {  	[tilespmem:$0x1810] =	vst v0  }
0x1e: {  	[tilespmem:$0x1820] =	vst v0  }
0x1f: {  	[tilespmem:$0x1830] =	vst v0  }
0x20: {  	[tilespmem:$0x1840] =	vst v0  }
0x21: {  	[tilespmem:$0x1850] =	vst v0  }
0x22: {  	[tilespmem:$0x1860] =	vst v0  }
0x23: {  	[tilespmem:$0x1870] =	vst v0  }
0x24: {  	[tilespmem:$0x1880] =	vst v0  }
0x25: {  	[tilespmem:$0x1890] =	vst v0  }
0x26: {  	[tilespmem:$0x18A0] =	vst v0  }
0x27: {  	[tilespmem:$0x18B0] =	vst v0  }
0x28: {  	[tilespmem:$0x18C0] =	vst v0  }
0x29: {  	[tilespmem:$0x18D0] =	vst v0  }
0x2a: {  	[tilespmem:$0x18E0] =	vst v0  }
0x2b: {  	[tilespmem:$0x18F0] =	vst v0  }
0x2c: {  	[tilespmem:$0x1900] =	vst v0  }
0x2d: {  	[tilespmem:$0x1910] =	vst v0  }
0x2e: {  	[tilespmem:$0x1920] =	vst v0  }
0x2f: {  	[tilespmem:$0x1930] =	vst v0  }
0x30: {  	[tilespmem:$0x1940] =	vst v0  }
0x31: {  	[tilespmem:$0x1950] =	vst v0  }
0x32: {  	[tilespmem:$0x1960] =	vst v0  }
0x33: {  	[tilespmem:$0x1970] =	vst v0  }
0x34: {  	[tilespmem:$0x1980] =	vst v0  }
0x35: {  	[tilespmem:$0x1990] =	vst v0  }
0x36: {  	[tilespmem:$0x19A0] =	vst v0  }
0x37: {  	[tilespmem:$0x19B0] =	vst v0  }
0x38: {  	[tilespmem:$0x19C0] =	vst v0  }
0x39: {  	[tilespmem:$0x19D0] =	vst v0  }
0x3a: {  	[tilespmem:$0x19E0] =	vst v0  }
0x3b: {  	[tilespmem:$0x19F0] =	vst v0  }
0x3c: {  	[tilespmem:$0x1A00] =	vst v0  }
0x3d: {  	[tilespmem:$0x1A10] =	vst v0  }
0x3e: {  	[tilespmem:$0x1A20] =	vst v0  }
0x3f: {  	[tilespmem:$0x1A30] =	vst v0  }
0x40: {  	[tilespmem:$0x1A40] =	vst v0  }
0x41: {  	[tilespmem:$0x1A50] =	vst v0  }
0x42: {  	[tilespmem:$0x1A60] =	vst v0  }
0x43: {  	[tilespmem:$0x1A70] =	vst v0  }
0x44: {  	[tilespmem:$0x1A80] =	vst v0  }
0x45: {  	[tilespmem:$0x1A90] =	vst v0  }
0x46: {  	[tilespmem:$0x1AA0] =	vst v0  }
0x47: {  	[tilespmem:$0x1AB0] =	vst v0  }
0x48: {  	[tilespmem:$0x1AC0] =	vst v0  }
0x49: {  	[tilespmem:$0x1AD0] =	vst v0  }
0x4a: {  	[tilespmem:$0x1AE0] =	vst v0  }
0x4b: {  	[tilespmem:$0x1AF0] =	vst v0  }
0x4c: {  	[tilespmem:$0x1B00] =	vst v0  }
0x4d: {  	[tilespmem:$0x1B10] =	vst v0  }
0x4e: {  	[tilespmem:$0x1B20] =	vst v0  }
0x4f: {  	[tilespmem:$0x1B30] =	vst v0  }
0x50: {  	[tilespmem:$0x1B40] =	vst v0  }
0x51: {  	[tilespmem:$0x1B50] =	vst v0  }
0x52: {  	[tilespmem:$0x1B60] =	vst v0  }
0x53: {  	[tilespmem:$0x1B70] =	vst v0  }
0x54: {  	[tilespmem:$0x1B80] =	vst v0  }
0x55: {  	[tilespmem:$0x1B90] =	vst v0  }
0x56: {  	[tilespmem:$0x1BA0] =	vst v0  }
0x57: {  	[tilespmem:$0x1BB0] =	vst v0  }
0x58: {  	[tilespmem:$0x1BC0] =	vst v0  }
0x59: {  	[tilespmem:$0x1BD0] =	vst v0  }
0x5a: {  	[tilespmem:$0x1BE0] =	vst v0  }
0x5b: {  	[tilespmem:$0x1BF0] =	vst v0  }
0x5c: {  	[tilespmem:$0x1C00] =	vst v0  }
0x5d: {  	[tilespmem:$0x1C10] =	vst v0  }
0x5e: {  	[tilespmem:$0x1C20] =	vst v0  }
0x5f: {  	[tilespmem:$0x1C30] =	vst v0  }
0x60: {  	[tilespmem:$0x1C40] =	vst v0  }
0x61: {  	[tilespmem:$0x1C50] =	vst v0  }
0x62: {  	[tilespmem:$0x1C60] =	vst v0  }
0x63: {  	[tilespmem:$0x1C70] =	vst v0  }
0x64: {  	[tilespmem:$0x1C80] =	vst v0  }
0x65: {  	[tilespmem:$0x1C90] =	vst v0  }
0x66: {  	[tilespmem:$0x1CA0] =	vst v0  }
0x67: {  	[tilespmem:$0x1CB0] =	vst v0  }
0x68: {  	[tilespmem:$0x1CC0] =	vst v0  }
0x69: {  	[tilespmem:$0x1CD0] =	vst v0  }
0x6a: {  	[tilespmem:$0x1CE0] =	vst v0  }
0x6b: {  	[tilespmem:$0x1CF0] =	vst v0  }
0x6c: {  	[tilespmem:$0x1D00] =	vst v0  }
0x6d: {  	[tilespmem:$0x1D10] =	vst v0  }
0x6e: {  	[tilespmem:$0x1D20] =	vst v0  }
0x6f: {  	[tilespmem:$0x1D30] =	vst v0  }
0x70: {  	[tilespmem:$0x1D40] =	vst v0  }
0x71: {  	[tilespmem:$0x1D50] =	vst v0  }
0x72: {  	[tilespmem:$0x1D60] =	vst v0  }
0x73: {  	[tilespmem:$0x1D70] =	vst v0  }
0x74: {  	[tilespmem:$0x1D80] =	vst v0  }
0x75: {  	[tilespmem:$0x1D90] =	vst v0  }
0x76: {  	[tilespmem:$0x1DA0] =	vst v0  }
0x77: {  	[tilespmem:$0x1DB0] =	vst v0  }
0x78: {  	[tilespmem:$0x1DC0] =	vst v0  }
0x79: {  	[tilespmem:$0x1DD0] =	vst v0  }
0x7a: {  	[tilespmem:$0x1DE0] =	vst v0  }
0x7b: {  	[tilespmem:$0x1DF0] =	vst v0  }
0x7c: {  	[tilespmem:$0x1E00] =	vst v0  }
0x7d: {  	[tilespmem:$0x1E10] =	vst v0  }
0x7e: {  	[tilespmem:$0x1E20] =	vst v0  }
0x7f: {  	[tilespmem:$0x1E30] =	vst v0  }
0x80: {  	[tilespmem:$0x1E40] =	vst v0  }
0x81: {  	[tilespmem:$0x1E50] =	vst v0  }
0x82: {  	[tilespmem:$0x1E60] =	vst v0  }
0x83: {  	[tilespmem:$0x1E70] =	vst v0  }
0x84: {  	[tilespmem:$0x1E80] =	vst v0  }
0x85: {  	[tilespmem:$0x1E90] =	vst v0  }
0x86: {  	[tilespmem:$0x1EA0] =	vst v0  }
0x87: {  	[tilespmem:$0x1EB0] =	vst v0  }
0x88: {  	[tilespmem:$0x1EC0] =	vst v0  }
0x89: {  	[tilespmem:$0x1ED0] =	vst v0  }
0x8a: {  	[tilespmem:$0x1EE0] =	vst v0  }
0x8b: {  	[tilespmem:$0x1EF0] =	vst v0  }
0x8c: {  	[tilespmem:$0x1F00] =	vst v0  }
0x8d: {  	[tilespmem:$0x1F10] =	vst v0  }
0x8e: {  	[tilespmem:$0x1F20] =	vst v0  }
0x8f: {  	[tilespmem:$0x1F30] =	vst v0  }
0x90: {  	[tilespmem:$0x1F40] =	vst v0  }
0x91: {  	[tilespmem:$0x1F50] =	vst v0  }
0x92: {  	[tilespmem:$0x1F60] =	vst v0  }
0x93: {  	[tilespmem:$0x1F70] =	vst v0  }
0x94: {  	[tilespmem:$0x1F80] =	vst v0  }
0x95: {  	[tilespmem:$0x1F90] =	vst v0  }
0x96: {  	[tilespmem:$0x1FA0] =	vst v0  }
0x97: {  	[tilespmem:$0x1FB0] =	vst v0  }
0x98: {  	[tilespmem:$0x1FC0] =	vst v0  }
0x99: {  	[tilespmem:$0x1FD0] =	vst v0  }
0x9a: {  	[tilespmem:$0x1FE0] =	vst v0  }
0x9b: {  	[tilespmem:$0x1FF0] =	vst v0  }
0x9c: {  	[tilespmem:$0x2000] =	vst v0  }
0x9d: {  	[tilespmem:$0x2010] =	vst v0  }
0x9e: {  	[tilespmem:$0x2020] =	vst v0  }
0x9f: {  	[tilespmem:$0x2030] =	vst v0  }
0xa0: {  	[tilespmem:$0x2040] =	vst v0  }
0xa1: {  	[tilespmem:$0x2050] =	vst v0  }
0xa2: {  	[tilespmem:$0x2060] =	vst v0  }
0xa3: {  	[tilespmem:$0x2070] =	vst v0  }
0xa4: {  	[tilespmem:$0x2080] =	vst v0  }
0xa5: {  	[tilespmem:$0x2090] =	vst v0  }
0xa6: {  	[tilespmem:$0x20A0] =	vst v0  }
0xa7: {  	[tilespmem:$0x20B0] =	vst v0  }
0xa8: {  	[tilespmem:$0x20C0] =	vst v0  }
0xa9: {  	[tilespmem:$0x20D0] =	vst v0  }
0xaa: {  	[tilespmem:$0x20E0] =	vst v0  }
0xab: {  	[tilespmem:$0x20F0] =	vst v0  }
0xac: {  	[tilespmem:$0x2100] =	vst v0  }
0xad: {  	[tilespmem:$0x2110] =	vst v0  }
0xae: {  	[tilespmem:$0x2120] =	vst v0  }
0xaf: {  	[tilespmem:$0x2130] =	vst v0  }
0xb0: {  	[tilespmem:$0x2140] =	vst v0  }
0xb1: {  	[tilespmem:$0x2150] =	vst v0  }
0xb2: {  	[tilespmem:$0x2160] =	vst v0  }
0xb3: {  	[tilespmem:$0x2170] =	vst v0  }
0xb4: {  	[tilespmem:$0x2180] =	vst v0  }
0xb5: {  	[tilespmem:$0x2190] =	vst v0  }
0xb6: {  	[tilespmem:$0x21A0] =	vst v0  }
0xb7: {  	[tilespmem:$0x21B0] =	vst v0  }
0xb8: {  	[tilespmem:$0x21C0] =	vst v0  }
0xb9: {  	[tilespmem:$0x21D0] =	vst v0  }
0xba: {  	[tilespmem:$0x21E0] =	vst v0  }
0xbb: {  	[tilespmem:$0x21F0] =	vst v0  }
0xbc: {  	[tilespmem:$0x2200] =	vst v0  }
0xbd: {  	[tilespmem:$0x2210] =	vst v0  }
0xbe: {  	[tilespmem:$0x2220] =	vst v0  }
0xbf: {  	[tilespmem:$0x2230] =	vst v0  }
0xc0: {  	[tilespmem:$0x2240] =	vst v0  }
0xc1: {  	[tilespmem:$0x2250] =	vst v0  }
0xc2: {  	[tilespmem:$0x2260] =	vst v0  }
0xc3: {  	[tilespmem:$0x2270] =	vst v0  }
0xc4: {  	[tilespmem:$0x2280] =	vst v0  }
0xc5: {  	[tilespmem:$0x2290] =	vst v0  }
0xc6: {  	[tilespmem:$0x22A0] =	vst v0  }
0xc7: {  	[tilespmem:$0x22B0] =	vst v0  }
0xc8: {  	[tilespmem:$0x22C0] =	vst v0  }
0xc9: {  	[tilespmem:$0x22D0] =	vst v0  }
0xca: {  	[tilespmem:$0x22E0] =	vst v0  }
0xcb: {  	[tilespmem:$0x22F0] =	vst v0  }
0xcc: {  	[tilespmem:$0x2300] =	vst v0  }
0xcd: {  	[tilespmem:$0x2310] =	vst v0  }
0xce: {  	[tilespmem:$0x2320] =	vst v0  }
0xcf: {  	[tilespmem:$0x2330] =	vst v0  }
0xd0: {  	[tilespmem:$0x2340] =	vst v0  }
0xd1: {  	[tilespmem:$0x2350] =	vst v0  }
0xd2: {  	[tilespmem:$0x2360] =	vst v0  }
0xd3: {  	[tilespmem:$0x2370] =	vst v0  }
0xd4: {  	[tilespmem:$0x2380] =	vst v0  }
0xd5: {  	[tilespmem:$0x2390] =	vst v0  }
0xd6: {  	[tilespmem:$0x23A0] =	vst v0  }
0xd7: {  	[tilespmem:$0x23B0] =	vst v0  }
0xd8: {  	[tilespmem:$0x23C0] =	vst v0  }
0xd9: {  	[tilespmem:$0x23D0] =	vst v0  }
0xda: {  	[tilespmem:$0x23E0] =	vst v0  }
0xdb: {  	[tilespmem:$0x23F0] =	vst v0  }
0xdc: {  	[tilespmem:$0x2400] =	vst v0  }
0xdd: {  	[tilespmem:$0x2410] =	vst v0  }
0xde: {  	[tilespmem:$0x2420] =	vst v0  }
0xdf: {  	[tilespmem:$0x2430] =	vst v0  }
0xe0: {  	[tilespmem:$0x2440] =	vst v0  }
0xe1: {  	[tilespmem:$0x2450] =	vst v0  }
0xe2: {  	[tilespmem:$0x2460] =	vst v0  }
0xe3: {  	[tilespmem:$0x2470] =	vst v0  }
0xe4: {  	[tilespmem:$0x2480] =	vst v0  }
0xe5: {  	[tilespmem:$0x2490] =	vst v0  }
0xe6: {  	[tilespmem:$0x24A0] =	vst v0  }
0xe7: {  	[tilespmem:$0x24B0] =	vst v0  }
0xe8: {  	[tilespmem:$0x24C0] =	vst v0  }
0xe9: {  	[tilespmem:$0x24D0] =	vst v0  }
0xea: {  	[tilespmem:$0x24E0] =	vst v0  }
0xeb: {  	[tilespmem:$0x24F0] =	vst v0  }
0xec: {  	[tilespmem:$0x2500] =	vst v0  }
0xed: {  	[tilespmem:$0x2510] =	vst v0  }
0xee: {  	[tilespmem:$0x2520] =	vst v0  }
0xef: {  	[tilespmem:$0x2530] =	vst v0  }
0xf0: {  	[tilespmem:$0x2540] =	vst v0  }
0xf1: {  	[tilespmem:$0x2550] =	vst v0  }
0xf2: {  	[tilespmem:$0x2560] =	vst v0  }
0xf3: {  	[tilespmem:$0x2570] =	vst v0  }
0xf4: {  	[tilespmem:$0x2580] =	vst v0  }
0xf5: {  	[tilespmem:$0x2590] =	vst v0  }
0xf6: {  	[tilespmem:$0x25A0] =	vst v0  }
0xf7: {  	[tilespmem:$0x25B0] =	vst v0  }
0xf8: {  	[tilespmem:$0x25C0] =	vst v0  }
0xf9: {  	[tilespmem:$0x25D0] =	vst v0  }
0xfa: {  	[tilespmem:$0x25E0] =	vst v0  }
0xfb: {  	[tilespmem:$0x25F0] =	vst v0  }
0xfc: {  	[tilespmem:$0x2600] =	vst v0  }
0xfd: {  	[tilespmem:$0x2610] =	vst v0  }
0xfe: {  	[tilespmem:$0x2620] =	vst v0  }
0xff: {  	[tilespmem:$0x2630] =	vst v0  }
0x100: {  	[tilespmem:$0x2640] =	vst v0  }
0x101: {  	[tilespmem:$0x2650] =	vst v0  }
0x102: {  	[tilespmem:$0x2660] =	vst v0  }
0x103: {  	[tilespmem:$0x2670] =	vst v0  }
0x104: {  	[tilespmem:$0x2680] =	vst v0  }
0x105: {  	[tilespmem:$0x2690] =	vst v0  }
0x106: {  	[tilespmem:$0x26A0] =	vst v0  }
0x107: {  	[tilespmem:$0x26B0] =	vst v0  }
0x108: {  	[tilespmem:$0x26C0] =	vst v0  }
0x109: {  	[tilespmem:$0x26D0] =	vst v0  }
0x10a: {  	[tilespmem:$0x26E0] =	vst v0  }
0x10b: {  	[tilespmem:$0x26F0] =	vst v0  }
0x10c: {  	[tilespmem:$0x2700] =	vst v0  }
0x10d: {  	[tilespmem:$0x2710] =	vst v0  }
0x10e: {  	[tilespmem:$0x2720] =	vst v0  }
0x10f: {  	[tilespmem:$0x2730] =	vst v0  }
0x110: {  	[tilespmem:$0x2740] =	vst v0  }
0x111: {  	[tilespmem:$0x2750] =	vst v0  }
0x112: {  	[tilespmem:$0x2760] =	vst v0  }
0x113: {  	[tilespmem:$0x2770] =	vst v0  }
0x114: {  	[tilespmem:$0x2780] =	vst v0  }
0x115: {  	[tilespmem:$0x2790] =	vst v0  }
0x116: {  	[tilespmem:$0x27A0] =	vst v0  }
0x117: {  	[tilespmem:$0x27B0] =	vst v0  }
0x118: {  	[tilespmem:$0x27C0] =	vst v0  }
0x119: {  	[tilespmem:$0x27D0] =	vst v0  }
0x11a: {  	[tilespmem:$0x27E0] =	vst v0  }
0x11b: {  	[tilespmem:$0x27F0] =	vst v0  }
0x11c: {  	[tilespmem:$0x2800] =	vst v0  }
0x11d: {  	[tilespmem:$0x2810] =	vst v0  }
0x11e: {  	[tilespmem:$0x2820] =	vst v0  }
0x11f: {  	[tilespmem:$0x2830] =	vst v0  }
0x120: {  	[tilespmem:$0x2840] =	vst v0  }
0x121: {  	[tilespmem:$0x2850] =	vst v0  }
0x122: {  	[tilespmem:$0x2860] =	vst v0  }
0x123: {  	[tilespmem:$0x2870] =	vst v0  }
0x124: {  	[tilespmem:$0x2880] =	vst v0  }
0x125: {  	[tilespmem:$0x2890] =	vst v0  }
0x126: {  	[tilespmem:$0x28A0] =	vst v0  }
0x127: {  	[tilespmem:$0x28B0] =	vst v0  }
0x128: {  	[tilespmem:$0x28C0] =	vst v0  }
0x129: {  	[tilespmem:$0x28D0] =	vst v0  }
0x12a: {  	[tilespmem:$0x28E0] =	vst v0  }
0x12b: {  	[tilespmem:$0x28F0] =	vst v0  }
0x12c: {  	[tilespmem:$0x2900] =	vst v0  }
0x12d: {  	[tilespmem:$0x2910] =	vst v0  }
0x12e: {  	[tilespmem:$0x2920] =	vst v0  }
0x12f: {  	[tilespmem:$0x2930] =	vst v0  }
0x130: {  	[tilespmem:$0x2940] =	vst v0  }
0x131: {  	[tilespmem:$0x2950] =	vst v0  }
0x132: {  	[tilespmem:$0x2960] =	vst v0  }
0x133: {  	[tilespmem:$0x2970] =	vst v0  }
0x134: {  	[tilespmem:$0x2980] =	vst v0  }
0x135: {  	[tilespmem:$0x2990] =	vst v0  }
0x136: {  	[tilespmem:$0x29A0] =	vst v0  }
0x137: {  	[tilespmem:$0x29B0] =	vst v0  }
0x138: {  	[tilespmem:$0x29C0] =	vst v0  }
0x139: {  	[tilespmem:$0x29D0] =	vst v0  }
0x13a: {  	[tilespmem:$0x29E0] =	vst v0  }
0x13b: {  	[tilespmem:$0x29F0] =	vst v0  }
0x13c: {  	[tilespmem:$0x2A00] =	vst v0  }
0x13d: {  	[tilespmem:$0x2A10] =	vst v0  }
0x13e: {  	[tilespmem:$0x2A20] =	vst v0  }
0x13f: {  	[tilespmem:$0x2A30] =	vst v0  }
0x140: {  	[tilespmem:$0x2A40] =	vst v0  }
0x141: {  	[tilespmem:$0x2A50] =	vst v0  }
0x142: {  	[tilespmem:$0x2A60] =	vst v0  }
0x143: {  	[tilespmem:$0x2A70] =	vst v0  }
0x144: {  	[tilespmem:$0x2A80] =	vst v0  }
0x145: {  	[tilespmem:$0x2A90] =	vst v0  }
0x146: {  	[tilespmem:$0x2AA0] =	vst v0  }
0x147: {  	[tilespmem:$0x2AB0] =	vst v0  }
0x148: {  	[tilespmem:$0x2AC0] =	vst v0  }
0x149: {  	[tilespmem:$0x2AD0] =	vst v0  }
0x14a: {  	[tilespmem:$0x2AE0] =	vst v0  }
0x14b: {  	[tilespmem:$0x2AF0] =	vst v0  }
0x14c: {  	[tilespmem:$0x2B00] =	vst v0  }
0x14d: {  	[tilespmem:$0x2B10] =	vst v0  }
0x14e: {  	[tilespmem:$0x2B20] =	vst v0  }
0x14f: {  	[tilespmem:$0x2B30] =	vst v0  }
0x150: {  	[tilespmem:$0x2B40] =	vst v0  }
0x151: {  	[tilespmem:$0x2B50] =	vst v0  }
0x152: {  	[tilespmem:$0x2B60] =	vst v0  }
0x153: {  	[tilespmem:$0x2B70] =	vst v0  }
0x154: {  	[tilespmem:$0x2B80] =	vst v0  }
0x155: {  	[tilespmem:$0x2B90] =	vst v0  }
0x156: {  	[tilespmem:$0x2BA0] =	vst v0  }
0x157: {  	[tilespmem:$0x2BB0] =	vst v0  }
0x158: {  	[tilespmem:$0x2BC0] =	vst v0  }
0x159: {  	[tilespmem:$0x2BD0] =	vst v0  }
0x15a: {  	[tilespmem:$0x2BE0] =	vst v0  }
0x15b: {  	[tilespmem:$0x2BF0] =	vst v0  }
0x15c: {  	[tilespmem:$0x2C00] =	vst v0  }
0x15d: {  	[tilespmem:$0x2C10] =	vst v0  }
0x15e: {  	[tilespmem:$0x2C20] =	vst v0  }
0x15f: {  	[tilespmem:$0x2C30] =	vst v0  }
0x160: {  	[tilespmem:$0x2C40] =	vst v0  }
0x161: {  	[tilespmem:$0x2C50] =	vst v0  }
0x162: {  	[tilespmem:$0x2C60] =	vst v0  }
0x163: {  	[tilespmem:$0x2C70] =	vst v0  }
0x164: {  	[tilespmem:$0x2C80] =	vst v0  }
0x165: {  	[tilespmem:$0x2C90] =	vst v0  }
0x166: {  	[tilespmem:$0x2CA0] =	vst v0  }
0x167: {  	[tilespmem:$0x2CB0] =	vst v0  }
0x168: {  	[tilespmem:$0x2CC0] =	vst v0  }
0x169: {  	[tilespmem:$0x2CD0] =	vst v0  }
0x16a: {  	[tilespmem:$0x2CE0] =	vst v0  }
0x16b: {  	[tilespmem:$0x2CF0] =	vst v0  }
0x16c: {  	[tilespmem:$0x2D00] =	vst v0  }
0x16d: {  	[tilespmem:$0x2D10] =	vst v0  }
0x16e: {  	[tilespmem:$0x2D20] =	vst v0  }
0x16f: {  	[tilespmem:$0x2D30] =	vst v0  }
0x170: {  	[tilespmem:$0x2D40] =	vst v0  }
0x171: {  	[tilespmem:$0x2D50] =	vst v0  }
0x172: {  	[tilespmem:$0x2D60] =	vst v0  }
0x173: {  	[tilespmem:$0x2D70] =	vst v0  }
0x174: {  	[tilespmem:$0x2D80] =	vst v0  }
0x175: {  	[tilespmem:$0x2D90] =	vst v0  }
0x176: {  	[tilespmem:$0x2DA0] =	vst v0  }
0x177: {  	[tilespmem:$0x2DB0] =	vst v0  }
0x178: {  	[tilespmem:$0x2DC0] =	vst v0  }
0x179: {  	[tilespmem:$0x2DD0] =	vst v0  }
0x17a: {  	[tilespmem:$0x2DE0] =	vst v0  }
0x17b: {  	[tilespmem:$0x2DF0] =	vst v0  }
0x17c: {  	[tilespmem:$0x2E00] =	vst v0  }
0x17d: {  	[tilespmem:$0x2E10] =	vst v0  }
0x17e: {  	[tilespmem:$0x2E20] =	vst v0  }
0x17f: {  	[tilespmem:$0x2E30] =	vst v0  }
0x180: {  	[tilespmem:$0x2E40] =	vst v0  }
0x181: {  	[tilespmem:$0x2E50] =	vst v0  }
0x182: {  	[tilespmem:$0x2E60] =	vst v0  }
0x183: {  	[tilespmem:$0x2E70] =	vst v0  }
0x184: {  	[tilespmem:$0x2E80] =	vst v0  }
0x185: {  	[tilespmem:$0x2E90] =	vst v0  }
0x186: {  	[tilespmem:$0x2EA0] =	vst v0  }
0x187: {  	[tilespmem:$0x2EB0] =	vst v0  }
0x188: {  	[tilespmem:$0x2EC0] =	vst v0  }
0x189: {  	[tilespmem:$0x2ED0] =	vst v0  }
0x18a: {  	[tilespmem:$0x2EE0] =	vst v0  }
0x18b: {  	[tilespmem:$0x2EF0] =	vst v0  }
0x18c: {  	[tilespmem:$0x2F00] =	vst v0  }
0x18d: {  	[tilespmem:$0x2F10] =	vst v0  }
0x18e: {  	[tilespmem:$0x2F20] =	vst v0  }
0x18f: {  	[tilespmem:$0x2F30] =	vst v0  }
0x190: {  	[tilespmem:$0x2F40] =	vst v0  }
0x191: {  	[tilespmem:$0x2F50] =	vst v0  }
0x192: {  	[tilespmem:$0x2F60] =	vst v0  }
0x193: {  	[tilespmem:$0x2F70] =	vst v0  }
0x194: {  	[tilespmem:$0x2F80] =	vst v0  }
0x195: {  	[tilespmem:$0x2F90] =	vst v0  }
0x196: {  	[tilespmem:$0x2FA0] =	vst v0  }
0x197: {  	[tilespmem:$0x2FB0] =	vst v0  }
0x198: {  	[tilespmem:$0x2FC0] =	vst v0  }
0x199: {  	[tilespmem:$0x2FD0] =	vst v0  }
0x19a: {  	[tilespmem:$0x2FE0] =	vst v0  }
0x19b: {  	[tilespmem:$0x2FF0] =	vst v0  }
0x19c: {  	[tilespmem:$0x3000] =	vst v0  }
0x19d: {  	[tilespmem:$0x3010] =	vst v0  }
0x19e: {  	[tilespmem:$0x3020] =	vst v0  }
0x19f: {  	[tilespmem:$0x3030] =	vst v0  }
0x1a0: {  	[tilespmem:$0x3040] =	vst v0  }
0x1a1: {  	[tilespmem:$0x3050] =	vst v0  }
0x1a2: {  	[tilespmem:$0x3060] =	vst v0  }
0x1a3: {  	[tilespmem:$0x3070] =	vst v0  }
0x1a4: {  	[tilespmem:$0x3080] =	vst v0  }
0x1a5: {  	[tilespmem:$0x3090] =	vst v0  }
0x1a6: {  	[tilespmem:$0x30A0] =	vst v0  }
0x1a7: {  	[tilespmem:$0x30B0] =	vst v0  }
0x1a8: {  	[tilespmem:$0x30C0] =	vst v0  }
0x1a9: {  	[tilespmem:$0x30D0] =	vst v0  }
0x1aa: {  	[tilespmem:$0x30E0] =	vst v0  }
0x1ab: {  	[tilespmem:$0x30F0] =	vst v0  }
0x1ac: {  	[tilespmem:$0x3100] =	vst v0  }
0x1ad: {  	[tilespmem:$0x3110] =	vst v0  }
0x1ae: {  	[tilespmem:$0x3120] =	vst v0  }
0x1af: {  	[tilespmem:$0x3130] =	vst v0  }
0x1b0: {  	[tilespmem:$0x3140] =	vst v0  }
0x1b1: {  	[tilespmem:$0x3150] =	vst v0  }
0x1b2: {  	[tilespmem:$0x3160] =	vst v0  }
0x1b3: {  	[tilespmem:$0x3170] =	vst v0  }
0x1b4: {  	[tilespmem:$0x3180] =	vst v0  }
0x1b5: {  	[tilespmem:$0x3190] =	vst v0  }
0x1b6: {  	[tilespmem:$0x31A0] =	vst v0  }
0x1b7: {  	[tilespmem:$0x31B0] =	vst v0  }
0x1b8: {  	[tilespmem:$0x31C0] =	vst v0  }
0x1b9: {  	[tilespmem:$0x31D0] =	vst v0  }
0x1ba: {  	[tilespmem:$0x31E0] =	vst v0  }
0x1bb: {  	[tilespmem:$0x31F0] =	vst v0  }
0x1bc: {  	[tilespmem:$0x3200] =	vst v0  }
0x1bd: {  	[tilespmem:$0x3210] =	vst v0  }
0x1be: {  	[tilespmem:$0x3220] =	vst v0  }
0x1bf: {  	[tilespmem:$0x3230] =	vst v0  }
0x1c0: {  	[tilespmem:$0x3240] =	vst v0  }
0x1c1: {  	[tilespmem:$0x3250] =	vst v0  }
0x1c2: {  	[tilespmem:$0x3260] =	vst v0  }
0x1c3: {  	[tilespmem:$0x3270] =	vst v0  }
0x1c4: {  	[tilespmem:$0x3280] =	vst v0  }
0x1c5: {  	[tilespmem:$0x3290] =	vst v0  }
0x1c6: {  	[tilespmem:$0x32A0] =	vst v0  }
0x1c7: {  	[tilespmem:$0x32B0] =	vst v0  }
0x1c8: {  	[tilespmem:$0x32C0] =	vst v0  }
0x1c9: {  	[tilespmem:$0x32D0] =	vst v0  }
0x1ca: {  	[tilespmem:$0x32E0] =	vst v0  }
0x1cb: {  	[tilespmem:$0x32F0] =	vst v0  }
0x1cc: {  	[tilespmem:$0x3300] =	vst v0  }
0x1cd: {  	[tilespmem:$0x3310] =	vst v0  }
0x1ce: {  	[tilespmem:$0x3320] =	vst v0  }
0x1cf: {  	[tilespmem:$0x3330] =	vst v0  }
0x1d0: {  	[tilespmem:$0x3340] =	vst v0  }
0x1d1: {  	[tilespmem:$0x3350] =	vst v0  }
0x1d2: {  	[tilespmem:$0x3360] =	vst v0  }
0x1d3: {  	[tilespmem:$0x3370] =	vst v0  }
0x1d4: {  	[tilespmem:$0x3380] =	vst v0  }
0x1d5: {  	[tilespmem:$0x3390] =	vst v0  }
0x1d6: {  	[tilespmem:$0x33A0] =	vst v0  }
0x1d7: {  	[tilespmem:$0x33B0] =	vst v0  }
0x1d8: {  	[tilespmem:$0x33C0] =	vst v0  }
0x1d9: {  	[tilespmem:$0x33D0] =	vst v0  }
0x1da: {  	[tilespmem:$0x33E0] =	vst v0  }
0x1db: {  	[tilespmem:$0x33F0] =	vst v0  }
0x1dc: {  	[spmem:s10] =	stream.linear.scatter [tilespmem:s28], [sflag:$0xA], $0x1C00, $0x38;
	[tilespmem:$0x1A800] =	vst v63  }
0x1dd: {  	_ =	swait.ge [sflag:s29], $0x1C00  }
0x1de: {  	[sflag:s29] =	ssyncset.done $0x0  }
0x1df: {  	s18 =	rddreg [dreg:$0x3];
	[sflag:s29] =	ssyncadd.s32 $0xFFFFE400  }
0x1e0: {  	[spmem:s18] =	stream.linear.scatter [tilespmem:s28], [sflag:$0xA], $0x1C00, $0x38;
	[tilespmem:$0x1A800] =	vst v63  }
0x1e1: {  	_ =	swait.ge [sflag:s29], $0x1C00  }
0x1e2: {  	[sflag:s29] =	ssyncset.done $0x0  }
0x1e3: {  	s20 =	rddreg [dreg:$0x4];
	[sflag:s29] =	ssyncadd.s32 $0xFFFFE400  }
0x1e4: {  	[spmem:s20] =	stream.linear.scatter [tilespmem:s28], [sflag:$0xA], $0x1C00, $0x38;
	[tilespmem:$0x1A800] =	vst v63  }
0x1e5: {  	_ =	swait.ge [sflag:s29], $0x1C00  }
0x1e6: {  	[sflag:s29] =	ssyncset.done $0x0  }
0x1e7: {  	s21 =	rddreg [dreg:$0x5];
	[sflag:s29] =	ssyncadd.s32 $0xFFFFE400  }
0x1e8: {  	[spmem:s21] =	stream.linear.scatter [tilespmem:s28], [sflag:$0xA], $0x1C00, $0x38;
	[tilespmem:$0x1A800] =	vst v63  }
0x1e9: {  	_ =	swait.ge [sflag:s29], $0x1C00  }
0x1ea: {  	[sflag:s29] =	ssyncset.done $0x0  }
0x1eb: {  	s23 =	rddreg [dreg:$0x6];
	[sflag:s29] =	ssyncadd.s32 $0xFFFFE400  }
0x1ec: {  	[spmem:s23] =	stream.linear.scatter [tilespmem:s28], [sflag:$0xA], $0x1C00, $0x38;
	[tilespmem:$0x1A800] =	vst v63  }
0x1ed: {  	_ =	swait.ge [sflag:s29], $0x1C00  }
0x1ee: {  	[sflag:s29] =	ssyncset.done $0x0  }
0x1ef: {  	s24 =	rddreg [dreg:$0x7];
	[sflag:s29] =	ssyncadd.s32 $0xFFFFE400  }
0x1f0: {  	[spmem:s24] =	stream.linear.scatter [tilespmem:s28], [sflag:$0xA], $0x1C00, $0x38;
	[tilespmem:$0x1A800] =	vst v63  }
0x1f1: {  	_ =	swait.ge [sflag:s29], $0x1C00  }
0x1f2: {  	[sflag:s29] =	ssyncset.done $0x0  }
0x1f3: {  	s25 =	rddreg [dreg:$0x8];
	[sflag:s29] =	ssyncadd.s32 $0xFFFFE400  }
0x1f4: {  	[spmem:s25] =	stream.linear.scatter [tilespmem:s28], [sflag:$0xA], $0x1C00, $0x38;
	[tilespmem:$0x1A800] =	vst v63  }
0x1f5: {  	_ =	swait.ge [sflag:s29], $0x1C00  }
0x1f6: {  	[sflag:s29] =	ssyncset.done $0x0  }
0x1f7: {  	s19 =	rddreg [dreg:$0x9];
	[sflag:s29] =	ssyncadd.s32 $0xFFFFE400  }
0x1f8: {  	[spmem:s19] =	stream.linear.scatter [tilespmem:s28], [sflag:$0xA], $0x1C00, $0x38;
	[tilespmem:$0x1A800] =	vst v63  }
0x1f9: {  	_ =	swait.ge [sflag:s29], $0x1C00  }
0x1fa: {  	[sflag:s29] =	ssyncset.done $0x0  }
0x1fb: {  	s20 =	rddreg [dreg:$0xa];
	[sflag:s29] =	ssyncadd.s32 $0xFFFFE400  }
0x1fc: {  	[spmem:s20] =	stream.linear.scatter [tilespmem:s28], [sflag:$0xA], $0x1C00, $0x38;
	[tilespmem:$0x1A800] =	vst v63  }
0x1fd: {  	_ =	swait.ge [sflag:s29], $0x1C00  }
0x1fe: {  	[sflag:s29] =	ssyncset.done $0x0  }
0x1ff: {  	s21 =	rddreg [dreg:$0xb];
	[sflag:s29] =	ssyncadd.s32 $0xFFFFE400  }
0x200: {  	[spmem:s21] =	stream.linear.scatter [tilespmem:s28], [sflag:$0xA], $0x1C00, $0x38;
	[tilespmem:$0x1A800] =	vst v63  }
0x201: {  	_ =	swait.ge [sflag:s29], $0x1C00  }
0x202: {  	[sflag:s29] =	ssyncset.done $0x0  }
0x203: {  	s23 =	rddreg [dreg:$0xc];
	[sflag:s29] =	ssyncadd.s32 $0xFFFFE400  }
0x204: {  	[spmem:s23] =	stream.linear.scatter [tilespmem:s28], [sflag:$0xA], $0x1C00, $0x38;
	[tilespmem:$0x1A800] =	vst v63  }
0x205: {  	_ =	swait.ge [sflag:s29], $0x1C00  }
0x206: {  	[sflag:s29] =	ssyncset.done $0x0  }
0x207: {  	s24 =	rddreg [dreg:$0xd];
	[sflag:s29] =	ssyncadd.s32 $0xFFFFE400  }
0x208: {  	[spmem:s24] =	stream.linear.scatter [tilespmem:s28], [sflag:$0xA], $0x800, $0x38;
	[tilespmem:$0x1A800] =	vst v63  }
0x209: {  	_ =	swait.ge [sflag:s29], $0x800  }
0x20a: {  	[sflag:s29] =	ssyncset.done $0x0  }
0x20b: {  	[sflag:s29] =	ssyncadd.s32 $0xFFFFF800  }
0x20c: {  	[bflag:$0x0] =	sbarrier.arrive $0xFFFF  }
0x20d: {  	[tilespmem:s28], [sflag:$0x1] =	stream.linear.gather [hbm4b:s22+s3], $0x1C00, $0x38;
	[tilespmem:$0x1A800] =	vst v63  }
0x20e: {  	_ = 	snop  }
0x20f: {  	[tilespmem:s30], [sflag:$0x2] =	stream.linear.gather [hbm4b:s26+s3], $0x1C00, $0x38;
	[tilespmem:$0x1A800] =	vst v63  }
0x210: {  	s18 =	simm.s32 $0x0;
	s25 =	rddreg [dreg:$0xe]  }
0x211: {  	[tilespmem:s31], [sflag:$0x3] =	stream.linear.gather [hbm4b:s25+s3], $0x1C00, $0x38;
	[tilespmem:$0x1A800] =	vst v63  }
.LBB2_2:
0x212: {  	s19 =	sand.u32 $0x7, s18  }
0x213: {  	p0 =	sne.s32 s19, $0x0  }
0x214: {  	s20 =	sshrl.u32 @!p0 s18, $0x3  }
0x215: {  	s20 =	smul.u32 @!p0 $0x18, s20;
	_ =	sdelay $0x1  }
0x216: {  	s20 =	sadd.s32 @!p0 s8, s20  }
0x217: {  	s20 =	sshll.u32 @!p0 s20, $0x4  }
0x218: {  	s23 =	simm.s32 @!p0 $0x0;
	s21 =	sadd.s32 @!p0 s7, s20  }
0x219: {  	[tilespmem:s23], [sflag:$0xA] =	stream.linear.gather @!p0 [hbm4b:s21+s23], $0xC00, $0x38;
	[tilespmem:$0x1A800] =	vst v63  }
0x21a: {  	s21 =	simm.s32 @!p0 $0xA  }
0x21b: {  	_ =	swait.ge @!p0 [sflag:s21], $0xC00  }
0x21c: {  	[sflag:s21] =	ssyncset.done @!p0 $0x0  }
0x21d: {  	s24 =	simm.s32 @!p0 $0xC00;
	s20 =	sadd.s32 @!p0 s6, s20;
	[sflag:s21] =	ssyncadd.s32 @!p0 $0xFFFFF400  }
0x21e: {  	[tilespmem:s24], [sflag:$0xA] =	stream.linear.gather @!p0 [hbm4b:s20+s23], $0xC00, $0x38;
	[tilespmem:$0x1A800] =	vst v63  }
0x21f: {  	_ =	swait.ge @!p0 [sflag:s21], $0xC00  }
0x220: {  	[sflag:s21] =	ssyncset.done @!p0 $0x0  }
0x221: {  	[sflag:s21] =	ssyncadd.s32 @!p0 $0xFFFFF400  }
0x222: {  	_ =	swait.ge [sflag:s0], $0x1C00  }
0x223: {  	s21 =	smul.u32 $0x180, s19;
	[sflag:s0] =	ssyncset.done $0x0  }
0x224: {  	[sflag:s0] =	ssyncadd.s32 $0xFFFFE400  }
0x225: {  	[tilespmem:s28], [sflag:$0x4] =	stream.indirect.gather.add.f32 [hbm:s4], $0x80, s21, s2, $0xb8;
	[tilespmem:$0x1A800] =	vst v63  }
0x226: {  	_ =	swait.ge [sflag:s11], $0x1C00  }
0x227: {  	[sflag:s11] =	ssyncset.done $0x0  }
0x228: {  	s20 =	sadd.s32 $0x80, s21;
	[sflag:s11] =	ssyncadd.s32 $0xFFFFE400  }
0x229: {  	[tilespmem:s30], [sflag:$0x5] =	stream.indirect.gather.add.f32 [hbm:s4], $0x80, s20, s2, $0xb8;
	[tilespmem:$0x1A800] =	vst v63  }
0x22a: {  	_ =	swait.ge [sflag:s12], $0x1C00  }
0x22b: {  	[sflag:s12] =	ssyncset.done $0x0  }
0x22c: {  	s19 =	sadd.s32 $0x100, s21;
	[sflag:s12] =	ssyncadd.s32 $0xFFFFE400  }
0x22d: {  	[tilespmem:s31], [sflag:$0x6] =	stream.indirect.gather.add.f32 [hbm:s4], $0x80, s19, s2, $0xb8;
	[tilespmem:$0x1A800] =	vst v63  }
0x22e: {  	_ =	swait.ge [sflag:s13], $0x1C00  }
0x22f: {  	[sflag:s13] =	ssyncset.done $0x0  }
0x230: {  	s23 =	simm.s32 $0x0;
	[sflag:s13] =	ssyncadd.s32 $0xFFFFE400  }
0x231: {  	v3 =	vld [tilespmem:s23+$0x1800]  }
0x232: {  	v5 =	vld [tilespmem:s23+$0x1810]  }
0x233: {  	v4 =	vld [tilespmem:s23+$0x1820]  }
0x234: {  	v2 =	vld [tilespmem:s23+$0x1830]  }
0x235: {  	v1 =	vld [tilespmem:s23+$0x1840]  }
0x236: {  	v6 =	vmax.f32 v3, $0.0e+00;
	v3 =	vld [tilespmem:s23+$0x1850]  }
0x237: {  	s24 =	simm.s32 $0x200;
	[tilespmem:s23+$0x1800] =	vst v6;
	v6 =	vmax.f32 v5, $0.0e+00;
	v5 =	vld [tilespmem:s23+$0x1860]  }
.LBB2_3:
0x238: {  	s25 =	sshra.s32 s24, $0x2;
	p0 =	sne.s32 s24, $0x6E00;
	[tilespmem:s23+$0x1810] =	vst v6;
	v4 =	vmax.f32 v4, $0.0e+00;
	v6 =	vld [tilespmem:s23+$0x1870]  }
0x239: {  	v7 =	vld [tilespmem:s25+$0x1800];
	[tilespmem:s23+$0x1820] =	vst v4;
	v2 =	vmax.f32 v2, $0.0e+00  }
0x23a: {  	v8 =	vld [tilespmem:s25+$0x1810];
	[tilespmem:s23+$0x1830] =	vst v2;
	v1 =	vmax.f32 v1, $0.0e+00  }
.Ltmp0:
0x23b: {  	v4 =	vld [tilespmem:s25+$0x1820];
	[tilespmem:s23+$0x1840] =	vst v1;
	v1 =	vmax.f32 v3, $0.0e+00;
	(pc) =	sbr.rel @p0 .LBB2_3-.Ltmp0, $4  }
0x23c: {  	v2 =	vld [tilespmem:s25+$0x1830];
	[tilespmem:s23+$0x1850] =	vst v1;
	v3 =	vmax.f32 v5, $0.0e+00  }
0x23d: {  	v1 =	vld [tilespmem:s25+$0x1840];
	[tilespmem:s23+$0x1860] =	vst v3;
	v5 =	vmax.f32 v6, $0.0e+00  }
0x23e: {  	v6 =	vmax.f32 v7, $0.0e+00;
	v3 =	vld [tilespmem:s25+$0x1850];
	[tilespmem:s23+$0x1870] =	vst v5;
	s23 =	smov.u32 s25  }
0x23f: {  	s24 =	sadd.s32 $0x200, s24;
	[tilespmem:s23+$0x1800] =	vst v6;
	v6 =	vmax.f32 v8, $0.0e+00;
	v5 =	vld [tilespmem:s23+$0x1860]  }
0x240: {  	[tilespmem:s23+$0x1810] =	vst v6;
	v4 =	vmax.f32 v4, $0.0e+00;
	v6 =	vld [tilespmem:s23+$0x1870]  }
0x241: {  	[tilespmem:s23+$0x1820] =	vst v4;
	v2 =	vmax.f32 v2, $0.0e+00  }
0x242: {  	[tilespmem:s23+$0x1830] =	vst v2;
	v1 =	vmax.f32 v1, $0.0e+00  }
0x243: {  	[tilespmem:s23+$0x1840] =	vst v1;
	v1 =	vmax.f32 v3, $0.0e+00  }
0x244: {  	[tilespmem:s23+$0x1850] =	vst v1;
	v1 =	vmax.f32 v5, $0.0e+00  }
0x245: {  	[tilespmem:s23+$0x1860] =	vst v1;
	v1 =	vmax.f32 v6, $0.0e+00  }
0x246: {  	s21 =	sadd.s32 $0xC00, s21;
	[tilespmem:s23+$0x1870] =	vst v1  }
0x247: {  	[spmem:s1] =	stream.indirect.scatter.add.f32 [tilespmem:s28], [sflag:$0x7], $0x80, s21, s2, $0xb8;
	[tilespmem:$0x1A800] =	vst v63  }
0x248: {  	_ =	swait.ge [sflag:s14], $0x1C00  }
0x249: {  	[sflag:s14] =	ssyncset.done $0x0  }
0x24a: {  	s21 =	simm.s32 $0x0;
	[sflag:s14] =	ssyncadd.s32 $0xFFFFE400  }
0x24b: {  	v3 =	vld [tilespmem:s21+$0x3400]  }
0x24c: {  	v5 =	vld [tilespmem:s21+$0x3410]  }
0x24d: {  	v4 =	vld [tilespmem:s21+$0x3420]  }
0x24e: {  	v2 =	vld [tilespmem:s21+$0x3430]  }
0x24f: {  	v1 =	vld [tilespmem:s21+$0x3440]  }
0x250: {  	v6 =	vmax.f32 v3, $0.0e+00;
	v3 =	vld [tilespmem:s21+$0x3450]  }
0x251: {  	s23 =	simm.s32 $0x200;
	[tilespmem:s21+$0x3400] =	vst v6;
	v6 =	vmax.f32 v5, $0.0e+00;
	v5 =	vld [tilespmem:s21+$0x3460]  }
.LBB2_5:
0x252: {  	s24 =	sshra.s32 s23, $0x2;
	p0 =	sne.s32 s23, $0x6E00;
	[tilespmem:s21+$0x3410] =	vst v6;
	v4 =	vmax.f32 v4, $0.0e+00;
	v6 =	vld [tilespmem:s21+$0x3470]  }
0x253: {  	v7 =	vld [tilespmem:s24+$0x3400];
	[tilespmem:s21+$0x3420] =	vst v4;
	v2 =	vmax.f32 v2, $0.0e+00  }
0x254: {  	v8 =	vld [tilespmem:s24+$0x3410];
	[tilespmem:s21+$0x3430] =	vst v2;
	v1 =	vmax.f32 v1, $0.0e+00  }
.Ltmp1:
0x255: {  	v4 =	vld [tilespmem:s24+$0x3420];
	[tilespmem:s21+$0x3440] =	vst v1;
	v1 =	vmax.f32 v3, $0.0e+00;
	(pc) =	sbr.rel @p0 .LBB2_5-.Ltmp1, $4  }
0x256: {  	v2 =	vld [tilespmem:s24+$0x3430];
	[tilespmem:s21+$0x3450] =	vst v1;
	v3 =	vmax.f32 v5, $0.0e+00  }
0x257: {  	v1 =	vld [tilespmem:s24+$0x3440];
	[tilespmem:s21+$0x3460] =	vst v3;
	v5 =	vmax.f32 v6, $0.0e+00  }
0x258: {  	v6 =	vmax.f32 v7, $0.0e+00;
	v3 =	vld [tilespmem:s24+$0x3450];
	[tilespmem:s21+$0x3470] =	vst v5;
	s21 =	smov.u32 s24  }
0x259: {  	s23 =	sadd.s32 $0x200, s23;
	[tilespmem:s21+$0x3400] =	vst v6;
	v6 =	vmax.f32 v8, $0.0e+00;
	v5 =	vld [tilespmem:s21+$0x3460]  }
0x25a: {  	[tilespmem:s21+$0x3410] =	vst v6;
	v4 =	vmax.f32 v4, $0.0e+00;
	v6 =	vld [tilespmem:s21+$0x3470]  }
0x25b: {  	[tilespmem:s21+$0x3420] =	vst v4;
	v2 =	vmax.f32 v2, $0.0e+00  }
0x25c: {  	[tilespmem:s21+$0x3430] =	vst v2;
	v1 =	vmax.f32 v1, $0.0e+00  }
0x25d: {  	[tilespmem:s21+$0x3440] =	vst v1;
	v1 =	vmax.f32 v3, $0.0e+00  }
0x25e: {  	[tilespmem:s21+$0x3450] =	vst v1;
	v1 =	vmax.f32 v5, $0.0e+00  }
0x25f: {  	[tilespmem:s21+$0x3460] =	vst v1;
	v1 =	vmax.f32 v6, $0.0e+00  }
0x260: {  	s20 =	sadd.s32 $0xC00, s20;
	[tilespmem:s21+$0x3470] =	vst v1  }
0x261: {  	[spmem:s1] =	stream.indirect.scatter.add.f32 [tilespmem:s30], [sflag:$0x8], $0x80, s20, s2, $0xb8;
	[tilespmem:$0x1A800] =	vst v63  }
0x262: {  	_ =	swait.ge [sflag:s15], $0x1C00  }
0x263: {  	[sflag:s15] =	ssyncset.done $0x0  }
0x264: {  	s20 =	simm.s32 $0x0;
	[sflag:s15] =	ssyncadd.s32 $0xFFFFE400  }
0x265: {  	v3 =	vld [tilespmem:s20+$0x5000]  }
0x266: {  	v5 =	vld [tilespmem:s20+$0x5010]  }
0x267: {  	v4 =	vld [tilespmem:s20+$0x5020]  }
0x268: {  	v2 =	vld [tilespmem:s20+$0x5030]  }
0x269: {  	v1 =	vld [tilespmem:s20+$0x5040]  }
0x26a: {  	v6 =	vmax.f32 v3, $0.0e+00;
	v3 =	vld [tilespmem:s20+$0x5050]  }
0x26b: {  	s21 =	simm.s32 $0x200;
	[tilespmem:s20+$0x5000] =	vst v6;
	v6 =	vmax.f32 v5, $0.0e+00;
	v5 =	vld [tilespmem:s20+$0x5060]  }
.LBB2_7:
0x26c: {  	s23 =	sshra.s32 s21, $0x2;
	p0 =	sne.s32 s21, $0x6E00;
	[tilespmem:s20+$0x5010] =	vst v6;
	v4 =	vmax.f32 v4, $0.0e+00;
	v6 =	vld [tilespmem:s20+$0x5070]  }
0x26d: {  	v7 =	vld [tilespmem:s23+$0x5000];
	[tilespmem:s20+$0x5020] =	vst v4;
	v2 =	vmax.f32 v2, $0.0e+00  }
0x26e: {  	v8 =	vld [tilespmem:s23+$0x5010];
	[tilespmem:s20+$0x5030] =	vst v2;
	v1 =	vmax.f32 v1, $0.0e+00  }
.Ltmp2:
0x26f: {  	v4 =	vld [tilespmem:s23+$0x5020];
	[tilespmem:s20+$0x5040] =	vst v1;
	v1 =	vmax.f32 v3, $0.0e+00;
	(pc) =	sbr.rel @p0 .LBB2_7-.Ltmp2, $4  }
0x270: {  	v2 =	vld [tilespmem:s23+$0x5030];
	[tilespmem:s20+$0x5050] =	vst v1;
	v3 =	vmax.f32 v5, $0.0e+00  }
0x271: {  	v1 =	vld [tilespmem:s23+$0x5040];
	[tilespmem:s20+$0x5060] =	vst v3;
	v5 =	vmax.f32 v6, $0.0e+00  }
0x272: {  	v6 =	vmax.f32 v7, $0.0e+00;
	v3 =	vld [tilespmem:s23+$0x5050];
	[tilespmem:s20+$0x5070] =	vst v5;
	s20 =	smov.u32 s23  }
0x273: {  	s21 =	sadd.s32 $0x200, s21;
	[tilespmem:s20+$0x5000] =	vst v6;
	v6 =	vmax.f32 v8, $0.0e+00;
	v5 =	vld [tilespmem:s20+$0x5060]  }
0x274: {  	[tilespmem:s20+$0x5010] =	vst v6;
	v4 =	vmax.f32 v4, $0.0e+00;
	v63 =	vld [tilespmem:s20+$0x5070]  }
0x275: {  	[tilespmem:s20+$0x5020] =	vst v4;
	v2 =	vmax.f32 v2, $0.0e+00  }
0x276: {  	[tilespmem:s20+$0x5030] =	vst v2;
	v1 =	vmax.f32 v1, $0.0e+00  }
0x277: {  	[tilespmem:s20+$0x5040] =	vst v1;
	v1 =	vmax.f32 v3, $0.0e+00  }
0x278: {  	s18 =	sadd.s32 $0x1, s18;
	[tilespmem:s20+$0x5050] =	vst v1;
	v1 =	vmax.f32 v5, $0.0e+00  }
0x279: {  	p0 =	slt.u32 s18, s9;
	[tilespmem:s20+$0x5060] =	vst v1;
	v1 =	vmax.f32 v63, $0.0e+00  }
0x27a: {  	s19 =	sadd.s32 $0xC00, s19;
	[tilespmem:s20+$0x5070] =	vst v1;
	s20 =	smul.u32 @p0 $0x3, s18  }
0x27b: {  	[spmem:s1] =	stream.indirect.scatter.add.f32 [tilespmem:s31], [sflag:$0x9], $0x80, s19, s2, $0xb8;
	[tilespmem:$0x1A800] =	vst v63  }
0x27c: {  	s19 =	sadd.s32 @p0 s8, s20  }
0x27d: {  	s19 =	smul.u32 @p0 $0x1C00, s19  }
0x27e: {  	_ =	swait.ge [sflag:s16], $0x1C00  }
0x27f: {  	s21 =	simm.s32 @p0 $0x1800;
	[sflag:s16] =	ssyncset.done $0x0;
	s19 =	sshrl.u32 @p0 s19, $0x3  }
0x280: {  	s20 =	simm.s32 @p0 $0x0;
	[sflag:s16] =	ssyncadd.s32 $0xFFFFE400;
	s19 =	sadd.s32 @p0 s5, s19  }
0x281: {  	[tilespmem:s21], [sflag:$0x1] =	stream.linear.gather @p0 [hbm4b:s19+s20], $0x1C00, $0x38;
	[tilespmem:$0x1A800] =	vst v63  }
0x282: {  	s21 =	simm.s32 @p0 $0x8  }
0x283: {  	_ =	swait.ge @p0 [sflag:s21], $0x1C00  }
0x284: {  	[sflag:s21] =	ssyncset.done @p0 $0x0  }
0x285: {  	s23 =	simm.s32 @p0 $0x3400;
	[sflag:s21] =	ssyncadd.s32 @p0 $0xFFFFE400;
	s21 =	sadd.s32 @p0 $0x380, s19  }
0x286: {  	[tilespmem:s23], [sflag:$0x2] =	stream.linear.gather @p0 [hbm4b:s21+s20], $0x1C00, $0x38;
	[tilespmem:$0x1A800] =	vst v63  }
0x287: {  	s21 =	simm.s32 @p0 $0x9  }
0x288: {  	_ =	swait.ge @p0 [sflag:s21], $0x1C00  }
0x289: {  	[sflag:s21] =	ssyncset.done @p0 $0x0  }
0x28a: {  	s19 =	sadd.s32 @p0 $0x700, s19;
	[sflag:s21] =	ssyncadd.s32 @p0 $0xFFFFE400;
	s21 =	simm.s32 @p0 $0x5000  }
0x28b: {  	[tilespmem:s21], [sflag:$0x3] =	stream.linear.gather @p0 [hbm4b:s19+s20], $0x1C00, $0x38;
	[tilespmem:$0x1A800] =	vst v63  }
0x28c: {  	s19 =	simm.s32 @!p0 $0x8  }
0x28d: {  	p1 =	sne.s32 s18, s9;
	_ =	swait.ge @!p0 [sflag:s19], $0x1C00  }
.Ltmp3:
0x28e: {  	[sflag:s19] =	ssyncset.done @!p0 $0x0;
	(pc) =	sbr.rel @p1 .LBB2_2-.Ltmp3, $4  }
0x28f: {  	[sflag:s19] =	ssyncadd.s32 @!p0 $0xFFFFE400;
	s19 =	simm.s32 @!p0 $0x9  }
0x290: {  	_ =	swait.ge @!p0 [sflag:s19], $0x1C00  }
0x291: {  	[sflag:s19] =	ssyncset.done @!p0 $0x0  }
0x292: {  	[sflag:s19] =	ssyncadd.s32 @!p0 $0xFFFFE400  }
0x293: {  	s18 =	stileid.u32  }
0x294: {  	[bflag:$0x0] =	sbarrier.arrive $0xFFFF;
	s18 =	sshll.u32 s18, $0x6  }
0x295: {  	s19 =	sshrl.u32 s10, $0x3;
	s20 =	rddreg [dreg:$0xf];
	s18 =	sor.u32 $0x1C0A, s18  }
0x296: {  	[hbm:s20], [sflag:s18] =	dma.local [spmem:s19], $0x2780  }
0x297: {  	_ =	swait.ge [sflag:s29], $0x2780  }
0x298: {  	s17 =	sadd.s32 $0x1, s17;
	s25 =	rddreg [dreg:$0x10]  }
0x299: {  	p0 =	sne.s32 s17, s25  }
.Ltmp4:
0x29a: {  	_ = 	snop;
	(pc) =	sbr.rel @p0 .LBB2_1-.Ltmp4, $3  }
0x29b: {  	_ =	sdelay $0x1  }
0x29c: {  	[sflag:s29] =	ssyncset.done $0x0  }
0x29d: {  	[sflag:s29] =	ssyncadd.s32 $0xFFFFD880  }
0x29e: {  	_ =	sfence.sel $0x180000  }
0x29f: {  	[bflag:$0x0] =	sbarrier.arrive $0xFFFF  }
0x2a0: {  	_ =	strace $0x90000047  }
0x2a1: {  	s0 =	stileid.u32;
	[bflag:$0x2] =	sbarrier.arrive $0xFFFF  }
0x2a2: {  	p0 =	sne.s32 s0, $0x0;
	s0 =	rddreg [dreg:$0x2]  }
0x2a3: {  	s0 =	sadd.s32 @!p0 $0x100000, s0  }
0x2a4: {  	[sflag:s0] =	ssyncadd.tile.s32 @!p0 $0x1;
	_ =	shalt  }
.Lfunc_end2:
_tile_overlayer_lowered:
.L_overlay_start_2:
0x2a5: {  	(tag) =	ssettag $0x2  }
0x2a6: {  	s0 =	rddreg [dreg:$0x0];
	s2 =	stileid.u32  }
0x2a7: {  	s1 =	rddreg [dreg:$0x1];
	p0 =	sne.s32 s2, $0x0  }
0x2a8: {  	s3 =	rddreg [dreg:$0x2];
	[bflag:$0x3] =	sbarrier.arrive $0xFFFF;
	s2 =	simm.s32 @!p0 $0x1C0A  }
0x2a9: {  	[timem:s3], [sflag:s2] =	dma.local @!p0 [hbm:s0], s1  }
0x2aa: {  	s0 =	simm.s32 @!p0 $0xA  }
0x2ab: {  	_ =	swait.ge @!p0 [sflag:s0], s1  }
0x2ac: {  	s1 =	ssub.s32 @!p0 $0x0, s1;
	[sflag:s0] =	ssyncset.done @!p0 $0x0  }
0x2ad: {  	[sflag:s0] =	ssyncadd.s32 @!p0 s1  }
0x2ae: {  	[bflag:$0x3] =	sbarrier.arrive $0xFFFF  }
0x2af: {  	_ =	shalt  }

</sc_bundles>
